<compile_context>
chip_gen: v7x
topology: tpu7x:2x2x1
jax: 0.10.2.dev20260603
libtpu: 0.0.44.dev20260713+nightly
codegen_flags: <defaults>
</compile_context>

<pallas_src>
import functools

import jax
import jax.numpy as jnp
from jax import lax
from jax.experimental import pallas as pl
from jax.experimental.pallas import tpu as pltpu
from jax.experimental.pallas import tpu_sc as plsc

N = 10000
E = 320000
F_IN = 128
H = 128
C = 40
G = 8
SEG = N // G

NC = 2
NS = 16
NW = NC * NS
EPW = E // NW
K = 80
NCH = EPW // K
NV = K // 16
UN = N // K
UPT = (UN + NS - 1) // NS

@functools.lru_cache(maxsize=None)
def _mesh():
    return plsc.VectorSubcoreMesh(
        core_axis_name="c", subcore_axis_name="s",
        num_cores=NC, num_subcores=NS)


def _unpack_chunk(pk_v, j, src_k, dst_k):
    for l in range(NV):
        v = pk_v[j, pl.ds(l * 16, 16)]
        src_k[pl.ds(l * 16, 16)] = lax.shift_right_logical(v, 16)
        dst_k[pl.ds(l * 16, 16)] = lax.bitwise_and(v, 0xFFFF)


@functools.lru_cache(maxsize=None)
def _make_deg_kernel():
    return functools.partial(
        pl.kernel,
        out_type=jax.ShapeDtypeStruct((NC * N,), jnp.float32),
        mesh=_mesh(),
        scratch_types=[
            pltpu.VMEM((NCH, K), jnp.int32),
            pltpu.VMEM((NCH, K), jnp.int32),
            pltpu.VMEM((K,), jnp.float32),
            pltpu.VMEM((K,), jnp.float32),
            pltpu.VMEM_SHARED((N,), jnp.float32),
            pltpu.SemaphoreType.DMA,
        ],
    )(_deg_body)


def _deg_body(edge_hbm, ones_hbm, zeros_hbm, out_hbm, pk_v, dst_v,
              ones_v, stage_v, acc, sem):
    c = lax.axis_index("c")
    s = lax.axis_index("s")
    wid = s * NC + c
    pltpu.sync_copy(edge_hbm.at[wid], pk_v)
    pltpu.sync_copy(ones_hbm, ones_v)
    pltpu.sync_copy(zeros_hbm, stage_v)

    def ubody(j, carry):
        for l in range(NV):
            v = pk_v[j, pl.ds(l * 16, 16)]
            dst_v[j, pl.ds(l * 16, 16)] = lax.bitwise_and(v, 0xFFFF)
        return carry

    lax.fori_loop(0, NCH, ubody, 0)

    for u_i in range(UPT):
        u = s + u_i * NS

        @pl.when(u < UN)
        def _():
            start = pl.multiple_of(u * K, K)
            pltpu.sync_copy(stage_v, acc.at[pl.ds(start, K)])

    plsc.subcore_barrier()

    def body(j, carry):
        pltpu.async_copy(ones_v, acc.at[dst_v.at[j]], sem, add=True)
        return carry

    lax.fori_loop(0, NCH, body, 0)

    def dbody(j, carry):
        pltpu.make_async_copy(ones_v, acc.at[dst_v.at[j]], sem).wait()
        return carry

    lax.fori_loop(0, NCH, dbody, 0)
    plsc.subcore_barrier()

    for u_i in range(UPT):
        u = s + u_i * NS

        @pl.when(u < UN)
        def _():
            start = pl.multiple_of(u * K, K)
            ostart = pl.multiple_of(c * N + u * K, K)
            pltpu.sync_copy(acc.at[pl.ds(start, K)], stage_v)
            pltpu.sync_copy(stage_v, out_hbm.at[pl.ds(ostart, K)])


@functools.lru_cache(maxsize=None)
def _make_scatter_kernel():
    return functools.partial(
        pl.kernel,
        out_type=jax.ShapeDtypeStruct((NC, N, H), jnp.float32),
        mesh=_mesh(),
        scratch_types=[
            pltpu.VMEM((NCH, K), jnp.int32),
            [pltpu.VMEM((K,), jnp.int32)] * 3,
            [pltpu.VMEM((K,), jnp.int32)] * 3,
            [pltpu.VMEM((K, H), jnp.float32)] * 3,
            pltpu.VMEM_SHARED((N, H), jnp.float32),
            [pltpu.SemaphoreType.DMA] * 3,
            [pltpu.SemaphoreType.DMA] * 3,
        ],
    )(_scatter_body)


def _scatter_body(xw_hbm, edge_hbm, out_hbm,
                  pk_v, srcs, dsts, rows, acc, gsems, ssems):
    c = lax.axis_index("c")
    s = lax.axis_index("s")
    wid = s * NC + c
    pltpu.sync_copy(edge_hbm.at[wid], pk_v)

    def zbody(i, carry):
        for l in range(H // 16):
            rows[0][i, pl.ds(l * 16, 16)] = jnp.zeros((16,), jnp.float32)
        return carry

    lax.fori_loop(0, K, zbody, 0)

    for u_i in range(UPT):
        u = s + u_i * NS

        @pl.when(u < UN)
        def _():
            start = pl.multiple_of(u * K, K)
            pltpu.async_copy(rows[0], acc.at[pl.ds(start, K)], ssems[0])

    for u_i in range(UPT):
        u = s + u_i * NS

        @pl.when(u < UN)
        def _():
            start = pl.multiple_of(u * K, K)
            pltpu.make_async_copy(rows[0], acc.at[pl.ds(start, K)],
                                  ssems[0]).wait()

    plsc.subcore_barrier()

    def gather(x, j):
        _unpack_chunk(pk_v, j, srcs[x], dsts[x])
        pltpu.async_copy(xw_hbm.at[srcs[x]], rows[x], gsems[x])

    def wait_gather(x):
        pltpu.make_async_copy(xw_hbm.at[srcs[x]], rows[x], gsems[x]).wait()

    def scatter(x):
        pltpu.async_copy(rows[x], acc.at[dsts[x]], ssems[x], add=True)

    def wait_scatter(x):
        pltpu.make_async_copy(rows[x], acc.at[dsts[x]], ssems[x]).wait()

    for x in range(3):
        gather(x, x)

    def body3(t, carry):
        j = 3 * t
        for x in range(3):
            wait_gather(x)
            scatter(x)
        for x in range(3):
            wait_scatter(x)
            gather(x, j + 3 + x)
        return carry

    lax.fori_loop(0, (NCH - 5) // 3, body3, 0)
    for x in range(3):
        wait_gather(x)
        scatter(x)
    for x in range(2):
        wait_scatter(x)
        gather(x, NCH - 2 + x)
    for x in range(2):
        wait_gather(x)
        scatter(x)
    for x in range(3):
        wait_scatter(x)
    plsc.subcore_barrier()

    def dr_start(u_i):
        u = s + u_i * NS

        @pl.when(u < UN)
        def _():
            start = pl.multiple_of(u * K, K)
            x = u_i % 3
            pltpu.async_copy(acc.at[pl.ds(start, K)], rows[x], gsems[x])

    def dr_finish(u_i):
        u = s + u_i * NS

        @pl.when(u < UN)
        def _():
            start = pl.multiple_of(u * K, K)
            x = u_i % 3
            pltpu.make_async_copy(acc.at[pl.ds(start, K)], rows[x],
                                  gsems[x]).wait()
            pltpu.async_copy(rows[x], out_hbm.at[c, pl.ds(start, K)],
                             ssems[x])

    def dr_wait_write(u_i):
        u = s + u_i * NS

        @pl.when(u < UN)
        def _():
            start = pl.multiple_of(u * K, K)
            x = u_i % 3
            pltpu.make_async_copy(rows[x], out_hbm.at[c, pl.ds(start, K)],
                                  ssems[x]).wait()

    for u_i in range(min(3, UPT)):
        dr_start(u_i)
    for u_i in range(UPT):
        dr_finish(u_i)
        if u_i + 3 < UPT:
            dr_wait_write(u_i)
            dr_start(u_i + 3)
    for u_i in range(max(0, UPT - 3), UPT):
        dr_wait_write(u_i)


def _seg_body(em_ref, x_ref, degp_ref, w0_ref, b0_ref, w1_ref,
              xwp_ref, dinv_ref):
    nw0 = jnp.maximum(w0_ref[...] * em_ref[0] + b0_ref[...], 0.0)
    h0 = jnp.dot(x_ref[0], nw0, preferred_element_type=jnp.float32)
    xw = jnp.dot(h0, w1_ref[...], preferred_element_type=jnp.float32)
    deg = degp_ref[0, 0] + degp_ref[1, 0] + 1.0
    dinv = lax.rsqrt(deg)
    xwp_ref[0] = xw * dinv
    dinv_ref[0] = dinv


def _epi_body(acc_ref, xwp_ref, dinv_ref, b_ref, w2_ref, out_ref):
    dinv = dinv_ref[...]
    tot = acc_ref[0] + acc_ref[1] + xwp_ref[...]
    h = jnp.maximum(dinv * tot + b_ref[...], 0.0)
    xw2 = jnp.dot(h, w2_ref[...], preferred_element_type=jnp.float32)
    out_ref[...] = xw2 * dinv


def _fin_body(acc_ref, xwp_ref, dinv_ref, b_ref, wc_ref, bc_ref, out_ref):
    dinv = dinv_ref[...]
    tot = acc_ref[0] + acc_ref[1] + xwp_ref[...]
    h = jnp.maximum(dinv * tot + b_ref[...], 0.0)
    logits = jnp.dot(h, wc_ref[...], preferred_element_type=jnp.float32)
    logits = logits + bc_ref[...]
    m = jnp.max(logits, axis=1, keepdims=True)
    z = logits - m
    lse = jnp.log(jnp.sum(jnp.exp(z), axis=1, keepdims=True))
    out_ref[...] = (z - lse)[:, :C]


def kernel(x, edge_index, E_meta, ptr, w0, b0, conv_W, conv_b, lt1_W, lt1_b):
    del ptr

    packed = (jnp.left_shift(edge_index[0], 16) | edge_index[1])
    edges3 = packed.reshape(NW, NCH, K)
    ones_k = jnp.ones((K,), jnp.float32)
    zeros_k = jnp.zeros((K,), jnp.float32)

    deg_p = _make_deg_kernel()(edges3, ones_k, zeros_k)
    degp4 = deg_p.reshape(NC, G, SEG, 1)

    x3 = x.reshape(G, SEG, F_IN)
    em3 = E_meta.reshape(G, 1, H)
    xwp1, dinv = pl.pallas_call(
        _seg_body,
        grid=(G,),
        in_specs=[
            pl.BlockSpec((1, 1, H), lambda i: (i, 0, 0)),
            pl.BlockSpec((1, SEG, F_IN), lambda i: (i, 0, 0)),
            pl.BlockSpec((NC, 1, SEG, 1), lambda i: (0, i, 0, 0)),
            pl.BlockSpec((F_IN, 1), lambda i: (0, 0)),
            pl.BlockSpec((F_IN, H), lambda i: (0, 0)),
            pl.BlockSpec((H, H), lambda i: (0, 0)),
        ],
        out_specs=[
            pl.BlockSpec((1, SEG, H), lambda i: (i, 0, 0)),
            pl.BlockSpec((1, SEG, 1), lambda i: (i, 0, 0)),
        ],
        out_shape=[
            jax.ShapeDtypeStruct((G, SEG, H), jnp.float32),
            jax.ShapeDtypeStruct((G, SEG, 1), jnp.float32),
        ],
    )(em3, x3, degp4, w0, b0, conv_W[0])
    xwp1 = xwp1.reshape(N, H)
    dinv = dinv.reshape(N, 1)

    RB = 2000
    NRB = N // RB

    acc1 = _make_scatter_kernel()(xwp1, edges3)

    b0row = conv_b[0].reshape(1, H)
    epi_specs = [
        pl.BlockSpec((NC, RB, H), lambda i: (0, i, 0)),
        pl.BlockSpec((RB, H), lambda i: (i, 0)),
        pl.BlockSpec((RB, 1), lambda i: (i, 0)),
        pl.BlockSpec((1, H), lambda i: (0, 0)),
        pl.BlockSpec((H, H), lambda i: (0, 0)),
    ]
    xwp2 = pl.pallas_call(
        _epi_body,
        grid=(NRB,),
        in_specs=epi_specs,
        out_specs=pl.BlockSpec((RB, H), lambda i: (i, 0)),
        out_shape=jax.ShapeDtypeStruct((N, H), jnp.float32),
    )(acc1, xwp1, dinv, b0row, conv_W[1])

    acc2 = _make_scatter_kernel()(xwp2, edges3)

    b1row = conv_b[1].reshape(1, H)
    wc = jnp.pad(lt1_W, ((0, 0), (0, H - C)))
    bc = jnp.pad(lt1_b, (0, H - C), constant_values=-1e30).reshape(1, H)
    out = pl.pallas_call(
        _fin_body,
        grid=(NRB,),
        in_specs=epi_specs + [pl.BlockSpec((1, H), lambda i: (0, 0))],
        out_specs=pl.BlockSpec((RB, C), lambda i: (i, 0)),
        out_shape=jax.ShapeDtypeStruct((N, C), jnp.float32),
    )(acc2, xwp2, dinv, b1row, wc, bc)
    return out

# --- scband reference (transcript-rebuilt; emitter-appended) ---
"""Pipeline reference for scband-net2-77197742178636 (READ-ONLY COPY).

The authoritative reference and input builder live on the scoring server;
editing this copy changes nothing except your own understanding.
"""

import jax, jax.numpy as jnp
import numpy as np

N = 10000
E = 320000
F_IN = 128
H = 128
C = 40
G = 8
L = 2


def gcn_conv(x, edge_index, W, b):
    # PyG GCNConv: linear transform, add self-loops, symmetric deg normalization, scatter-add, bias
    n = x.shape[0]
    xw = x @ W
    loop = jnp.arange(n, dtype=edge_index.dtype)
    src = jnp.concatenate([edge_index[0], loop])
    dst = jnp.concatenate([edge_index[1], loop])
    deg = jnp.zeros((n,), dtype=xw.dtype).at[dst].add(1.0)
    dinv = jnp.where(deg > 0, 1.0 / jnp.sqrt(deg), 0.0)
    norm = dinv[src] * dinv[dst]
    msg = xw[src] * norm[:, None]
    out = jnp.zeros((n, xw.shape[1]), dtype=xw.dtype).at[dst].add(msg)
    return out + b


def setup_inputs(seed: int = 0):
    key = jax.random.key(seed)
    ks = jax.random.split(key, 10)
    x = jax.random.normal(ks[0], (N, F_IN), dtype=jnp.float32)
    edge_index = jax.random.randint(ks[1], (2, E), 0, N, dtype=jnp.int32)
    E_meta = jax.random.normal(ks[2], (G, H), dtype=jnp.float32) * 0.1
    ptr = (jnp.arange(G + 1, dtype=jnp.int32) * (N // G))
    w0 = jax.random.normal(ks[3], (F_IN, 1), dtype=jnp.float32) * 0.1
    b0 = jax.random.normal(ks[4], (F_IN, H), dtype=jnp.float32) * 0.1
    conv_W = jax.random.normal(ks[5], (L, H, H), dtype=jnp.float32) * 0.05
    conv_b = jnp.zeros((L, H), dtype=jnp.float32)
    lt1_W = jax.random.normal(ks[6], (H, C), dtype=jnp.float32) * 0.05
    lt1_b = jnp.zeros((C,), dtype=jnp.float32)
    return {"x": x, "edge_index": edge_index, "E_meta": E_meta, "ptr": ptr,
            "w0": w0, "b0": b0, "conv_W": conv_W, "conv_b": conv_b,
            "lt1_W": lt1_W, "lt1_b": lt1_b}


def reference(x, edge_index, E_meta, ptr, w0, b0, conv_W, conv_b, lt1_W, lt1_b):
    seg_len = N // G
    segs = []
    for i in range(G):
        new_w0 = jnp.matmul(w0, E_meta[i].reshape(1, -1)) + b0
        new_w0 = jax.nn.relu(new_w0)
        x_seg = jax.lax.dynamic_slice_in_dim(x, ptr[i], seg_len, axis=0)
        segs.append(jnp.matmul(x_seg, new_w0))
    h = jnp.concatenate(segs, axis=0)
    for i in range(L):
        h = gcn_conv(h, edge_index, conv_W[i], conv_b[i])
        h = jax.nn.relu(h)
        # F.dropout with training=False is identity (eval mode)
    logits = h @ lt1_W + lt1_b
    return jax.nn.log_softmax(logits, axis=1)

if __name__ == "__main__":
    import jax
    _d = setup_inputs()
    print(jax.jit(kernel)(*tuple(_d.values())))

</pallas_src>

<mosaic_0001>
#map = affine_map<(d0, d1) -> (0, 0)>
#map1 = affine_map<(d0, d1) -> (0, 0, 0)>
module attributes {stable_mosaic.version = 14 : i64} {
  func.func @_scatter_body(%arg0: i32, %arg1: i32, %arg2: memref<10000x128xf32, #tpu.memory_space<hbm>>, %arg3: memref<32x125x80xi32, #tpu.memory_space<hbm>>, %arg4: memref<2x10000x128xf32, #tpu.memory_space<hbm>>, %arg5: memref<125x80xi32, #tpu.memory_space<vmem>>, %arg6: memref<80xi32, #tpu.memory_space<vmem>>, %arg7: memref<80xi32, #tpu.memory_space<vmem>>, %arg8: memref<80xi32, #tpu.memory_space<vmem>>, %arg9: memref<80xi32, #tpu.memory_space<vmem>>, %arg10: memref<80xi32, #tpu.memory_space<vmem>>, %arg11: memref<80xi32, #tpu.memory_space<vmem>>, %arg12: memref<80x128xf32, #tpu.memory_space<vmem>>, %arg13: memref<80x128xf32, #tpu.memory_space<vmem>>, %arg14: memref<80x128xf32, #tpu.memory_space<vmem>>, %arg15: memref<10000x128xf32, #tpu.memory_space<vmem_shared>>, %arg16: memref<!tpu.dma_semaphore, #tpu.memory_space<semaphore_mem>>, %arg17: memref<!tpu.dma_semaphore, #tpu.memory_space<semaphore_mem>>, %arg18: memref<!tpu.dma_semaphore, #tpu.memory_space<semaphore_mem>>, %arg19: memref<!tpu.dma_semaphore, #tpu.memory_space<semaphore_mem>>, %arg20: memref<!tpu.dma_semaphore, #tpu.memory_space<semaphore_mem>>, %arg21: memref<!tpu.dma_semaphore, #tpu.memory_space<semaphore_mem>>) attributes {dimension_semantics = [#tpu.dimension_semantics<core_parallel>, #tpu.dimension_semantics<subcore_parallel>], iteration_bounds = array<i64: 2, 16>, scalar_prefetch = 0 : i64, scratch_operands = 17 : i64, tpu.core_type = #tpu.core_type<sc_vector_subcore>, window_params = [{transform_indices = #map}, {transform_indices = #map1}, {transform_indices = #map1}]} {
    %mul3A = arith.constant 2 : i32
    %mul3A_0 = arith.muli %arg1, %mul3A : i32
    %add3A = arith.addi %mul3A_0, %arg0 : i32
    "tpu.region"() ({
      %run_scoped3A = tpu.sem_alloc : memref<!tpu.dma_semaphore, #tpu.memory_space<semaphore_mem>>
      %dma_start3A_819 = arith.constant 0 : i32
      %dma_start3A_820 = arith.constant 0 : i32
      %dma_start3A_821 = tpu.memref_slice %arg3[%add3A, %dma_start3A_819, %dma_start3A_820] : memref<32x125x80xi32, #tpu.memory_space<hbm>> -> memref<1x125x80xi32, #tpu.memory_space<hbm>>
      %dma_start3A_822 = tpu.memref_squeeze %dma_start3A_821 : memref<1x125x80xi32, #tpu.memory_space<hbm>> -> memref<125x80xi32, #tpu.memory_space<hbm>>
      %dma_start3A_823 = arith.constant 0 : i32
      %dma_start3A_824 = arith.constant 0 : i32
      %dma_start3A_825 = tpu.memref_slice %arg3[%add3A, %dma_start3A_823, %dma_start3A_824] : memref<32x125x80xi32, #tpu.memory_space<hbm>> -> memref<1x125x80xi32, #tpu.memory_space<hbm>>
      %dma_start3A_826 = tpu.memref_squeeze %dma_start3A_825 : memref<1x125x80xi32, #tpu.memory_space<hbm>> -> memref<125x80xi32, #tpu.memory_space<hbm>>
      tpu.enqueue_dma source(%dma_start3A_826 : memref<125x80xi32, #tpu.memory_space<hbm>>) target(%arg5 : memref<125x80xi32, #tpu.memory_space<vmem>>) target_semaphore(%run_scoped3A : memref<!tpu.dma_semaphore, #tpu.memory_space<semaphore_mem>>)
      %dma_wait3A_827 = arith.constant 0 : i32
      %dma_wait3A_828 = arith.constant 0 : i32
      %dma_wait3A_829 = tpu.memref_slice %arg3[%add3A, %dma_wait3A_827, %dma_wait3A_828] : memref<32x125x80xi32, #tpu.memory_space<hbm>> -> memref<1x125x80xi32, #tpu.memory_space<hbm>>
      %dma_wait3A_830 = tpu.memref_squeeze %dma_wait3A_829 : memref<1x125x80xi32, #tpu.memory_space<hbm>> -> memref<125x80xi32, #tpu.memory_space<hbm>>
      %dma_wait3A_831 = arith.constant 0 : i32
      %dma_wait3A_832 = arith.constant 0 : i32
      %dma_wait3A_833 = tpu.memref_slice %arg3[%add3A, %dma_wait3A_831, %dma_wait3A_832] : memref<32x125x80xi32, #tpu.memory_space<hbm>> -> memref<1x125x80xi32, #tpu.memory_space<hbm>>
      %dma_wait3A_834 = tpu.memref_squeeze %dma_wait3A_833 : memref<1x125x80xi32, #tpu.memory_space<hbm>> -> memref<125x80xi32, #tpu.memory_space<hbm>>
      tpu.wait_dma2 semaphore(%run_scoped3A : memref<!tpu.dma_semaphore, #tpu.memory_space<semaphore_mem>>) src(%dma_wait3A_834 : memref<125x80xi32, #tpu.memory_space<hbm>>) dst(%arg5 : memref<125x80xi32, #tpu.memory_space<vmem>>)
      tpu.yield
    }) : () -> ()
    %scan3A = arith.constant 0 : i32
    %scan3A_1 = arith.constant 0 : i32
    %scan3A_2 = arith.constant 80 : i32
    %scan3A_3 = arith.addi %scan3A_1, %scan3A_2 : i32
    %scan3A_4 = arith.constant 1 : i32
    scf.for %scan3A_819 = %scan3A_1 to %scan3A_3 step %scan3A_4  : i32 {
      %broadcast_in_dim3A = arith.constant 0.000000e+00 : f32
      %broadcast_in_dim3A_820 = vector.broadcast %broadcast_in_dim3A : f32 to vector<16xf32>
      %swap3A_821 = arith.index_cast %scan3A_819 : i32 to index
      %swap3A_822 = arith.constant 0 : index
      %swap3A_823 = tpu.vector_load %arg12[%swap3A_821, %swap3A_822] {strides = array<i32>} : memref<80x128xf32, #tpu.memory_space<vmem>>, vector<1x16xf32>,
      %swap3A_824 = vector.shape_cast %swap3A_823 : vector<1x16xf32> to vector<16xf32>
      %swap3A_825 = vector.shape_cast %broadcast_in_dim3A_820 : vector<16xf32> to vector<1x16xf32>
      tpu.vector_store %arg12[%swap3A_821, %swap3A_822], %swap3A_825 {strides = array<i32>} : memref<80x128xf32, #tpu.memory_space<vmem>>, vector<1x16xf32>,
      %broadcast_in_dim3A_826 = arith.constant 0.000000e+00 : f32
      %broadcast_in_dim3A_827 = vector.broadcast %broadcast_in_dim3A_826 : f32 to vector<16xf32>
      %swap3A_828 = arith.index_cast %scan3A_819 : i32 to index
      %swap3A_829 = arith.constant 16 : index
      %swap3A_830 = tpu.vector_load %arg12[%swap3A_828, %swap3A_829] {strides = array<i32>} : memref<80x128xf32, #tpu.memory_space<vmem>>, vector<1x16xf32>,
      %swap3A_831 = vector.shape_cast %swap3A_830 : vector<1x16xf32> to vector<16xf32>
      %swap3A_832 = vector.shape_cast %broadcast_in_dim3A_827 : vector<16xf32> to vector<1x16xf32>
      tpu.vector_store %arg12[%swap3A_828, %swap3A_829], %swap3A_832 {strides = array<i32>} : memref<80x128xf32, #tpu.memory_space<vmem>>, vector<1x16xf32>,
      %broadcast_in_dim3A_833 = arith.constant 0.000000e+00 : f32
      %broadcast_in_dim3A_834 = vector.broadcast %broadcast_in_dim3A_833 : f32 to vector<16xf32>
      %swap3A_835 = arith.index_cast %scan3A_819 : i32 to index
      %swap3A_836 = arith.constant 32 : index
      %swap3A_837 = tpu.vector_load %arg12[%swap3A_835, %swap3A_836] {strides = array<i32>} : memref<80x128xf32, #tpu.memory_space<vmem>>, vector<1x16xf32>,
      %swap3A_838 = vector.shape_cast %swap3A_837 : vector<1x16xf32> to vector<16xf32>
      %swap3A_839 = vector.shape_cast %broadcast_in_dim3A_834 : vector<16xf32> to vector<1x16xf32>
      tpu.vector_store %arg12[%swap3A_835, %swap3A_836], %swap3A_839 {strides = array<i32>} : memref<80x128xf32, #tpu.memory_space<vmem>>, vector<1x16xf32>,
      %broadcast_in_dim3A_840 = arith.constant 0.000000e+00 : f32
      %broadcast_in_dim3A_841 = vector.broadcast %broadcast_in_dim3A_840 : f32 to vector<16xf32>
      %swap3A_842 = arith.index_cast %scan3A_819 : i32 to index
      %swap3A_843 = arith.constant 48 : index
      %swap3A_844 = tpu.vector_load %arg12[%swap3A_842, %swap3A_843] {strides = array<i32>} : memref<80x128xf32, #tpu.memory_space<vmem>>, vector<1x16xf32>,
      %swap3A_845 = vector.shape_cast %swap3A_844 : vector<1x16xf32> to vector<16xf32>
      %swap3A_846 = vector.shape_cast %broadcast_in_dim3A_841 : vector<16xf32> to vector<1x16xf32>
      tpu.vector_store %arg12[%swap3A_842, %swap3A_843], %swap3A_846 {strides = array<i32>} : memref<80x128xf32, #tpu.memory_space<vmem>>, vector<1x16xf32>,
      %broadcast_in_dim3A_847 = arith.constant 0.000000e+00 : f32
      %broadcast_in_dim3A_848 = vector.broadcast %broadcast_in_dim3A_847 : f32 to vector<16xf32>
      %swap3A_849 = arith.index_cast %scan3A_819 : i32 to index
      %swap3A_850 = arith.constant 64 : index
      %swap3A_851 = tpu.vector_load %arg12[%swap3A_849, %swap3A_850] {strides = array<i32>} : memref<80x128xf32, #tpu.memory_space<vmem>>, vector<1x16xf32>,
      %swap3A_852 = vector.shape_cast %swap3A_851 : vector<1x16xf32> to vector<16xf32>
      %swap3A_853 = vector.shape_cast %broadcast_in_dim3A_848 : vector<16xf32> to vector<1x16xf32>
      tpu.vector_store %arg12[%swap3A_849, %swap3A_850], %swap3A_853 {strides = array<i32>} : memref<80x128xf32, #tpu.memory_space<vmem>>, vector<1x16xf32>,
      %broadcast_in_dim3A_854 = arith.constant 0.000000e+00 : f32
      %broadcast_in_dim3A_855 = vector.broadcast %broadcast_in_dim3A_854 : f32 to vector<16xf32>
      %swap3A_856 = arith.index_cast %scan3A_819 : i32 to index
      %swap3A_857 = arith.constant 80 : index
      %swap3A_858 = tpu.vector_load %arg12[%swap3A_856, %swap3A_857] {strides = array<i32>} : memref<80x128xf32, #tpu.memory_space<vmem>>, vector<1x16xf32>,
      %swap3A_859 = vector.shape_cast %swap3A_858 : vector<1x16xf32> to vector<16xf32>
      %swap3A_860 = vector.shape_cast %broadcast_in_dim3A_855 : vector<16xf32> to vector<1x16xf32>
      tpu.vector_store %arg12[%swap3A_856, %swap3A_857], %swap3A_860 {strides = array<i32>} : memref<80x128xf32, #tpu.memory_space<vmem>>, vector<1x16xf32>,
      %broadcast_in_dim3A_861 = arith.constant 0.000000e+00 : f32
      %broadcast_in_dim3A_862 = vector.broadcast %broadcast_in_dim3A_861 : f32 to vector<16xf32>
      %swap3A_863 = arith.index_cast %scan3A_819 : i32 to index
      %swap3A_864 = arith.constant 96 : index
      %swap3A_865 = tpu.vector_load %arg12[%swap3A_863, %swap3A_864] {strides = array<i32>} : memref<80x128xf32, #tpu.memory_space<vmem>>, vector<1x16xf32>,
      %swap3A_866 = vector.shape_cast %swap3A_865 : vector<1x16xf32> to vector<16xf32>
      %swap3A_867 = vector.shape_cast %broadcast_in_dim3A_862 : vector<16xf32> to vector<1x16xf32>
      tpu.vector_store %arg12[%swap3A_863, %swap3A_864], %swap3A_867 {strides = array<i32>} : memref<80x128xf32, #tpu.memory_space<vmem>>, vector<1x16xf32>,
      %broadcast_in_dim3A_868 = arith.constant 0.000000e+00 : f32
      %broadcast_in_dim3A_869 = vector.broadcast %broadcast_in_dim3A_868 : f32 to vector<16xf32>
      %swap3A_870 = arith.index_cast %scan3A_819 : i32 to index
      %swap3A_871 = arith.constant 112 : index
      %swap3A_872 = tpu.vector_load %arg12[%swap3A_870, %swap3A_871] {strides = array<i32>} : memref<80x128xf32, #tpu.memory_space<vmem>>, vector<1x16xf32>,
      %swap3A_873 = vector.shape_cast %swap3A_872 : vector<1x16xf32> to vector<16xf32>
      %swap3A_874 = vector.shape_cast %broadcast_in_dim3A_869 : vector<16xf32> to vector<1x16xf32>
      tpu.vector_store %arg12[%swap3A_870, %swap3A_871], %swap3A_874 {strides = array<i32>} : memref<80x128xf32, #tpu.memory_space<vmem>>, vector<1x16xf32>,
    }
    %scan3A_5 = arith.constant 80 : i32
    %add3A_6 = arith.constant 0 : i32
    %add3A_7 = arith.addi %arg1, %add3A_6 : i32
    %lt3A = arith.constant 125 : i32
    %lt3A_8 = arith.cmpi slt, %add3A_7, %lt3A : i32
    %convert_element_type3A = arith.extui %lt3A_8 : i1 to i32
    %cond3A = arith.constant 0 : i32
    %cond3A_9 = arith.cmpi ne, %convert_element_type3A, %cond3A : i32
    scf.if %cond3A_9 {
      %mul3A_819 = arith.constant 80 : i32
      %mul3A_820 = arith.muli %add3A_7, %mul3A_819 : i32
      %multiple_of3A = tpu.assume_multiple %mul3A_820, 80 : i32
      %dma_start3A_821 = arith.constant 0 : i32
      %dma_start3A_822 = tpu.memref_slice %arg15[%multiple_of3A, %dma_start3A_821] : memref<10000x128xf32, #tpu.memory_space<vmem_shared>> -> memref<80x128xf32, #tpu.memory_space<vmem_shared>>
      %dma_start3A_823 = arith.constant 0 : i32
      %dma_start3A_824 = tpu.memref_slice %arg15[%multiple_of3A, %dma_start3A_823] : memref<10000x128xf32, #tpu.memory_space<vmem_shared>> -> memref<80x128xf32, #tpu.memory_space<vmem_shared>>
      tpu.enqueue_dma source(%arg12 : memref<80x128xf32, #tpu.memory_space<vmem>>) target(%dma_start3A_824 : memref<80x128xf32, #tpu.memory_space<vmem_shared>>) target_semaphore(%arg19 : memref<!tpu.dma_semaphore, #tpu.memory_space<semaphore_mem>>)
    } else {
    }
    %add3A_10 = arith.constant 16 : i32
    %add3A_11 = arith.addi %arg1, %add3A_10 : i32
    %lt3A_12 = arith.constant 125 : i32
    %lt3A_13 = arith.cmpi slt, %add3A_11, %lt3A_12 : i32
    %convert_element_type3A_14 = arith.extui %lt3A_13 : i1 to i32
    %cond3A_15 = arith.constant 0 : i32
    %cond3A_16 = arith.cmpi ne, %convert_element_type3A_14, %cond3A_15 : i32
    scf.if %cond3A_16 {
      %mul3A_819 = arith.constant 80 : i32
      %mul3A_820 = arith.muli %add3A_11, %mul3A_819 : i32
      %multiple_of3A = tpu.assume_multiple %mul3A_820, 80 : i32
      %dma_start3A_821 = arith.constant 0 : i32
      %dma_start3A_822 = tpu.memref_slice %arg15[%multiple_of3A, %dma_start3A_821] : memref<10000x128xf32, #tpu.memory_space<vmem_shared>> -> memref<80x128xf32, #tpu.memory_space<vmem_shared>>
      %dma_start3A_823 = arith.constant 0 : i32
      %dma_start3A_824 = tpu.memref_slice %arg15[%multiple_of3A, %dma_start3A_823] : memref<10000x128xf32, #tpu.memory_space<vmem_shared>> -> memref<80x128xf32, #tpu.memory_space<vmem_shared>>
      tpu.enqueue_dma source(%arg12 : memref<80x128xf32, #tpu.memory_space<vmem>>) target(%dma_start3A_824 : memref<80x128xf32, #tpu.memory_space<vmem_shared>>) target_semaphore(%arg19 : memref<!tpu.dma_semaphore, #tpu.memory_space<semaphore_mem>>)
    } else {
    }
    %add3A_17 = arith.constant 32 : i32
    %add3A_18 = arith.addi %arg1, %add3A_17 : i32
    %lt3A_19 = arith.constant 125 : i32
    %lt3A_20 = arith.cmpi slt, %add3A_18, %lt3A_19 : i32
    %convert_element_type3A_21 = arith.extui %lt3A_20 : i1 to i32
    %cond3A_22 = arith.constant 0 : i32
    %cond3A_23 = arith.cmpi ne, %convert_element_type3A_21, %cond3A_22 : i32
    scf.if %cond3A_23 {
      %mul3A_819 = arith.constant 80 : i32
      %mul3A_820 = arith.muli %add3A_18, %mul3A_819 : i32
      %multiple_of3A = tpu.assume_multiple %mul3A_820, 80 : i32
      %dma_start3A_821 = arith.constant 0 : i32
      %dma_start3A_822 = tpu.memref_slice %arg15[%multiple_of3A, %dma_start3A_821] : memref<10000x128xf32, #tpu.memory_space<vmem_shared>> -> memref<80x128xf32, #tpu.memory_space<vmem_shared>>
      %dma_start3A_823 = arith.constant 0 : i32
      %dma_start3A_824 = tpu.memref_slice %arg15[%multiple_of3A, %dma_start3A_823] : memref<10000x128xf32, #tpu.memory_space<vmem_shared>> -> memref<80x128xf32, #tpu.memory_space<vmem_shared>>
      tpu.enqueue_dma source(%arg12 : memref<80x128xf32, #tpu.memory_space<vmem>>) target(%dma_start3A_824 : memref<80x128xf32, #tpu.memory_space<vmem_shared>>) target_semaphore(%arg19 : memref<!tpu.dma_semaphore, #tpu.memory_space<semaphore_mem>>)
    } else {
    }
    %add3A_24 = arith.constant 48 : i32
    %add3A_25 = arith.addi %arg1, %add3A_24 : i32
    %lt3A_26 = arith.constant 125 : i32
    %lt3A_27 = arith.cmpi slt, %add3A_25, %lt3A_26 : i32
    %convert_element_type3A_28 = arith.extui %lt3A_27 : i1 to i32
    %cond3A_29 = arith.constant 0 : i32
    %cond3A_30 = arith.cmpi ne, %convert_element_type3A_28, %cond3A_29 : i32
    scf.if %cond3A_30 {
      %mul3A_819 = arith.constant 80 : i32
      %mul3A_820 = arith.muli %add3A_25, %mul3A_819 : i32
      %multiple_of3A = tpu.assume_multiple %mul3A_820, 80 : i32
      %dma_start3A_821 = arith.constant 0 : i32
      %dma_start3A_822 = tpu.memref_slice %arg15[%multiple_of3A, %dma_start3A_821] : memref<10000x128xf32, #tpu.memory_space<vmem_shared>> -> memref<80x128xf32, #tpu.memory_space<vmem_shared>>
      %dma_start3A_823 = arith.constant 0 : i32
      %dma_start3A_824 = tpu.memref_slice %arg15[%multiple_of3A, %dma_start3A_823] : memref<10000x128xf32, #tpu.memory_space<vmem_shared>> -> memref<80x128xf32, #tpu.memory_space<vmem_shared>>
      tpu.enqueue_dma source(%arg12 : memref<80x128xf32, #tpu.memory_space<vmem>>) target(%dma_start3A_824 : memref<80x128xf32, #tpu.memory_space<vmem_shared>>) target_semaphore(%arg19 : memref<!tpu.dma_semaphore, #tpu.memory_space<semaphore_mem>>)
    } else {
    }
    %add3A_31 = arith.constant 64 : i32
    %add3A_32 = arith.addi %arg1, %add3A_31 : i32
    %lt3A_33 = arith.constant 125 : i32
    %lt3A_34 = arith.cmpi slt, %add3A_32, %lt3A_33 : i32
    %convert_element_type3A_35 = arith.extui %lt3A_34 : i1 to i32
    %cond3A_36 = arith.constant 0 : i32
    %cond3A_37 = arith.cmpi ne, %convert_element_type3A_35, %cond3A_36 : i32
    scf.if %cond3A_37 {
      %mul3A_819 = arith.constant 80 : i32
      %mul3A_820 = arith.muli %add3A_32, %mul3A_819 : i32
      %multiple_of3A = tpu.assume_multiple %mul3A_820, 80 : i32
      %dma_start3A_821 = arith.constant 0 : i32
      %dma_start3A_822 = tpu.memref_slice %arg15[%multiple_of3A, %dma_start3A_821] : memref<10000x128xf32, #tpu.memory_space<vmem_shared>> -> memref<80x128xf32, #tpu.memory_space<vmem_shared>>
      %dma_start3A_823 = arith.constant 0 : i32
      %dma_start3A_824 = tpu.memref_slice %arg15[%multiple_of3A, %dma_start3A_823] : memref<10000x128xf32, #tpu.memory_space<vmem_shared>> -> memref<80x128xf32, #tpu.memory_space<vmem_shared>>
      tpu.enqueue_dma source(%arg12 : memref<80x128xf32, #tpu.memory_space<vmem>>) target(%dma_start3A_824 : memref<80x128xf32, #tpu.memory_space<vmem_shared>>) target_semaphore(%arg19 : memref<!tpu.dma_semaphore, #tpu.memory_space<semaphore_mem>>)
    } else {
    }
    %add3A_38 = arith.constant 80 : i32
    %add3A_39 = arith.addi %arg1, %add3A_38 : i32
    %lt3A_40 = arith.constant 125 : i32
    %lt3A_41 = arith.cmpi slt, %add3A_39, %lt3A_40 : i32
    %convert_element_type3A_42 = arith.extui %lt3A_41 : i1 to i32
    %cond3A_43 = arith.constant 0 : i32
    %cond3A_44 = arith.cmpi ne, %convert_element_type3A_42, %cond3A_43 : i32
    scf.if %cond3A_44 {
      %mul3A_819 = arith.constant 80 : i32
      %mul3A_820 = arith.muli %add3A_39, %mul3A_819 : i32
      %multiple_of3A = tpu.assume_multiple %mul3A_820, 80 : i32
      %dma_start3A_821 = arith.constant 0 : i32
      %dma_start3A_822 = tpu.memref_slice %arg15[%multiple_of3A, %dma_start3A_821] : memref<10000x128xf32, #tpu.memory_space<vmem_shared>> -> memref<80x128xf32, #tpu.memory_space<vmem_shared>>
      %dma_start3A_823 = arith.constant 0 : i32
      %dma_start3A_824 = tpu.memref_slice %arg15[%multiple_of3A, %dma_start3A_823] : memref<10000x128xf32, #tpu.memory_space<vmem_shared>> -> memref<80x128xf32, #tpu.memory_space<vmem_shared>>
      tpu.enqueue_dma source(%arg12 : memref<80x128xf32, #tpu.memory_space<vmem>>) target(%dma_start3A_824 : memref<80x128xf32, #tpu.memory_space<vmem_shared>>) target_semaphore(%arg19 : memref<!tpu.dma_semaphore, #tpu.memory_space<semaphore_mem>>)
    } else {
    }
    %add3A_45 = arith.constant 96 : i32
    %add3A_46 = arith.addi %arg1, %add3A_45 : i32
    %lt3A_47 = arith.constant 125 : i32
    %lt3A_48 = arith.cmpi slt, %add3A_46, %lt3A_47 : i32
    %convert_element_type3A_49 = arith.extui %lt3A_48 : i1 to i32
    %cond3A_50 = arith.constant 0 : i32
    %cond3A_51 = arith.cmpi ne, %convert_element_type3A_49, %cond3A_50 : i32
    scf.if %cond3A_51 {
      %mul3A_819 = arith.constant 80 : i32
      %mul3A_820 = arith.muli %add3A_46, %mul3A_819 : i32
      %multiple_of3A = tpu.assume_multiple %mul3A_820, 80 : i32
      %dma_start3A_821 = arith.constant 0 : i32
      %dma_start3A_822 = tpu.memref_slice %arg15[%multiple_of3A, %dma_start3A_821] : memref<10000x128xf32, #tpu.memory_space<vmem_shared>> -> memref<80x128xf32, #tpu.memory_space<vmem_shared>>
      %dma_start3A_823 = arith.constant 0 : i32
      %dma_start3A_824 = tpu.memref_slice %arg15[%multiple_of3A, %dma_start3A_823] : memref<10000x128xf32, #tpu.memory_space<vmem_shared>> -> memref<80x128xf32, #tpu.memory_space<vmem_shared>>
      tpu.enqueue_dma source(%arg12 : memref<80x128xf32, #tpu.memory_space<vmem>>) target(%dma_start3A_824 : memref<80x128xf32, #tpu.memory_space<vmem_shared>>) target_semaphore(%arg19 : memref<!tpu.dma_semaphore, #tpu.memory_space<semaphore_mem>>)
    } else {
    }
    %add3A_52 = arith.constant 112 : i32
    %add3A_53 = arith.addi %arg1, %add3A_52 : i32
    %lt3A_54 = arith.constant 125 : i32
    %lt3A_55 = arith.cmpi slt, %add3A_53, %lt3A_54 : i32
    %convert_element_type3A_56 = arith.extui %lt3A_55 : i1 to i32
    %cond3A_57 = arith.constant 0 : i32
    %cond3A_58 = arith.cmpi ne, %convert_element_type3A_56, %cond3A_57 : i32
    scf.if %cond3A_58 {
      %mul3A_819 = arith.constant 80 : i32
      %mul3A_820 = arith.muli %add3A_53, %mul3A_819 : i32
      %multiple_of3A = tpu.assume_multiple %mul3A_820, 80 : i32
      %dma_start3A_821 = arith.constant 0 : i32
      %dma_start3A_822 = tpu.memref_slice %arg15[%multiple_of3A, %dma_start3A_821] : memref<10000x128xf32, #tpu.memory_space<vmem_shared>> -> memref<80x128xf32, #tpu.memory_space<vmem_shared>>
      %dma_start3A_823 = arith.constant 0 : i32
      %dma_start3A_824 = tpu.memref_slice %arg15[%multiple_of3A, %dma_start3A_823] : memref<10000x128xf32, #tpu.memory_space<vmem_shared>> -> memref<80x128xf32, #tpu.memory_space<vmem_shared>>
      tpu.enqueue_dma source(%arg12 : memref<80x128xf32, #tpu.memory_space<vmem>>) target(%dma_start3A_824 : memref<80x128xf32, #tpu.memory_space<vmem_shared>>) target_semaphore(%arg19 : memref<!tpu.dma_semaphore, #tpu.memory_space<semaphore_mem>>)
    } else {
    }
    %add3A_59 = arith.constant 0 : i32
    %add3A_60 = arith.addi %arg1, %add3A_59 : i32
    %lt3A_61 = arith.constant 125 : i32
    %lt3A_62 = arith.cmpi slt, %add3A_60, %lt3A_61 : i32
    %convert_element_type3A_63 = arith.extui %lt3A_62 : i1 to i32
    %cond3A_64 = arith.constant 0 : i32
    %cond3A_65 = arith.cmpi ne, %convert_element_type3A_63, %cond3A_64 : i32
    scf.if %cond3A_65 {
      %mul3A_819 = arith.constant 80 : i32
      %mul3A_820 = arith.muli %add3A_60, %mul3A_819 : i32
      %multiple_of3A = tpu.assume_multiple %mul3A_820, 80 : i32
      %dma_wait3A_821 = arith.constant 0 : i32
      %dma_wait3A_822 = tpu.memref_slice %arg15[%multiple_of3A, %dma_wait3A_821] : memref<10000x128xf32, #tpu.memory_space<vmem_shared>> -> memref<80x128xf32, #tpu.memory_space<vmem_shared>>
      %dma_wait3A_823 = arith.constant 0 : i32
      %dma_wait3A_824 = tpu.memref_slice %arg15[%multiple_of3A, %dma_wait3A_823] : memref<10000x128xf32, #tpu.memory_space<vmem_shared>> -> memref<80x128xf32, #tpu.memory_space<vmem_shared>>
      tpu.wait_dma2 semaphore(%arg19 : memref<!tpu.dma_semaphore, #tpu.memory_space<semaphore_mem>>) src(%arg12 : memref<80x128xf32, #tpu.memory_space<vmem>>) dst(%dma_wait3A_824 : memref<80x128xf32, #tpu.memory_space<vmem_shared>>)
    } else {
    }
    %add3A_66 = arith.constant 16 : i32
    %add3A_67 = arith.addi %arg1, %add3A_66 : i32
    %lt3A_68 = arith.constant 125 : i32
    %lt3A_69 = arith.cmpi slt, %add3A_67, %lt3A_68 : i32
    %convert_element_type3A_70 = arith.extui %lt3A_69 : i1 to i32
    %cond3A_71 = arith.constant 0 : i32
    %cond3A_72 = arith.cmpi ne, %convert_element_type3A_70, %cond3A_71 : i32
    scf.if %cond3A_72 {
      %mul3A_819 = arith.constant 80 : i32
      %mul3A_820 = arith.muli %add3A_67, %mul3A_819 : i32
      %multiple_of3A = tpu.assume_multiple %mul3A_820, 80 : i32
      %dma_wait3A_821 = arith.constant 0 : i32
      %dma_wait3A_822 = tpu.memref_slice %arg15[%multiple_of3A, %dma_wait3A_821] : memref<10000x128xf32, #tpu.memory_space<vmem_shared>> -> memref<80x128xf32, #tpu.memory_space<vmem_shared>>
      %dma_wait3A_823 = arith.constant 0 : i32
      %dma_wait3A_824 = tpu.memref_slice %arg15[%multiple_of3A, %dma_wait3A_823] : memref<10000x128xf32, #tpu.memory_space<vmem_shared>> -> memref<80x128xf32, #tpu.memory_space<vmem_shared>>
      tpu.wait_dma2 semaphore(%arg19 : memref<!tpu.dma_semaphore, #tpu.memory_space<semaphore_mem>>) src(%arg12 : memref<80x128xf32, #tpu.memory_space<vmem>>) dst(%dma_wait3A_824 : memref<80x128xf32, #tpu.memory_space<vmem_shared>>)
    } else {
    }
    %add3A_73 = arith.constant 32 : i32
    %add3A_74 = arith.addi %arg1, %add3A_73 : i32
    %lt3A_75 = arith.constant 125 : i32
    %lt3A_76 = arith.cmpi slt, %add3A_74, %lt3A_75 : i32
    %convert_element_type3A_77 = arith.extui %lt3A_76 : i1 to i32
    %cond3A_78 = arith.constant 0 : i32
    %cond3A_79 = arith.cmpi ne, %convert_element_type3A_77, %cond3A_78 : i32
    scf.if %cond3A_79 {
      %mul3A_819 = arith.constant 80 : i32
      %mul3A_820 = arith.muli %add3A_74, %mul3A_819 : i32
      %multiple_of3A = tpu.assume_multiple %mul3A_820, 80 : i32
      %dma_wait3A_821 = arith.constant 0 : i32
      %dma_wait3A_822 = tpu.memref_slice %arg15[%multiple_of3A, %dma_wait3A_821] : memref<10000x128xf32, #tpu.memory_space<vmem_shared>> -> memref<80x128xf32, #tpu.memory_space<vmem_shared>>
      %dma_wait3A_823 = arith.constant 0 : i32
      %dma_wait3A_824 = tpu.memref_slice %arg15[%multiple_of3A, %dma_wait3A_823] : memref<10000x128xf32, #tpu.memory_space<vmem_shared>> -> memref<80x128xf32, #tpu.memory_space<vmem_shared>>
      tpu.wait_dma2 semaphore(%arg19 : memref<!tpu.dma_semaphore, #tpu.memory_space<semaphore_mem>>) src(%arg12 : memref<80x128xf32, #tpu.memory_space<vmem>>) dst(%dma_wait3A_824 : memref<80x128xf32, #tpu.memory_space<vmem_shared>>)
    } else {
    }
    %add3A_80 = arith.constant 48 : i32
    %add3A_81 = arith.addi %arg1, %add3A_80 : i32
    %lt3A_82 = arith.constant 125 : i32
    %lt3A_83 = arith.cmpi slt, %add3A_81, %lt3A_82 : i32
    %convert_element_type3A_84 = arith.extui %lt3A_83 : i1 to i32
    %cond3A_85 = arith.constant 0 : i32
    %cond3A_86 = arith.cmpi ne, %convert_element_type3A_84, %cond3A_85 : i32
    scf.if %cond3A_86 {
      %mul3A_819 = arith.constant 80 : i32
      %mul3A_820 = arith.muli %add3A_81, %mul3A_819 : i32
      %multiple_of3A = tpu.assume_multiple %mul3A_820, 80 : i32
      %dma_wait3A_821 = arith.constant 0 : i32
      %dma_wait3A_822 = tpu.memref_slice %arg15[%multiple_of3A, %dma_wait3A_821] : memref<10000x128xf32, #tpu.memory_space<vmem_shared>> -> memref<80x128xf32, #tpu.memory_space<vmem_shared>>
      %dma_wait3A_823 = arith.constant 0 : i32
      %dma_wait3A_824 = tpu.memref_slice %arg15[%multiple_of3A, %dma_wait3A_823] : memref<10000x128xf32, #tpu.memory_space<vmem_shared>> -> memref<80x128xf32, #tpu.memory_space<vmem_shared>>
      tpu.wait_dma2 semaphore(%arg19 : memref<!tpu.dma_semaphore, #tpu.memory_space<semaphore_mem>>) src(%arg12 : memref<80x128xf32, #tpu.memory_space<vmem>>) dst(%dma_wait3A_824 : memref<80x128xf32, #tpu.memory_space<vmem_shared>>)
    } else {
    }
    %add3A_87 = arith.constant 64 : i32
    %add3A_88 = arith.addi %arg1, %add3A_87 : i32
    %lt3A_89 = arith.constant 125 : i32
    %lt3A_90 = arith.cmpi slt, %add3A_88, %lt3A_89 : i32
    %convert_element_type3A_91 = arith.extui %lt3A_90 : i1 to i32
    %cond3A_92 = arith.constant 0 : i32
    %cond3A_93 = arith.cmpi ne, %convert_element_type3A_91, %cond3A_92 : i32
    scf.if %cond3A_93 {
      %mul3A_819 = arith.constant 80 : i32
      %mul3A_820 = arith.muli %add3A_88, %mul3A_819 : i32
      %multiple_of3A = tpu.assume_multiple %mul3A_820, 80 : i32
      %dma_wait3A_821 = arith.constant 0 : i32
      %dma_wait3A_822 = tpu.memref_slice %arg15[%multiple_of3A, %dma_wait3A_821] : memref<10000x128xf32, #tpu.memory_space<vmem_shared>> -> memref<80x128xf32, #tpu.memory_space<vmem_shared>>
      %dma_wait3A_823 = arith.constant 0 : i32
      %dma_wait3A_824 = tpu.memref_slice %arg15[%multiple_of3A, %dma_wait3A_823] : memref<10000x128xf32, #tpu.memory_space<vmem_shared>> -> memref<80x128xf32, #tpu.memory_space<vmem_shared>>
      tpu.wait_dma2 semaphore(%arg19 : memref<!tpu.dma_semaphore, #tpu.memory_space<semaphore_mem>>) src(%arg12 : memref<80x128xf32, #tpu.memory_space<vmem>>) dst(%dma_wait3A_824 : memref<80x128xf32, #tpu.memory_space<vmem_shared>>)
    } else {
    }
    %add3A_94 = arith.constant 80 : i32
    %add3A_95 = arith.addi %arg1, %add3A_94 : i32
    %lt3A_96 = arith.constant 125 : i32
    %lt3A_97 = arith.cmpi slt, %add3A_95, %lt3A_96 : i32
    %convert_element_type3A_98 = arith.extui %lt3A_97 : i1 to i32
    %cond3A_99 = arith.constant 0 : i32
    %cond3A_100 = arith.cmpi ne, %convert_element_type3A_98, %cond3A_99 : i32
    scf.if %cond3A_100 {
      %mul3A_819 = arith.constant 80 : i32
      %mul3A_820 = arith.muli %add3A_95, %mul3A_819 : i32
      %multiple_of3A = tpu.assume_multiple %mul3A_820, 80 : i32
      %dma_wait3A_821 = arith.constant 0 : i32
      %dma_wait3A_822 = tpu.memref_slice %arg15[%multiple_of3A, %dma_wait3A_821] : memref<10000x128xf32, #tpu.memory_space<vmem_shared>> -> memref<80x128xf32, #tpu.memory_space<vmem_shared>>
      %dma_wait3A_823 = arith.constant 0 : i32
      %dma_wait3A_824 = tpu.memref_slice %arg15[%multiple_of3A, %dma_wait3A_823] : memref<10000x128xf32, #tpu.memory_space<vmem_shared>> -> memref<80x128xf32, #tpu.memory_space<vmem_shared>>
      tpu.wait_dma2 semaphore(%arg19 : memref<!tpu.dma_semaphore, #tpu.memory_space<semaphore_mem>>) src(%arg12 : memref<80x128xf32, #tpu.memory_space<vmem>>) dst(%dma_wait3A_824 : memref<80x128xf32, #tpu.memory_space<vmem_shared>>)
    } else {
    }
    %add3A_101 = arith.constant 96 : i32
    %add3A_102 = arith.addi %arg1, %add3A_101 : i32
    %lt3A_103 = arith.constant 125 : i32
    %lt3A_104 = arith.cmpi slt, %add3A_102, %lt3A_103 : i32
    %convert_element_type3A_105 = arith.extui %lt3A_104 : i1 to i32
    %cond3A_106 = arith.constant 0 : i32
    %cond3A_107 = arith.cmpi ne, %convert_element_type3A_105, %cond3A_106 : i32
    scf.if %cond3A_107 {
      %mul3A_819 = arith.constant 80 : i32
      %mul3A_820 = arith.muli %add3A_102, %mul3A_819 : i32
      %multiple_of3A = tpu.assume_multiple %mul3A_820, 80 : i32
      %dma_wait3A_821 = arith.constant 0 : i32
      %dma_wait3A_822 = tpu.memref_slice %arg15[%multiple_of3A, %dma_wait3A_821] : memref<10000x128xf32, #tpu.memory_space<vmem_shared>> -> memref<80x128xf32, #tpu.memory_space<vmem_shared>>
      %dma_wait3A_823 = arith.constant 0 : i32
      %dma_wait3A_824 = tpu.memref_slice %arg15[%multiple_of3A, %dma_wait3A_823] : memref<10000x128xf32, #tpu.memory_space<vmem_shared>> -> memref<80x128xf32, #tpu.memory_space<vmem_shared>>
      tpu.wait_dma2 semaphore(%arg19 : memref<!tpu.dma_semaphore, #tpu.memory_space<semaphore_mem>>) src(%arg12 : memref<80x128xf32, #tpu.memory_space<vmem>>) dst(%dma_wait3A_824 : memref<80x128xf32, #tpu.memory_space<vmem_shared>>)
    } else {
    }
    %add3A_108 = arith.constant 112 : i32
    %add3A_109 = arith.addi %arg1, %add3A_108 : i32
    %lt3A_110 = arith.constant 125 : i32
    %lt3A_111 = arith.cmpi slt, %add3A_109, %lt3A_110 : i32
    %convert_element_type3A_112 = arith.extui %lt3A_111 : i1 to i32
    %cond3A_113 = arith.constant 0 : i32
    %cond3A_114 = arith.cmpi ne, %convert_element_type3A_112, %cond3A_113 : i32
    scf.if %cond3A_114 {
      %mul3A_819 = arith.constant 80 : i32
      %mul3A_820 = arith.muli %add3A_109, %mul3A_819 : i32
      %multiple_of3A = tpu.assume_multiple %mul3A_820, 80 : i32
      %dma_wait3A_821 = arith.constant 0 : i32
      %dma_wait3A_822 = tpu.memref_slice %arg15[%multiple_of3A, %dma_wait3A_821] : memref<10000x128xf32, #tpu.memory_space<vmem_shared>> -> memref<80x128xf32, #tpu.memory_space<vmem_shared>>
      %dma_wait3A_823 = arith.constant 0 : i32
      %dma_wait3A_824 = tpu.memref_slice %arg15[%multiple_of3A, %dma_wait3A_823] : memref<10000x128xf32, #tpu.memory_space<vmem_shared>> -> memref<80x128xf32, #tpu.memory_space<vmem_shared>>
      tpu.wait_dma2 semaphore(%arg19 : memref<!tpu.dma_semaphore, #tpu.memory_space<semaphore_mem>>) src(%arg12 : memref<80x128xf32, #tpu.memory_space<vmem>>) dst(%dma_wait3A_824 : memref<80x128xf32, #tpu.memory_space<vmem_shared>>)
    } else {
    }
    %barrier3A = arith.constant 0 : index
    tpu.barrier barrier_id(%barrier3A)
    %get3A = arith.constant 0 : i32
    %get3A_115 = arith.index_cast %get3A : i32 to index
    %get3A_116 = arith.constant 0 : index
    %get3A_117 = tpu.vector_load %arg5[%get3A_115, %get3A_116] {strides = array<i32>} : memref<125x80xi32, #tpu.memory_space<vmem>>, vector<1x16xi32>,
    %get3A_118 = vector.shape_cast %get3A_117 : vector<1x16xi32> to vector<16xi32>
    %shift_right_logical3A = arith.constant 16 : i32
    %shift_right_logical3A_119 = vector.broadcast %shift_right_logical3A : i32 to vector<16xi32>
    %shift_right_logical3A_120 = arith.shrui %get3A_118, %shift_right_logical3A_119 : vector<16xi32>
    %swap3A = arith.constant 0 : index
    %swap3A_121 = tpu.vector_load %arg6[%swap3A] {strides = array<i32>} : memref<80xi32, #tpu.memory_space<vmem>>, vector<16xi32>,
    %swap3A_122 = vector.shape_cast %swap3A_121 : vector<16xi32> to vector<16xi32>
    %swap3A_123 = vector.shape_cast %shift_right_logical3A_120 : vector<16xi32> to vector<16xi32>
    tpu.vector_store %arg6[%swap3A], %swap3A_123 {strides = array<i32>} : memref<80xi32, #tpu.memory_space<vmem>>, vector<16xi32>,
    %and3A = arith.constant 65535 : i32
    %and3A_124 = vector.broadcast %and3A : i32 to vector<16xi32>
    %and3A_125 = arith.andi %get3A_118, %and3A_124 : vector<16xi32>
    %swap3A_126 = arith.constant 0 : index
    %swap3A_127 = tpu.vector_load %arg9[%swap3A_126] {strides = array<i32>} : memref<80xi32, #tpu.memory_space<vmem>>, vector<16xi32>,
    %swap3A_128 = vector.shape_cast %swap3A_127 : vector<16xi32> to vector<16xi32>
    %swap3A_129 = vector.shape_cast %and3A_125 : vector<16xi32> to vector<16xi32>
    tpu.vector_store %arg9[%swap3A_126], %swap3A_129 {strides = array<i32>} : memref<80xi32, #tpu.memory_space<vmem>>, vector<16xi32>,
    %get3A_130 = arith.constant 0 : i32
    %get3A_131 = arith.index_cast %get3A_130 : i32 to index
    %get3A_132 = arith.constant 16 : index
    %get3A_133 = tpu.vector_load %arg5[%get3A_131, %get3A_132] {strides = array<i32>} : memref<125x80xi32, #tpu.memory_space<vmem>>, vector<1x16xi32>,
    %get3A_134 = vector.shape_cast %get3A_133 : vector<1x16xi32> to vector<16xi32>
    %shift_right_logical3A_135 = arith.constant 16 : i32
    %shift_right_logical3A_136 = vector.broadcast %shift_right_logical3A_135 : i32 to vector<16xi32>
    %shift_right_logical3A_137 = arith.shrui %get3A_134, %shift_right_logical3A_136 : vector<16xi32>
    %swap3A_138 = arith.constant 16 : index
    %swap3A_139 = tpu.vector_load %arg6[%swap3A_138] {strides = array<i32>} : memref<80xi32, #tpu.memory_space<vmem>>, vector<16xi32>,
    %swap3A_140 = vector.shape_cast %swap3A_139 : vector<16xi32> to vector<16xi32>
    %swap3A_141 = vector.shape_cast %shift_right_logical3A_137 : vector<16xi32> to vector<16xi32>
    tpu.vector_store %arg6[%swap3A_138], %swap3A_141 {strides = array<i32>} : memref<80xi32, #tpu.memory_space<vmem>>, vector<16xi32>,
    %and3A_142 = arith.constant 65535 : i32
    %and3A_143 = vector.broadcast %and3A_142 : i32 to vector<16xi32>
    %and3A_144 = arith.andi %get3A_134, %and3A_143 : vector<16xi32>
    %swap3A_145 = arith.constant 16 : index
    %swap3A_146 = tpu.vector_load %arg9[%swap3A_145] {strides = array<i32>} : memref<80xi32, #tpu.memory_space<vmem>>, vector<16xi32>,
    %swap3A_147 = vector.shape_cast %swap3A_146 : vector<16xi32> to vector<16xi32>
    %swap3A_148 = vector.shape_cast %and3A_144 : vector<16xi32> to vector<16xi32>
    tpu.vector_store %arg9[%swap3A_145], %swap3A_148 {strides = array<i32>} : memref<80xi32, #tpu.memory_space<vmem>>, vector<16xi32>,
    %get3A_149 = arith.constant 0 : i32
    %get3A_150 = arith.index_cast %get3A_149 : i32 to index
    %get3A_151 = arith.constant 32 : index
    %get3A_152 = tpu.vector_load %arg5[%get3A_150, %get3A_151] {strides = array<i32>} : memref<125x80xi32, #tpu.memory_space<vmem>>, vector<1x16xi32>,
    %get3A_153 = vector.shape_cast %get3A_152 : vector<1x16xi32> to vector<16xi32>
    %shift_right_logical3A_154 = arith.constant 16 : i32
    %shift_right_logical3A_155 = vector.broadcast %shift_right_logical3A_154 : i32 to vector<16xi32>
    %shift_right_logical3A_156 = arith.shrui %get3A_153, %shift_right_logical3A_155 : vector<16xi32>
    %swap3A_157 = arith.constant 32 : index
    %swap3A_158 = tpu.vector_load %arg6[%swap3A_157] {strides = array<i32>} : memref<80xi32, #tpu.memory_space<vmem>>, vector<16xi32>,
    %swap3A_159 = vector.shape_cast %swap3A_158 : vector<16xi32> to vector<16xi32>
    %swap3A_160 = vector.shape_cast %shift_right_logical3A_156 : vector<16xi32> to vector<16xi32>
    tpu.vector_store %arg6[%swap3A_157], %swap3A_160 {strides = array<i32>} : memref<80xi32, #tpu.memory_space<vmem>>, vector<16xi32>,
    %and3A_161 = arith.constant 65535 : i32
    %and3A_162 = vector.broadcast %and3A_161 : i32 to vector<16xi32>
    %and3A_163 = arith.andi %get3A_153, %and3A_162 : vector<16xi32>
    %swap3A_164 = arith.constant 32 : index
    %swap3A_165 = tpu.vector_load %arg9[%swap3A_164] {strides = array<i32>} : memref<80xi32, #tpu.memory_space<vmem>>, vector<16xi32>,
    %swap3A_166 = vector.shape_cast %swap3A_165 : vector<16xi32> to vector<16xi32>
    %swap3A_167 = vector.shape_cast %and3A_163 : vector<16xi32> to vector<16xi32>
    tpu.vector_store %arg9[%swap3A_164], %swap3A_167 {strides = array<i32>} : memref<80xi32, #tpu.memory_space<vmem>>, vector<16xi32>,
    %get3A_168 = arith.constant 0 : i32
    %get3A_169 = arith.index_cast %get3A_168 : i32 to index
    %get3A_170 = arith.constant 48 : index
    %get3A_171 = tpu.vector_load %arg5[%get3A_169, %get3A_170] {strides = array<i32>} : memref<125x80xi32, #tpu.memory_space<vmem>>, vector<1x16xi32>,
    %get3A_172 = vector.shape_cast %get3A_171 : vector<1x16xi32> to vector<16xi32>
    %shift_right_logical3A_173 = arith.constant 16 : i32
    %shift_right_logical3A_174 = vector.broadcast %shift_right_logical3A_173 : i32 to vector<16xi32>
    %shift_right_logical3A_175 = arith.shrui %get3A_172, %shift_right_logical3A_174 : vector<16xi32>
    %swap3A_176 = arith.constant 48 : index
    %swap3A_177 = tpu.vector_load %arg6[%swap3A_176] {strides = array<i32>} : memref<80xi32, #tpu.memory_space<vmem>>, vector<16xi32>,
    %swap3A_178 = vector.shape_cast %swap3A_177 : vector<16xi32> to vector<16xi32>
    %swap3A_179 = vector.shape_cast %shift_right_logical3A_175 : vector<16xi32> to vector<16xi32>
    tpu.vector_store %arg6[%swap3A_176], %swap3A_179 {strides = array<i32>} : memref<80xi32, #tpu.memory_space<vmem>>, vector<16xi32>,
    %and3A_180 = arith.constant 65535 : i32
    %and3A_181 = vector.broadcast %and3A_180 : i32 to vector<16xi32>
    %and3A_182 = arith.andi %get3A_172, %and3A_181 : vector<16xi32>
    %swap3A_183 = arith.constant 48 : index
    %swap3A_184 = tpu.vector_load %arg9[%swap3A_183] {strides = array<i32>} : memref<80xi32, #tpu.memory_space<vmem>>, vector<16xi32>,
    %swap3A_185 = vector.shape_cast %swap3A_184 : vector<16xi32> to vector<16xi32>
    %swap3A_186 = vector.shape_cast %and3A_182 : vector<16xi32> to vector<16xi32>
    tpu.vector_store %arg9[%swap3A_183], %swap3A_186 {strides = array<i32>} : memref<80xi32, #tpu.memory_space<vmem>>, vector<16xi32>,
    %get3A_187 = arith.constant 0 : i32
    %get3A_188 = arith.index_cast %get3A_187 : i32 to index
    %get3A_189 = arith.constant 64 : index
    %get3A_190 = tpu.vector_load %arg5[%get3A_188, %get3A_189] {strides = array<i32>} : memref<125x80xi32, #tpu.memory_space<vmem>>, vector<1x16xi32>,
    %get3A_191 = vector.shape_cast %get3A_190 : vector<1x16xi32> to vector<16xi32>
    %shift_right_logical3A_192 = arith.constant 16 : i32
    %shift_right_logical3A_193 = vector.broadcast %shift_right_logical3A_192 : i32 to vector<16xi32>
    %shift_right_logical3A_194 = arith.shrui %get3A_191, %shift_right_logical3A_193 : vector<16xi32>
    %swap3A_195 = arith.constant 64 : index
    %swap3A_196 = tpu.vector_load %arg6[%swap3A_195] {strides = array<i32>} : memref<80xi32, #tpu.memory_space<vmem>>, vector<16xi32>,
    %swap3A_197 = vector.shape_cast %swap3A_196 : vector<16xi32> to vector<16xi32>
    %swap3A_198 = vector.shape_cast %shift_right_logical3A_194 : vector<16xi32> to vector<16xi32>
    tpu.vector_store %arg6[%swap3A_195], %swap3A_198 {strides = array<i32>} : memref<80xi32, #tpu.memory_space<vmem>>, vector<16xi32>,
    %and3A_199 = arith.constant 65535 : i32
    %and3A_200 = vector.broadcast %and3A_199 : i32 to vector<16xi32>
    %and3A_201 = arith.andi %get3A_191, %and3A_200 : vector<16xi32>
    %swap3A_202 = arith.constant 64 : index
    %swap3A_203 = tpu.vector_load %arg9[%swap3A_202] {strides = array<i32>} : memref<80xi32, #tpu.memory_space<vmem>>, vector<16xi32>,
    %swap3A_204 = vector.shape_cast %swap3A_203 : vector<16xi32> to vector<16xi32>
    %swap3A_205 = vector.shape_cast %and3A_201 : vector<16xi32> to vector<16xi32>
    tpu.vector_store %arg9[%swap3A_202], %swap3A_205 {strides = array<i32>} : memref<80xi32, #tpu.memory_space<vmem>>, vector<16xi32>,
    %dma_start3A = arith.constant 0 : i32
    %dma_start3A_206 = arith.constant 0 : i32
    %dma_start3A_207 = tpu.memref_slice %arg2[%dma_start3A, %dma_start3A_206] : memref<10000x128xf32, #tpu.memory_space<hbm>> -> memref<10000x128xf32, #tpu.memory_space<hbm>>
    tpu.enqueue_indirect_dma source(%dma_start3A_207 : memref<10000x128xf32, #tpu.memory_space<hbm>>) target(%arg12 : memref<80x128xf32, #tpu.memory_space<vmem>>) offsets(%arg6 : memref<80xi32, #tpu.memory_space<vmem>>) semaphore(%arg16 : memref<!tpu.dma_semaphore, #tpu.memory_space<semaphore_mem>>)
    %get3A_208 = arith.constant 1 : i32
    %get3A_209 = arith.index_cast %get3A_208 : i32 to index
    %get3A_210 = arith.constant 0 : index
    %get3A_211 = tpu.vector_load %arg5[%get3A_209, %get3A_210] {strides = array<i32>} : memref<125x80xi32, #tpu.memory_space<vmem>>, vector<1x16xi32>,
    %get3A_212 = vector.shape_cast %get3A_211 : vector<1x16xi32> to vector<16xi32>
    %shift_right_logical3A_213 = arith.constant 16 : i32
    %shift_right_logical3A_214 = vector.broadcast %shift_right_logical3A_213 : i32 to vector<16xi32>
    %shift_right_logical3A_215 = arith.shrui %get3A_212, %shift_right_logical3A_214 : vector<16xi32>
    %swap3A_216 = arith.constant 0 : index
    %swap3A_217 = tpu.vector_load %arg7[%swap3A_216] {strides = array<i32>} : memref<80xi32, #tpu.memory_space<vmem>>, vector<16xi32>,
    %swap3A_218 = vector.shape_cast %swap3A_217 : vector<16xi32> to vector<16xi32>
    %swap3A_219 = vector.shape_cast %shift_right_logical3A_215 : vector<16xi32> to vector<16xi32>
    tpu.vector_store %arg7[%swap3A_216], %swap3A_219 {strides = array<i32>} : memref<80xi32, #tpu.memory_space<vmem>>, vector<16xi32>,
    %and3A_220 = arith.constant 65535 : i32
    %and3A_221 = vector.broadcast %and3A_220 : i32 to vector<16xi32>
    %and3A_222 = arith.andi %get3A_212, %and3A_221 : vector<16xi32>
    %swap3A_223 = arith.constant 0 : index
    %swap3A_224 = tpu.vector_load %arg10[%swap3A_223] {strides = array<i32>} : memref<80xi32, #tpu.memory_space<vmem>>, vector<16xi32>,
    %swap3A_225 = vector.shape_cast %swap3A_224 : vector<16xi32> to vector<16xi32>
    %swap3A_226 = vector.shape_cast %and3A_222 : vector<16xi32> to vector<16xi32>
    tpu.vector_store %arg10[%swap3A_223], %swap3A_226 {strides = array<i32>} : memref<80xi32, #tpu.memory_space<vmem>>, vector<16xi32>,
    %get3A_227 = arith.constant 1 : i32
    %get3A_228 = arith.index_cast %get3A_227 : i32 to index
    %get3A_229 = arith.constant 16 : index
    %get3A_230 = tpu.vector_load %arg5[%get3A_228, %get3A_229] {strides = array<i32>} : memref<125x80xi32, #tpu.memory_space<vmem>>, vector<1x16xi32>,
    %get3A_231 = vector.shape_cast %get3A_230 : vector<1x16xi32> to vector<16xi32>
    %shift_right_logical3A_232 = arith.constant 16 : i32
    %shift_right_logical3A_233 = vector.broadcast %shift_right_logical3A_232 : i32 to vector<16xi32>
    %shift_right_logical3A_234 = arith.shrui %get3A_231, %shift_right_logical3A_233 : vector<16xi32>
    %swap3A_235 = arith.constant 16 : index
    %swap3A_236 = tpu.vector_load %arg7[%swap3A_235] {strides = array<i32>} : memref<80xi32, #tpu.memory_space<vmem>>, vector<16xi32>,
    %swap3A_237 = vector.shape_cast %swap3A_236 : vector<16xi32> to vector<16xi32>
    %swap3A_238 = vector.shape_cast %shift_right_logical3A_234 : vector<16xi32> to vector<16xi32>
    tpu.vector_store %arg7[%swap3A_235], %swap3A_238 {strides = array<i32>} : memref<80xi32, #tpu.memory_space<vmem>>, vector<16xi32>,
    %and3A_239 = arith.constant 65535 : i32
    %and3A_240 = vector.broadcast %and3A_239 : i32 to vector<16xi32>
    %and3A_241 = arith.andi %get3A_231, %and3A_240 : vector<16xi32>
    %swap3A_242 = arith.constant 16 : index
    %swap3A_243 = tpu.vector_load %arg10[%swap3A_242] {strides = array<i32>} : memref<80xi32, #tpu.memory_space<vmem>>, vector<16xi32>,
    %swap3A_244 = vector.shape_cast %swap3A_243 : vector<16xi32> to vector<16xi32>
    %swap3A_245 = vector.shape_cast %and3A_241 : vector<16xi32> to vector<16xi32>
    tpu.vector_store %arg10[%swap3A_242], %swap3A_245 {strides = array<i32>} : memref<80xi32, #tpu.memory_space<vmem>>, vector<16xi32>,
    %get3A_246 = arith.constant 1 : i32
    %get3A_247 = arith.index_cast %get3A_246 : i32 to index
    %get3A_248 = arith.constant 32 : index
    %get3A_249 = tpu.vector_load %arg5[%get3A_247, %get3A_248] {strides = array<i32>} : memref<125x80xi32, #tpu.memory_space<vmem>>, vector<1x16xi32>,
    %get3A_250 = vector.shape_cast %get3A_249 : vector<1x16xi32> to vector<16xi32>
    %shift_right_logical3A_251 = arith.constant 16 : i32
    %shift_right_logical3A_252 = vector.broadcast %shift_right_logical3A_251 : i32 to vector<16xi32>
    %shift_right_logical3A_253 = arith.shrui %get3A_250, %shift_right_logical3A_252 : vector<16xi32>
    %swap3A_254 = arith.constant 32 : index
    %swap3A_255 = tpu.vector_load %arg7[%swap3A_254] {strides = array<i32>} : memref<80xi32, #tpu.memory_space<vmem>>, vector<16xi32>,
    %swap3A_256 = vector.shape_cast %swap3A_255 : vector<16xi32> to vector<16xi32>
    %swap3A_257 = vector.shape_cast %shift_right_logical3A_253 : vector<16xi32> to vector<16xi32>
    tpu.vector_store %arg7[%swap3A_254], %swap3A_257 {strides = array<i32>} : memref<80xi32, #tpu.memory_space<vmem>>, vector<16xi32>,
    %and3A_258 = arith.constant 65535 : i32
    %and3A_259 = vector.broadcast %and3A_258 : i32 to vector<16xi32>
    %and3A_260 = arith.andi %get3A_250, %and3A_259 : vector<16xi32>
    %swap3A_261 = arith.constant 32 : index
    %swap3A_262 = tpu.vector_load %arg10[%swap3A_261] {strides = array<i32>} : memref<80xi32, #tpu.memory_space<vmem>>, vector<16xi32>,
    %swap3A_263 = vector.shape_cast %swap3A_262 : vector<16xi32> to vector<16xi32>
    %swap3A_264 = vector.shape_cast %and3A_260 : vector<16xi32> to vector<16xi32>
    tpu.vector_store %arg10[%swap3A_261], %swap3A_264 {strides = array<i32>} : memref<80xi32, #tpu.memory_space<vmem>>, vector<16xi32>,
    %get3A_265 = arith.constant 1 : i32
    %get3A_266 = arith.index_cast %get3A_265 : i32 to index
    %get3A_267 = arith.constant 48 : index
    %get3A_268 = tpu.vector_load %arg5[%get3A_266, %get3A_267] {strides = array<i32>} : memref<125x80xi32, #tpu.memory_space<vmem>>, vector<1x16xi32>,
    %get3A_269 = vector.shape_cast %get3A_268 : vector<1x16xi32> to vector<16xi32>
    %shift_right_logical3A_270 = arith.constant 16 : i32
    %shift_right_logical3A_271 = vector.broadcast %shift_right_logical3A_270 : i32 to vector<16xi32>
    %shift_right_logical3A_272 = arith.shrui %get3A_269, %shift_right_logical3A_271 : vector<16xi32>
    %swap3A_273 = arith.constant 48 : index
    %swap3A_274 = tpu.vector_load %arg7[%swap3A_273] {strides = array<i32>} : memref<80xi32, #tpu.memory_space<vmem>>, vector<16xi32>,
    %swap3A_275 = vector.shape_cast %swap3A_274 : vector<16xi32> to vector<16xi32>
    %swap3A_276 = vector.shape_cast %shift_right_logical3A_272 : vector<16xi32> to vector<16xi32>
    tpu.vector_store %arg7[%swap3A_273], %swap3A_276 {strides = array<i32>} : memref<80xi32, #tpu.memory_space<vmem>>, vector<16xi32>,
    %and3A_277 = arith.constant 65535 : i32
    %and3A_278 = vector.broadcast %and3A_277 : i32 to vector<16xi32>
    %and3A_279 = arith.andi %get3A_269, %and3A_278 : vector<16xi32>
    %swap3A_280 = arith.constant 48 : index
    %swap3A_281 = tpu.vector_load %arg10[%swap3A_280] {strides = array<i32>} : memref<80xi32, #tpu.memory_space<vmem>>, vector<16xi32>,
    %swap3A_282 = vector.shape_cast %swap3A_281 : vector<16xi32> to vector<16xi32>
    %swap3A_283 = vector.shape_cast %and3A_279 : vector<16xi32> to vector<16xi32>
    tpu.vector_store %arg10[%swap3A_280], %swap3A_283 {strides = array<i32>} : memref<80xi32, #tpu.memory_space<vmem>>, vector<16xi32>,
    %get3A_284 = arith.constant 1 : i32
    %get3A_285 = arith.index_cast %get3A_284 : i32 to index
    %get3A_286 = arith.constant 64 : index
    %get3A_287 = tpu.vector_load %arg5[%get3A_285, %get3A_286] {strides = array<i32>} : memref<125x80xi32, #tpu.memory_space<vmem>>, vector<1x16xi32>,
    %get3A_288 = vector.shape_cast %get3A_287 : vector<1x16xi32> to vector<16xi32>
    %shift_right_logical3A_289 = arith.constant 16 : i32
    %shift_right_logical3A_290 = vector.broadcast %shift_right_logical3A_289 : i32 to vector<16xi32>
    %shift_right_logical3A_291 = arith.shrui %get3A_288, %shift_right_logical3A_290 : vector<16xi32>
    %swap3A_292 = arith.constant 64 : index
    %swap3A_293 = tpu.vector_load %arg7[%swap3A_292] {strides = array<i32>} : memref<80xi32, #tpu.memory_space<vmem>>, vector<16xi32>,
    %swap3A_294 = vector.shape_cast %swap3A_293 : vector<16xi32> to vector<16xi32>
    %swap3A_295 = vector.shape_cast %shift_right_logical3A_291 : vector<16xi32> to vector<16xi32>
    tpu.vector_store %arg7[%swap3A_292], %swap3A_295 {strides = array<i32>} : memref<80xi32, #tpu.memory_space<vmem>>, vector<16xi32>,
    %and3A_296 = arith.constant 65535 : i32
    %and3A_297 = vector.broadcast %and3A_296 : i32 to vector<16xi32>
    %and3A_298 = arith.andi %get3A_288, %and3A_297 : vector<16xi32>
    %swap3A_299 = arith.constant 64 : index
    %swap3A_300 = tpu.vector_load %arg10[%swap3A_299] {strides = array<i32>} : memref<80xi32, #tpu.memory_space<vmem>>, vector<16xi32>,
    %swap3A_301 = vector.shape_cast %swap3A_300 : vector<16xi32> to vector<16xi32>
    %swap3A_302 = vector.shape_cast %and3A_298 : vector<16xi32> to vector<16xi32>
    tpu.vector_store %arg10[%swap3A_299], %swap3A_302 {strides = array<i32>} : memref<80xi32, #tpu.memory_space<vmem>>, vector<16xi32>,
    %dma_start3A_303 = arith.constant 0 : i32
    %dma_start3A_304 = arith.constant 0 : i32
    %dma_start3A_305 = tpu.memref_slice %arg2[%dma_start3A_303, %dma_start3A_304] : memref<10000x128xf32, #tpu.memory_space<hbm>> -> memref<10000x128xf32, #tpu.memory_space<hbm>>
    tpu.enqueue_indirect_dma source(%dma_start3A_305 : memref<10000x128xf32, #tpu.memory_space<hbm>>) target(%arg13 : memref<80x128xf32, #tpu.memory_space<vmem>>) offsets(%arg7 : memref<80xi32, #tpu.memory_space<vmem>>) semaphore(%arg17 : memref<!tpu.dma_semaphore, #tpu.memory_space<semaphore_mem>>)
    %get3A_306 = arith.constant 2 : i32
    %get3A_307 = arith.index_cast %get3A_306 : i32 to index
    %get3A_308 = arith.constant 0 : index
    %get3A_309 = tpu.vector_load %arg5[%get3A_307, %get3A_308] {strides = array<i32>} : memref<125x80xi32, #tpu.memory_space<vmem>>, vector<1x16xi32>,
    %get3A_310 = vector.shape_cast %get3A_309 : vector<1x16xi32> to vector<16xi32>
    %shift_right_logical3A_311 = arith.constant 16 : i32
    %shift_right_logical3A_312 = vector.broadcast %shift_right_logical3A_311 : i32 to vector<16xi32>
    %shift_right_logical3A_313 = arith.shrui %get3A_310, %shift_right_logical3A_312 : vector<16xi32>
    %swap3A_314 = arith.constant 0 : index
    %swap3A_315 = tpu.vector_load %arg8[%swap3A_314] {strides = array<i32>} : memref<80xi32, #tpu.memory_space<vmem>>, vector<16xi32>,
    %swap3A_316 = vector.shape_cast %swap3A_315 : vector<16xi32> to vector<16xi32>
    %swap3A_317 = vector.shape_cast %shift_right_logical3A_313 : vector<16xi32> to vector<16xi32>
    tpu.vector_store %arg8[%swap3A_314], %swap3A_317 {strides = array<i32>} : memref<80xi32, #tpu.memory_space<vmem>>, vector<16xi32>,
    %and3A_318 = arith.constant 65535 : i32
    %and3A_319 = vector.broadcast %and3A_318 : i32 to vector<16xi32>
    %and3A_320 = arith.andi %get3A_310, %and3A_319 : vector<16xi32>
    %swap3A_321 = arith.constant 0 : index
    %swap3A_322 = tpu.vector_load %arg11[%swap3A_321] {strides = array<i32>} : memref<80xi32, #tpu.memory_space<vmem>>, vector<16xi32>,
    %swap3A_323 = vector.shape_cast %swap3A_322 : vector<16xi32> to vector<16xi32>
    %swap3A_324 = vector.shape_cast %and3A_320 : vector<16xi32> to vector<16xi32>
    tpu.vector_store %arg11[%swap3A_321], %swap3A_324 {strides = array<i32>} : memref<80xi32, #tpu.memory_space<vmem>>, vector<16xi32>,
    %get3A_325 = arith.constant 2 : i32
    %get3A_326 = arith.index_cast %get3A_325 : i32 to index
    %get3A_327 = arith.constant 16 : index
    %get3A_328 = tpu.vector_load %arg5[%get3A_326, %get3A_327] {strides = array<i32>} : memref<125x80xi32, #tpu.memory_space<vmem>>, vector<1x16xi32>,
    %get3A_329 = vector.shape_cast %get3A_328 : vector<1x16xi32> to vector<16xi32>
    %shift_right_logical3A_330 = arith.constant 16 : i32
    %shift_right_logical3A_331 = vector.broadcast %shift_right_logical3A_330 : i32 to vector<16xi32>
    %shift_right_logical3A_332 = arith.shrui %get3A_329, %shift_right_logical3A_331 : vector<16xi32>
    %swap3A_333 = arith.constant 16 : index
    %swap3A_334 = tpu.vector_load %arg8[%swap3A_333] {strides = array<i32>} : memref<80xi32, #tpu.memory_space<vmem>>, vector<16xi32>,
    %swap3A_335 = vector.shape_cast %swap3A_334 : vector<16xi32> to vector<16xi32>
    %swap3A_336 = vector.shape_cast %shift_right_logical3A_332 : vector<16xi32> to vector<16xi32>
    tpu.vector_store %arg8[%swap3A_333], %swap3A_336 {strides = array<i32>} : memref<80xi32, #tpu.memory_space<vmem>>, vector<16xi32>,
    %and3A_337 = arith.constant 65535 : i32
    %and3A_338 = vector.broadcast %and3A_337 : i32 to vector<16xi32>
    %and3A_339 = arith.andi %get3A_329, %and3A_338 : vector<16xi32>
    %swap3A_340 = arith.constant 16 : index
    %swap3A_341 = tpu.vector_load %arg11[%swap3A_340] {strides = array<i32>} : memref<80xi32, #tpu.memory_space<vmem>>, vector<16xi32>,
    %swap3A_342 = vector.shape_cast %swap3A_341 : vector<16xi32> to vector<16xi32>
    %swap3A_343 = vector.shape_cast %and3A_339 : vector<16xi32> to vector<16xi32>
    tpu.vector_store %arg11[%swap3A_340], %swap3A_343 {strides = array<i32>} : memref<80xi32, #tpu.memory_space<vmem>>, vector<16xi32>,
    %get3A_344 = arith.constant 2 : i32
    %get3A_345 = arith.index_cast %get3A_344 : i32 to index
    %get3A_346 = arith.constant 32 : index
    %get3A_347 = tpu.vector_load %arg5[%get3A_345, %get3A_346] {strides = array<i32>} : memref<125x80xi32, #tpu.memory_space<vmem>>, vector<1x16xi32>,
    %get3A_348 = vector.shape_cast %get3A_347 : vector<1x16xi32> to vector<16xi32>
    %shift_right_logical3A_349 = arith.constant 16 : i32
    %shift_right_logical3A_350 = vector.broadcast %shift_right_logical3A_349 : i32 to vector<16xi32>
    %shift_right_logical3A_351 = arith.shrui %get3A_348, %shift_right_logical3A_350 : vector<16xi32>
    %swap3A_352 = arith.constant 32 : index
    %swap3A_353 = tpu.vector_load %arg8[%swap3A_352] {strides = array<i32>} : memref<80xi32, #tpu.memory_space<vmem>>, vector<16xi32>,
    %swap3A_354 = vector.shape_cast %swap3A_353 : vector<16xi32> to vector<16xi32>
    %swap3A_355 = vector.shape_cast %shift_right_logical3A_351 : vector<16xi32> to vector<16xi32>
    tpu.vector_store %arg8[%swap3A_352], %swap3A_355 {strides = array<i32>} : memref<80xi32, #tpu.memory_space<vmem>>, vector<16xi32>,
    %and3A_356 = arith.constant 65535 : i32
    %and3A_357 = vector.broadcast %and3A_356 : i32 to vector<16xi32>
    %and3A_358 = arith.andi %get3A_348, %and3A_357 : vector<16xi32>
    %swap3A_359 = arith.constant 32 : index
    %swap3A_360 = tpu.vector_load %arg11[%swap3A_359] {strides = array<i32>} : memref<80xi32, #tpu.memory_space<vmem>>, vector<16xi32>,
    %swap3A_361 = vector.shape_cast %swap3A_360 : vector<16xi32> to vector<16xi32>
    %swap3A_362 = vector.shape_cast %and3A_358 : vector<16xi32> to vector<16xi32>
    tpu.vector_store %arg11[%swap3A_359], %swap3A_362 {strides = array<i32>} : memref<80xi32, #tpu.memory_space<vmem>>, vector<16xi32>,
    %get3A_363 = arith.constant 2 : i32
    %get3A_364 = arith.index_cast %get3A_363 : i32 to index
    %get3A_365 = arith.constant 48 : index
    %get3A_366 = tpu.vector_load %arg5[%get3A_364, %get3A_365] {strides = array<i32>} : memref<125x80xi32, #tpu.memory_space<vmem>>, vector<1x16xi32>,
    %get3A_367 = vector.shape_cast %get3A_366 : vector<1x16xi32> to vector<16xi32>
    %shift_right_logical3A_368 = arith.constant 16 : i32
    %shift_right_logical3A_369 = vector.broadcast %shift_right_logical3A_368 : i32 to vector<16xi32>
    %shift_right_logical3A_370 = arith.shrui %get3A_367, %shift_right_logical3A_369 : vector<16xi32>
    %swap3A_371 = arith.constant 48 : index
    %swap3A_372 = tpu.vector_load %arg8[%swap3A_371] {strides = array<i32>} : memref<80xi32, #tpu.memory_space<vmem>>, vector<16xi32>,
    %swap3A_373 = vector.shape_cast %swap3A_372 : vector<16xi32> to vector<16xi32>
    %swap3A_374 = vector.shape_cast %shift_right_logical3A_370 : vector<16xi32> to vector<16xi32>
    tpu.vector_store %arg8[%swap3A_371], %swap3A_374 {strides = array<i32>} : memref<80xi32, #tpu.memory_space<vmem>>, vector<16xi32>,
    %and3A_375 = arith.constant 65535 : i32
    %and3A_376 = vector.broadcast %and3A_375 : i32 to vector<16xi32>
    %and3A_377 = arith.andi %get3A_367, %and3A_376 : vector<16xi32>
    %swap3A_378 = arith.constant 48 : index
    %swap3A_379 = tpu.vector_load %arg11[%swap3A_378] {strides = array<i32>} : memref<80xi32, #tpu.memory_space<vmem>>, vector<16xi32>,
    %swap3A_380 = vector.shape_cast %swap3A_379 : vector<16xi32> to vector<16xi32>
    %swap3A_381 = vector.shape_cast %and3A_377 : vector<16xi32> to vector<16xi32>
    tpu.vector_store %arg11[%swap3A_378], %swap3A_381 {strides = array<i32>} : memref<80xi32, #tpu.memory_space<vmem>>, vector<16xi32>,
    %get3A_382 = arith.constant 2 : i32
    %get3A_383 = arith.index_cast %get3A_382 : i32 to index
    %get3A_384 = arith.constant 64 : index
    %get3A_385 = tpu.vector_load %arg5[%get3A_383, %get3A_384] {strides = array<i32>} : memref<125x80xi32, #tpu.memory_space<vmem>>, vector<1x16xi32>,
    %get3A_386 = vector.shape_cast %get3A_385 : vector<1x16xi32> to vector<16xi32>
    %shift_right_logical3A_387 = arith.constant 16 : i32
    %shift_right_logical3A_388 = vector.broadcast %shift_right_logical3A_387 : i32 to vector<16xi32>
    %shift_right_logical3A_389 = arith.shrui %get3A_386, %shift_right_logical3A_388 : vector<16xi32>
    %swap3A_390 = arith.constant 64 : index
    %swap3A_391 = tpu.vector_load %arg8[%swap3A_390] {strides = array<i32>} : memref<80xi32, #tpu.memory_space<vmem>>, vector<16xi32>,
    %swap3A_392 = vector.shape_cast %swap3A_391 : vector<16xi32> to vector<16xi32>
    %swap3A_393 = vector.shape_cast %shift_right_logical3A_389 : vector<16xi32> to vector<16xi32>
    tpu.vector_store %arg8[%swap3A_390], %swap3A_393 {strides = array<i32>} : memref<80xi32, #tpu.memory_space<vmem>>, vector<16xi32>,
    %and3A_394 = arith.constant 65535 : i32
    %and3A_395 = vector.broadcast %and3A_394 : i32 to vector<16xi32>
    %and3A_396 = arith.andi %get3A_386, %and3A_395 : vector<16xi32>
    %swap3A_397 = arith.constant 64 : index
    %swap3A_398 = tpu.vector_load %arg11[%swap3A_397] {strides = array<i32>} : memref<80xi32, #tpu.memory_space<vmem>>, vector<16xi32>,
    %swap3A_399 = vector.shape_cast %swap3A_398 : vector<16xi32> to vector<16xi32>
    %swap3A_400 = vector.shape_cast %and3A_396 : vector<16xi32> to vector<16xi32>
    tpu.vector_store %arg11[%swap3A_397], %swap3A_400 {strides = array<i32>} : memref<80xi32, #tpu.memory_space<vmem>>, vector<16xi32>,
    %dma_start3A_401 = arith.constant 0 : i32
    %dma_start3A_402 = arith.constant 0 : i32
    %dma_start3A_403 = tpu.memref_slice %arg2[%dma_start3A_401, %dma_start3A_402] : memref<10000x128xf32, #tpu.memory_space<hbm>> -> memref<10000x128xf32, #tpu.memory_space<hbm>>
    tpu.enqueue_indirect_dma source(%dma_start3A_403 : memref<10000x128xf32, #tpu.memory_space<hbm>>) target(%arg14 : memref<80x128xf32, #tpu.memory_space<vmem>>) offsets(%arg8 : memref<80xi32, #tpu.memory_space<vmem>>) semaphore(%arg18 : memref<!tpu.dma_semaphore, #tpu.memory_space<semaphore_mem>>)
    %scan3A_404 = arith.constant 0 : i32
    %scan3A_405 = arith.constant 0 : i32
    %scan3A_406 = arith.constant 40 : i32
    %scan3A_407 = arith.addi %scan3A_405, %scan3A_406 : i32
    %scan3A_408 = arith.constant 1 : i32
    scf.for %scan3A_819 = %scan3A_405 to %scan3A_407 step %scan3A_408  : i32 {
      %mul3A_820 = arith.constant 3 : i32
      %mul3A_821 = arith.muli %mul3A_820, %scan3A_819 : i32
      %dma_wait3A_822 = arith.constant 0 : i32
      %dma_wait3A_823 = arith.constant 0 : i32
      %dma_wait3A_824 = tpu.memref_slice %arg2[%dma_wait3A_822, %dma_wait3A_823] : memref<10000x128xf32, #tpu.memory_space<hbm>> -> memref<10000x128xf32, #tpu.memory_space<hbm>>
      tpu.wait_indirect_dma semaphore(%arg16 : memref<!tpu.dma_semaphore, #tpu.memory_space<semaphore_mem>>) src(%dma_wait3A_824 : memref<10000x128xf32, #tpu.memory_space<hbm>>) dst(%arg12 : memref<80x128xf32, #tpu.memory_space<vmem>>)
      %dma_start3A_825 = arith.constant 0 : i32
      %dma_start3A_826 = arith.constant 0 : i32
      %dma_start3A_827 = tpu.memref_slice %arg15[%dma_start3A_825, %dma_start3A_826] : memref<10000x128xf32, #tpu.memory_space<vmem_shared>> -> memref<10000x128xf32, #tpu.memory_space<vmem_shared>>
      tpu.enqueue_indirect_dma source(%arg12 : memref<80x128xf32, #tpu.memory_space<vmem>>) target(%dma_start3A_827 : memref<10000x128xf32, #tpu.memory_space<vmem_shared>>) offsets(%arg9 : memref<80xi32, #tpu.memory_space<vmem>>) semaphore(%arg19 : memref<!tpu.dma_semaphore, #tpu.memory_space<semaphore_mem>>) {add = true}
      %dma_wait3A_828 = arith.constant 0 : i32
      %dma_wait3A_829 = arith.constant 0 : i32
      %dma_wait3A_830 = tpu.memref_slice %arg2[%dma_wait3A_828, %dma_wait3A_829] : memref<10000x128xf32, #tpu.memory_space<hbm>> -> memref<10000x128xf32, #tpu.memory_space<hbm>>
      tpu.wait_indirect_dma semaphore(%arg17 : memref<!tpu.dma_semaphore, #tpu.memory_space<semaphore_mem>>) src(%dma_wait3A_830 : memref<10000x128xf32, #tpu.memory_space<hbm>>) dst(%arg13 : memref<80x128xf32, #tpu.memory_space<vmem>>)
      %dma_start3A_831 = arith.constant 0 : i32
      %dma_start3A_832 = arith.constant 0 : i32
      %dma_start3A_833 = tpu.memref_slice %arg15[%dma_start3A_831, %dma_start3A_832] : memref<10000x128xf32, #tpu.memory_space<vmem_shared>> -> memref<10000x128xf32, #tpu.memory_space<vmem_shared>>
      tpu.enqueue_indirect_dma source(%arg13 : memref<80x128xf32, #tpu.memory_space<vmem>>) target(%dma_start3A_833 : memref<10000x128xf32, #tpu.memory_space<vmem_shared>>) offsets(%arg10 : memref<80xi32, #tpu.memory_space<vmem>>) semaphore(%arg20 : memref<!tpu.dma_semaphore, #tpu.memory_space<semaphore_mem>>) {add = true}
      %dma_wait3A_834 = arith.constant 0 : i32
      %dma_wait3A_835 = arith.constant 0 : i32
      %dma_wait3A_836 = tpu.memref_slice %arg2[%dma_wait3A_834, %dma_wait3A_835] : memref<10000x128xf32, #tpu.memory_space<hbm>> -> memref<10000x128xf32, #tpu.memory_space<hbm>>
      tpu.wait_indirect_dma semaphore(%arg18 : memref<!tpu.dma_semaphore, #tpu.memory_space<semaphore_mem>>) src(%dma_wait3A_836 : memref<10000x128xf32, #tpu.memory_space<hbm>>) dst(%arg14 : memref<80x128xf32, #tpu.memory_space<vmem>>)
      %dma_start3A_837 = arith.constant 0 : i32
      %dma_start3A_838 = arith.constant 0 : i32
      %dma_start3A_839 = tpu.memref_slice %arg15[%dma_start3A_837, %dma_start3A_838] : memref<10000x128xf32, #tpu.memory_space<vmem_shared>> -> memref<10000x128xf32, #tpu.memory_space<vmem_shared>>
      tpu.enqueue_indirect_dma source(%arg14 : memref<80x128xf32, #tpu.memory_space<vmem>>) target(%dma_start3A_839 : memref<10000x128xf32, #tpu.memory_space<vmem_shared>>) offsets(%arg11 : memref<80xi32, #tpu.memory_space<vmem>>) semaphore(%arg21 : memref<!tpu.dma_semaphore, #tpu.memory_space<semaphore_mem>>) {add = true}
      %dma_wait3A_840 = arith.constant 0 : i32
      %dma_wait3A_841 = arith.constant 0 : i32
      %dma_wait3A_842 = tpu.memref_slice %arg15[%dma_wait3A_840, %dma_wait3A_841] : memref<10000x128xf32, #tpu.memory_space<vmem_shared>> -> memref<10000x128xf32, #tpu.memory_space<vmem_shared>>
      tpu.wait_indirect_dma semaphore(%arg19 : memref<!tpu.dma_semaphore, #tpu.memory_space<semaphore_mem>>) src(%arg12 : memref<80x128xf32, #tpu.memory_space<vmem>>) dst(%dma_wait3A_842 : memref<10000x128xf32, #tpu.memory_space<vmem_shared>>)
      %add3A_843 = arith.constant 3 : i32
      %add3A_844 = arith.addi %mul3A_821, %add3A_843 : i32
      %add3A_845 = arith.constant 0 : i32
      %add3A_846 = arith.addi %add3A_844, %add3A_845 : i32
      %get3A_847 = arith.index_cast %add3A_846 : i32 to index
      %get3A_848 = arith.constant 0 : index
      %get3A_849 = tpu.vector_load %arg5[%get3A_847, %get3A_848] {strides = array<i32>} : memref<125x80xi32, #tpu.memory_space<vmem>>, vector<1x16xi32>,
      %get3A_850 = vector.shape_cast %get3A_849 : vector<1x16xi32> to vector<16xi32>
      %shift_right_logical3A_851 = arith.constant 16 : i32
      %shift_right_logical3A_852 = vector.broadcast %shift_right_logical3A_851 : i32 to vector<16xi32>
      %shift_right_logical3A_853 = arith.shrui %get3A_850, %shift_right_logical3A_852 : vector<16xi32>
      %swap3A_854 = arith.constant 0 : index
      %swap3A_855 = tpu.vector_load %arg6[%swap3A_854] {strides = array<i32>} : memref<80xi32, #tpu.memory_space<vmem>>, vector<16xi32>,
      %swap3A_856 = vector.shape_cast %swap3A_855 : vector<16xi32> to vector<16xi32>
      %swap3A_857 = vector.shape_cast %shift_right_logical3A_853 : vector<16xi32> to vector<16xi32>
      tpu.vector_store %arg6[%swap3A_854], %swap3A_857 {strides = array<i32>} : memref<80xi32, #tpu.memory_space<vmem>>, vector<16xi32>,
      %and3A_858 = arith.constant 65535 : i32
      %and3A_859 = vector.broadcast %and3A_858 : i32 to vector<16xi32>
      %and3A_860 = arith.andi %get3A_850, %and3A_859 : vector<16xi32>
      %swap3A_861 = arith.constant 0 : index
      %swap3A_862 = tpu.vector_load %arg9[%swap3A_861] {strides = array<i32>} : memref<80xi32, #tpu.memory_space<vmem>>, vector<16xi32>,
      %swap3A_863 = vector.shape_cast %swap3A_862 : vector<16xi32> to vector<16xi32>
      %swap3A_864 = vector.shape_cast %and3A_860 : vector<16xi32> to vector<16xi32>
      tpu.vector_store %arg9[%swap3A_861], %swap3A_864 {strides = array<i32>} : memref<80xi32, #tpu.memory_space<vmem>>, vector<16xi32>,
      %get3A_865 = arith.index_cast %add3A_846 : i32 to index
      %get3A_866 = arith.constant 16 : index
      %get3A_867 = tpu.vector_load %arg5[%get3A_865, %get3A_866] {strides = array<i32>} : memref<125x80xi32, #tpu.memory_space<vmem>>, vector<1x16xi32>,
      %get3A_868 = vector.shape_cast %get3A_867 : vector<1x16xi32> to vector<16xi32>
      %shift_right_logical3A_869 = arith.constant 16 : i32
      %shift_right_logical3A_870 = vector.broadcast %shift_right_logical3A_869 : i32 to vector<16xi32>
      %shift_right_logical3A_871 = arith.shrui %get3A_868, %shift_right_logical3A_870 : vector<16xi32>
      %swap3A_872 = arith.constant 16 : index
      %swap3A_873 = tpu.vector_load %arg6[%swap3A_872] {strides = array<i32>} : memref<80xi32, #tpu.memory_space<vmem>>, vector<16xi32>,
      %swap3A_874 = vector.shape_cast %swap3A_873 : vector<16xi32> to vector<16xi32>
      %swap3A_875 = vector.shape_cast %shift_right_logical3A_871 : vector<16xi32> to vector<16xi32>
      tpu.vector_store %arg6[%swap3A_872], %swap3A_875 {strides = array<i32>} : memref<80xi32, #tpu.memory_space<vmem>>, vector<16xi32>,
      %and3A_876 = arith.constant 65535 : i32
      %and3A_877 = vector.broadcast %and3A_876 : i32 to vector<16xi32>
      %and3A_878 = arith.andi %get3A_868, %and3A_877 : vector<16xi32>
      %swap3A_879 = arith.constant 16 : index
      %swap3A_880 = tpu.vector_load %arg9[%swap3A_879] {strides = array<i32>} : memref<80xi32, #tpu.memory_space<vmem>>, vector<16xi32>,
      %swap3A_881 = vector.shape_cast %swap3A_880 : vector<16xi32> to vector<16xi32>
      %swap3A_882 = vector.shape_cast %and3A_878 : vector<16xi32> to vector<16xi32>
      tpu.vector_store %arg9[%swap3A_879], %swap3A_882 {strides = array<i32>} : memref<80xi32, #tpu.memory_space<vmem>>, vector<16xi32>,
      %get3A_883 = arith.index_cast %add3A_846 : i32 to index
      %get3A_884 = arith.constant 32 : index
      %get3A_885 = tpu.vector_load %arg5[%get3A_883, %get3A_884] {strides = array<i32>} : memref<125x80xi32, #tpu.memory_space<vmem>>, vector<1x16xi32>,
      %get3A_886 = vector.shape_cast %get3A_885 : vector<1x16xi32> to vector<16xi32>
      %shift_right_logical3A_887 = arith.constant 16 : i32
      %shift_right_logical3A_888 = vector.broadcast %shift_right_logical3A_887 : i32 to vector<16xi32>
      %shift_right_logical3A_889 = arith.shrui %get3A_886, %shift_right_logical3A_888 : vector<16xi32>
      %swap3A_890 = arith.constant 32 : index
      %swap3A_891 = tpu.vector_load %arg6[%swap3A_890] {strides = array<i32>} : memref<80xi32, #tpu.memory_space<vmem>>, vector<16xi32>,
      %swap3A_892 = vector.shape_cast %swap3A_891 : vector<16xi32> to vector<16xi32>
      %swap3A_893 = vector.shape_cast %shift_right_logical3A_889 : vector<16xi32> to vector<16xi32>
      tpu.vector_store %arg6[%swap3A_890], %swap3A_893 {strides = array<i32>} : memref<80xi32, #tpu.memory_space<vmem>>, vector<16xi32>,
      %and3A_894 = arith.constant 65535 : i32
      %and3A_895 = vector.broadcast %and3A_894 : i32 to vector<16xi32>
      %and3A_896 = arith.andi %get3A_886, %and3A_895 : vector<16xi32>
      %swap3A_897 = arith.constant 32 : index
      %swap3A_898 = tpu.vector_load %arg9[%swap3A_897] {strides = array<i32>} : memref<80xi32, #tpu.memory_space<vmem>>, vector<16xi32>,
      %swap3A_899 = vector.shape_cast %swap3A_898 : vector<16xi32> to vector<16xi32>
      %swap3A_900 = vector.shape_cast %and3A_896 : vector<16xi32> to vector<16xi32>
      tpu.vector_store %arg9[%swap3A_897], %swap3A_900 {strides = array<i32>} : memref<80xi32, #tpu.memory_space<vmem>>, vector<16xi32>,
      %get3A_901 = arith.index_cast %add3A_846 : i32 to index
      %get3A_902 = arith.constant 48 : index
      %get3A_903 = tpu.vector_load %arg5[%get3A_901, %get3A_902] {strides = array<i32>} : memref<125x80xi32, #tpu.memory_space<vmem>>, vector<1x16xi32>,
      %get3A_904 = vector.shape_cast %get3A_903 : vector<1x16xi32> to vector<16xi32>
      %shift_right_logical3A_905 = arith.constant 16 : i32
      %shift_right_logical3A_906 = vector.broadcast %shift_right_logical3A_905 : i32 to vector<16xi32>
      %shift_right_logical3A_907 = arith.shrui %get3A_904, %shift_right_logical3A_906 : vector<16xi32>
      %swap3A_908 = arith.constant 48 : index
      %swap3A_909 = tpu.vector_load %arg6[%swap3A_908] {strides = array<i32>} : memref<80xi32, #tpu.memory_space<vmem>>, vector<16xi32>,
      %swap3A_910 = vector.shape_cast %swap3A_909 : vector<16xi32> to vector<16xi32>
      %swap3A_911 = vector.shape_cast %shift_right_logical3A_907 : vector<16xi32> to vector<16xi32>
      tpu.vector_store %arg6[%swap3A_908], %swap3A_911 {strides = array<i32>} : memref<80xi32, #tpu.memory_space<vmem>>, vector<16xi32>,
      %and3A_912 = arith.constant 65535 : i32
      %and3A_913 = vector.broadcast %and3A_912 : i32 to vector<16xi32>
      %and3A_914 = arith.andi %get3A_904, %and3A_913 : vector<16xi32>
      %swap3A_915 = arith.constant 48 : index
      %swap3A_916 = tpu.vector_load %arg9[%swap3A_915] {strides = array<i32>} : memref<80xi32, #tpu.memory_space<vmem>>, vector<16xi32>,
      %swap3A_917 = vector.shape_cast %swap3A_916 : vector<16xi32> to vector<16xi32>
      %swap3A_918 = vector.shape_cast %and3A_914 : vector<16xi32> to vector<16xi32>
      tpu.vector_store %arg9[%swap3A_915], %swap3A_918 {strides = array<i32>} : memref<80xi32, #tpu.memory_space<vmem>>, vector<16xi32>,
      %get3A_919 = arith.index_cast %add3A_846 : i32 to index
      %get3A_920 = arith.constant 64 : index
      %get3A_921 = tpu.vector_load %arg5[%get3A_919, %get3A_920] {strides = array<i32>} : memref<125x80xi32, #tpu.memory_space<vmem>>, vector<1x16xi32>,
      %get3A_922 = vector.shape_cast %get3A_921 : vector<1x16xi32> to vector<16xi32>
      %shift_right_logical3A_923 = arith.constant 16 : i32
      %shift_right_logical3A_924 = vector.broadcast %shift_right_logical3A_923 : i32 to vector<16xi32>
      %shift_right_logical3A_925 = arith.shrui %get3A_922, %shift_right_logical3A_924 : vector<16xi32>
      %swap3A_926 = arith.constant 64 : index
      %swap3A_927 = tpu.vector_load %arg6[%swap3A_926] {strides = array<i32>} : memref<80xi32, #tpu.memory_space<vmem>>, vector<16xi32>,
      %swap3A_928 = vector.shape_cast %swap3A_927 : vector<16xi32> to vector<16xi32>
      %swap3A_929 = vector.shape_cast %shift_right_logical3A_925 : vector<16xi32> to vector<16xi32>
      tpu.vector_store %arg6[%swap3A_926], %swap3A_929 {strides = array<i32>} : memref<80xi32, #tpu.memory_space<vmem>>, vector<16xi32>,
      %and3A_930 = arith.constant 65535 : i32
      %and3A_931 = vector.broadcast %and3A_930 : i32 to vector<16xi32>
      %and3A_932 = arith.andi %get3A_922, %and3A_931 : vector<16xi32>
      %swap3A_933 = arith.constant 64 : index
      %swap3A_934 = tpu.vector_load %arg9[%swap3A_933] {strides = array<i32>} : memref<80xi32, #tpu.memory_space<vmem>>, vector<16xi32>,
      %swap3A_935 = vector.shape_cast %swap3A_934 : vector<16xi32> to vector<16xi32>
      %swap3A_936 = vector.shape_cast %and3A_932 : vector<16xi32> to vector<16xi32>
      tpu.vector_store %arg9[%swap3A_933], %swap3A_936 {strides = array<i32>} : memref<80xi32, #tpu.memory_space<vmem>>, vector<16xi32>,
      %dma_start3A_937 = arith.constant 0 : i32
      %dma_start3A_938 = arith.constant 0 : i32
      %dma_start3A_939 = tpu.memref_slice %arg2[%dma_start3A_937, %dma_start3A_938] : memref<10000x128xf32, #tpu.memory_space<hbm>> -> memref<10000x128xf32, #tpu.memory_space<hbm>>
      tpu.enqueue_indirect_dma source(%dma_start3A_939 : memref<10000x128xf32, #tpu.memory_space<hbm>>) target(%arg12 : memref<80x128xf32, #tpu.memory_space<vmem>>) offsets(%arg6 : memref<80xi32, #tpu.memory_space<vmem>>) semaphore(%arg16 : memref<!tpu.dma_semaphore, #tpu.memory_space<semaphore_mem>>)
      %dma_wait3A_940 = arith.constant 0 : i32
      %dma_wait3A_941 = arith.constant 0 : i32
      %dma_wait3A_942 = tpu.memref_slice %arg15[%dma_wait3A_940, %dma_wait3A_941] : memref<10000x128xf32, #tpu.memory_space<vmem_shared>> -> memref<10000x128xf32, #tpu.memory_space<vmem_shared>>
      tpu.wait_indirect_dma semaphore(%arg20 : memref<!tpu.dma_semaphore, #tpu.memory_space<semaphore_mem>>) src(%arg13 : memref<80x128xf32, #tpu.memory_space<vmem>>) dst(%dma_wait3A_942 : memref<10000x128xf32, #tpu.memory_space<vmem_shared>>)
      %add3A_943 = arith.constant 3 : i32
      %add3A_944 = arith.addi %mul3A_821, %add3A_943 : i32
      %add3A_945 = arith.constant 1 : i32
      %add3A_946 = arith.addi %add3A_944, %add3A_945 : i32
      %get3A_947 = arith.index_cast %add3A_946 : i32 to index
      %get3A_948 = arith.constant 0 : index
      %get3A_949 = tpu.vector_load %arg5[%get3A_947, %get3A_948] {strides = array<i32>} : memref<125x80xi32, #tpu.memory_space<vmem>>, vector<1x16xi32>,
      %get3A_950 = vector.shape_cast %get3A_949 : vector<1x16xi32> to vector<16xi32>
      %shift_right_logical3A_951 = arith.constant 16 : i32
      %shift_right_logical3A_952 = vector.broadcast %shift_right_logical3A_951 : i32 to vector<16xi32>
      %shift_right_logical3A_953 = arith.shrui %get3A_950, %shift_right_logical3A_952 : vector<16xi32>
      %swap3A_954 = arith.constant 0 : index
      %swap3A_955 = tpu.vector_load %arg7[%swap3A_954] {strides = array<i32>} : memref<80xi32, #tpu.memory_space<vmem>>, vector<16xi32>,
      %swap3A_956 = vector.shape_cast %swap3A_955 : vector<16xi32> to vector<16xi32>
      %swap3A_957 = vector.shape_cast %shift_right_logical3A_953 : vector<16xi32> to vector<16xi32>
      tpu.vector_store %arg7[%swap3A_954], %swap3A_957 {strides = array<i32>} : memref<80xi32, #tpu.memory_space<vmem>>, vector<16xi32>,
      %and3A_958 = arith.constant 65535 : i32
      %and3A_959 = vector.broadcast %and3A_958 : i32 to vector<16xi32>
      %and3A_960 = arith.andi %get3A_950, %and3A_959 : vector<16xi32>
      %swap3A_961 = arith.constant 0 : index
      %swap3A_962 = tpu.vector_load %arg10[%swap3A_961] {strides = array<i32>} : memref<80xi32, #tpu.memory_space<vmem>>, vector<16xi32>,
      %swap3A_963 = vector.shape_cast %swap3A_962 : vector<16xi32> to vector<16xi32>
      %swap3A_964 = vector.shape_cast %and3A_960 : vector<16xi32> to vector<16xi32>
      tpu.vector_store %arg10[%swap3A_961], %swap3A_964 {strides = array<i32>} : memref<80xi32, #tpu.memory_space<vmem>>, vector<16xi32>,
      %get3A_965 = arith.index_cast %add3A_946 : i32 to index
      %get3A_966 = arith.constant 16 : index
      %get3A_967 = tpu.vector_load %arg5[%get3A_965, %get3A_966] {strides = array<i32>} : memref<125x80xi32, #tpu.memory_space<vmem>>, vector<1x16xi32>,
      %get3A_968 = vector.shape_cast %get3A_967 : vector<1x16xi32> to vector<16xi32>
      %shift_right_logical3A_969 = arith.constant 16 : i32
      %shift_right_logical3A_970 = vector.broadcast %shift_right_logical3A_969 : i32 to vector<16xi32>
      %shift_right_logical3A_971 = arith.shrui %get3A_968, %shift_right_logical3A_970 : vector<16xi32>
      %swap3A_972 = arith.constant 16 : index
      %swap3A_973 = tpu.vector_load %arg7[%swap3A_972] {strides = array<i32>} : memref<80xi32, #tpu.memory_space<vmem>>, vector<16xi32>,
      %swap3A_974 = vector.shape_cast %swap3A_973 : vector<16xi32> to vector<16xi32>
      %swap3A_975 = vector.shape_cast %shift_right_logical3A_971 : vector<16xi32> to vector<16xi32>
      tpu.vector_store %arg7[%swap3A_972], %swap3A_975 {strides = array<i32>} : memref<80xi32, #tpu.memory_space<vmem>>, vector<16xi32>,
      %and3A_976 = arith.constant 65535 : i32
      %and3A_977 = vector.broadcast %and3A_976 : i32 to vector<16xi32>
      %and3A_978 = arith.andi %get3A_968, %and3A_977 : vector<16xi32>
      %swap3A_979 = arith.constant 16 : index
      %swap3A_980 = tpu.vector_load %arg10[%swap3A_979] {strides = array<i32>} : memref<80xi32, #tpu.memory_space<vmem>>, vector<16xi32>,
      %swap3A_981 = vector.shape_cast %swap3A_980 : vector<16xi32> to vector<16xi32>
      %swap3A_982 = vector.shape_cast %and3A_978 : vector<16xi32> to vector<16xi32>
      tpu.vector_store %arg10[%swap3A_979], %swap3A_982 {strides = array<i32>} : memref<80xi32, #tpu.memory_space<vmem>>, vector<16xi32>,
      %get3A_983 = arith.index_cast %add3A_946 : i32 to index
      %get3A_984 = arith.constant 32 : index
      %get3A_985 = tpu.vector_load %arg5[%get3A_983, %get3A_984] {strides = array<i32>} : memref<125x80xi32, #tpu.memory_space<vmem>>, vector<1x16xi32>,
      %get3A_986 = vector.shape_cast %get3A_985 : vector<1x16xi32> to vector<16xi32>
      %shift_right_logical3A_987 = arith.constant 16 : i32
      %shift_right_logical3A_988 = vector.broadcast %shift_right_logical3A_987 : i32 to vector<16xi32>
      %shift_right_logical3A_989 = arith.shrui %get3A_986, %shift_right_logical3A_988 : vector<16xi32>
      %swap3A_990 = arith.constant 32 : index
      %swap3A_991 = tpu.vector_load %arg7[%swap3A_990] {strides = array<i32>} : memref<80xi32, #tpu.memory_space<vmem>>, vector<16xi32>,
      %swap3A_992 = vector.shape_cast %swap3A_991 : vector<16xi32> to vector<16xi32>
      %swap3A_993 = vector.shape_cast %shift_right_logical3A_989 : vector<16xi32> to vector<16xi32>
      tpu.vector_store %arg7[%swap3A_990], %swap3A_993 {strides = array<i32>} : memref<80xi32, #tpu.memory_space<vmem>>, vector<16xi32>,
      %and3A_994 = arith.constant 65535 : i32
      %and3A_995 = vector.broadcast %and3A_994 : i32 to vector<16xi32>
      %and3A_996 = arith.andi %get3A_986, %and3A_995 : vector<16xi32>
      %swap3A_997 = arith.constant 32 : index
      %swap3A_998 = tpu.vector_load %arg10[%swap3A_997] {strides = array<i32>} : memref<80xi32, #tpu.memory_space<vmem>>, vector<16xi32>,
      %swap3A_999 = vector.shape_cast %swap3A_998 : vector<16xi32> to vector<16xi32>
      %swap3A_1000 = vector.shape_cast %and3A_996 : vector<16xi32> to vector<16xi32>
      tpu.vector_store %arg10[%swap3A_997], %swap3A_1000 {strides = array<i32>} : memref<80xi32, #tpu.memory_space<vmem>>, vector<16xi32>,
      %get3A_1001 = arith.index_cast %add3A_946 : i32 to index
      %get3A_1002 = arith.constant 48 : index
      %get3A_1003 = tpu.vector_load %arg5[%get3A_1001, %get3A_1002] {strides = array<i32>} : memref<125x80xi32, #tpu.memory_space<vmem>>, vector<1x16xi32>,
      %get3A_1004 = vector.shape_cast %get3A_1003 : vector<1x16xi32> to vector<16xi32>
      %shift_right_logical3A_1005 = arith.constant 16 : i32
      %shift_right_logical3A_1006 = vector.broadcast %shift_right_logical3A_1005 : i32 to vector<16xi32>
      %shift_right_logical3A_1007 = arith.shrui %get3A_1004, %shift_right_logical3A_1006 : vector<16xi32>
      %swap3A_1008 = arith.constant 48 : index
      %swap3A_1009 = tpu.vector_load %arg7[%swap3A_1008] {strides = array<i32>} : memref<80xi32, #tpu.memory_space<vmem>>, vector<16xi32>,
      %swap3A_1010 = vector.shape_cast %swap3A_1009 : vector<16xi32> to vector<16xi32>
      %swap3A_1011 = vector.shape_cast %shift_right_logical3A_1007 : vector<16xi32> to vector<16xi32>
      tpu.vector_store %arg7[%swap3A_1008], %swap3A_1011 {strides = array<i32>} : memref<80xi32, #tpu.memory_space<vmem>>, vector<16xi32>,
      %and3A_1012 = arith.constant 65535 : i32
      %and3A_1013 = vector.broadcast %and3A_1012 : i32 to vector<16xi32>
      %and3A_1014 = arith.andi %get3A_1004, %and3A_1013 : vector<16xi32>
      %swap3A_1015 = arith.constant 48 : index
      %swap3A_1016 = tpu.vector_load %arg10[%swap3A_1015] {strides = array<i32>} : memref<80xi32, #tpu.memory_space<vmem>>, vector<16xi32>,
      %swap3A_1017 = vector.shape_cast %swap3A_1016 : vector<16xi32> to vector<16xi32>
      %swap3A_1018 = vector.shape_cast %and3A_1014 : vector<16xi32> to vector<16xi32>
      tpu.vector_store %arg10[%swap3A_1015], %swap3A_1018 {strides = array<i32>} : memref<80xi32, #tpu.memory_space<vmem>>, vector<16xi32>,
      %get3A_1019 = arith.index_cast %add3A_946 : i32 to index
      %get3A_1020 = arith.constant 64 : index
      %get3A_1021 = tpu.vector_load %arg5[%get3A_1019, %get3A_1020] {strides = array<i32>} : memref<125x80xi32, #tpu.memory_space<vmem>>, vector<1x16xi32>,
      %get3A_1022 = vector.shape_cast %get3A_1021 : vector<1x16xi32> to vector<16xi32>
      %shift_right_logical3A_1023 = arith.constant 16 : i32
      %shift_right_logical3A_1024 = vector.broadcast %shift_right_logical3A_1023 : i32 to vector<16xi32>
      %shift_right_logical3A_1025 = arith.shrui %get3A_1022, %shift_right_logical3A_1024 : vector<16xi32>
      %swap3A_1026 = arith.constant 64 : index
      %swap3A_1027 = tpu.vector_load %arg7[%swap3A_1026] {strides = array<i32>} : memref<80xi32, #tpu.memory_space<vmem>>, vector<16xi32>,
      %swap3A_1028 = vector.shape_cast %swap3A_1027 : vector<16xi32> to vector<16xi32>
      %swap3A_1029 = vector.shape_cast %shift_right_logical3A_1025 : vector<16xi32> to vector<16xi32>
      tpu.vector_store %arg7[%swap3A_1026], %swap3A_1029 {strides = array<i32>} : memref<80xi32, #tpu.memory_space<vmem>>, vector<16xi32>,
      %and3A_1030 = arith.constant 65535 : i32
      %and3A_1031 = vector.broadcast %and3A_1030 : i32 to vector<16xi32>
      %and3A_1032 = arith.andi %get3A_1022, %and3A_1031 : vector<16xi32>
      %swap3A_1033 = arith.constant 64 : index
      %swap3A_1034 = tpu.vector_load %arg10[%swap3A_1033] {strides = array<i32>} : memref<80xi32, #tpu.memory_space<vmem>>, vector<16xi32>,
      %swap3A_1035 = vector.shape_cast %swap3A_1034 : vector<16xi32> to vector<16xi32>
      %swap3A_1036 = vector.shape_cast %and3A_1032 : vector<16xi32> to vector<16xi32>
      tpu.vector_store %arg10[%swap3A_1033], %swap3A_1036 {strides = array<i32>} : memref<80xi32, #tpu.memory_space<vmem>>, vector<16xi32>,
      %dma_start3A_1037 = arith.constant 0 : i32
      %dma_start3A_1038 = arith.constant 0 : i32
      %dma_start3A_1039 = tpu.memref_slice %arg2[%dma_start3A_1037, %dma_start3A_1038] : memref<10000x128xf32, #tpu.memory_space<hbm>> -> memref<10000x128xf32, #tpu.memory_space<hbm>>
      tpu.enqueue_indirect_dma source(%dma_start3A_1039 : memref<10000x128xf32, #tpu.memory_space<hbm>>) target(%arg13 : memref<80x128xf32, #tpu.memory_space<vmem>>) offsets(%arg7 : memref<80xi32, #tpu.memory_space<vmem>>) semaphore(%arg17 : memref<!tpu.dma_semaphore, #tpu.memory_space<semaphore_mem>>)
      %dma_wait3A_1040 = arith.constant 0 : i32
      %dma_wait3A_1041 = arith.constant 0 : i32
      %dma_wait3A_1042 = tpu.memref_slice %arg15[%dma_wait3A_1040, %dma_wait3A_1041] : memref<10000x128xf32, #tpu.memory_space<vmem_shared>> -> memref<10000x128xf32, #tpu.memory_space<vmem_shared>>
      tpu.wait_indirect_dma semaphore(%arg21 : memref<!tpu.dma_semaphore, #tpu.memory_space<semaphore_mem>>) src(%arg14 : memref<80x128xf32, #tpu.memory_space<vmem>>) dst(%dma_wait3A_1042 : memref<10000x128xf32, #tpu.memory_space<vmem_shared>>)
      %add3A_1043 = arith.constant 3 : i32
      %add3A_1044 = arith.addi %mul3A_821, %add3A_1043 : i32
      %add3A_1045 = arith.constant 2 : i32
      %add3A_1046 = arith.addi %add3A_1044, %add3A_1045 : i32
      %get3A_1047 = arith.index_cast %add3A_1046 : i32 to index
      %get3A_1048 = arith.constant 0 : index
      %get3A_1049 = tpu.vector_load %arg5[%get3A_1047, %get3A_1048] {strides = array<i32>} : memref<125x80xi32, #tpu.memory_space<vmem>>, vector<1x16xi32>,
      %get3A_1050 = vector.shape_cast %get3A_1049 : vector<1x16xi32> to vector<16xi32>
      %shift_right_logical3A_1051 = arith.constant 16 : i32
      %shift_right_logical3A_1052 = vector.broadcast %shift_right_logical3A_1051 : i32 to vector<16xi32>
      %shift_right_logical3A_1053 = arith.shrui %get3A_1050, %shift_right_logical3A_1052 : vector<16xi32>
      %swap3A_1054 = arith.constant 0 : index
      %swap3A_1055 = tpu.vector_load %arg8[%swap3A_1054] {strides = array<i32>} : memref<80xi32, #tpu.memory_space<vmem>>, vector<16xi32>,
      %swap3A_1056 = vector.shape_cast %swap3A_1055 : vector<16xi32> to vector<16xi32>
      %swap3A_1057 = vector.shape_cast %shift_right_logical3A_1053 : vector<16xi32> to vector<16xi32>
      tpu.vector_store %arg8[%swap3A_1054], %swap3A_1057 {strides = array<i32>} : memref<80xi32, #tpu.memory_space<vmem>>, vector<16xi32>,
      %and3A_1058 = arith.constant 65535 : i32
      %and3A_1059 = vector.broadcast %and3A_1058 : i32 to vector<16xi32>
      %and3A_1060 = arith.andi %get3A_1050, %and3A_1059 : vector<16xi32>
      %swap3A_1061 = arith.constant 0 : index
      %swap3A_1062 = tpu.vector_load %arg11[%swap3A_1061] {strides = array<i32>} : memref<80xi32, #tpu.memory_space<vmem>>, vector<16xi32>,
      %swap3A_1063 = vector.shape_cast %swap3A_1062 : vector<16xi32> to vector<16xi32>
      %swap3A_1064 = vector.shape_cast %and3A_1060 : vector<16xi32> to vector<16xi32>
      tpu.vector_store %arg11[%swap3A_1061], %swap3A_1064 {strides = array<i32>} : memref<80xi32, #tpu.memory_space<vmem>>, vector<16xi32>,
      %get3A_1065 = arith.index_cast %add3A_1046 : i32 to index
      %get3A_1066 = arith.constant 16 : index
      %get3A_1067 = tpu.vector_load %arg5[%get3A_1065, %get3A_1066] {strides = array<i32>} : memref<125x80xi32, #tpu.memory_space<vmem>>, vector<1x16xi32>,
      %get3A_1068 = vector.shape_cast %get3A_1067 : vector<1x16xi32> to vector<16xi32>
      %shift_right_logical3A_1069 = arith.constant 16 : i32
      %shift_right_logical3A_1070 = vector.broadcast %shift_right_logical3A_1069 : i32 to vector<16xi32>
      %shift_right_logical3A_1071 = arith.shrui %get3A_1068, %shift_right_logical3A_1070 : vector<16xi32>
      %swap3A_1072 = arith.constant 16 : index
      %swap3A_1073 = tpu.vector_load %arg8[%swap3A_1072] {strides = array<i32>} : memref<80xi32, #tpu.memory_space<vmem>>, vector<16xi32>,
      %swap3A_1074 = vector.shape_cast %swap3A_1073 : vector<16xi32> to vector<16xi32>
      %swap3A_1075 = vector.shape_cast %shift_right_logical3A_1071 : vector<16xi32> to vector<16xi32>
      tpu.vector_store %arg8[%swap3A_1072], %swap3A_1075 {strides = array<i32>} : memref<80xi32, #tpu.memory_space<vmem>>, vector<16xi32>,
      %and3A_1076 = arith.constant 65535 : i32
      %and3A_1077 = vector.broadcast %and3A_1076 : i32 to vector<16xi32>
      %and3A_1078 = arith.andi %get3A_1068, %and3A_1077 : vector<16xi32>
      %swap3A_1079 = arith.constant 16 : index
      %swap3A_1080 = tpu.vector_load %arg11[%swap3A_1079] {strides = array<i32>} : memref<80xi32, #tpu.memory_space<vmem>>, vector<16xi32>,
      %swap3A_1081 = vector.shape_cast %swap3A_1080 : vector<16xi32> to vector<16xi32>
      %swap3A_1082 = vector.shape_cast %and3A_1078 : vector<16xi32> to vector<16xi32>
      tpu.vector_store %arg11[%swap3A_1079], %swap3A_1082 {strides = array<i32>} : memref<80xi32, #tpu.memory_space<vmem>>, vector<16xi32>,
      %get3A_1083 = arith.index_cast %add3A_1046 : i32 to index
      %get3A_1084 = arith.constant 32 : index
      %get3A_1085 = tpu.vector_load %arg5[%get3A_1083, %get3A_1084] {strides = array<i32>} : memref<125x80xi32, #tpu.memory_space<vmem>>, vector<1x16xi32>,
      %get3A_1086 = vector.shape_cast %get3A_1085 : vector<1x16xi32> to vector<16xi32>
      %shift_right_logical3A_1087 = arith.constant 16 : i32
      %shift_right_logical3A_1088 = vector.broadcast %shift_right_logical3A_1087 : i32 to vector<16xi32>
      %shift_right_logical3A_1089 = arith.shrui %get3A_1086, %shift_right_logical3A_1088 : vector<16xi32>
      %swap3A_1090 = arith.constant 32 : index
      %swap3A_1091 = tpu.vector_load %arg8[%swap3A_1090] {strides = array<i32>} : memref<80xi32, #tpu.memory_space<vmem>>, vector<16xi32>,
      %swap3A_1092 = vector.shape_cast %swap3A_1091 : vector<16xi32> to vector<16xi32>
      %swap3A_1093 = vector.shape_cast %shift_right_logical3A_1089 : vector<16xi32> to vector<16xi32>
      tpu.vector_store %arg8[%swap3A_1090], %swap3A_1093 {strides = array<i32>} : memref<80xi32, #tpu.memory_space<vmem>>, vector<16xi32>,
      %and3A_1094 = arith.constant 65535 : i32
      %and3A_1095 = vector.broadcast %and3A_1094 : i32 to vector<16xi32>
      %and3A_1096 = arith.andi %get3A_1086, %and3A_1095 : vector<16xi32>
      %swap3A_1097 = arith.constant 32 : index
      %swap3A_1098 = tpu.vector_load %arg11[%swap3A_1097] {strides = array<i32>} : memref<80xi32, #tpu.memory_space<vmem>>, vector<16xi32>,
      %swap3A_1099 = vector.shape_cast %swap3A_1098 : vector<16xi32> to vector<16xi32>
      %swap3A_1100 = vector.shape_cast %and3A_1096 : vector<16xi32> to vector<16xi32>
      tpu.vector_store %arg11[%swap3A_1097], %swap3A_1100 {strides = array<i32>} : memref<80xi32, #tpu.memory_space<vmem>>, vector<16xi32>,
      %get3A_1101 = arith.index_cast %add3A_1046 : i32 to index
      %get3A_1102 = arith.constant 48 : index
      %get3A_1103 = tpu.vector_load %arg5[%get3A_1101, %get3A_1102] {strides = array<i32>} : memref<125x80xi32, #tpu.memory_space<vmem>>, vector<1x16xi32>,
      %get3A_1104 = vector.shape_cast %get3A_1103 : vector<1x16xi32> to vector<16xi32>
      %shift_right_logical3A_1105 = arith.constant 16 : i32
      %shift_right_logical3A_1106 = vector.broadcast %shift_right_logical3A_1105 : i32 to vector<16xi32>
      %shift_right_logical3A_1107 = arith.shrui %get3A_1104, %shift_right_logical3A_1106 : vector<16xi32>
      %swap3A_1108 = arith.constant 48 : index
      %swap3A_1109 = tpu.vector_load %arg8[%swap3A_1108] {strides = array<i32>} : memref<80xi32, #tpu.memory_space<vmem>>, vector<16xi32>,
      %swap3A_1110 = vector.shape_cast %swap3A_1109 : vector<16xi32> to vector<16xi32>
      %swap3A_1111 = vector.shape_cast %shift_right_logical3A_1107 : vector<16xi32> to vector<16xi32>
      tpu.vector_store %arg8[%swap3A_1108], %swap3A_1111 {strides = array<i32>} : memref<80xi32, #tpu.memory_space<vmem>>, vector<16xi32>,
      %and3A_1112 = arith.constant 65535 : i32
      %and3A_1113 = vector.broadcast %and3A_1112 : i32 to vector<16xi32>
      %and3A_1114 = arith.andi %get3A_1104, %and3A_1113 : vector<16xi32>
      %swap3A_1115 = arith.constant 48 : index
      %swap3A_1116 = tpu.vector_load %arg11[%swap3A_1115] {strides = array<i32>} : memref<80xi32, #tpu.memory_space<vmem>>, vector<16xi32>,
      %swap3A_1117 = vector.shape_cast %swap3A_1116 : vector<16xi32> to vector<16xi32>
      %swap3A_1118 = vector.shape_cast %and3A_1114 : vector<16xi32> to vector<16xi32>
      tpu.vector_store %arg11[%swap3A_1115], %swap3A_1118 {strides = array<i32>} : memref<80xi32, #tpu.memory_space<vmem>>, vector<16xi32>,
      %get3A_1119 = arith.index_cast %add3A_1046 : i32 to index
      %get3A_1120 = arith.constant 64 : index
      %get3A_1121 = tpu.vector_load %arg5[%get3A_1119, %get3A_1120] {strides = array<i32>} : memref<125x80xi32, #tpu.memory_space<vmem>>, vector<1x16xi32>,
      %get3A_1122 = vector.shape_cast %get3A_1121 : vector<1x16xi32> to vector<16xi32>
      %shift_right_logical3A_1123 = arith.constant 16 : i32
      %shift_right_logical3A_1124 = vector.broadcast %shift_right_logical3A_1123 : i32 to vector<16xi32>
      %shift_right_logical3A_1125 = arith.shrui %get3A_1122, %shift_right_logical3A_1124 : vector<16xi32>
      %swap3A_1126 = arith.constant 64 : index
      %swap3A_1127 = tpu.vector_load %arg8[%swap3A_1126] {strides = array<i32>} : memref<80xi32, #tpu.memory_space<vmem>>, vector<16xi32>,
      %swap3A_1128 = vector.shape_cast %swap3A_1127 : vector<16xi32> to vector<16xi32>
      %swap3A_1129 = vector.shape_cast %shift_right_logical3A_1125 : vector<16xi32> to vector<16xi32>
      tpu.vector_store %arg8[%swap3A_1126], %swap3A_1129 {strides = array<i32>} : memref<80xi32, #tpu.memory_space<vmem>>, vector<16xi32>,
      %and3A_1130 = arith.constant 65535 : i32
      %and3A_1131 = vector.broadcast %and3A_1130 : i32 to vector<16xi32>
      %and3A_1132 = arith.andi %get3A_1122, %and3A_1131 : vector<16xi32>
      %swap3A_1133 = arith.constant 64 : index
      %swap3A_1134 = tpu.vector_load %arg11[%swap3A_1133] {strides = array<i32>} : memref<80xi32, #tpu.memory_space<vmem>>, vector<16xi32>,
      %swap3A_1135 = vector.shape_cast %swap3A_1134 : vector<16xi32> to vector<16xi32>
      %swap3A_1136 = vector.shape_cast %and3A_1132 : vector<16xi32> to vector<16xi32>
      tpu.vector_store %arg11[%swap3A_1133], %swap3A_1136 {strides = array<i32>} : memref<80xi32, #tpu.memory_space<vmem>>, vector<16xi32>,
      %dma_start3A_1137 = arith.constant 0 : i32
      %dma_start3A_1138 = arith.constant 0 : i32
      %dma_start3A_1139 = tpu.memref_slice %arg2[%dma_start3A_1137, %dma_start3A_1138] : memref<10000x128xf32, #tpu.memory_space<hbm>> -> memref<10000x128xf32, #tpu.memory_space<hbm>>
      tpu.enqueue_indirect_dma source(%dma_start3A_1139 : memref<10000x128xf32, #tpu.memory_space<hbm>>) target(%arg14 : memref<80x128xf32, #tpu.memory_space<vmem>>) offsets(%arg8 : memref<80xi32, #tpu.memory_space<vmem>>) semaphore(%arg18 : memref<!tpu.dma_semaphore, #tpu.memory_space<semaphore_mem>>)
    }
    %scan3A_409 = arith.constant 40 : i32
    %dma_wait3A = arith.constant 0 : i32
    %dma_wait3A_410 = arith.constant 0 : i32
    %dma_wait3A_411 = tpu.memref_slice %arg2[%dma_wait3A, %dma_wait3A_410] : memref<10000x128xf32, #tpu.memory_space<hbm>> -> memref<10000x128xf32, #tpu.memory_space<hbm>>
    tpu.wait_indirect_dma semaphore(%arg16 : memref<!tpu.dma_semaphore, #tpu.memory_space<semaphore_mem>>) src(%dma_wait3A_411 : memref<10000x128xf32, #tpu.memory_space<hbm>>) dst(%arg12 : memref<80x128xf32, #tpu.memory_space<vmem>>)
    %dma_start3A_412 = arith.constant 0 : i32
    %dma_start3A_413 = arith.constant 0 : i32
    %dma_start3A_414 = tpu.memref_slice %arg15[%dma_start3A_412, %dma_start3A_413] : memref<10000x128xf32, #tpu.memory_space<vmem_shared>> -> memref<10000x128xf32, #tpu.memory_space<vmem_shared>>
    tpu.enqueue_indirect_dma source(%arg12 : memref<80x128xf32, #tpu.memory_space<vmem>>) target(%dma_start3A_414 : memref<10000x128xf32, #tpu.memory_space<vmem_shared>>) offsets(%arg9 : memref<80xi32, #tpu.memory_space<vmem>>) semaphore(%arg19 : memref<!tpu.dma_semaphore, #tpu.memory_space<semaphore_mem>>) {add = true}
    %dma_wait3A_415 = arith.constant 0 : i32
    %dma_wait3A_416 = arith.constant 0 : i32
    %dma_wait3A_417 = tpu.memref_slice %arg2[%dma_wait3A_415, %dma_wait3A_416] : memref<10000x128xf32, #tpu.memory_space<hbm>> -> memref<10000x128xf32, #tpu.memory_space<hbm>>
    tpu.wait_indirect_dma semaphore(%arg17 : memref<!tpu.dma_semaphore, #tpu.memory_space<semaphore_mem>>) src(%dma_wait3A_417 : memref<10000x128xf32, #tpu.memory_space<hbm>>) dst(%arg13 : memref<80x128xf32, #tpu.memory_space<vmem>>)
    %dma_start3A_418 = arith.constant 0 : i32
    %dma_start3A_419 = arith.constant 0 : i32
    %dma_start3A_420 = tpu.memref_slice %arg15[%dma_start3A_418, %dma_start3A_419] : memref<10000x128xf32, #tpu.memory_space<vmem_shared>> -> memref<10000x128xf32, #tpu.memory_space<vmem_shared>>
    tpu.enqueue_indirect_dma source(%arg13 : memref<80x128xf32, #tpu.memory_space<vmem>>) target(%dma_start3A_420 : memref<10000x128xf32, #tpu.memory_space<vmem_shared>>) offsets(%arg10 : memref<80xi32, #tpu.memory_space<vmem>>) semaphore(%arg20 : memref<!tpu.dma_semaphore, #tpu.memory_space<semaphore_mem>>) {add = true}
    %dma_wait3A_421 = arith.constant 0 : i32
    %dma_wait3A_422 = arith.constant 0 : i32
    %dma_wait3A_423 = tpu.memref_slice %arg2[%dma_wait3A_421, %dma_wait3A_422] : memref<10000x128xf32, #tpu.memory_space<hbm>> -> memref<10000x128xf32, #tpu.memory_space<hbm>>
    tpu.wait_indirect_dma semaphore(%arg18 : memref<!tpu.dma_semaphore, #tpu.memory_space<semaphore_mem>>) src(%dma_wait3A_423 : memref<10000x128xf32, #tpu.memory_space<hbm>>) dst(%arg14 : memref<80x128xf32, #tpu.memory_space<vmem>>)
    %dma_start3A_424 = arith.constant 0 : i32
    %dma_start3A_425 = arith.constant 0 : i32
    %dma_start3A_426 = tpu.memref_slice %arg15[%dma_start3A_424, %dma_start3A_425] : memref<10000x128xf32, #tpu.memory_space<vmem_shared>> -> memref<10000x128xf32, #tpu.memory_space<vmem_shared>>
    tpu.enqueue_indirect_dma source(%arg14 : memref<80x128xf32, #tpu.memory_space<vmem>>) target(%dma_start3A_426 : memref<10000x128xf32, #tpu.memory_space<vmem_shared>>) offsets(%arg11 : memref<80xi32, #tpu.memory_space<vmem>>) semaphore(%arg21 : memref<!tpu.dma_semaphore, #tpu.memory_space<semaphore_mem>>) {add = true}
    %dma_wait3A_427 = arith.constant 0 : i32
    %dma_wait3A_428 = arith.constant 0 : i32
    %dma_wait3A_429 = tpu.memref_slice %arg15[%dma_wait3A_427, %dma_wait3A_428] : memref<10000x128xf32, #tpu.memory_space<vmem_shared>> -> memref<10000x128xf32, #tpu.memory_space<vmem_shared>>
    tpu.wait_indirect_dma semaphore(%arg19 : memref<!tpu.dma_semaphore, #tpu.memory_space<semaphore_mem>>) src(%arg12 : memref<80x128xf32, #tpu.memory_space<vmem>>) dst(%dma_wait3A_429 : memref<10000x128xf32, #tpu.memory_space<vmem_shared>>)
    %get3A_430 = arith.constant 123 : i32
    %get3A_431 = arith.index_cast %get3A_430 : i32 to index
    %get3A_432 = arith.constant 0 : index
    %get3A_433 = tpu.vector_load %arg5[%get3A_431, %get3A_432] {strides = array<i32>} : memref<125x80xi32, #tpu.memory_space<vmem>>, vector<1x16xi32>,
    %get3A_434 = vector.shape_cast %get3A_433 : vector<1x16xi32> to vector<16xi32>
    %shift_right_logical3A_435 = arith.constant 16 : i32
    %shift_right_logical3A_436 = vector.broadcast %shift_right_logical3A_435 : i32 to vector<16xi32>
    %shift_right_logical3A_437 = arith.shrui %get3A_434, %shift_right_logical3A_436 : vector<16xi32>
    %swap3A_438 = arith.constant 0 : index
    %swap3A_439 = tpu.vector_load %arg6[%swap3A_438] {strides = array<i32>} : memref<80xi32, #tpu.memory_space<vmem>>, vector<16xi32>,
    %swap3A_440 = vector.shape_cast %swap3A_439 : vector<16xi32> to vector<16xi32>
    %swap3A_441 = vector.shape_cast %shift_right_logical3A_437 : vector<16xi32> to vector<16xi32>
    tpu.vector_store %arg6[%swap3A_438], %swap3A_441 {strides = array<i32>} : memref<80xi32, #tpu.memory_space<vmem>>, vector<16xi32>,
    %and3A_442 = arith.constant 65535 : i32
    %and3A_443 = vector.broadcast %and3A_442 : i32 to vector<16xi32>
    %and3A_444 = arith.andi %get3A_434, %and3A_443 : vector<16xi32>
    %swap3A_445 = arith.constant 0 : index
    %swap3A_446 = tpu.vector_load %arg9[%swap3A_445] {strides = array<i32>} : memref<80xi32, #tpu.memory_space<vmem>>, vector<16xi32>,
    %swap3A_447 = vector.shape_cast %swap3A_446 : vector<16xi32> to vector<16xi32>
    %swap3A_448 = vector.shape_cast %and3A_444 : vector<16xi32> to vector<16xi32>
    tpu.vector_store %arg9[%swap3A_445], %swap3A_448 {strides = array<i32>} : memref<80xi32, #tpu.memory_space<vmem>>, vector<16xi32>,
    %get3A_449 = arith.constant 123 : i32
    %get3A_450 = arith.index_cast %get3A_449 : i32 to index
    %get3A_451 = arith.constant 16 : index
    %get3A_452 = tpu.vector_load %arg5[%get3A_450, %get3A_451] {strides = array<i32>} : memref<125x80xi32, #tpu.memory_space<vmem>>, vector<1x16xi32>,
    %get3A_453 = vector.shape_cast %get3A_452 : vector<1x16xi32> to vector<16xi32>
    %shift_right_logical3A_454 = arith.constant 16 : i32
    %shift_right_logical3A_455 = vector.broadcast %shift_right_logical3A_454 : i32 to vector<16xi32>
    %shift_right_logical3A_456 = arith.shrui %get3A_453, %shift_right_logical3A_455 : vector<16xi32>
    %swap3A_457 = arith.constant 16 : index
    %swap3A_458 = tpu.vector_load %arg6[%swap3A_457] {strides = array<i32>} : memref<80xi32, #tpu.memory_space<vmem>>, vector<16xi32>,
    %swap3A_459 = vector.shape_cast %swap3A_458 : vector<16xi32> to vector<16xi32>
    %swap3A_460 = vector.shape_cast %shift_right_logical3A_456 : vector<16xi32> to vector<16xi32>
    tpu.vector_store %arg6[%swap3A_457], %swap3A_460 {strides = array<i32>} : memref<80xi32, #tpu.memory_space<vmem>>, vector<16xi32>,
    %and3A_461 = arith.constant 65535 : i32
    %and3A_462 = vector.broadcast %and3A_461 : i32 to vector<16xi32>
    %and3A_463 = arith.andi %get3A_453, %and3A_462 : vector<16xi32>
    %swap3A_464 = arith.constant 16 : index
    %swap3A_465 = tpu.vector_load %arg9[%swap3A_464] {strides = array<i32>} : memref<80xi32, #tpu.memory_space<vmem>>, vector<16xi32>,
    %swap3A_466 = vector.shape_cast %swap3A_465 : vector<16xi32> to vector<16xi32>
    %swap3A_467 = vector.shape_cast %and3A_463 : vector<16xi32> to vector<16xi32>
    tpu.vector_store %arg9[%swap3A_464], %swap3A_467 {strides = array<i32>} : memref<80xi32, #tpu.memory_space<vmem>>, vector<16xi32>,
    %get3A_468 = arith.constant 123 : i32
    %get3A_469 = arith.index_cast %get3A_468 : i32 to index
    %get3A_470 = arith.constant 32 : index
    %get3A_471 = tpu.vector_load %arg5[%get3A_469, %get3A_470] {strides = array<i32>} : memref<125x80xi32, #tpu.memory_space<vmem>>, vector<1x16xi32>,
    %get3A_472 = vector.shape_cast %get3A_471 : vector<1x16xi32> to vector<16xi32>
    %shift_right_logical3A_473 = arith.constant 16 : i32
    %shift_right_logical3A_474 = vector.broadcast %shift_right_logical3A_473 : i32 to vector<16xi32>
    %shift_right_logical3A_475 = arith.shrui %get3A_472, %shift_right_logical3A_474 : vector<16xi32>
    %swap3A_476 = arith.constant 32 : index
    %swap3A_477 = tpu.vector_load %arg6[%swap3A_476] {strides = array<i32>} : memref<80xi32, #tpu.memory_space<vmem>>, vector<16xi32>,
    %swap3A_478 = vector.shape_cast %swap3A_477 : vector<16xi32> to vector<16xi32>
    %swap3A_479 = vector.shape_cast %shift_right_logical3A_475 : vector<16xi32> to vector<16xi32>
    tpu.vector_store %arg6[%swap3A_476], %swap3A_479 {strides = array<i32>} : memref<80xi32, #tpu.memory_space<vmem>>, vector<16xi32>,
    %and3A_480 = arith.constant 65535 : i32
    %and3A_481 = vector.broadcast %and3A_480 : i32 to vector<16xi32>
    %and3A_482 = arith.andi %get3A_472, %and3A_481 : vector<16xi32>
    %swap3A_483 = arith.constant 32 : index
    %swap3A_484 = tpu.vector_load %arg9[%swap3A_483] {strides = array<i32>} : memref<80xi32, #tpu.memory_space<vmem>>, vector<16xi32>,
    %swap3A_485 = vector.shape_cast %swap3A_484 : vector<16xi32> to vector<16xi32>
    %swap3A_486 = vector.shape_cast %and3A_482 : vector<16xi32> to vector<16xi32>
    tpu.vector_store %arg9[%swap3A_483], %swap3A_486 {strides = array<i32>} : memref<80xi32, #tpu.memory_space<vmem>>, vector<16xi32>,
    %get3A_487 = arith.constant 123 : i32
    %get3A_488 = arith.index_cast %get3A_487 : i32 to index
    %get3A_489 = arith.constant 48 : index
    %get3A_490 = tpu.vector_load %arg5[%get3A_488, %get3A_489] {strides = array<i32>} : memref<125x80xi32, #tpu.memory_space<vmem>>, vector<1x16xi32>,
    %get3A_491 = vector.shape_cast %get3A_490 : vector<1x16xi32> to vector<16xi32>
    %shift_right_logical3A_492 = arith.constant 16 : i32
    %shift_right_logical3A_493 = vector.broadcast %shift_right_logical3A_492 : i32 to vector<16xi32>
    %shift_right_logical3A_494 = arith.shrui %get3A_491, %shift_right_logical3A_493 : vector<16xi32>
    %swap3A_495 = arith.constant 48 : index
    %swap3A_496 = tpu.vector_load %arg6[%swap3A_495] {strides = array<i32>} : memref<80xi32, #tpu.memory_space<vmem>>, vector<16xi32>,
    %swap3A_497 = vector.shape_cast %swap3A_496 : vector<16xi32> to vector<16xi32>
    %swap3A_498 = vector.shape_cast %shift_right_logical3A_494 : vector<16xi32> to vector<16xi32>
    tpu.vector_store %arg6[%swap3A_495], %swap3A_498 {strides = array<i32>} : memref<80xi32, #tpu.memory_space<vmem>>, vector<16xi32>,
    %and3A_499 = arith.constant 65535 : i32
    %and3A_500 = vector.broadcast %and3A_499 : i32 to vector<16xi32>
    %and3A_501 = arith.andi %get3A_491, %and3A_500 : vector<16xi32>
    %swap3A_502 = arith.constant 48 : index
    %swap3A_503 = tpu.vector_load %arg9[%swap3A_502] {strides = array<i32>} : memref<80xi32, #tpu.memory_space<vmem>>, vector<16xi32>,
    %swap3A_504 = vector.shape_cast %swap3A_503 : vector<16xi32> to vector<16xi32>
    %swap3A_505 = vector.shape_cast %and3A_501 : vector<16xi32> to vector<16xi32>
    tpu.vector_store %arg9[%swap3A_502], %swap3A_505 {strides = array<i32>} : memref<80xi32, #tpu.memory_space<vmem>>, vector<16xi32>,
    %get3A_506 = arith.constant 123 : i32
    %get3A_507 = arith.index_cast %get3A_506 : i32 to index
    %get3A_508 = arith.constant 64 : index
    %get3A_509 = tpu.vector_load %arg5[%get3A_507, %get3A_508] {strides = array<i32>} : memref<125x80xi32, #tpu.memory_space<vmem>>, vector<1x16xi32>,
    %get3A_510 = vector.shape_cast %get3A_509 : vector<1x16xi32> to vector<16xi32>
    %shift_right_logical3A_511 = arith.constant 16 : i32
    %shift_right_logical3A_512 = vector.broadcast %shift_right_logical3A_511 : i32 to vector<16xi32>
    %shift_right_logical3A_513 = arith.shrui %get3A_510, %shift_right_logical3A_512 : vector<16xi32>
    %swap3A_514 = arith.constant 64 : index
    %swap3A_515 = tpu.vector_load %arg6[%swap3A_514] {strides = array<i32>} : memref<80xi32, #tpu.memory_space<vmem>>, vector<16xi32>,
    %swap3A_516 = vector.shape_cast %swap3A_515 : vector<16xi32> to vector<16xi32>
    %swap3A_517 = vector.shape_cast %shift_right_logical3A_513 : vector<16xi32> to vector<16xi32>
    tpu.vector_store %arg6[%swap3A_514], %swap3A_517 {strides = array<i32>} : memref<80xi32, #tpu.memory_space<vmem>>, vector<16xi32>,
    %and3A_518 = arith.constant 65535 : i32
    %and3A_519 = vector.broadcast %and3A_518 : i32 to vector<16xi32>
    %and3A_520 = arith.andi %get3A_510, %and3A_519 : vector<16xi32>
    %swap3A_521 = arith.constant 64 : index
    %swap3A_522 = tpu.vector_load %arg9[%swap3A_521] {strides = array<i32>} : memref<80xi32, #tpu.memory_space<vmem>>, vector<16xi32>,
    %swap3A_523 = vector.shape_cast %swap3A_522 : vector<16xi32> to vector<16xi32>
    %swap3A_524 = vector.shape_cast %and3A_520 : vector<16xi32> to vector<16xi32>
    tpu.vector_store %arg9[%swap3A_521], %swap3A_524 {strides = array<i32>} : memref<80xi32, #tpu.memory_space<vmem>>, vector<16xi32>,
    %dma_start3A_525 = arith.constant 0 : i32
    %dma_start3A_526 = arith.constant 0 : i32
    %dma_start3A_527 = tpu.memref_slice %arg2[%dma_start3A_525, %dma_start3A_526] : memref<10000x128xf32, #tpu.memory_space<hbm>> -> memref<10000x128xf32, #tpu.memory_space<hbm>>
    tpu.enqueue_indirect_dma source(%dma_start3A_527 : memref<10000x128xf32, #tpu.memory_space<hbm>>) target(%arg12 : memref<80x128xf32, #tpu.memory_space<vmem>>) offsets(%arg6 : memref<80xi32, #tpu.memory_space<vmem>>) semaphore(%arg16 : memref<!tpu.dma_semaphore, #tpu.memory_space<semaphore_mem>>)
    %dma_wait3A_528 = arith.constant 0 : i32
    %dma_wait3A_529 = arith.constant 0 : i32
    %dma_wait3A_530 = tpu.memref_slice %arg15[%dma_wait3A_528, %dma_wait3A_529] : memref<10000x128xf32, #tpu.memory_space<vmem_shared>> -> memref<10000x128xf32, #tpu.memory_space<vmem_shared>>
    tpu.wait_indirect_dma semaphore(%arg20 : memref<!tpu.dma_semaphore, #tpu.memory_space<semaphore_mem>>) src(%arg13 : memref<80x128xf32, #tpu.memory_space<vmem>>) dst(%dma_wait3A_530 : memref<10000x128xf32, #tpu.memory_space<vmem_shared>>)
    %get3A_531 = arith.constant 124 : i32
    %get3A_532 = arith.index_cast %get3A_531 : i32 to index
    %get3A_533 = arith.constant 0 : index
    %get3A_534 = tpu.vector_load %arg5[%get3A_532, %get3A_533] {strides = array<i32>} : memref<125x80xi32, #tpu.memory_space<vmem>>, vector<1x16xi32>,
    %get3A_535 = vector.shape_cast %get3A_534 : vector<1x16xi32> to vector<16xi32>
    %shift_right_logical3A_536 = arith.constant 16 : i32
    %shift_right_logical3A_537 = vector.broadcast %shift_right_logical3A_536 : i32 to vector<16xi32>
    %shift_right_logical3A_538 = arith.shrui %get3A_535, %shift_right_logical3A_537 : vector<16xi32>
    %swap3A_539 = arith.constant 0 : index
    %swap3A_540 = tpu.vector_load %arg7[%swap3A_539] {strides = array<i32>} : memref<80xi32, #tpu.memory_space<vmem>>, vector<16xi32>,
    %swap3A_541 = vector.shape_cast %swap3A_540 : vector<16xi32> to vector<16xi32>
    %swap3A_542 = vector.shape_cast %shift_right_logical3A_538 : vector<16xi32> to vector<16xi32>
    tpu.vector_store %arg7[%swap3A_539], %swap3A_542 {strides = array<i32>} : memref<80xi32, #tpu.memory_space<vmem>>, vector<16xi32>,
    %and3A_543 = arith.constant 65535 : i32
    %and3A_544 = vector.broadcast %and3A_543 : i32 to vector<16xi32>
    %and3A_545 = arith.andi %get3A_535, %and3A_544 : vector<16xi32>
    %swap3A_546 = arith.constant 0 : index
    %swap3A_547 = tpu.vector_load %arg10[%swap3A_546] {strides = array<i32>} : memref<80xi32, #tpu.memory_space<vmem>>, vector<16xi32>,
    %swap3A_548 = vector.shape_cast %swap3A_547 : vector<16xi32> to vector<16xi32>
    %swap3A_549 = vector.shape_cast %and3A_545 : vector<16xi32> to vector<16xi32>
    tpu.vector_store %arg10[%swap3A_546], %swap3A_549 {strides = array<i32>} : memref<80xi32, #tpu.memory_space<vmem>>, vector<16xi32>,
    %get3A_550 = arith.constant 124 : i32
    %get3A_551 = arith.index_cast %get3A_550 : i32 to index
    %get3A_552 = arith.constant 16 : index
    %get3A_553 = tpu.vector_load %arg5[%get3A_551, %get3A_552] {strides = array<i32>} : memref<125x80xi32, #tpu.memory_space<vmem>>, vector<1x16xi32>,
    %get3A_554 = vector.shape_cast %get3A_553 : vector<1x16xi32> to vector<16xi32>
    %shift_right_logical3A_555 = arith.constant 16 : i32
    %shift_right_logical3A_556 = vector.broadcast %shift_right_logical3A_555 : i32 to vector<16xi32>
    %shift_right_logical3A_557 = arith.shrui %get3A_554, %shift_right_logical3A_556 : vector<16xi32>
    %swap3A_558 = arith.constant 16 : index
    %swap3A_559 = tpu.vector_load %arg7[%swap3A_558] {strides = array<i32>} : memref<80xi32, #tpu.memory_space<vmem>>, vector<16xi32>,
    %swap3A_560 = vector.shape_cast %swap3A_559 : vector<16xi32> to vector<16xi32>
    %swap3A_561 = vector.shape_cast %shift_right_logical3A_557 : vector<16xi32> to vector<16xi32>
    tpu.vector_store %arg7[%swap3A_558], %swap3A_561 {strides = array<i32>} : memref<80xi32, #tpu.memory_space<vmem>>, vector<16xi32>,
    %and3A_562 = arith.constant 65535 : i32
    %and3A_563 = vector.broadcast %and3A_562 : i32 to vector<16xi32>
    %and3A_564 = arith.andi %get3A_554, %and3A_563 : vector<16xi32>
    %swap3A_565 = arith.constant 16 : index
    %swap3A_566 = tpu.vector_load %arg10[%swap3A_565] {strides = array<i32>} : memref<80xi32, #tpu.memory_space<vmem>>, vector<16xi32>,
    %swap3A_567 = vector.shape_cast %swap3A_566 : vector<16xi32> to vector<16xi32>
    %swap3A_568 = vector.shape_cast %and3A_564 : vector<16xi32> to vector<16xi32>
    tpu.vector_store %arg10[%swap3A_565], %swap3A_568 {strides = array<i32>} : memref<80xi32, #tpu.memory_space<vmem>>, vector<16xi32>,
    %get3A_569 = arith.constant 124 : i32
    %get3A_570 = arith.index_cast %get3A_569 : i32 to index
    %get3A_571 = arith.constant 32 : index
    %get3A_572 = tpu.vector_load %arg5[%get3A_570, %get3A_571] {strides = array<i32>} : memref<125x80xi32, #tpu.memory_space<vmem>>, vector<1x16xi32>,
    %get3A_573 = vector.shape_cast %get3A_572 : vector<1x16xi32> to vector<16xi32>
    %shift_right_logical3A_574 = arith.constant 16 : i32
    %shift_right_logical3A_575 = vector.broadcast %shift_right_logical3A_574 : i32 to vector<16xi32>
    %shift_right_logical3A_576 = arith.shrui %get3A_573, %shift_right_logical3A_575 : vector<16xi32>
    %swap3A_577 = arith.constant 32 : index
    %swap3A_578 = tpu.vector_load %arg7[%swap3A_577] {strides = array<i32>} : memref<80xi32, #tpu.memory_space<vmem>>, vector<16xi32>,
    %swap3A_579 = vector.shape_cast %swap3A_578 : vector<16xi32> to vector<16xi32>
    %swap3A_580 = vector.shape_cast %shift_right_logical3A_576 : vector<16xi32> to vector<16xi32>
    tpu.vector_store %arg7[%swap3A_577], %swap3A_580 {strides = array<i32>} : memref<80xi32, #tpu.memory_space<vmem>>, vector<16xi32>,
    %and3A_581 = arith.constant 65535 : i32
    %and3A_582 = vector.broadcast %and3A_581 : i32 to vector<16xi32>
    %and3A_583 = arith.andi %get3A_573, %and3A_582 : vector<16xi32>
    %swap3A_584 = arith.constant 32 : index
    %swap3A_585 = tpu.vector_load %arg10[%swap3A_584] {strides = array<i32>} : memref<80xi32, #tpu.memory_space<vmem>>, vector<16xi32>,
    %swap3A_586 = vector.shape_cast %swap3A_585 : vector<16xi32> to vector<16xi32>
    %swap3A_587 = vector.shape_cast %and3A_583 : vector<16xi32> to vector<16xi32>
    tpu.vector_store %arg10[%swap3A_584], %swap3A_587 {strides = array<i32>} : memref<80xi32, #tpu.memory_space<vmem>>, vector<16xi32>,
    %get3A_588 = arith.constant 124 : i32
    %get3A_589 = arith.index_cast %get3A_588 : i32 to index
    %get3A_590 = arith.constant 48 : index
    %get3A_591 = tpu.vector_load %arg5[%get3A_589, %get3A_590] {strides = array<i32>} : memref<125x80xi32, #tpu.memory_space<vmem>>, vector<1x16xi32>,
    %get3A_592 = vector.shape_cast %get3A_591 : vector<1x16xi32> to vector<16xi32>
    %shift_right_logical3A_593 = arith.constant 16 : i32
    %shift_right_logical3A_594 = vector.broadcast %shift_right_logical3A_593 : i32 to vector<16xi32>
    %shift_right_logical3A_595 = arith.shrui %get3A_592, %shift_right_logical3A_594 : vector<16xi32>
    %swap3A_596 = arith.constant 48 : index
    %swap3A_597 = tpu.vector_load %arg7[%swap3A_596] {strides = array<i32>} : memref<80xi32, #tpu.memory_space<vmem>>, vector<16xi32>,
    %swap3A_598 = vector.shape_cast %swap3A_597 : vector<16xi32> to vector<16xi32>
    %swap3A_599 = vector.shape_cast %shift_right_logical3A_595 : vector<16xi32> to vector<16xi32>
    tpu.vector_store %arg7[%swap3A_596], %swap3A_599 {strides = array<i32>} : memref<80xi32, #tpu.memory_space<vmem>>, vector<16xi32>,
    %and3A_600 = arith.constant 65535 : i32
    %and3A_601 = vector.broadcast %and3A_600 : i32 to vector<16xi32>
    %and3A_602 = arith.andi %get3A_592, %and3A_601 : vector<16xi32>
    %swap3A_603 = arith.constant 48 : index
    %swap3A_604 = tpu.vector_load %arg10[%swap3A_603] {strides = array<i32>} : memref<80xi32, #tpu.memory_space<vmem>>, vector<16xi32>,
    %swap3A_605 = vector.shape_cast %swap3A_604 : vector<16xi32> to vector<16xi32>
    %swap3A_606 = vector.shape_cast %and3A_602 : vector<16xi32> to vector<16xi32>
    tpu.vector_store %arg10[%swap3A_603], %swap3A_606 {strides = array<i32>} : memref<80xi32, #tpu.memory_space<vmem>>, vector<16xi32>,
    %get3A_607 = arith.constant 124 : i32
    %get3A_608 = arith.index_cast %get3A_607 : i32 to index
    %get3A_609 = arith.constant 64 : index
    %get3A_610 = tpu.vector_load %arg5[%get3A_608, %get3A_609] {strides = array<i32>} : memref<125x80xi32, #tpu.memory_space<vmem>>, vector<1x16xi32>,
    %get3A_611 = vector.shape_cast %get3A_610 : vector<1x16xi32> to vector<16xi32>
    %shift_right_logical3A_612 = arith.constant 16 : i32
    %shift_right_logical3A_613 = vector.broadcast %shift_right_logical3A_612 : i32 to vector<16xi32>
    %shift_right_logical3A_614 = arith.shrui %get3A_611, %shift_right_logical3A_613 : vector<16xi32>
    %swap3A_615 = arith.constant 64 : index
    %swap3A_616 = tpu.vector_load %arg7[%swap3A_615] {strides = array<i32>} : memref<80xi32, #tpu.memory_space<vmem>>, vector<16xi32>,
    %swap3A_617 = vector.shape_cast %swap3A_616 : vector<16xi32> to vector<16xi32>
    %swap3A_618 = vector.shape_cast %shift_right_logical3A_614 : vector<16xi32> to vector<16xi32>
    tpu.vector_store %arg7[%swap3A_615], %swap3A_618 {strides = array<i32>} : memref<80xi32, #tpu.memory_space<vmem>>, vector<16xi32>,
    %and3A_619 = arith.constant 65535 : i32
    %and3A_620 = vector.broadcast %and3A_619 : i32 to vector<16xi32>
    %and3A_621 = arith.andi %get3A_611, %and3A_620 : vector<16xi32>
    %swap3A_622 = arith.constant 64 : index
    %swap3A_623 = tpu.vector_load %arg10[%swap3A_622] {strides = array<i32>} : memref<80xi32, #tpu.memory_space<vmem>>, vector<16xi32>,
    %swap3A_624 = vector.shape_cast %swap3A_623 : vector<16xi32> to vector<16xi32>
    %swap3A_625 = vector.shape_cast %and3A_621 : vector<16xi32> to vector<16xi32>
    tpu.vector_store %arg10[%swap3A_622], %swap3A_625 {strides = array<i32>} : memref<80xi32, #tpu.memory_space<vmem>>, vector<16xi32>,
    %dma_start3A_626 = arith.constant 0 : i32
    %dma_start3A_627 = arith.constant 0 : i32
    %dma_start3A_628 = tpu.memref_slice %arg2[%dma_start3A_626, %dma_start3A_627] : memref<10000x128xf32, #tpu.memory_space<hbm>> -> memref<10000x128xf32, #tpu.memory_space<hbm>>
    tpu.enqueue_indirect_dma source(%dma_start3A_628 : memref<10000x128xf32, #tpu.memory_space<hbm>>) target(%arg13 : memref<80x128xf32, #tpu.memory_space<vmem>>) offsets(%arg7 : memref<80xi32, #tpu.memory_space<vmem>>) semaphore(%arg17 : memref<!tpu.dma_semaphore, #tpu.memory_space<semaphore_mem>>)
    %dma_wait3A_629 = arith.constant 0 : i32
    %dma_wait3A_630 = arith.constant 0 : i32
    %dma_wait3A_631 = tpu.memref_slice %arg2[%dma_wait3A_629, %dma_wait3A_630] : memref<10000x128xf32, #tpu.memory_space<hbm>> -> memref<10000x128xf32, #tpu.memory_space<hbm>>
    tpu.wait_indirect_dma semaphore(%arg16 : memref<!tpu.dma_semaphore, #tpu.memory_space<semaphore_mem>>) src(%dma_wait3A_631 : memref<10000x128xf32, #tpu.memory_space<hbm>>) dst(%arg12 : memref<80x128xf32, #tpu.memory_space<vmem>>)
    %dma_start3A_632 = arith.constant 0 : i32
    %dma_start3A_633 = arith.constant 0 : i32
    %dma_start3A_634 = tpu.memref_slice %arg15[%dma_start3A_632, %dma_start3A_633] : memref<10000x128xf32, #tpu.memory_space<vmem_shared>> -> memref<10000x128xf32, #tpu.memory_space<vmem_shared>>
    tpu.enqueue_indirect_dma source(%arg12 : memref<80x128xf32, #tpu.memory_space<vmem>>) target(%dma_start3A_634 : memref<10000x128xf32, #tpu.memory_space<vmem_shared>>) offsets(%arg9 : memref<80xi32, #tpu.memory_space<vmem>>) semaphore(%arg19 : memref<!tpu.dma_semaphore, #tpu.memory_space<semaphore_mem>>) {add = true}
    %dma_wait3A_635 = arith.constant 0 : i32
    %dma_wait3A_636 = arith.constant 0 : i32
    %dma_wait3A_637 = tpu.memref_slice %arg2[%dma_wait3A_635, %dma_wait3A_636] : memref<10000x128xf32, #tpu.memory_space<hbm>> -> memref<10000x128xf32, #tpu.memory_space<hbm>>
    tpu.wait_indirect_dma semaphore(%arg17 : memref<!tpu.dma_semaphore, #tpu.memory_space<semaphore_mem>>) src(%dma_wait3A_637 : memref<10000x128xf32, #tpu.memory_space<hbm>>) dst(%arg13 : memref<80x128xf32, #tpu.memory_space<vmem>>)
    %dma_start3A_638 = arith.constant 0 : i32
    %dma_start3A_639 = arith.constant 0 : i32
    %dma_start3A_640 = tpu.memref_slice %arg15[%dma_start3A_638, %dma_start3A_639] : memref<10000x128xf32, #tpu.memory_space<vmem_shared>> -> memref<10000x128xf32, #tpu.memory_space<vmem_shared>>
    tpu.enqueue_indirect_dma source(%arg13 : memref<80x128xf32, #tpu.memory_space<vmem>>) target(%dma_start3A_640 : memref<10000x128xf32, #tpu.memory_space<vmem_shared>>) offsets(%arg10 : memref<80xi32, #tpu.memory_space<vmem>>) semaphore(%arg20 : memref<!tpu.dma_semaphore, #tpu.memory_space<semaphore_mem>>) {add = true}
    %dma_wait3A_641 = arith.constant 0 : i32
    %dma_wait3A_642 = arith.constant 0 : i32
    %dma_wait3A_643 = tpu.memref_slice %arg15[%dma_wait3A_641, %dma_wait3A_642] : memref<10000x128xf32, #tpu.memory_space<vmem_shared>> -> memref<10000x128xf32, #tpu.memory_space<vmem_shared>>
    tpu.wait_indirect_dma semaphore(%arg19 : memref<!tpu.dma_semaphore, #tpu.memory_space<semaphore_mem>>) src(%arg12 : memref<80x128xf32, #tpu.memory_space<vmem>>) dst(%dma_wait3A_643 : memref<10000x128xf32, #tpu.memory_space<vmem_shared>>)
    %dma_wait3A_644 = arith.constant 0 : i32
    %dma_wait3A_645 = arith.constant 0 : i32
    %dma_wait3A_646 = tpu.memref_slice %arg15[%dma_wait3A_644, %dma_wait3A_645] : memref<10000x128xf32, #tpu.memory_space<vmem_shared>> -> memref<10000x128xf32, #tpu.memory_space<vmem_shared>>
    tpu.wait_indirect_dma semaphore(%arg20 : memref<!tpu.dma_semaphore, #tpu.memory_space<semaphore_mem>>) src(%arg13 : memref<80x128xf32, #tpu.memory_space<vmem>>) dst(%dma_wait3A_646 : memref<10000x128xf32, #tpu.memory_space<vmem_shared>>)
    %dma_wait3A_647 = arith.constant 0 : i32
    %dma_wait3A_648 = arith.constant 0 : i32
    %dma_wait3A_649 = tpu.memref_slice %arg15[%dma_wait3A_647, %dma_wait3A_648] : memref<10000x128xf32, #tpu.memory_space<vmem_shared>> -> memref<10000x128xf32, #tpu.memory_space<vmem_shared>>
    tpu.wait_indirect_dma semaphore(%arg21 : memref<!tpu.dma_semaphore, #tpu.memory_space<semaphore_mem>>) src(%arg14 : memref<80x128xf32, #tpu.memory_space<vmem>>) dst(%dma_wait3A_649 : memref<10000x128xf32, #tpu.memory_space<vmem_shared>>)
    %barrier3A_650 = arith.constant 0 : index
    tpu.barrier barrier_id(%barrier3A_650)
    %add3A_651 = arith.constant 0 : i32
    %add3A_652 = arith.addi %arg1, %add3A_651 : i32
    %lt3A_653 = arith.constant 125 : i32
    %lt3A_654 = arith.cmpi slt, %add3A_652, %lt3A_653 : i32
    %convert_element_type3A_655 = arith.extui %lt3A_654 : i1 to i32
    %cond3A_656 = arith.constant 0 : i32
    %cond3A_657 = arith.cmpi ne, %convert_element_type3A_655, %cond3A_656 : i32
    scf.if %cond3A_657 {
      %mul3A_819 = arith.constant 80 : i32
      %mul3A_820 = arith.muli %add3A_652, %mul3A_819 : i32
      %multiple_of3A = tpu.assume_multiple %mul3A_820, 80 : i32
      %dma_start3A_821 = arith.constant 0 : i32
      %dma_start3A_822 = tpu.memref_slice %arg15[%multiple_of3A, %dma_start3A_821] : memref<10000x128xf32, #tpu.memory_space<vmem_shared>> -> memref<80x128xf32, #tpu.memory_space<vmem_shared>>
      %dma_start3A_823 = arith.constant 0 : i32
      %dma_start3A_824 = tpu.memref_slice %arg15[%multiple_of3A, %dma_start3A_823] : memref<10000x128xf32, #tpu.memory_space<vmem_shared>> -> memref<80x128xf32, #tpu.memory_space<vmem_shared>>
      tpu.enqueue_dma source(%dma_start3A_824 : memref<80x128xf32, #tpu.memory_space<vmem_shared>>) target(%arg12 : memref<80x128xf32, #tpu.memory_space<vmem>>) target_semaphore(%arg16 : memref<!tpu.dma_semaphore, #tpu.memory_space<semaphore_mem>>)
    } else {
    }
    %add3A_658 = arith.constant 16 : i32
    %add3A_659 = arith.addi %arg1, %add3A_658 : i32
    %lt3A_660 = arith.constant 125 : i32
    %lt3A_661 = arith.cmpi slt, %add3A_659, %lt3A_660 : i32
    %convert_element_type3A_662 = arith.extui %lt3A_661 : i1 to i32
    %cond3A_663 = arith.constant 0 : i32
    %cond3A_664 = arith.cmpi ne, %convert_element_type3A_662, %cond3A_663 : i32
    scf.if %cond3A_664 {
      %mul3A_819 = arith.constant 80 : i32
      %mul3A_820 = arith.muli %add3A_659, %mul3A_819 : i32
      %multiple_of3A = tpu.assume_multiple %mul3A_820, 80 : i32
      %dma_start3A_821 = arith.constant 0 : i32
      %dma_start3A_822 = tpu.memref_slice %arg15[%multiple_of3A, %dma_start3A_821] : memref<10000x128xf32, #tpu.memory_space<vmem_shared>> -> memref<80x128xf32, #tpu.memory_space<vmem_shared>>
      %dma_start3A_823 = arith.constant 0 : i32
      %dma_start3A_824 = tpu.memref_slice %arg15[%multiple_of3A, %dma_start3A_823] : memref<10000x128xf32, #tpu.memory_space<vmem_shared>> -> memref<80x128xf32, #tpu.memory_space<vmem_shared>>
      tpu.enqueue_dma source(%dma_start3A_824 : memref<80x128xf32, #tpu.memory_space<vmem_shared>>) target(%arg13 : memref<80x128xf32, #tpu.memory_space<vmem>>) target_semaphore(%arg17 : memref<!tpu.dma_semaphore, #tpu.memory_space<semaphore_mem>>)
    } else {
    }
    %add3A_665 = arith.constant 32 : i32
    %add3A_666 = arith.addi %arg1, %add3A_665 : i32
    %lt3A_667 = arith.constant 125 : i32
    %lt3A_668 = arith.cmpi slt, %add3A_666, %lt3A_667 : i32
    %convert_element_type3A_669 = arith.extui %lt3A_668 : i1 to i32
    %cond3A_670 = arith.constant 0 : i32
    %cond3A_671 = arith.cmpi ne, %convert_element_type3A_669, %cond3A_670 : i32
    scf.if %cond3A_671 {
      %mul3A_819 = arith.constant 80 : i32
      %mul3A_820 = arith.muli %add3A_666, %mul3A_819 : i32
      %multiple_of3A = tpu.assume_multiple %mul3A_820, 80 : i32
      %dma_start3A_821 = arith.constant 0 : i32
      %dma_start3A_822 = tpu.memref_slice %arg15[%multiple_of3A, %dma_start3A_821] : memref<10000x128xf32, #tpu.memory_space<vmem_shared>> -> memref<80x128xf32, #tpu.memory_space<vmem_shared>>
      %dma_start3A_823 = arith.constant 0 : i32
      %dma_start3A_824 = tpu.memref_slice %arg15[%multiple_of3A, %dma_start3A_823] : memref<10000x128xf32, #tpu.memory_space<vmem_shared>> -> memref<80x128xf32, #tpu.memory_space<vmem_shared>>
      tpu.enqueue_dma source(%dma_start3A_824 : memref<80x128xf32, #tpu.memory_space<vmem_shared>>) target(%arg14 : memref<80x128xf32, #tpu.memory_space<vmem>>) target_semaphore(%arg18 : memref<!tpu.dma_semaphore, #tpu.memory_space<semaphore_mem>>)
    } else {
    }
    %add3A_672 = arith.constant 0 : i32
    %add3A_673 = arith.addi %arg1, %add3A_672 : i32
    %lt3A_674 = arith.constant 125 : i32
    %lt3A_675 = arith.cmpi slt, %add3A_673, %lt3A_674 : i32
    %convert_element_type3A_676 = arith.extui %lt3A_675 : i1 to i32
    %cond3A_677 = arith.constant 0 : i32
    %cond3A_678 = arith.cmpi ne, %convert_element_type3A_676, %cond3A_677 : i32
    scf.if %cond3A_678 {
      %mul3A_819 = arith.constant 80 : i32
      %mul3A_820 = arith.muli %add3A_673, %mul3A_819 : i32
      %multiple_of3A = tpu.assume_multiple %mul3A_820, 80 : i32
      %dma_wait3A_821 = arith.constant 0 : i32
      %dma_wait3A_822 = tpu.memref_slice %arg15[%multiple_of3A, %dma_wait3A_821] : memref<10000x128xf32, #tpu.memory_space<vmem_shared>> -> memref<80x128xf32, #tpu.memory_space<vmem_shared>>
      %dma_wait3A_823 = arith.constant 0 : i32
      %dma_wait3A_824 = tpu.memref_slice %arg15[%multiple_of3A, %dma_wait3A_823] : memref<10000x128xf32, #tpu.memory_space<vmem_shared>> -> memref<80x128xf32, #tpu.memory_space<vmem_shared>>
      tpu.wait_dma2 semaphore(%arg16 : memref<!tpu.dma_semaphore, #tpu.memory_space<semaphore_mem>>) src(%dma_wait3A_824 : memref<80x128xf32, #tpu.memory_space<vmem_shared>>) dst(%arg12 : memref<80x128xf32, #tpu.memory_space<vmem>>)
      %dma_start3A_825 = arith.constant 0 : i32
      %dma_start3A_826 = tpu.memref_slice %arg4[%arg0, %multiple_of3A, %dma_start3A_825] : memref<2x10000x128xf32, #tpu.memory_space<hbm>> -> memref<1x80x128xf32, #tpu.memory_space<hbm>>
      %dma_start3A_827 = tpu.memref_squeeze %dma_start3A_826 : memref<1x80x128xf32, #tpu.memory_space<hbm>> -> memref<80x128xf32, #tpu.memory_space<hbm>>
      %dma_start3A_828 = arith.constant 0 : i32
      %dma_start3A_829 = tpu.memref_slice %arg4[%arg0, %multiple_of3A, %dma_start3A_828] : memref<2x10000x128xf32, #tpu.memory_space<hbm>> -> memref<1x80x128xf32, #tpu.memory_space<hbm>>
      %dma_start3A_830 = tpu.memref_squeeze %dma_start3A_829 : memref<1x80x128xf32, #tpu.memory_space<hbm>> -> memref<80x128xf32, #tpu.memory_space<hbm>>
      tpu.enqueue_dma source(%arg12 : memref<80x128xf32, #tpu.memory_space<vmem>>) target(%dma_start3A_830 : memref<80x128xf32, #tpu.memory_space<hbm>>) target_semaphore(%arg19 : memref<!tpu.dma_semaphore, #tpu.memory_space<semaphore_mem>>)
    } else {
    }
    %add3A_679 = arith.constant 0 : i32
    %add3A_680 = arith.addi %arg1, %add3A_679 : i32
    %lt3A_681 = arith.constant 125 : i32
    %lt3A_682 = arith.cmpi slt, %add3A_680, %lt3A_681 : i32
    %convert_element_type3A_683 = arith.extui %lt3A_682 : i1 to i32
    %cond3A_684 = arith.constant 0 : i32
    %cond3A_685 = arith.cmpi ne, %convert_element_type3A_683, %cond3A_684 : i32
    scf.if %cond3A_685 {
      %mul3A_819 = arith.constant 80 : i32
      %mul3A_820 = arith.muli %add3A_680, %mul3A_819 : i32
      %multiple_of3A = tpu.assume_multiple %mul3A_820, 80 : i32
      %dma_wait3A_821 = arith.constant 0 : i32
      %dma_wait3A_822 = tpu.memref_slice %arg4[%arg0, %multiple_of3A, %dma_wait3A_821] : memref<2x10000x128xf32, #tpu.memory_space<hbm>> -> memref<1x80x128xf32, #tpu.memory_space<hbm>>
      %dma_wait3A_823 = tpu.memref_squeeze %dma_wait3A_822 : memref<1x80x128xf32, #tpu.memory_space<hbm>> -> memref<80x128xf32, #tpu.memory_space<hbm>>
      %dma_wait3A_824 = arith.constant 0 : i32
      %dma_wait3A_825 = tpu.memref_slice %arg4[%arg0, %multiple_of3A, %dma_wait3A_824] : memref<2x10000x128xf32, #tpu.memory_space<hbm>> -> memref<1x80x128xf32, #tpu.memory_space<hbm>>
      %dma_wait3A_826 = tpu.memref_squeeze %dma_wait3A_825 : memref<1x80x128xf32, #tpu.memory_space<hbm>> -> memref<80x128xf32, #tpu.memory_space<hbm>>
      tpu.wait_dma2 semaphore(%arg19 : memref<!tpu.dma_semaphore, #tpu.memory_space<semaphore_mem>>) src(%arg12 : memref<80x128xf32, #tpu.memory_space<vmem>>) dst(%dma_wait3A_826 : memref<80x128xf32, #tpu.memory_space<hbm>>)
    } else {
    }
    %add3A_686 = arith.constant 48 : i32
    %add3A_687 = arith.addi %arg1, %add3A_686 : i32
    %lt3A_688 = arith.constant 125 : i32
    %lt3A_689 = arith.cmpi slt, %add3A_687, %lt3A_688 : i32
    %convert_element_type3A_690 = arith.extui %lt3A_689 : i1 to i32
    %cond3A_691 = arith.constant 0 : i32
    %cond3A_692 = arith.cmpi ne, %convert_element_type3A_690, %cond3A_691 : i32
    scf.if %cond3A_692 {
      %mul3A_819 = arith.constant 80 : i32
      %mul3A_820 = arith.muli %add3A_687, %mul3A_819 : i32
      %multiple_of3A = tpu.assume_multiple %mul3A_820, 80 : i32
      %dma_start3A_821 = arith.constant 0 : i32
      %dma_start3A_822 = tpu.memref_slice %arg15[%multiple_of3A, %dma_start3A_821] : memref<10000x128xf32, #tpu.memory_space<vmem_shared>> -> memref<80x128xf32, #tpu.memory_space<vmem_shared>>
      %dma_start3A_823 = arith.constant 0 : i32
      %dma_start3A_824 = tpu.memref_slice %arg15[%multiple_of3A, %dma_start3A_823] : memref<10000x128xf32, #tpu.memory_space<vmem_shared>> -> memref<80x128xf32, #tpu.memory_space<vmem_shared>>
      tpu.enqueue_dma source(%dma_start3A_824 : memref<80x128xf32, #tpu.memory_space<vmem_shared>>) target(%arg12 : memref<80x128xf32, #tpu.memory_space<vmem>>) target_semaphore(%arg16 : memref<!tpu.dma_semaphore, #tpu.memory_space<semaphore_mem>>)
    } else {
    }
    %add3A_693 = arith.constant 16 : i32
    %add3A_694 = arith.addi %arg1, %add3A_693 : i32
    %lt3A_695 = arith.constant 125 : i32
    %lt3A_696 = arith.cmpi slt, %add3A_694, %lt3A_695 : i32
    %convert_element_type3A_697 = arith.extui %lt3A_696 : i1 to i32
    %cond3A_698 = arith.constant 0 : i32
    %cond3A_699 = arith.cmpi ne, %convert_element_type3A_697, %cond3A_698 : i32
    scf.if %cond3A_699 {
      %mul3A_819 = arith.constant 80 : i32
      %mul3A_820 = arith.muli %add3A_694, %mul3A_819 : i32
      %multiple_of3A = tpu.assume_multiple %mul3A_820, 80 : i32
      %dma_wait3A_821 = arith.constant 0 : i32
      %dma_wait3A_822 = tpu.memref_slice %arg15[%multiple_of3A, %dma_wait3A_821] : memref<10000x128xf32, #tpu.memory_space<vmem_shared>> -> memref<80x128xf32, #tpu.memory_space<vmem_shared>>
      %dma_wait3A_823 = arith.constant 0 : i32
      %dma_wait3A_824 = tpu.memref_slice %arg15[%multiple_of3A, %dma_wait3A_823] : memref<10000x128xf32, #tpu.memory_space<vmem_shared>> -> memref<80x128xf32, #tpu.memory_space<vmem_shared>>
      tpu.wait_dma2 semaphore(%arg17 : memref<!tpu.dma_semaphore, #tpu.memory_space<semaphore_mem>>) src(%dma_wait3A_824 : memref<80x128xf32, #tpu.memory_space<vmem_shared>>) dst(%arg13 : memref<80x128xf32, #tpu.memory_space<vmem>>)
      %dma_start3A_825 = arith.constant 0 : i32
      %dma_start3A_826 = tpu.memref_slice %arg4[%arg0, %multiple_of3A, %dma_start3A_825] : memref<2x10000x128xf32, #tpu.memory_space<hbm>> -> memref<1x80x128xf32, #tpu.memory_space<hbm>>
      %dma_start3A_827 = tpu.memref_squeeze %dma_start3A_826 : memref<1x80x128xf32, #tpu.memory_space<hbm>> -> memref<80x128xf32, #tpu.memory_space<hbm>>
      %dma_start3A_828 = arith.constant 0 : i32
      %dma_start3A_829 = tpu.memref_slice %arg4[%arg0, %multiple_of3A, %dma_start3A_828] : memref<2x10000x128xf32, #tpu.memory_space<hbm>> -> memref<1x80x128xf32, #tpu.memory_space<hbm>>
      %dma_start3A_830 = tpu.memref_squeeze %dma_start3A_829 : memref<1x80x128xf32, #tpu.memory_space<hbm>> -> memref<80x128xf32, #tpu.memory_space<hbm>>
      tpu.enqueue_dma source(%arg13 : memref<80x128xf32, #tpu.memory_space<vmem>>) target(%dma_start3A_830 : memref<80x128xf32, #tpu.memory_space<hbm>>) target_semaphore(%arg20 : memref<!tpu.dma_semaphore, #tpu.memory_space<semaphore_mem>>)
    } else {
    }
    %add3A_700 = arith.constant 16 : i32
    %add3A_701 = arith.addi %arg1, %add3A_700 : i32
    %lt3A_702 = arith.constant 125 : i32
    %lt3A_703 = arith.cmpi slt, %add3A_701, %lt3A_702 : i32
    %convert_element_type3A_704 = arith.extui %lt3A_703 : i1 to i32
    %cond3A_705 = arith.constant 0 : i32
    %cond3A_706 = arith.cmpi ne, %convert_element_type3A_704, %cond3A_705 : i32
    scf.if %cond3A_706 {
      %mul3A_819 = arith.constant 80 : i32
      %mul3A_820 = arith.muli %add3A_701, %mul3A_819 : i32
      %multiple_of3A = tpu.assume_multiple %mul3A_820, 80 : i32
      %dma_wait3A_821 = arith.constant 0 : i32
      %dma_wait3A_822 = tpu.memref_slice %arg4[%arg0, %multiple_of3A, %dma_wait3A_821] : memref<2x10000x128xf32, #tpu.memory_space<hbm>> -> memref<1x80x128xf32, #tpu.memory_space<hbm>>
      %dma_wait3A_823 = tpu.memref_squeeze %dma_wait3A_822 : memref<1x80x128xf32, #tpu.memory_space<hbm>> -> memref<80x128xf32, #tpu.memory_space<hbm>>
      %dma_wait3A_824 = arith.constant 0 : i32
      %dma_wait3A_825 = tpu.memref_slice %arg4[%arg0, %multiple_of3A, %dma_wait3A_824] : memref<2x10000x128xf32, #tpu.memory_space<hbm>> -> memref<1x80x128xf32, #tpu.memory_space<hbm>>
      %dma_wait3A_826 = tpu.memref_squeeze %dma_wait3A_825 : memref<1x80x128xf32, #tpu.memory_space<hbm>> -> memref<80x128xf32, #tpu.memory_space<hbm>>
      tpu.wait_dma2 semaphore(%arg20 : memref<!tpu.dma_semaphore, #tpu.memory_space<semaphore_mem>>) src(%arg13 : memref<80x128xf32, #tpu.memory_space<vmem>>) dst(%dma_wait3A_826 : memref<80x128xf32, #tpu.memory_space<hbm>>)
    } else {
    }
    %add3A_707 = arith.constant 64 : i32
    %add3A_708 = arith.addi %arg1, %add3A_707 : i32
    %lt3A_709 = arith.constant 125 : i32
    %lt3A_710 = arith.cmpi slt, %add3A_708, %lt3A_709 : i32
    %convert_element_type3A_711 = arith.extui %lt3A_710 : i1 to i32
    %cond3A_712 = arith.constant 0 : i32
    %cond3A_713 = arith.cmpi ne, %convert_element_type3A_711, %cond3A_712 : i32
    scf.if %cond3A_713 {
      %mul3A_819 = arith.constant 80 : i32
      %mul3A_820 = arith.muli %add3A_708, %mul3A_819 : i32
      %multiple_of3A = tpu.assume_multiple %mul3A_820, 80 : i32
      %dma_start3A_821 = arith.constant 0 : i32
      %dma_start3A_822 = tpu.memref_slice %arg15[%multiple_of3A, %dma_start3A_821] : memref<10000x128xf32, #tpu.memory_space<vmem_shared>> -> memref<80x128xf32, #tpu.memory_space<vmem_shared>>
      %dma_start3A_823 = arith.constant 0 : i32
      %dma_start3A_824 = tpu.memref_slice %arg15[%multiple_of3A, %dma_start3A_823] : memref<10000x128xf32, #tpu.memory_space<vmem_shared>> -> memref<80x128xf32, #tpu.memory_space<vmem_shared>>
      tpu.enqueue_dma source(%dma_start3A_824 : memref<80x128xf32, #tpu.memory_space<vmem_shared>>) target(%arg13 : memref<80x128xf32, #tpu.memory_space<vmem>>) target_semaphore(%arg17 : memref<!tpu.dma_semaphore, #tpu.memory_space<semaphore_mem>>)
    } else {
    }
    %add3A_714 = arith.constant 32 : i32
    %add3A_715 = arith.addi %arg1, %add3A_714 : i32
    %lt3A_716 = arith.constant 125 : i32
    %lt3A_717 = arith.cmpi slt, %add3A_715, %lt3A_716 : i32
    %convert_element_type3A_718 = arith.extui %lt3A_717 : i1 to i32
    %cond3A_719 = arith.constant 0 : i32
    %cond3A_720 = arith.cmpi ne, %convert_element_type3A_718, %cond3A_719 : i32
    scf.if %cond3A_720 {
      %mul3A_819 = arith.constant 80 : i32
      %mul3A_820 = arith.muli %add3A_715, %mul3A_819 : i32
      %multiple_of3A = tpu.assume_multiple %mul3A_820, 80 : i32
      %dma_wait3A_821 = arith.constant 0 : i32
      %dma_wait3A_822 = tpu.memref_slice %arg15[%multiple_of3A, %dma_wait3A_821] : memref<10000x128xf32, #tpu.memory_space<vmem_shared>> -> memref<80x128xf32, #tpu.memory_space<vmem_shared>>
      %dma_wait3A_823 = arith.constant 0 : i32
      %dma_wait3A_824 = tpu.memref_slice %arg15[%multiple_of3A, %dma_wait3A_823] : memref<10000x128xf32, #tpu.memory_space<vmem_shared>> -> memref<80x128xf32, #tpu.memory_space<vmem_shared>>
      tpu.wait_dma2 semaphore(%arg18 : memref<!tpu.dma_semaphore, #tpu.memory_space<semaphore_mem>>) src(%dma_wait3A_824 : memref<80x128xf32, #tpu.memory_space<vmem_shared>>) dst(%arg14 : memref<80x128xf32, #tpu.memory_space<vmem>>)
      %dma_start3A_825 = arith.constant 0 : i32
      %dma_start3A_826 = tpu.memref_slice %arg4[%arg0, %multiple_of3A, %dma_start3A_825] : memref<2x10000x128xf32, #tpu.memory_space<hbm>> -> memref<1x80x128xf32, #tpu.memory_space<hbm>>
      %dma_start3A_827 = tpu.memref_squeeze %dma_start3A_826 : memref<1x80x128xf32, #tpu.memory_space<hbm>> -> memref<80x128xf32, #tpu.memory_space<hbm>>
      %dma_start3A_828 = arith.constant 0 : i32
      %dma_start3A_829 = tpu.memref_slice %arg4[%arg0, %multiple_of3A, %dma_start3A_828] : memref<2x10000x128xf32, #tpu.memory_space<hbm>> -> memref<1x80x128xf32, #tpu.memory_space<hbm>>
      %dma_start3A_830 = tpu.memref_squeeze %dma_start3A_829 : memref<1x80x128xf32, #tpu.memory_space<hbm>> -> memref<80x128xf32, #tpu.memory_space<hbm>>
      tpu.enqueue_dma source(%arg14 : memref<80x128xf32, #tpu.memory_space<vmem>>) target(%dma_start3A_830 : memref<80x128xf32, #tpu.memory_space<hbm>>) target_semaphore(%arg21 : memref<!tpu.dma_semaphore, #tpu.memory_space<semaphore_mem>>)
    } else {
    }
    %add3A_721 = arith.constant 32 : i32
    %add3A_722 = arith.addi %arg1, %add3A_721 : i32
    %lt3A_723 = arith.constant 125 : i32
    %lt3A_724 = arith.cmpi slt, %add3A_722, %lt3A_723 : i32
    %convert_element_type3A_725 = arith.extui %lt3A_724 : i1 to i32
    %cond3A_726 = arith.constant 0 : i32
    %cond3A_727 = arith.cmpi ne, %convert_element_type3A_725, %cond3A_726 : i32
    scf.if %cond3A_727 {
      %mul3A_819 = arith.constant 80 : i32
      %mul3A_820 = arith.muli %add3A_722, %mul3A_819 : i32
      %multiple_of3A = tpu.assume_multiple %mul3A_820, 80 : i32
      %dma_wait3A_821 = arith.constant 0 : i32
      %dma_wait3A_822 = tpu.memref_slice %arg4[%arg0, %multiple_of3A, %dma_wait3A_821] : memref<2x10000x128xf32, #tpu.memory_space<hbm>> -> memref<1x80x128xf32, #tpu.memory_space<hbm>>
      %dma_wait3A_823 = tpu.memref_squeeze %dma_wait3A_822 : memref<1x80x128xf32, #tpu.memory_space<hbm>> -> memref<80x128xf32, #tpu.memory_space<hbm>>
      %dma_wait3A_824 = arith.constant 0 : i32
      %dma_wait3A_825 = tpu.memref_slice %arg4[%arg0, %multiple_of3A, %dma_wait3A_824] : memref<2x10000x128xf32, #tpu.memory_space<hbm>> -> memref<1x80x128xf32, #tpu.memory_space<hbm>>
      %dma_wait3A_826 = tpu.memref_squeeze %dma_wait3A_825 : memref<1x80x128xf32, #tpu.memory_space<hbm>> -> memref<80x128xf32, #tpu.memory_space<hbm>>
      tpu.wait_dma2 semaphore(%arg21 : memref<!tpu.dma_semaphore, #tpu.memory_space<semaphore_mem>>) src(%arg14 : memref<80x128xf32, #tpu.memory_space<vmem>>) dst(%dma_wait3A_826 : memref<80x128xf32, #tpu.memory_space<hbm>>)
    } else {
    }
    %add3A_728 = arith.constant 80 : i32
    %add3A_729 = arith.addi %arg1, %add3A_728 : i32
    %lt3A_730 = arith.constant 125 : i32
    %lt3A_731 = arith.cmpi slt, %add3A_729, %lt3A_730 : i32
    %convert_element_type3A_732 = arith.extui %lt3A_731 : i1 to i32
    %cond3A_733 = arith.constant 0 : i32
    %cond3A_734 = arith.cmpi ne, %convert_element_type3A_732, %cond3A_733 : i32
    scf.if %cond3A_734 {
      %mul3A_819 = arith.constant 80 : i32
      %mul3A_820 = arith.muli %add3A_729, %mul3A_819 : i32
      %multiple_of3A = tpu.assume_multiple %mul3A_820, 80 : i32
      %dma_start3A_821 = arith.constant 0 : i32
      %dma_start3A_822 = tpu.memref_slice %arg15[%multiple_of3A, %dma_start3A_821] : memref<10000x128xf32, #tpu.memory_space<vmem_shared>> -> memref<80x128xf32, #tpu.memory_space<vmem_shared>>
      %dma_start3A_823 = arith.constant 0 : i32
      %dma_start3A_824 = tpu.memref_slice %arg15[%multiple_of3A, %dma_start3A_823] : memref<10000x128xf32, #tpu.memory_space<vmem_shared>> -> memref<80x128xf32, #tpu.memory_space<vmem_shared>>
      tpu.enqueue_dma source(%dma_start3A_824 : memref<80x128xf32, #tpu.memory_space<vmem_shared>>) target(%arg14 : memref<80x128xf32, #tpu.memory_space<vmem>>) target_semaphore(%arg18 : memref<!tpu.dma_semaphore, #tpu.memory_space<semaphore_mem>>)
    } else {
    }
    %add3A_735 = arith.constant 48 : i32
    %add3A_736 = arith.addi %arg1, %add3A_735 : i32
    %lt3A_737 = arith.constant 125 : i32
    %lt3A_738 = arith.cmpi slt, %add3A_736, %lt3A_737 : i32
    %convert_element_type3A_739 = arith.extui %lt3A_738 : i1 to i32
    %cond3A_740 = arith.constant 0 : i32
    %cond3A_741 = arith.cmpi ne, %convert_element_type3A_739, %cond3A_740 : i32
    scf.if %cond3A_741 {
      %mul3A_819 = arith.constant 80 : i32
      %mul3A_820 = arith.muli %add3A_736, %mul3A_819 : i32
      %multiple_of3A = tpu.assume_multiple %mul3A_820, 80 : i32
      %dma_wait3A_821 = arith.constant 0 : i32
      %dma_wait3A_822 = tpu.memref_slice %arg15[%multiple_of3A, %dma_wait3A_821] : memref<10000x128xf32, #tpu.memory_space<vmem_shared>> -> memref<80x128xf32, #tpu.memory_space<vmem_shared>>
      %dma_wait3A_823 = arith.constant 0 : i32
      %dma_wait3A_824 = tpu.memref_slice %arg15[%multiple_of3A, %dma_wait3A_823] : memref<10000x128xf32, #tpu.memory_space<vmem_shared>> -> memref<80x128xf32, #tpu.memory_space<vmem_shared>>
      tpu.wait_dma2 semaphore(%arg16 : memref<!tpu.dma_semaphore, #tpu.memory_space<semaphore_mem>>) src(%dma_wait3A_824 : memref<80x128xf32, #tpu.memory_space<vmem_shared>>) dst(%arg12 : memref<80x128xf32, #tpu.memory_space<vmem>>)
      %dma_start3A_825 = arith.constant 0 : i32
      %dma_start3A_826 = tpu.memref_slice %arg4[%arg0, %multiple_of3A, %dma_start3A_825] : memref<2x10000x128xf32, #tpu.memory_space<hbm>> -> memref<1x80x128xf32, #tpu.memory_space<hbm>>
      %dma_start3A_827 = tpu.memref_squeeze %dma_start3A_826 : memref<1x80x128xf32, #tpu.memory_space<hbm>> -> memref<80x128xf32, #tpu.memory_space<hbm>>
      %dma_start3A_828 = arith.constant 0 : i32
      %dma_start3A_829 = tpu.memref_slice %arg4[%arg0, %multiple_of3A, %dma_start3A_828] : memref<2x10000x128xf32, #tpu.memory_space<hbm>> -> memref<1x80x128xf32, #tpu.memory_space<hbm>>
      %dma_start3A_830 = tpu.memref_squeeze %dma_start3A_829 : memref<1x80x128xf32, #tpu.memory_space<hbm>> -> memref<80x128xf32, #tpu.memory_space<hbm>>
      tpu.enqueue_dma source(%arg12 : memref<80x128xf32, #tpu.memory_space<vmem>>) target(%dma_start3A_830 : memref<80x128xf32, #tpu.memory_space<hbm>>) target_semaphore(%arg19 : memref<!tpu.dma_semaphore, #tpu.memory_space<semaphore_mem>>)
    } else {
    }
    %add3A_742 = arith.constant 48 : i32
    %add3A_743 = arith.addi %arg1, %add3A_742 : i32
    %lt3A_744 = arith.constant 125 : i32
    %lt3A_745 = arith.cmpi slt, %add3A_743, %lt3A_744 : i32
    %convert_element_type3A_746 = arith.extui %lt3A_745 : i1 to i32
    %cond3A_747 = arith.constant 0 : i32
    %cond3A_748 = arith.cmpi ne, %convert_element_type3A_746, %cond3A_747 : i32
    scf.if %cond3A_748 {
      %mul3A_819 = arith.constant 80 : i32
      %mul3A_820 = arith.muli %add3A_743, %mul3A_819 : i32
      %multiple_of3A = tpu.assume_multiple %mul3A_820, 80 : i32
      %dma_wait3A_821 = arith.constant 0 : i32
      %dma_wait3A_822 = tpu.memref_slice %arg4[%arg0, %multiple_of3A, %dma_wait3A_821] : memref<2x10000x128xf32, #tpu.memory_space<hbm>> -> memref<1x80x128xf32, #tpu.memory_space<hbm>>
      %dma_wait3A_823 = tpu.memref_squeeze %dma_wait3A_822 : memref<1x80x128xf32, #tpu.memory_space<hbm>> -> memref<80x128xf32, #tpu.memory_space<hbm>>
      %dma_wait3A_824 = arith.constant 0 : i32
      %dma_wait3A_825 = tpu.memref_slice %arg4[%arg0, %multiple_of3A, %dma_wait3A_824] : memref<2x10000x128xf32, #tpu.memory_space<hbm>> -> memref<1x80x128xf32, #tpu.memory_space<hbm>>
      %dma_wait3A_826 = tpu.memref_squeeze %dma_wait3A_825 : memref<1x80x128xf32, #tpu.memory_space<hbm>> -> memref<80x128xf32, #tpu.memory_space<hbm>>
      tpu.wait_dma2 semaphore(%arg19 : memref<!tpu.dma_semaphore, #tpu.memory_space<semaphore_mem>>) src(%arg12 : memref<80x128xf32, #tpu.memory_space<vmem>>) dst(%dma_wait3A_826 : memref<80x128xf32, #tpu.memory_space<hbm>>)
    } else {
    }
    %add3A_749 = arith.constant 96 : i32
    %add3A_750 = arith.addi %arg1, %add3A_749 : i32
    %lt3A_751 = arith.constant 125 : i32
    %lt3A_752 = arith.cmpi slt, %add3A_750, %lt3A_751 : i32
    %convert_element_type3A_753 = arith.extui %lt3A_752 : i1 to i32
    %cond3A_754 = arith.constant 0 : i32
    %cond3A_755 = arith.cmpi ne, %convert_element_type3A_753, %cond3A_754 : i32
    scf.if %cond3A_755 {
      %mul3A_819 = arith.constant 80 : i32
      %mul3A_820 = arith.muli %add3A_750, %mul3A_819 : i32
      %multiple_of3A = tpu.assume_multiple %mul3A_820, 80 : i32
      %dma_start3A_821 = arith.constant 0 : i32
      %dma_start3A_822 = tpu.memref_slice %arg15[%multiple_of3A, %dma_start3A_821] : memref<10000x128xf32, #tpu.memory_space<vmem_shared>> -> memref<80x128xf32, #tpu.memory_space<vmem_shared>>
      %dma_start3A_823 = arith.constant 0 : i32
      %dma_start3A_824 = tpu.memref_slice %arg15[%multiple_of3A, %dma_start3A_823] : memref<10000x128xf32, #tpu.memory_space<vmem_shared>> -> memref<80x128xf32, #tpu.memory_space<vmem_shared>>
      tpu.enqueue_dma source(%dma_start3A_824 : memref<80x128xf32, #tpu.memory_space<vmem_shared>>) target(%arg12 : memref<80x128xf32, #tpu.memory_space<vmem>>) target_semaphore(%arg16 : memref<!tpu.dma_semaphore, #tpu.memory_space<semaphore_mem>>)
    } else {
    }
    %add3A_756 = arith.constant 64 : i32
    %add3A_757 = arith.addi %arg1, %add3A_756 : i32
    %lt3A_758 = arith.constant 125 : i32
    %lt3A_759 = arith.cmpi slt, %add3A_757, %lt3A_758 : i32
    %convert_element_type3A_760 = arith.extui %lt3A_759 : i1 to i32
    %cond3A_761 = arith.constant 0 : i32
    %cond3A_762 = arith.cmpi ne, %convert_element_type3A_760, %cond3A_761 : i32
    scf.if %cond3A_762 {
      %mul3A_819 = arith.constant 80 : i32
      %mul3A_820 = arith.muli %add3A_757, %mul3A_819 : i32
      %multiple_of3A = tpu.assume_multiple %mul3A_820, 80 : i32
      %dma_wait3A_821 = arith.constant 0 : i32
      %dma_wait3A_822 = tpu.memref_slice %arg15[%multiple_of3A, %dma_wait3A_821] : memref<10000x128xf32, #tpu.memory_space<vmem_shared>> -> memref<80x128xf32, #tpu.memory_space<vmem_shared>>
      %dma_wait3A_823 = arith.constant 0 : i32
      %dma_wait3A_824 = tpu.memref_slice %arg15[%multiple_of3A, %dma_wait3A_823] : memref<10000x128xf32, #tpu.memory_space<vmem_shared>> -> memref<80x128xf32, #tpu.memory_space<vmem_shared>>
      tpu.wait_dma2 semaphore(%arg17 : memref<!tpu.dma_semaphore, #tpu.memory_space<semaphore_mem>>) src(%dma_wait3A_824 : memref<80x128xf32, #tpu.memory_space<vmem_shared>>) dst(%arg13 : memref<80x128xf32, #tpu.memory_space<vmem>>)
      %dma_start3A_825 = arith.constant 0 : i32
      %dma_start3A_826 = tpu.memref_slice %arg4[%arg0, %multiple_of3A, %dma_start3A_825] : memref<2x10000x128xf32, #tpu.memory_space<hbm>> -> memref<1x80x128xf32, #tpu.memory_space<hbm>>
      %dma_start3A_827 = tpu.memref_squeeze %dma_start3A_826 : memref<1x80x128xf32, #tpu.memory_space<hbm>> -> memref<80x128xf32, #tpu.memory_space<hbm>>
      %dma_start3A_828 = arith.constant 0 : i32
      %dma_start3A_829 = tpu.memref_slice %arg4[%arg0, %multiple_of3A, %dma_start3A_828] : memref<2x10000x128xf32, #tpu.memory_space<hbm>> -> memref<1x80x128xf32, #tpu.memory_space<hbm>>
      %dma_start3A_830 = tpu.memref_squeeze %dma_start3A_829 : memref<1x80x128xf32, #tpu.memory_space<hbm>> -> memref<80x128xf32, #tpu.memory_space<hbm>>
      tpu.enqueue_dma source(%arg13 : memref<80x128xf32, #tpu.memory_space<vmem>>) target(%dma_start3A_830 : memref<80x128xf32, #tpu.memory_space<hbm>>) target_semaphore(%arg20 : memref<!tpu.dma_semaphore, #tpu.memory_space<semaphore_mem>>)
    } else {
    }
    %add3A_763 = arith.constant 64 : i32
    %add3A_764 = arith.addi %arg1, %add3A_763 : i32
    %lt3A_765 = arith.constant 125 : i32
    %lt3A_766 = arith.cmpi slt, %add3A_764, %lt3A_765 : i32
    %convert_element_type3A_767 = arith.extui %lt3A_766 : i1 to i32
    %cond3A_768 = arith.constant 0 : i32
    %cond3A_769 = arith.cmpi ne, %convert_element_type3A_767, %cond3A_768 : i32
    scf.if %cond3A_769 {
      %mul3A_819 = arith.constant 80 : i32
      %mul3A_820 = arith.muli %add3A_764, %mul3A_819 : i32
      %multiple_of3A = tpu.assume_multiple %mul3A_820, 80 : i32
      %dma_wait3A_821 = arith.constant 0 : i32
      %dma_wait3A_822 = tpu.memref_slice %arg4[%arg0, %multiple_of3A, %dma_wait3A_821] : memref<2x10000x128xf32, #tpu.memory_space<hbm>> -> memref<1x80x128xf32, #tpu.memory_space<hbm>>
      %dma_wait3A_823 = tpu.memref_squeeze %dma_wait3A_822 : memref<1x80x128xf32, #tpu.memory_space<hbm>> -> memref<80x128xf32, #tpu.memory_space<hbm>>
      %dma_wait3A_824 = arith.constant 0 : i32
      %dma_wait3A_825 = tpu.memref_slice %arg4[%arg0, %multiple_of3A, %dma_wait3A_824] : memref<2x10000x128xf32, #tpu.memory_space<hbm>> -> memref<1x80x128xf32, #tpu.memory_space<hbm>>
      %dma_wait3A_826 = tpu.memref_squeeze %dma_wait3A_825 : memref<1x80x128xf32, #tpu.memory_space<hbm>> -> memref<80x128xf32, #tpu.memory_space<hbm>>
      tpu.wait_dma2 semaphore(%arg20 : memref<!tpu.dma_semaphore, #tpu.memory_space<semaphore_mem>>) src(%arg13 : memref<80x128xf32, #tpu.memory_space<vmem>>) dst(%dma_wait3A_826 : memref<80x128xf32, #tpu.memory_space<hbm>>)
    } else {
    }
    %add3A_770 = arith.constant 112 : i32
    %add3A_771 = arith.addi %arg1, %add3A_770 : i32
    %lt3A_772 = arith.constant 125 : i32
    %lt3A_773 = arith.cmpi slt, %add3A_771, %lt3A_772 : i32
    %convert_element_type3A_774 = arith.extui %lt3A_773 : i1 to i32
    %cond3A_775 = arith.constant 0 : i32
    %cond3A_776 = arith.cmpi ne, %convert_element_type3A_774, %cond3A_775 : i32
    scf.if %cond3A_776 {
      %mul3A_819 = arith.constant 80 : i32
      %mul3A_820 = arith.muli %add3A_771, %mul3A_819 : i32
      %multiple_of3A = tpu.assume_multiple %mul3A_820, 80 : i32
      %dma_start3A_821 = arith.constant 0 : i32
      %dma_start3A_822 = tpu.memref_slice %arg15[%multiple_of3A, %dma_start3A_821] : memref<10000x128xf32, #tpu.memory_space<vmem_shared>> -> memref<80x128xf32, #tpu.memory_space<vmem_shared>>
      %dma_start3A_823 = arith.constant 0 : i32
      %dma_start3A_824 = tpu.memref_slice %arg15[%multiple_of3A, %dma_start3A_823] : memref<10000x128xf32, #tpu.memory_space<vmem_shared>> -> memref<80x128xf32, #tpu.memory_space<vmem_shared>>
      tpu.enqueue_dma source(%dma_start3A_824 : memref<80x128xf32, #tpu.memory_space<vmem_shared>>) target(%arg13 : memref<80x128xf32, #tpu.memory_space<vmem>>) target_semaphore(%arg17 : memref<!tpu.dma_semaphore, #tpu.memory_space<semaphore_mem>>)
    } else {
    }
    %add3A_777 = arith.constant 80 : i32
    %add3A_778 = arith.addi %arg1, %add3A_777 : i32
    %lt3A_779 = arith.constant 125 : i32
    %lt3A_780 = arith.cmpi slt, %add3A_778, %lt3A_779 : i32
    %convert_element_type3A_781 = arith.extui %lt3A_780 : i1 to i32
    %cond3A_782 = arith.constant 0 : i32
    %cond3A_783 = arith.cmpi ne, %convert_element_type3A_781, %cond3A_782 : i32
    scf.if %cond3A_783 {
      %mul3A_819 = arith.constant 80 : i32
      %mul3A_820 = arith.muli %add3A_778, %mul3A_819 : i32
      %multiple_of3A = tpu.assume_multiple %mul3A_820, 80 : i32
      %dma_wait3A_821 = arith.constant 0 : i32
      %dma_wait3A_822 = tpu.memref_slice %arg15[%multiple_of3A, %dma_wait3A_821] : memref<10000x128xf32, #tpu.memory_space<vmem_shared>> -> memref<80x128xf32, #tpu.memory_space<vmem_shared>>
      %dma_wait3A_823 = arith.constant 0 : i32
      %dma_wait3A_824 = tpu.memref_slice %arg15[%multiple_of3A, %dma_wait3A_823] : memref<10000x128xf32, #tpu.memory_space<vmem_shared>> -> memref<80x128xf32, #tpu.memory_space<vmem_shared>>
      tpu.wait_dma2 semaphore(%arg18 : memref<!tpu.dma_semaphore, #tpu.memory_space<semaphore_mem>>) src(%dma_wait3A_824 : memref<80x128xf32, #tpu.memory_space<vmem_shared>>) dst(%arg14 : memref<80x128xf32, #tpu.memory_space<vmem>>)
      %dma_start3A_825 = arith.constant 0 : i32
      %dma_start3A_826 = tpu.memref_slice %arg4[%arg0, %multiple_of3A, %dma_start3A_825] : memref<2x10000x128xf32, #tpu.memory_space<hbm>> -> memref<1x80x128xf32, #tpu.memory_space<hbm>>
      %dma_start3A_827 = tpu.memref_squeeze %dma_start3A_826 : memref<1x80x128xf32, #tpu.memory_space<hbm>> -> memref<80x128xf32, #tpu.memory_space<hbm>>
      %dma_start3A_828 = arith.constant 0 : i32
      %dma_start3A_829 = tpu.memref_slice %arg4[%arg0, %multiple_of3A, %dma_start3A_828] : memref<2x10000x128xf32, #tpu.memory_space<hbm>> -> memref<1x80x128xf32, #tpu.memory_space<hbm>>
      %dma_start3A_830 = tpu.memref_squeeze %dma_start3A_829 : memref<1x80x128xf32, #tpu.memory_space<hbm>> -> memref<80x128xf32, #tpu.memory_space<hbm>>
      tpu.enqueue_dma source(%arg14 : memref<80x128xf32, #tpu.memory_space<vmem>>) target(%dma_start3A_830 : memref<80x128xf32, #tpu.memory_space<hbm>>) target_semaphore(%arg21 : memref<!tpu.dma_semaphore, #tpu.memory_space<semaphore_mem>>)
    } else {
    }
    %add3A_784 = arith.constant 96 : i32
    %add3A_785 = arith.addi %arg1, %add3A_784 : i32
    %lt3A_786 = arith.constant 125 : i32
    %lt3A_787 = arith.cmpi slt, %add3A_785, %lt3A_786 : i32
    %convert_element_type3A_788 = arith.extui %lt3A_787 : i1 to i32
    %cond3A_789 = arith.constant 0 : i32
    %cond3A_790 = arith.cmpi ne, %convert_element_type3A_788, %cond3A_789 : i32
    scf.if %cond3A_790 {
      %mul3A_819 = arith.constant 80 : i32
      %mul3A_820 = arith.muli %add3A_785, %mul3A_819 : i32
      %multiple_of3A = tpu.assume_multiple %mul3A_820, 80 : i32
      %dma_wait3A_821 = arith.constant 0 : i32
      %dma_wait3A_822 = tpu.memref_slice %arg15[%multiple_of3A, %dma_wait3A_821] : memref<10000x128xf32, #tpu.memory_space<vmem_shared>> -> memref<80x128xf32, #tpu.memory_space<vmem_shared>>
      %dma_wait3A_823 = arith.constant 0 : i32
      %dma_wait3A_824 = tpu.memref_slice %arg15[%multiple_of3A, %dma_wait3A_823] : memref<10000x128xf32, #tpu.memory_space<vmem_shared>> -> memref<80x128xf32, #tpu.memory_space<vmem_shared>>
      tpu.wait_dma2 semaphore(%arg16 : memref<!tpu.dma_semaphore, #tpu.memory_space<semaphore_mem>>) src(%dma_wait3A_824 : memref<80x128xf32, #tpu.memory_space<vmem_shared>>) dst(%arg12 : memref<80x128xf32, #tpu.memory_space<vmem>>)
      %dma_start3A_825 = arith.constant 0 : i32
      %dma_start3A_826 = tpu.memref_slice %arg4[%arg0, %multiple_of3A, %dma_start3A_825] : memref<2x10000x128xf32, #tpu.memory_space<hbm>> -> memref<1x80x128xf32, #tpu.memory_space<hbm>>
      %dma_start3A_827 = tpu.memref_squeeze %dma_start3A_826 : memref<1x80x128xf32, #tpu.memory_space<hbm>> -> memref<80x128xf32, #tpu.memory_space<hbm>>
      %dma_start3A_828 = arith.constant 0 : i32
      %dma_start3A_829 = tpu.memref_slice %arg4[%arg0, %multiple_of3A, %dma_start3A_828] : memref<2x10000x128xf32, #tpu.memory_space<hbm>> -> memref<1x80x128xf32, #tpu.memory_space<hbm>>
      %dma_start3A_830 = tpu.memref_squeeze %dma_start3A_829 : memref<1x80x128xf32, #tpu.memory_space<hbm>> -> memref<80x128xf32, #tpu.memory_space<hbm>>
      tpu.enqueue_dma source(%arg12 : memref<80x128xf32, #tpu.memory_space<vmem>>) target(%dma_start3A_830 : memref<80x128xf32, #tpu.memory_space<hbm>>) target_semaphore(%arg19 : memref<!tpu.dma_semaphore, #tpu.memory_space<semaphore_mem>>)
    } else {
    }
    %add3A_791 = arith.constant 112 : i32
    %add3A_792 = arith.addi %arg1, %add3A_791 : i32
    %lt3A_793 = arith.constant 125 : i32
    %lt3A_794 = arith.cmpi slt, %add3A_792, %lt3A_793 : i32
    %convert_element_type3A_795 = arith.extui %lt3A_794 : i1 to i32
    %cond3A_796 = arith.constant 0 : i32
    %cond3A_797 = arith.cmpi ne, %convert_element_type3A_795, %cond3A_796 : i32
    scf.if %cond3A_797 {
      %mul3A_819 = arith.constant 80 : i32
      %mul3A_820 = arith.muli %add3A_792, %mul3A_819 : i32
      %multiple_of3A = tpu.assume_multiple %mul3A_820, 80 : i32
      %dma_wait3A_821 = arith.constant 0 : i32
      %dma_wait3A_822 = tpu.memref_slice %arg15[%multiple_of3A, %dma_wait3A_821] : memref<10000x128xf32, #tpu.memory_space<vmem_shared>> -> memref<80x128xf32, #tpu.memory_space<vmem_shared>>
      %dma_wait3A_823 = arith.constant 0 : i32
      %dma_wait3A_824 = tpu.memref_slice %arg15[%multiple_of3A, %dma_wait3A_823] : memref<10000x128xf32, #tpu.memory_space<vmem_shared>> -> memref<80x128xf32, #tpu.memory_space<vmem_shared>>
      tpu.wait_dma2 semaphore(%arg17 : memref<!tpu.dma_semaphore, #tpu.memory_space<semaphore_mem>>) src(%dma_wait3A_824 : memref<80x128xf32, #tpu.memory_space<vmem_shared>>) dst(%arg13 : memref<80x128xf32, #tpu.memory_space<vmem>>)
      %dma_start3A_825 = arith.constant 0 : i32
      %dma_start3A_826 = tpu.memref_slice %arg4[%arg0, %multiple_of3A, %dma_start3A_825] : memref<2x10000x128xf32, #tpu.memory_space<hbm>> -> memref<1x80x128xf32, #tpu.memory_space<hbm>>
      %dma_start3A_827 = tpu.memref_squeeze %dma_start3A_826 : memref<1x80x128xf32, #tpu.memory_space<hbm>> -> memref<80x128xf32, #tpu.memory_space<hbm>>
      %dma_start3A_828 = arith.constant 0 : i32
      %dma_start3A_829 = tpu.memref_slice %arg4[%arg0, %multiple_of3A, %dma_start3A_828] : memref<2x10000x128xf32, #tpu.memory_space<hbm>> -> memref<1x80x128xf32, #tpu.memory_space<hbm>>
      %dma_start3A_830 = tpu.memref_squeeze %dma_start3A_829 : memref<1x80x128xf32, #tpu.memory_space<hbm>> -> memref<80x128xf32, #tpu.memory_space<hbm>>
      tpu.enqueue_dma source(%arg13 : memref<80x128xf32, #tpu.memory_space<vmem>>) target(%dma_start3A_830 : memref<80x128xf32, #tpu.memory_space<hbm>>) target_semaphore(%arg20 : memref<!tpu.dma_semaphore, #tpu.memory_space<semaphore_mem>>)
    } else {
    }
    %add3A_798 = arith.constant 80 : i32
    %add3A_799 = arith.addi %arg1, %add3A_798 : i32
    %lt3A_800 = arith.constant 125 : i32
    %lt3A_801 = arith.cmpi slt, %add3A_799, %lt3A_800 : i32
    %convert_element_type3A_802 = arith.extui %lt3A_801 : i1 to i32
    %cond3A_803 = arith.constant 0 : i32
    %cond3A_804 = arith.cmpi ne, %convert_element_type3A_802, %cond3A_803 : i32
    scf.if %cond3A_804 {
      %mul3A_819 = arith.constant 80 : i32
      %mul3A_820 = arith.muli %add3A_799, %mul3A_819 : i32
      %multiple_of3A = tpu.assume_multiple %mul3A_820, 80 : i32
      %dma_wait3A_821 = arith.constant 0 : i32
      %dma_wait3A_822 = tpu.memref_slice %arg4[%arg0, %multiple_of3A, %dma_wait3A_821] : memref<2x10000x128xf32, #tpu.memory_space<hbm>> -> memref<1x80x128xf32, #tpu.memory_space<hbm>>
      %dma_wait3A_823 = tpu.memref_squeeze %dma_wait3A_822 : memref<1x80x128xf32, #tpu.memory_space<hbm>> -> memref<80x128xf32, #tpu.memory_space<hbm>>
      %dma_wait3A_824 = arith.constant 0 : i32
      %dma_wait3A_825 = tpu.memref_slice %arg4[%arg0, %multiple_of3A, %dma_wait3A_824] : memref<2x10000x128xf32, #tpu.memory_space<hbm>> -> memref<1x80x128xf32, #tpu.memory_space<hbm>>
      %dma_wait3A_826 = tpu.memref_squeeze %dma_wait3A_825 : memref<1x80x128xf32, #tpu.memory_space<hbm>> -> memref<80x128xf32, #tpu.memory_space<hbm>>
      tpu.wait_dma2 semaphore(%arg21 : memref<!tpu.dma_semaphore, #tpu.memory_space<semaphore_mem>>) src(%arg14 : memref<80x128xf32, #tpu.memory_space<vmem>>) dst(%dma_wait3A_826 : memref<80x128xf32, #tpu.memory_space<hbm>>)
    } else {
    }
    %add3A_805 = arith.constant 96 : i32
    %add3A_806 = arith.addi %arg1, %add3A_805 : i32
    %lt3A_807 = arith.constant 125 : i32
    %lt3A_808 = arith.cmpi slt, %add3A_806, %lt3A_807 : i32
    %convert_element_type3A_809 = arith.extui %lt3A_808 : i1 to i32
    %cond3A_810 = arith.constant 0 : i32
    %cond3A_811 = arith.cmpi ne, %convert_element_type3A_809, %cond3A_810 : i32
    scf.if %cond3A_811 {
      %mul3A_819 = arith.constant 80 : i32
      %mul3A_820 = arith.muli %add3A_806, %mul3A_819 : i32
      %multiple_of3A = tpu.assume_multiple %mul3A_820, 80 : i32
      %dma_wait3A_821 = arith.constant 0 : i32
      %dma_wait3A_822 = tpu.memref_slice %arg4[%arg0, %multiple_of3A, %dma_wait3A_821] : memref<2x10000x128xf32, #tpu.memory_space<hbm>> -> memref<1x80x128xf32, #tpu.memory_space<hbm>>
      %dma_wait3A_823 = tpu.memref_squeeze %dma_wait3A_822 : memref<1x80x128xf32, #tpu.memory_space<hbm>> -> memref<80x128xf32, #tpu.memory_space<hbm>>
      %dma_wait3A_824 = arith.constant 0 : i32
      %dma_wait3A_825 = tpu.memref_slice %arg4[%arg0, %multiple_of3A, %dma_wait3A_824] : memref<2x10000x128xf32, #tpu.memory_space<hbm>> -> memref<1x80x128xf32, #tpu.memory_space<hbm>>
      %dma_wait3A_826 = tpu.memref_squeeze %dma_wait3A_825 : memref<1x80x128xf32, #tpu.memory_space<hbm>> -> memref<80x128xf32, #tpu.memory_space<hbm>>
      tpu.wait_dma2 semaphore(%arg19 : memref<!tpu.dma_semaphore, #tpu.memory_space<semaphore_mem>>) src(%arg12 : memref<80x128xf32, #tpu.memory_space<vmem>>) dst(%dma_wait3A_826 : memref<80x128xf32, #tpu.memory_space<hbm>>)
    } else {
    }
    %add3A_812 = arith.constant 112 : i32
    %add3A_813 = arith.addi %arg1, %add3A_812 : i32
    %lt3A_814 = arith.constant 125 : i32
    %lt3A_815 = arith.cmpi slt, %add3A_813, %lt3A_814 : i32
    %convert_element_type3A_816 = arith.extui %lt3A_815 : i1 to i32
    %cond3A_817 = arith.constant 0 : i32
    %cond3A_818 = arith.cmpi ne, %convert_element_type3A_816, %cond3A_817 : i32
    scf.if %cond3A_818 {
      %mul3A_819 = arith.constant 80 : i32
      %mul3A_820 = arith.muli %add3A_813, %mul3A_819 : i32
      %multiple_of3A = tpu.assume_multiple %mul3A_820, 80 : i32
      %dma_wait3A_821 = arith.constant 0 : i32
      %dma_wait3A_822 = tpu.memref_slice %arg4[%arg0, %multiple_of3A, %dma_wait3A_821] : memref<2x10000x128xf32, #tpu.memory_space<hbm>> -> memref<1x80x128xf32, #tpu.memory_space<hbm>>
      %dma_wait3A_823 = tpu.memref_squeeze %dma_wait3A_822 : memref<1x80x128xf32, #tpu.memory_space<hbm>> -> memref<80x128xf32, #tpu.memory_space<hbm>>
      %dma_wait3A_824 = arith.constant 0 : i32
      %dma_wait3A_825 = tpu.memref_slice %arg4[%arg0, %multiple_of3A, %dma_wait3A_824] : memref<2x10000x128xf32, #tpu.memory_space<hbm>> -> memref<1x80x128xf32, #tpu.memory_space<hbm>>
      %dma_wait3A_826 = tpu.memref_squeeze %dma_wait3A_825 : memref<1x80x128xf32, #tpu.memory_space<hbm>> -> memref<80x128xf32, #tpu.memory_space<hbm>>
      tpu.wait_dma2 semaphore(%arg20 : memref<!tpu.dma_semaphore, #tpu.memory_space<semaphore_mem>>) src(%arg13 : memref<80x128xf32, #tpu.memory_space<vmem>>) dst(%dma_wait3A_826 : memref<80x128xf32, #tpu.memory_space<hbm>>)
    } else {
    }
    return
  }
}

#map = affine_map<(d0, d1) -> (0, 0, 0)>
#map1 = affine_map<(d0, d1) -> (0)>
module attributes {stable_mosaic.version = 14 : i64} {
  func.func @_deg_body(%arg0: i32, %arg1: i32, %arg2: memref<32x125x80xi32, #tpu.memory_space<hbm>>, %arg3: memref<80xf32, #tpu.memory_space<hbm>>, %arg4: memref<80xf32, #tpu.memory_space<hbm>>, %arg5: memref<20000xf32, #tpu.memory_space<hbm>>, %arg6: memref<125x80xi32, #tpu.memory_space<vmem>>, %arg7: memref<125x80xi32, #tpu.memory_space<vmem>>, %arg8: memref<80xf32, #tpu.memory_space<vmem>>, %arg9: memref<80xf32, #tpu.memory_space<vmem>>, %arg10: memref<10000xf32, #tpu.memory_space<vmem_shared>>, %arg11: memref<!tpu.dma_semaphore, #tpu.memory_space<semaphore_mem>>) attributes {dimension_semantics = [#tpu.dimension_semantics<core_parallel>, #tpu.dimension_semantics<subcore_parallel>], iteration_bounds = array<i64: 2, 16>, scalar_prefetch = 0 : i64, scratch_operands = 6 : i64, tpu.core_type = #tpu.core_type<sc_vector_subcore>, window_params = [{transform_indices = #map}, {transform_indices = #map1}, {transform_indices = #map1}, {transform_indices = #map1}]} {
    %mul3A = arith.constant 2 : i32
    %mul3A_0 = arith.muli %arg1, %mul3A : i32
    %add3A = arith.addi %mul3A_0, %arg0 : i32
    "tpu.region"() ({
      %run_scoped3A = tpu.sem_alloc : memref<!tpu.dma_semaphore, #tpu.memory_space<semaphore_mem>>
      %dma_start3A = arith.constant 0 : i32
      %dma_start3A_128 = arith.constant 0 : i32
      %dma_start3A_129 = tpu.memref_slice %arg2[%add3A, %dma_start3A, %dma_start3A_128] : memref<32x125x80xi32, #tpu.memory_space<hbm>> -> memref<1x125x80xi32, #tpu.memory_space<hbm>>
      %dma_start3A_130 = tpu.memref_squeeze %dma_start3A_129 : memref<1x125x80xi32, #tpu.memory_space<hbm>> -> memref<125x80xi32, #tpu.memory_space<hbm>>
      %dma_start3A_131 = arith.constant 0 : i32
      %dma_start3A_132 = arith.constant 0 : i32
      %dma_start3A_133 = tpu.memref_slice %arg2[%add3A, %dma_start3A_131, %dma_start3A_132] : memref<32x125x80xi32, #tpu.memory_space<hbm>> -> memref<1x125x80xi32, #tpu.memory_space<hbm>>
      %dma_start3A_134 = tpu.memref_squeeze %dma_start3A_133 : memref<1x125x80xi32, #tpu.memory_space<hbm>> -> memref<125x80xi32, #tpu.memory_space<hbm>>
      tpu.enqueue_dma source(%dma_start3A_134 : memref<125x80xi32, #tpu.memory_space<hbm>>) target(%arg6 : memref<125x80xi32, #tpu.memory_space<vmem>>) target_semaphore(%run_scoped3A : memref<!tpu.dma_semaphore, #tpu.memory_space<semaphore_mem>>)
      %dma_wait3A = arith.constant 0 : i32
      %dma_wait3A_135 = arith.constant 0 : i32
      %dma_wait3A_136 = tpu.memref_slice %arg2[%add3A, %dma_wait3A, %dma_wait3A_135] : memref<32x125x80xi32, #tpu.memory_space<hbm>> -> memref<1x125x80xi32, #tpu.memory_space<hbm>>
      %dma_wait3A_137 = tpu.memref_squeeze %dma_wait3A_136 : memref<1x125x80xi32, #tpu.memory_space<hbm>> -> memref<125x80xi32, #tpu.memory_space<hbm>>
      %dma_wait3A_138 = arith.constant 0 : i32
      %dma_wait3A_139 = arith.constant 0 : i32
      %dma_wait3A_140 = tpu.memref_slice %arg2[%add3A, %dma_wait3A_138, %dma_wait3A_139] : memref<32x125x80xi32, #tpu.memory_space<hbm>> -> memref<1x125x80xi32, #tpu.memory_space<hbm>>
      %dma_wait3A_141 = tpu.memref_squeeze %dma_wait3A_140 : memref<1x125x80xi32, #tpu.memory_space<hbm>> -> memref<125x80xi32, #tpu.memory_space<hbm>>
      tpu.wait_dma2 semaphore(%run_scoped3A : memref<!tpu.dma_semaphore, #tpu.memory_space<semaphore_mem>>) src(%dma_wait3A_141 : memref<125x80xi32, #tpu.memory_space<hbm>>) dst(%arg6 : memref<125x80xi32, #tpu.memory_space<vmem>>)
      tpu.yield
    }) : () -> ()
    "tpu.region"() ({
      %run_scoped3A = tpu.sem_alloc : memref<!tpu.dma_semaphore, #tpu.memory_space<semaphore_mem>>
      tpu.enqueue_dma source(%arg3 : memref<80xf32, #tpu.memory_space<hbm>>) target(%arg8 : memref<80xf32, #tpu.memory_space<vmem>>) target_semaphore(%run_scoped3A : memref<!tpu.dma_semaphore, #tpu.memory_space<semaphore_mem>>)
      tpu.wait_dma2 semaphore(%run_scoped3A : memref<!tpu.dma_semaphore, #tpu.memory_space<semaphore_mem>>) src(%arg3 : memref<80xf32, #tpu.memory_space<hbm>>) dst(%arg8 : memref<80xf32, #tpu.memory_space<vmem>>)
      tpu.yield
    }) : () -> ()
    "tpu.region"() ({
      %run_scoped3A = tpu.sem_alloc : memref<!tpu.dma_semaphore, #tpu.memory_space<semaphore_mem>>
      tpu.enqueue_dma source(%arg4 : memref<80xf32, #tpu.memory_space<hbm>>) target(%arg9 : memref<80xf32, #tpu.memory_space<vmem>>) target_semaphore(%run_scoped3A : memref<!tpu.dma_semaphore, #tpu.memory_space<semaphore_mem>>)
      tpu.wait_dma2 semaphore(%run_scoped3A : memref<!tpu.dma_semaphore, #tpu.memory_space<semaphore_mem>>) src(%arg4 : memref<80xf32, #tpu.memory_space<hbm>>) dst(%arg9 : memref<80xf32, #tpu.memory_space<vmem>>)
      tpu.yield
    }) : () -> ()
    %scan3A = arith.constant 0 : i32
    %scan3A_1 = arith.constant 0 : i32
    %scan3A_2 = arith.constant 125 : i32
    %scan3A_3 = arith.addi %scan3A_1, %scan3A_2 : i32
    %scan3A_4 = arith.constant 1 : i32
    scf.for %scan3A_128 = %scan3A_1 to %scan3A_3 step %scan3A_4  : i32 {
      %get3A = arith.index_cast %scan3A_128 : i32 to index
      %get3A_129 = arith.constant 0 : index
      %get3A_130 = tpu.vector_load %arg6[%get3A, %get3A_129] {strides = array<i32>} : memref<125x80xi32, #tpu.memory_space<vmem>>, vector<1x16xi32>,
      %get3A_131 = vector.shape_cast %get3A_130 : vector<1x16xi32> to vector<16xi32>
      %and3A = arith.constant 65535 : i32
      %and3A_132 = vector.broadcast %and3A : i32 to vector<16xi32>
      %and3A_133 = arith.andi %get3A_131, %and3A_132 : vector<16xi32>
      %swap3A = arith.index_cast %scan3A_128 : i32 to index
      %swap3A_134 = arith.constant 0 : index
      %swap3A_135 = tpu.vector_load %arg7[%swap3A, %swap3A_134] {strides = array<i32>} : memref<125x80xi32, #tpu.memory_space<vmem>>, vector<1x16xi32>,
      %swap3A_136 = vector.shape_cast %swap3A_135 : vector<1x16xi32> to vector<16xi32>
      %swap3A_137 = vector.shape_cast %and3A_133 : vector<16xi32> to vector<1x16xi32>
      tpu.vector_store %arg7[%swap3A, %swap3A_134], %swap3A_137 {strides = array<i32>} : memref<125x80xi32, #tpu.memory_space<vmem>>, vector<1x16xi32>,
      %get3A_138 = arith.index_cast %scan3A_128 : i32 to index
      %get3A_139 = arith.constant 16 : index
      %get3A_140 = tpu.vector_load %arg6[%get3A_138, %get3A_139] {strides = array<i32>} : memref<125x80xi32, #tpu.memory_space<vmem>>, vector<1x16xi32>,
      %get3A_141 = vector.shape_cast %get3A_140 : vector<1x16xi32> to vector<16xi32>
      %and3A_142 = arith.constant 65535 : i32
      %and3A_143 = vector.broadcast %and3A_142 : i32 to vector<16xi32>
      %and3A_144 = arith.andi %get3A_141, %and3A_143 : vector<16xi32>
      %swap3A_145 = arith.index_cast %scan3A_128 : i32 to index
      %swap3A_146 = arith.constant 16 : index
      %swap3A_147 = tpu.vector_load %arg7[%swap3A_145, %swap3A_146] {strides = array<i32>} : memref<125x80xi32, #tpu.memory_space<vmem>>, vector<1x16xi32>,
      %swap3A_148 = vector.shape_cast %swap3A_147 : vector<1x16xi32> to vector<16xi32>
      %swap3A_149 = vector.shape_cast %and3A_144 : vector<16xi32> to vector<1x16xi32>
      tpu.vector_store %arg7[%swap3A_145, %swap3A_146], %swap3A_149 {strides = array<i32>} : memref<125x80xi32, #tpu.memory_space<vmem>>, vector<1x16xi32>,
      %get3A_150 = arith.index_cast %scan3A_128 : i32 to index
      %get3A_151 = arith.constant 32 : index
      %get3A_152 = tpu.vector_load %arg6[%get3A_150, %get3A_151] {strides = array<i32>} : memref<125x80xi32, #tpu.memory_space<vmem>>, vector<1x16xi32>,
      %get3A_153 = vector.shape_cast %get3A_152 : vector<1x16xi32> to vector<16xi32>
      %and3A_154 = arith.constant 65535 : i32
      %and3A_155 = vector.broadcast %and3A_154 : i32 to vector<16xi32>
      %and3A_156 = arith.andi %get3A_153, %and3A_155 : vector<16xi32>
      %swap3A_157 = arith.index_cast %scan3A_128 : i32 to index
      %swap3A_158 = arith.constant 32 : index
      %swap3A_159 = tpu.vector_load %arg7[%swap3A_157, %swap3A_158] {strides = array<i32>} : memref<125x80xi32, #tpu.memory_space<vmem>>, vector<1x16xi32>,
      %swap3A_160 = vector.shape_cast %swap3A_159 : vector<1x16xi32> to vector<16xi32>
      %swap3A_161 = vector.shape_cast %and3A_156 : vector<16xi32> to vector<1x16xi32>
      tpu.vector_store %arg7[%swap3A_157, %swap3A_158], %swap3A_161 {strides = array<i32>} : memref<125x80xi32, #tpu.memory_space<vmem>>, vector<1x16xi32>,
      %get3A_162 = arith.index_cast %scan3A_128 : i32 to index
      %get3A_163 = arith.constant 48 : index
      %get3A_164 = tpu.vector_load %arg6[%get3A_162, %get3A_163] {strides = array<i32>} : memref<125x80xi32, #tpu.memory_space<vmem>>, vector<1x16xi32>,
      %get3A_165 = vector.shape_cast %get3A_164 : vector<1x16xi32> to vector<16xi32>
      %and3A_166 = arith.constant 65535 : i32
      %and3A_167 = vector.broadcast %and3A_166 : i32 to vector<16xi32>
      %and3A_168 = arith.andi %get3A_165, %and3A_167 : vector<16xi32>
      %swap3A_169 = arith.index_cast %scan3A_128 : i32 to index
      %swap3A_170 = arith.constant 48 : index
      %swap3A_171 = tpu.vector_load %arg7[%swap3A_169, %swap3A_170] {strides = array<i32>} : memref<125x80xi32, #tpu.memory_space<vmem>>, vector<1x16xi32>,
      %swap3A_172 = vector.shape_cast %swap3A_171 : vector<1x16xi32> to vector<16xi32>
      %swap3A_173 = vector.shape_cast %and3A_168 : vector<16xi32> to vector<1x16xi32>
      tpu.vector_store %arg7[%swap3A_169, %swap3A_170], %swap3A_173 {strides = array<i32>} : memref<125x80xi32, #tpu.memory_space<vmem>>, vector<1x16xi32>,
      %get3A_174 = arith.index_cast %scan3A_128 : i32 to index
      %get3A_175 = arith.constant 64 : index
      %get3A_176 = tpu.vector_load %arg6[%get3A_174, %get3A_175] {strides = array<i32>} : memref<125x80xi32, #tpu.memory_space<vmem>>, vector<1x16xi32>,
      %get3A_177 = vector.shape_cast %get3A_176 : vector<1x16xi32> to vector<16xi32>
      %and3A_178 = arith.constant 65535 : i32
      %and3A_179 = vector.broadcast %and3A_178 : i32 to vector<16xi32>
      %and3A_180 = arith.andi %get3A_177, %and3A_179 : vector<16xi32>
      %swap3A_181 = arith.index_cast %scan3A_128 : i32 to index
      %swap3A_182 = arith.constant 64 : index
      %swap3A_183 = tpu.vector_load %arg7[%swap3A_181, %swap3A_182] {strides = array<i32>} : memref<125x80xi32, #tpu.memory_space<vmem>>, vector<1x16xi32>,
      %swap3A_184 = vector.shape_cast %swap3A_183 : vector<1x16xi32> to vector<16xi32>
      %swap3A_185 = vector.shape_cast %and3A_180 : vector<16xi32> to vector<1x16xi32>
      tpu.vector_store %arg7[%swap3A_181, %swap3A_182], %swap3A_185 {strides = array<i32>} : memref<125x80xi32, #tpu.memory_space<vmem>>, vector<1x16xi32>,
    }
    %scan3A_5 = arith.constant 125 : i32
    %add3A_6 = arith.constant 0 : i32
    %add3A_7 = arith.addi %arg1, %add3A_6 : i32
    %lt3A = arith.constant 125 : i32
    %lt3A_8 = arith.cmpi slt, %add3A_7, %lt3A : i32
    %convert_element_type3A = arith.extui %lt3A_8 : i1 to i32
    %cond3A = arith.constant 0 : i32
    %cond3A_9 = arith.cmpi ne, %convert_element_type3A, %cond3A : i32
    scf.if %cond3A_9 {
      %mul3A_128 = arith.constant 80 : i32
      %mul3A_129 = arith.muli %add3A_7, %mul3A_128 : i32
      %multiple_of3A = tpu.assume_multiple %mul3A_129, 80 : i32
      "tpu.region"() ({
        %run_scoped3A = tpu.sem_alloc : memref<!tpu.dma_semaphore, #tpu.memory_space<semaphore_mem>>
        %dma_start3A = tpu.memref_slice %arg10[%multiple_of3A] : memref<10000xf32, #tpu.memory_space<vmem_shared>> -> memref<80xf32, #tpu.memory_space<vmem_shared>>
        %dma_start3A_130 = tpu.memref_slice %arg10[%multiple_of3A] : memref<10000xf32, #tpu.memory_space<vmem_shared>> -> memref<80xf32, #tpu.memory_space<vmem_shared>>
        tpu.enqueue_dma source(%arg9 : memref<80xf32, #tpu.memory_space<vmem>>) target(%dma_start3A_130 : memref<80xf32, #tpu.memory_space<vmem_shared>>) target_semaphore(%run_scoped3A : memref<!tpu.dma_semaphore, #tpu.memory_space<semaphore_mem>>)
        %dma_wait3A = tpu.memref_slice %arg10[%multiple_of3A] : memref<10000xf32, #tpu.memory_space<vmem_shared>> -> memref<80xf32, #tpu.memory_space<vmem_shared>>
        %dma_wait3A_131 = tpu.memref_slice %arg10[%multiple_of3A] : memref<10000xf32, #tpu.memory_space<vmem_shared>> -> memref<80xf32, #tpu.memory_space<vmem_shared>>
        tpu.wait_dma2 semaphore(%run_scoped3A : memref<!tpu.dma_semaphore, #tpu.memory_space<semaphore_mem>>) src(%arg9 : memref<80xf32, #tpu.memory_space<vmem>>) dst(%dma_wait3A_131 : memref<80xf32, #tpu.memory_space<vmem_shared>>)
        tpu.yield
      }) : () -> ()
    } else {
    }
    %add3A_10 = arith.constant 16 : i32
    %add3A_11 = arith.addi %arg1, %add3A_10 : i32
    %lt3A_12 = arith.constant 125 : i32
    %lt3A_13 = arith.cmpi slt, %add3A_11, %lt3A_12 : i32
    %convert_element_type3A_14 = arith.extui %lt3A_13 : i1 to i32
    %cond3A_15 = arith.constant 0 : i32
    %cond3A_16 = arith.cmpi ne, %convert_element_type3A_14, %cond3A_15 : i32
    scf.if %cond3A_16 {
      %mul3A_128 = arith.constant 80 : i32
      %mul3A_129 = arith.muli %add3A_11, %mul3A_128 : i32
      %multiple_of3A = tpu.assume_multiple %mul3A_129, 80 : i32
      "tpu.region"() ({
        %run_scoped3A = tpu.sem_alloc : memref<!tpu.dma_semaphore, #tpu.memory_space<semaphore_mem>>
        %dma_start3A = tpu.memref_slice %arg10[%multiple_of3A] : memref<10000xf32, #tpu.memory_space<vmem_shared>> -> memref<80xf32, #tpu.memory_space<vmem_shared>>
        %dma_start3A_130 = tpu.memref_slice %arg10[%multiple_of3A] : memref<10000xf32, #tpu.memory_space<vmem_shared>> -> memref<80xf32, #tpu.memory_space<vmem_shared>>
        tpu.enqueue_dma source(%arg9 : memref<80xf32, #tpu.memory_space<vmem>>) target(%dma_start3A_130 : memref<80xf32, #tpu.memory_space<vmem_shared>>) target_semaphore(%run_scoped3A : memref<!tpu.dma_semaphore, #tpu.memory_space<semaphore_mem>>)
        %dma_wait3A = tpu.memref_slice %arg10[%multiple_of3A] : memref<10000xf32, #tpu.memory_space<vmem_shared>> -> memref<80xf32, #tpu.memory_space<vmem_shared>>
        %dma_wait3A_131 = tpu.memref_slice %arg10[%multiple_of3A] : memref<10000xf32, #tpu.memory_space<vmem_shared>> -> memref<80xf32, #tpu.memory_space<vmem_shared>>
        tpu.wait_dma2 semaphore(%run_scoped3A : memref<!tpu.dma_semaphore, #tpu.memory_space<semaphore_mem>>) src(%arg9 : memref<80xf32, #tpu.memory_space<vmem>>) dst(%dma_wait3A_131 : memref<80xf32, #tpu.memory_space<vmem_shared>>)
        tpu.yield
      }) : () -> ()
    } else {
    }
    %add3A_17 = arith.constant 32 : i32
    %add3A_18 = arith.addi %arg1, %add3A_17 : i32
    %lt3A_19 = arith.constant 125 : i32
    %lt3A_20 = arith.cmpi slt, %add3A_18, %lt3A_19 : i32
    %convert_element_type3A_21 = arith.extui %lt3A_20 : i1 to i32
    %cond3A_22 = arith.constant 0 : i32
    %cond3A_23 = arith.cmpi ne, %convert_element_type3A_21, %cond3A_22 : i32
    scf.if %cond3A_23 {
      %mul3A_128 = arith.constant 80 : i32
      %mul3A_129 = arith.muli %add3A_18, %mul3A_128 : i32
      %multiple_of3A = tpu.assume_multiple %mul3A_129, 80 : i32
      "tpu.region"() ({
        %run_scoped3A = tpu.sem_alloc : memref<!tpu.dma_semaphore, #tpu.memory_space<semaphore_mem>>
        %dma_start3A = tpu.memref_slice %arg10[%multiple_of3A] : memref<10000xf32, #tpu.memory_space<vmem_shared>> -> memref<80xf32, #tpu.memory_space<vmem_shared>>
        %dma_start3A_130 = tpu.memref_slice %arg10[%multiple_of3A] : memref<10000xf32, #tpu.memory_space<vmem_shared>> -> memref<80xf32, #tpu.memory_space<vmem_shared>>
        tpu.enqueue_dma source(%arg9 : memref<80xf32, #tpu.memory_space<vmem>>) target(%dma_start3A_130 : memref<80xf32, #tpu.memory_space<vmem_shared>>) target_semaphore(%run_scoped3A : memref<!tpu.dma_semaphore, #tpu.memory_space<semaphore_mem>>)
        %dma_wait3A = tpu.memref_slice %arg10[%multiple_of3A] : memref<10000xf32, #tpu.memory_space<vmem_shared>> -> memref<80xf32, #tpu.memory_space<vmem_shared>>
        %dma_wait3A_131 = tpu.memref_slice %arg10[%multiple_of3A] : memref<10000xf32, #tpu.memory_space<vmem_shared>> -> memref<80xf32, #tpu.memory_space<vmem_shared>>
        tpu.wait_dma2 semaphore(%run_scoped3A : memref<!tpu.dma_semaphore, #tpu.memory_space<semaphore_mem>>) src(%arg9 : memref<80xf32, #tpu.memory_space<vmem>>) dst(%dma_wait3A_131 : memref<80xf32, #tpu.memory_space<vmem_shared>>)
        tpu.yield
      }) : () -> ()
    } else {
    }
    %add3A_24 = arith.constant 48 : i32
    %add3A_25 = arith.addi %arg1, %add3A_24 : i32
    %lt3A_26 = arith.constant 125 : i32
    %lt3A_27 = arith.cmpi slt, %add3A_25, %lt3A_26 : i32
    %convert_element_type3A_28 = arith.extui %lt3A_27 : i1 to i32
    %cond3A_29 = arith.constant 0 : i32
    %cond3A_30 = arith.cmpi ne, %convert_element_type3A_28, %cond3A_29 : i32
    scf.if %cond3A_30 {
      %mul3A_128 = arith.constant 80 : i32
      %mul3A_129 = arith.muli %add3A_25, %mul3A_128 : i32
      %multiple_of3A = tpu.assume_multiple %mul3A_129, 80 : i32
      "tpu.region"() ({
        %run_scoped3A = tpu.sem_alloc : memref<!tpu.dma_semaphore, #tpu.memory_space<semaphore_mem>>
        %dma_start3A = tpu.memref_slice %arg10[%multiple_of3A] : memref<10000xf32, #tpu.memory_space<vmem_shared>> -> memref<80xf32, #tpu.memory_space<vmem_shared>>
        %dma_start3A_130 = tpu.memref_slice %arg10[%multiple_of3A] : memref<10000xf32, #tpu.memory_space<vmem_shared>> -> memref<80xf32, #tpu.memory_space<vmem_shared>>
        tpu.enqueue_dma source(%arg9 : memref<80xf32, #tpu.memory_space<vmem>>) target(%dma_start3A_130 : memref<80xf32, #tpu.memory_space<vmem_shared>>) target_semaphore(%run_scoped3A : memref<!tpu.dma_semaphore, #tpu.memory_space<semaphore_mem>>)
        %dma_wait3A = tpu.memref_slice %arg10[%multiple_of3A] : memref<10000xf32, #tpu.memory_space<vmem_shared>> -> memref<80xf32, #tpu.memory_space<vmem_shared>>
        %dma_wait3A_131 = tpu.memref_slice %arg10[%multiple_of3A] : memref<10000xf32, #tpu.memory_space<vmem_shared>> -> memref<80xf32, #tpu.memory_space<vmem_shared>>
        tpu.wait_dma2 semaphore(%run_scoped3A : memref<!tpu.dma_semaphore, #tpu.memory_space<semaphore_mem>>) src(%arg9 : memref<80xf32, #tpu.memory_space<vmem>>) dst(%dma_wait3A_131 : memref<80xf32, #tpu.memory_space<vmem_shared>>)
        tpu.yield
      }) : () -> ()
    } else {
    }
    %add3A_31 = arith.constant 64 : i32
    %add3A_32 = arith.addi %arg1, %add3A_31 : i32
    %lt3A_33 = arith.constant 125 : i32
    %lt3A_34 = arith.cmpi slt, %add3A_32, %lt3A_33 : i32
    %convert_element_type3A_35 = arith.extui %lt3A_34 : i1 to i32
    %cond3A_36 = arith.constant 0 : i32
    %cond3A_37 = arith.cmpi ne, %convert_element_type3A_35, %cond3A_36 : i32
    scf.if %cond3A_37 {
      %mul3A_128 = arith.constant 80 : i32
      %mul3A_129 = arith.muli %add3A_32, %mul3A_128 : i32
      %multiple_of3A = tpu.assume_multiple %mul3A_129, 80 : i32
      "tpu.region"() ({
        %run_scoped3A = tpu.sem_alloc : memref<!tpu.dma_semaphore, #tpu.memory_space<semaphore_mem>>
        %dma_start3A = tpu.memref_slice %arg10[%multiple_of3A] : memref<10000xf32, #tpu.memory_space<vmem_shared>> -> memref<80xf32, #tpu.memory_space<vmem_shared>>
        %dma_start3A_130 = tpu.memref_slice %arg10[%multiple_of3A] : memref<10000xf32, #tpu.memory_space<vmem_shared>> -> memref<80xf32, #tpu.memory_space<vmem_shared>>
        tpu.enqueue_dma source(%arg9 : memref<80xf32, #tpu.memory_space<vmem>>) target(%dma_start3A_130 : memref<80xf32, #tpu.memory_space<vmem_shared>>) target_semaphore(%run_scoped3A : memref<!tpu.dma_semaphore, #tpu.memory_space<semaphore_mem>>)
        %dma_wait3A = tpu.memref_slice %arg10[%multiple_of3A] : memref<10000xf32, #tpu.memory_space<vmem_shared>> -> memref<80xf32, #tpu.memory_space<vmem_shared>>
        %dma_wait3A_131 = tpu.memref_slice %arg10[%multiple_of3A] : memref<10000xf32, #tpu.memory_space<vmem_shared>> -> memref<80xf32, #tpu.memory_space<vmem_shared>>
        tpu.wait_dma2 semaphore(%run_scoped3A : memref<!tpu.dma_semaphore, #tpu.memory_space<semaphore_mem>>) src(%arg9 : memref<80xf32, #tpu.memory_space<vmem>>) dst(%dma_wait3A_131 : memref<80xf32, #tpu.memory_space<vmem_shared>>)
        tpu.yield
      }) : () -> ()
    } else {
    }
    %add3A_38 = arith.constant 80 : i32
    %add3A_39 = arith.addi %arg1, %add3A_38 : i32
    %lt3A_40 = arith.constant 125 : i32
    %lt3A_41 = arith.cmpi slt, %add3A_39, %lt3A_40 : i32
    %convert_element_type3A_42 = arith.extui %lt3A_41 : i1 to i32
    %cond3A_43 = arith.constant 0 : i32
    %cond3A_44 = arith.cmpi ne, %convert_element_type3A_42, %cond3A_43 : i32
    scf.if %cond3A_44 {
      %mul3A_128 = arith.constant 80 : i32
      %mul3A_129 = arith.muli %add3A_39, %mul3A_128 : i32
      %multiple_of3A = tpu.assume_multiple %mul3A_129, 80 : i32
      "tpu.region"() ({
        %run_scoped3A = tpu.sem_alloc : memref<!tpu.dma_semaphore, #tpu.memory_space<semaphore_mem>>
        %dma_start3A = tpu.memref_slice %arg10[%multiple_of3A] : memref<10000xf32, #tpu.memory_space<vmem_shared>> -> memref<80xf32, #tpu.memory_space<vmem_shared>>
        %dma_start3A_130 = tpu.memref_slice %arg10[%multiple_of3A] : memref<10000xf32, #tpu.memory_space<vmem_shared>> -> memref<80xf32, #tpu.memory_space<vmem_shared>>
        tpu.enqueue_dma source(%arg9 : memref<80xf32, #tpu.memory_space<vmem>>) target(%dma_start3A_130 : memref<80xf32, #tpu.memory_space<vmem_shared>>) target_semaphore(%run_scoped3A : memref<!tpu.dma_semaphore, #tpu.memory_space<semaphore_mem>>)
        %dma_wait3A = tpu.memref_slice %arg10[%multiple_of3A] : memref<10000xf32, #tpu.memory_space<vmem_shared>> -> memref<80xf32, #tpu.memory_space<vmem_shared>>
        %dma_wait3A_131 = tpu.memref_slice %arg10[%multiple_of3A] : memref<10000xf32, #tpu.memory_space<vmem_shared>> -> memref<80xf32, #tpu.memory_space<vmem_shared>>
        tpu.wait_dma2 semaphore(%run_scoped3A : memref<!tpu.dma_semaphore, #tpu.memory_space<semaphore_mem>>) src(%arg9 : memref<80xf32, #tpu.memory_space<vmem>>) dst(%dma_wait3A_131 : memref<80xf32, #tpu.memory_space<vmem_shared>>)
        tpu.yield
      }) : () -> ()
    } else {
    }
    %add3A_45 = arith.constant 96 : i32
    %add3A_46 = arith.addi %arg1, %add3A_45 : i32
    %lt3A_47 = arith.constant 125 : i32
    %lt3A_48 = arith.cmpi slt, %add3A_46, %lt3A_47 : i32
    %convert_element_type3A_49 = arith.extui %lt3A_48 : i1 to i32
    %cond3A_50 = arith.constant 0 : i32
    %cond3A_51 = arith.cmpi ne, %convert_element_type3A_49, %cond3A_50 : i32
    scf.if %cond3A_51 {
      %mul3A_128 = arith.constant 80 : i32
      %mul3A_129 = arith.muli %add3A_46, %mul3A_128 : i32
      %multiple_of3A = tpu.assume_multiple %mul3A_129, 80 : i32
      "tpu.region"() ({
        %run_scoped3A = tpu.sem_alloc : memref<!tpu.dma_semaphore, #tpu.memory_space<semaphore_mem>>
        %dma_start3A = tpu.memref_slice %arg10[%multiple_of3A] : memref<10000xf32, #tpu.memory_space<vmem_shared>> -> memref<80xf32, #tpu.memory_space<vmem_shared>>
        %dma_start3A_130 = tpu.memref_slice %arg10[%multiple_of3A] : memref<10000xf32, #tpu.memory_space<vmem_shared>> -> memref<80xf32, #tpu.memory_space<vmem_shared>>
        tpu.enqueue_dma source(%arg9 : memref<80xf32, #tpu.memory_space<vmem>>) target(%dma_start3A_130 : memref<80xf32, #tpu.memory_space<vmem_shared>>) target_semaphore(%run_scoped3A : memref<!tpu.dma_semaphore, #tpu.memory_space<semaphore_mem>>)
        %dma_wait3A = tpu.memref_slice %arg10[%multiple_of3A] : memref<10000xf32, #tpu.memory_space<vmem_shared>> -> memref<80xf32, #tpu.memory_space<vmem_shared>>
        %dma_wait3A_131 = tpu.memref_slice %arg10[%multiple_of3A] : memref<10000xf32, #tpu.memory_space<vmem_shared>> -> memref<80xf32, #tpu.memory_space<vmem_shared>>
        tpu.wait_dma2 semaphore(%run_scoped3A : memref<!tpu.dma_semaphore, #tpu.memory_space<semaphore_mem>>) src(%arg9 : memref<80xf32, #tpu.memory_space<vmem>>) dst(%dma_wait3A_131 : memref<80xf32, #tpu.memory_space<vmem_shared>>)
        tpu.yield
      }) : () -> ()
    } else {
    }
    %add3A_52 = arith.constant 112 : i32
    %add3A_53 = arith.addi %arg1, %add3A_52 : i32
    %lt3A_54 = arith.constant 125 : i32
    %lt3A_55 = arith.cmpi slt, %add3A_53, %lt3A_54 : i32
    %convert_element_type3A_56 = arith.extui %lt3A_55 : i1 to i32
    %cond3A_57 = arith.constant 0 : i32
    %cond3A_58 = arith.cmpi ne, %convert_element_type3A_56, %cond3A_57 : i32
    scf.if %cond3A_58 {
      %mul3A_128 = arith.constant 80 : i32
      %mul3A_129 = arith.muli %add3A_53, %mul3A_128 : i32
      %multiple_of3A = tpu.assume_multiple %mul3A_129, 80 : i32
      "tpu.region"() ({
        %run_scoped3A = tpu.sem_alloc : memref<!tpu.dma_semaphore, #tpu.memory_space<semaphore_mem>>
        %dma_start3A = tpu.memref_slice %arg10[%multiple_of3A] : memref<10000xf32, #tpu.memory_space<vmem_shared>> -> memref<80xf32, #tpu.memory_space<vmem_shared>>
        %dma_start3A_130 = tpu.memref_slice %arg10[%multiple_of3A] : memref<10000xf32, #tpu.memory_space<vmem_shared>> -> memref<80xf32, #tpu.memory_space<vmem_shared>>
        tpu.enqueue_dma source(%arg9 : memref<80xf32, #tpu.memory_space<vmem>>) target(%dma_start3A_130 : memref<80xf32, #tpu.memory_space<vmem_shared>>) target_semaphore(%run_scoped3A : memref<!tpu.dma_semaphore, #tpu.memory_space<semaphore_mem>>)
        %dma_wait3A = tpu.memref_slice %arg10[%multiple_of3A] : memref<10000xf32, #tpu.memory_space<vmem_shared>> -> memref<80xf32, #tpu.memory_space<vmem_shared>>
        %dma_wait3A_131 = tpu.memref_slice %arg10[%multiple_of3A] : memref<10000xf32, #tpu.memory_space<vmem_shared>> -> memref<80xf32, #tpu.memory_space<vmem_shared>>
        tpu.wait_dma2 semaphore(%run_scoped3A : memref<!tpu.dma_semaphore, #tpu.memory_space<semaphore_mem>>) src(%arg9 : memref<80xf32, #tpu.memory_space<vmem>>) dst(%dma_wait3A_131 : memref<80xf32, #tpu.memory_space<vmem_shared>>)
        tpu.yield
      }) : () -> ()
    } else {
    }
    %barrier3A = arith.constant 0 : index
    tpu.barrier barrier_id(%barrier3A)
    %scan3A_59 = arith.constant 0 : i32
    %scan3A_60 = arith.constant 0 : i32
    %scan3A_61 = arith.constant 125 : i32
    %scan3A_62 = arith.addi %scan3A_60, %scan3A_61 : i32
    %scan3A_63 = arith.constant 1 : i32
    scf.for %scan3A_128 = %scan3A_60 to %scan3A_62 step %scan3A_63  : i32 {
      %dma_start3A = arith.constant 0 : i32
      %dma_start3A_129 = tpu.memref_slice %arg7[%scan3A_128, %dma_start3A] : memref<125x80xi32, #tpu.memory_space<vmem>> -> memref<1x80xi32, #tpu.memory_space<vmem>>
      %dma_start3A_130 = tpu.memref_squeeze %dma_start3A_129 : memref<1x80xi32, #tpu.memory_space<vmem>> -> memref<80xi32, #tpu.memory_space<vmem>>
      %dma_start3A_131 = arith.constant 0 : i32
      %dma_start3A_132 = tpu.memref_slice %arg10[%dma_start3A_131] : memref<10000xf32, #tpu.memory_space<vmem_shared>> -> memref<10000xf32, #tpu.memory_space<vmem_shared>>
      tpu.enqueue_indirect_dma source(%arg8 : memref<80xf32, #tpu.memory_space<vmem>>) target(%dma_start3A_132 : memref<10000xf32, #tpu.memory_space<vmem_shared>>) offsets(%dma_start3A_130 : memref<80xi32, #tpu.memory_space<vmem>>) semaphore(%arg11 : memref<!tpu.dma_semaphore, #tpu.memory_space<semaphore_mem>>) {add = true}
    }
    %scan3A_64 = arith.constant 125 : i32
    %scan3A_65 = arith.constant 0 : i32
    %scan3A_66 = arith.constant 0 : i32
    %scan3A_67 = arith.constant 125 : i32
    %scan3A_68 = arith.addi %scan3A_66, %scan3A_67 : i32
    %scan3A_69 = arith.constant 1 : i32
    scf.for %scan3A_128 = %scan3A_66 to %scan3A_68 step %scan3A_69  : i32 {
      %dma_wait3A = arith.constant 0 : i32
      %dma_wait3A_129 = tpu.memref_slice %arg7[%scan3A_128, %dma_wait3A] : memref<125x80xi32, #tpu.memory_space<vmem>> -> memref<1x80xi32, #tpu.memory_space<vmem>>
      %dma_wait3A_130 = tpu.memref_squeeze %dma_wait3A_129 : memref<1x80xi32, #tpu.memory_space<vmem>> -> memref<80xi32, #tpu.memory_space<vmem>>
      %dma_wait3A_131 = arith.constant 0 : i32
      %dma_wait3A_132 = tpu.memref_slice %arg10[%dma_wait3A_131] : memref<10000xf32, #tpu.memory_space<vmem_shared>> -> memref<10000xf32, #tpu.memory_space<vmem_shared>>
      tpu.wait_indirect_dma semaphore(%arg11 : memref<!tpu.dma_semaphore, #tpu.memory_space<semaphore_mem>>) src(%arg8 : memref<80xf32, #tpu.memory_space<vmem>>) dst(%dma_wait3A_132 : memref<10000xf32, #tpu.memory_space<vmem_shared>>)
    }
    %scan3A_70 = arith.constant 125 : i32
    %barrier3A_71 = arith.constant 0 : index
    tpu.barrier barrier_id(%barrier3A_71)
    %add3A_72 = arith.constant 0 : i32
    %add3A_73 = arith.addi %arg1, %add3A_72 : i32
    %lt3A_74 = arith.constant 125 : i32
    %lt3A_75 = arith.cmpi slt, %add3A_73, %lt3A_74 : i32
    %convert_element_type3A_76 = arith.extui %lt3A_75 : i1 to i32
    %cond3A_77 = arith.constant 0 : i32
    %cond3A_78 = arith.cmpi ne, %convert_element_type3A_76, %cond3A_77 : i32
    scf.if %cond3A_78 {
      %mul3A_128 = arith.constant 80 : i32
      %mul3A_129 = arith.muli %add3A_73, %mul3A_128 : i32
      %multiple_of3A = tpu.assume_multiple %mul3A_129, 80 : i32
      %mul3A_130 = arith.constant 10000 : i32
      %mul3A_131 = arith.muli %arg0, %mul3A_130 : i32
      %mul3A_132 = arith.constant 80 : i32
      %mul3A_133 = arith.muli %add3A_73, %mul3A_132 : i32
      %add3A_134 = arith.addi %mul3A_131, %mul3A_133 : i32
      %multiple_of3A_135 = tpu.assume_multiple %add3A_134, 80 : i32
      "tpu.region"() ({
        %run_scoped3A = tpu.sem_alloc : memref<!tpu.dma_semaphore, #tpu.memory_space<semaphore_mem>>
        %dma_start3A = tpu.memref_slice %arg10[%multiple_of3A] : memref<10000xf32, #tpu.memory_space<vmem_shared>> -> memref<80xf32, #tpu.memory_space<vmem_shared>>
        %dma_start3A_136 = tpu.memref_slice %arg10[%multiple_of3A] : memref<10000xf32, #tpu.memory_space<vmem_shared>> -> memref<80xf32, #tpu.memory_space<vmem_shared>>
        tpu.enqueue_dma source(%dma_start3A_136 : memref<80xf32, #tpu.memory_space<vmem_shared>>) target(%arg9 : memref<80xf32, #tpu.memory_space<vmem>>) target_semaphore(%run_scoped3A : memref<!tpu.dma_semaphore, #tpu.memory_space<semaphore_mem>>)
        %dma_wait3A = tpu.memref_slice %arg10[%multiple_of3A] : memref<10000xf32, #tpu.memory_space<vmem_shared>> -> memref<80xf32, #tpu.memory_space<vmem_shared>>
        %dma_wait3A_137 = tpu.memref_slice %arg10[%multiple_of3A] : memref<10000xf32, #tpu.memory_space<vmem_shared>> -> memref<80xf32, #tpu.memory_space<vmem_shared>>
        tpu.wait_dma2 semaphore(%run_scoped3A : memref<!tpu.dma_semaphore, #tpu.memory_space<semaphore_mem>>) src(%dma_wait3A_137 : memref<80xf32, #tpu.memory_space<vmem_shared>>) dst(%arg9 : memref<80xf32, #tpu.memory_space<vmem>>)
        tpu.yield
      }) : () -> ()
      "tpu.region"() ({
        %run_scoped3A = tpu.sem_alloc : memref<!tpu.dma_semaphore, #tpu.memory_space<semaphore_mem>>
        %dma_start3A = tpu.memref_slice %arg5[%multiple_of3A_135] : memref<20000xf32, #tpu.memory_space<hbm>> -> memref<80xf32, #tpu.memory_space<hbm>>
        %dma_start3A_136 = tpu.memref_slice %arg5[%multiple_of3A_135] : memref<20000xf32, #tpu.memory_space<hbm>> -> memref<80xf32, #tpu.memory_space<hbm>>
        tpu.enqueue_dma source(%arg9 : memref<80xf32, #tpu.memory_space<vmem>>) target(%dma_start3A_136 : memref<80xf32, #tpu.memory_space<hbm>>) target_semaphore(%run_scoped3A : memref<!tpu.dma_semaphore, #tpu.memory_space<semaphore_mem>>)
        %dma_wait3A = tpu.memref_slice %arg5[%multiple_of3A_135] : memref<20000xf32, #tpu.memory_space<hbm>> -> memref<80xf32, #tpu.memory_space<hbm>>
        %dma_wait3A_137 = tpu.memref_slice %arg5[%multiple_of3A_135] : memref<20000xf32, #tpu.memory_space<hbm>> -> memref<80xf32, #tpu.memory_space<hbm>>
        tpu.wait_dma2 semaphore(%run_scoped3A : memref<!tpu.dma_semaphore, #tpu.memory_space<semaphore_mem>>) src(%arg9 : memref<80xf32, #tpu.memory_space<vmem>>) dst(%dma_wait3A_137 : memref<80xf32, #tpu.memory_space<hbm>>)
        tpu.yield
      }) : () -> ()
    } else {
    }
    %add3A_79 = arith.constant 16 : i32
    %add3A_80 = arith.addi %arg1, %add3A_79 : i32
    %lt3A_81 = arith.constant 125 : i32
    %lt3A_82 = arith.cmpi slt, %add3A_80, %lt3A_81 : i32
    %convert_element_type3A_83 = arith.extui %lt3A_82 : i1 to i32
    %cond3A_84 = arith.constant 0 : i32
    %cond3A_85 = arith.cmpi ne, %convert_element_type3A_83, %cond3A_84 : i32
    scf.if %cond3A_85 {
      %mul3A_128 = arith.constant 80 : i32
      %mul3A_129 = arith.muli %add3A_80, %mul3A_128 : i32
      %multiple_of3A = tpu.assume_multiple %mul3A_129, 80 : i32
      %mul3A_130 = arith.constant 10000 : i32
      %mul3A_131 = arith.muli %arg0, %mul3A_130 : i32
      %mul3A_132 = arith.constant 80 : i32
      %mul3A_133 = arith.muli %add3A_80, %mul3A_132 : i32
      %add3A_134 = arith.addi %mul3A_131, %mul3A_133 : i32
      %multiple_of3A_135 = tpu.assume_multiple %add3A_134, 80 : i32
      "tpu.region"() ({
        %run_scoped3A = tpu.sem_alloc : memref<!tpu.dma_semaphore, #tpu.memory_space<semaphore_mem>>
        %dma_start3A = tpu.memref_slice %arg10[%multiple_of3A] : memref<10000xf32, #tpu.memory_space<vmem_shared>> -> memref<80xf32, #tpu.memory_space<vmem_shared>>
        %dma_start3A_136 = tpu.memref_slice %arg10[%multiple_of3A] : memref<10000xf32, #tpu.memory_space<vmem_shared>> -> memref<80xf32, #tpu.memory_space<vmem_shared>>
        tpu.enqueue_dma source(%dma_start3A_136 : memref<80xf32, #tpu.memory_space<vmem_shared>>) target(%arg9 : memref<80xf32, #tpu.memory_space<vmem>>) target_semaphore(%run_scoped3A : memref<!tpu.dma_semaphore, #tpu.memory_space<semaphore_mem>>)
        %dma_wait3A = tpu.memref_slice %arg10[%multiple_of3A] : memref<10000xf32, #tpu.memory_space<vmem_shared>> -> memref<80xf32, #tpu.memory_space<vmem_shared>>
        %dma_wait3A_137 = tpu.memref_slice %arg10[%multiple_of3A] : memref<10000xf32, #tpu.memory_space<vmem_shared>> -> memref<80xf32, #tpu.memory_space<vmem_shared>>
        tpu.wait_dma2 semaphore(%run_scoped3A : memref<!tpu.dma_semaphore, #tpu.memory_space<semaphore_mem>>) src(%dma_wait3A_137 : memref<80xf32, #tpu.memory_space<vmem_shared>>) dst(%arg9 : memref<80xf32, #tpu.memory_space<vmem>>)
        tpu.yield
      }) : () -> ()
      "tpu.region"() ({
        %run_scoped3A = tpu.sem_alloc : memref<!tpu.dma_semaphore, #tpu.memory_space<semaphore_mem>>
        %dma_start3A = tpu.memref_slice %arg5[%multiple_of3A_135] : memref<20000xf32, #tpu.memory_space<hbm>> -> memref<80xf32, #tpu.memory_space<hbm>>
        %dma_start3A_136 = tpu.memref_slice %arg5[%multiple_of3A_135] : memref<20000xf32, #tpu.memory_space<hbm>> -> memref<80xf32, #tpu.memory_space<hbm>>
        tpu.enqueue_dma source(%arg9 : memref<80xf32, #tpu.memory_space<vmem>>) target(%dma_start3A_136 : memref<80xf32, #tpu.memory_space<hbm>>) target_semaphore(%run_scoped3A : memref<!tpu.dma_semaphore, #tpu.memory_space<semaphore_mem>>)
        %dma_wait3A = tpu.memref_slice %arg5[%multiple_of3A_135] : memref<20000xf32, #tpu.memory_space<hbm>> -> memref<80xf32, #tpu.memory_space<hbm>>
        %dma_wait3A_137 = tpu.memref_slice %arg5[%multiple_of3A_135] : memref<20000xf32, #tpu.memory_space<hbm>> -> memref<80xf32, #tpu.memory_space<hbm>>
        tpu.wait_dma2 semaphore(%run_scoped3A : memref<!tpu.dma_semaphore, #tpu.memory_space<semaphore_mem>>) src(%arg9 : memref<80xf32, #tpu.memory_space<vmem>>) dst(%dma_wait3A_137 : memref<80xf32, #tpu.memory_space<hbm>>)
        tpu.yield
      }) : () -> ()
    } else {
    }
    %add3A_86 = arith.constant 32 : i32
    %add3A_87 = arith.addi %arg1, %add3A_86 : i32
    %lt3A_88 = arith.constant 125 : i32
    %lt3A_89 = arith.cmpi slt, %add3A_87, %lt3A_88 : i32
    %convert_element_type3A_90 = arith.extui %lt3A_89 : i1 to i32
    %cond3A_91 = arith.constant 0 : i32
    %cond3A_92 = arith.cmpi ne, %convert_element_type3A_90, %cond3A_91 : i32
    scf.if %cond3A_92 {
      %mul3A_128 = arith.constant 80 : i32
      %mul3A_129 = arith.muli %add3A_87, %mul3A_128 : i32
      %multiple_of3A = tpu.assume_multiple %mul3A_129, 80 : i32
      %mul3A_130 = arith.constant 10000 : i32
      %mul3A_131 = arith.muli %arg0, %mul3A_130 : i32
      %mul3A_132 = arith.constant 80 : i32
      %mul3A_133 = arith.muli %add3A_87, %mul3A_132 : i32
      %add3A_134 = arith.addi %mul3A_131, %mul3A_133 : i32
      %multiple_of3A_135 = tpu.assume_multiple %add3A_134, 80 : i32
      "tpu.region"() ({
        %run_scoped3A = tpu.sem_alloc : memref<!tpu.dma_semaphore, #tpu.memory_space<semaphore_mem>>
        %dma_start3A = tpu.memref_slice %arg10[%multiple_of3A] : memref<10000xf32, #tpu.memory_space<vmem_shared>> -> memref<80xf32, #tpu.memory_space<vmem_shared>>
        %dma_start3A_136 = tpu.memref_slice %arg10[%multiple_of3A] : memref<10000xf32, #tpu.memory_space<vmem_shared>> -> memref<80xf32, #tpu.memory_space<vmem_shared>>
        tpu.enqueue_dma source(%dma_start3A_136 : memref<80xf32, #tpu.memory_space<vmem_shared>>) target(%arg9 : memref<80xf32, #tpu.memory_space<vmem>>) target_semaphore(%run_scoped3A : memref<!tpu.dma_semaphore, #tpu.memory_space<semaphore_mem>>)
        %dma_wait3A = tpu.memref_slice %arg10[%multiple_of3A] : memref<10000xf32, #tpu.memory_space<vmem_shared>> -> memref<80xf32, #tpu.memory_space<vmem_shared>>
        %dma_wait3A_137 = tpu.memref_slice %arg10[%multiple_of3A] : memref<10000xf32, #tpu.memory_space<vmem_shared>> -> memref<80xf32, #tpu.memory_space<vmem_shared>>
        tpu.wait_dma2 semaphore(%run_scoped3A : memref<!tpu.dma_semaphore, #tpu.memory_space<semaphore_mem>>) src(%dma_wait3A_137 : memref<80xf32, #tpu.memory_space<vmem_shared>>) dst(%arg9 : memref<80xf32, #tpu.memory_space<vmem>>)
        tpu.yield
      }) : () -> ()
      "tpu.region"() ({
        %run_scoped3A = tpu.sem_alloc : memref<!tpu.dma_semaphore, #tpu.memory_space<semaphore_mem>>
        %dma_start3A = tpu.memref_slice %arg5[%multiple_of3A_135] : memref<20000xf32, #tpu.memory_space<hbm>> -> memref<80xf32, #tpu.memory_space<hbm>>
        %dma_start3A_136 = tpu.memref_slice %arg5[%multiple_of3A_135] : memref<20000xf32, #tpu.memory_space<hbm>> -> memref<80xf32, #tpu.memory_space<hbm>>
        tpu.enqueue_dma source(%arg9 : memref<80xf32, #tpu.memory_space<vmem>>) target(%dma_start3A_136 : memref<80xf32, #tpu.memory_space<hbm>>) target_semaphore(%run_scoped3A : memref<!tpu.dma_semaphore, #tpu.memory_space<semaphore_mem>>)
        %dma_wait3A = tpu.memref_slice %arg5[%multiple_of3A_135] : memref<20000xf32, #tpu.memory_space<hbm>> -> memref<80xf32, #tpu.memory_space<hbm>>
        %dma_wait3A_137 = tpu.memref_slice %arg5[%multiple_of3A_135] : memref<20000xf32, #tpu.memory_space<hbm>> -> memref<80xf32, #tpu.memory_space<hbm>>
        tpu.wait_dma2 semaphore(%run_scoped3A : memref<!tpu.dma_semaphore, #tpu.memory_space<semaphore_mem>>) src(%arg9 : memref<80xf32, #tpu.memory_space<vmem>>) dst(%dma_wait3A_137 : memref<80xf32, #tpu.memory_space<hbm>>)
        tpu.yield
      }) : () -> ()
    } else {
    }
    %add3A_93 = arith.constant 48 : i32
    %add3A_94 = arith.addi %arg1, %add3A_93 : i32
    %lt3A_95 = arith.constant 125 : i32
    %lt3A_96 = arith.cmpi slt, %add3A_94, %lt3A_95 : i32
    %convert_element_type3A_97 = arith.extui %lt3A_96 : i1 to i32
    %cond3A_98 = arith.constant 0 : i32
    %cond3A_99 = arith.cmpi ne, %convert_element_type3A_97, %cond3A_98 : i32
    scf.if %cond3A_99 {
      %mul3A_128 = arith.constant 80 : i32
      %mul3A_129 = arith.muli %add3A_94, %mul3A_128 : i32
      %multiple_of3A = tpu.assume_multiple %mul3A_129, 80 : i32
      %mul3A_130 = arith.constant 10000 : i32
      %mul3A_131 = arith.muli %arg0, %mul3A_130 : i32
      %mul3A_132 = arith.constant 80 : i32
      %mul3A_133 = arith.muli %add3A_94, %mul3A_132 : i32
      %add3A_134 = arith.addi %mul3A_131, %mul3A_133 : i32
      %multiple_of3A_135 = tpu.assume_multiple %add3A_134, 80 : i32
      "tpu.region"() ({
        %run_scoped3A = tpu.sem_alloc : memref<!tpu.dma_semaphore, #tpu.memory_space<semaphore_mem>>
        %dma_start3A = tpu.memref_slice %arg10[%multiple_of3A] : memref<10000xf32, #tpu.memory_space<vmem_shared>> -> memref<80xf32, #tpu.memory_space<vmem_shared>>
        %dma_start3A_136 = tpu.memref_slice %arg10[%multiple_of3A] : memref<10000xf32, #tpu.memory_space<vmem_shared>> -> memref<80xf32, #tpu.memory_space<vmem_shared>>
        tpu.enqueue_dma source(%dma_start3A_136 : memref<80xf32, #tpu.memory_space<vmem_shared>>) target(%arg9 : memref<80xf32, #tpu.memory_space<vmem>>) target_semaphore(%run_scoped3A : memref<!tpu.dma_semaphore, #tpu.memory_space<semaphore_mem>>)
        %dma_wait3A = tpu.memref_slice %arg10[%multiple_of3A] : memref<10000xf32, #tpu.memory_space<vmem_shared>> -> memref<80xf32, #tpu.memory_space<vmem_shared>>
        %dma_wait3A_137 = tpu.memref_slice %arg10[%multiple_of3A] : memref<10000xf32, #tpu.memory_space<vmem_shared>> -> memref<80xf32, #tpu.memory_space<vmem_shared>>
        tpu.wait_dma2 semaphore(%run_scoped3A : memref<!tpu.dma_semaphore, #tpu.memory_space<semaphore_mem>>) src(%dma_wait3A_137 : memref<80xf32, #tpu.memory_space<vmem_shared>>) dst(%arg9 : memref<80xf32, #tpu.memory_space<vmem>>)
        tpu.yield
      }) : () -> ()
      "tpu.region"() ({
        %run_scoped3A = tpu.sem_alloc : memref<!tpu.dma_semaphore, #tpu.memory_space<semaphore_mem>>
        %dma_start3A = tpu.memref_slice %arg5[%multiple_of3A_135] : memref<20000xf32, #tpu.memory_space<hbm>> -> memref<80xf32, #tpu.memory_space<hbm>>
        %dma_start3A_136 = tpu.memref_slice %arg5[%multiple_of3A_135] : memref<20000xf32, #tpu.memory_space<hbm>> -> memref<80xf32, #tpu.memory_space<hbm>>
        tpu.enqueue_dma source(%arg9 : memref<80xf32, #tpu.memory_space<vmem>>) target(%dma_start3A_136 : memref<80xf32, #tpu.memory_space<hbm>>) target_semaphore(%run_scoped3A : memref<!tpu.dma_semaphore, #tpu.memory_space<semaphore_mem>>)
        %dma_wait3A = tpu.memref_slice %arg5[%multiple_of3A_135] : memref<20000xf32, #tpu.memory_space<hbm>> -> memref<80xf32, #tpu.memory_space<hbm>>
        %dma_wait3A_137 = tpu.memref_slice %arg5[%multiple_of3A_135] : memref<20000xf32, #tpu.memory_space<hbm>> -> memref<80xf32, #tpu.memory_space<hbm>>
        tpu.wait_dma2 semaphore(%run_scoped3A : memref<!tpu.dma_semaphore, #tpu.memory_space<semaphore_mem>>) src(%arg9 : memref<80xf32, #tpu.memory_space<vmem>>) dst(%dma_wait3A_137 : memref<80xf32, #tpu.memory_space<hbm>>)
        tpu.yield
      }) : () -> ()
    } else {
    }
    %add3A_100 = arith.constant 64 : i32
    %add3A_101 = arith.addi %arg1, %add3A_100 : i32
    %lt3A_102 = arith.constant 125 : i32
    %lt3A_103 = arith.cmpi slt, %add3A_101, %lt3A_102 : i32
    %convert_element_type3A_104 = arith.extui %lt3A_103 : i1 to i32
    %cond3A_105 = arith.constant 0 : i32
    %cond3A_106 = arith.cmpi ne, %convert_element_type3A_104, %cond3A_105 : i32
    scf.if %cond3A_106 {
      %mul3A_128 = arith.constant 80 : i32
      %mul3A_129 = arith.muli %add3A_101, %mul3A_128 : i32
      %multiple_of3A = tpu.assume_multiple %mul3A_129, 80 : i32
      %mul3A_130 = arith.constant 10000 : i32
      %mul3A_131 = arith.muli %arg0, %mul3A_130 : i32
      %mul3A_132 = arith.constant 80 : i32
      %mul3A_133 = arith.muli %add3A_101, %mul3A_132 : i32
      %add3A_134 = arith.addi %mul3A_131, %mul3A_133 : i32
      %multiple_of3A_135 = tpu.assume_multiple %add3A_134, 80 : i32
      "tpu.region"() ({
        %run_scoped3A = tpu.sem_alloc : memref<!tpu.dma_semaphore, #tpu.memory_space<semaphore_mem>>
        %dma_start3A = tpu.memref_slice %arg10[%multiple_of3A] : memref<10000xf32, #tpu.memory_space<vmem_shared>> -> memref<80xf32, #tpu.memory_space<vmem_shared>>
        %dma_start3A_136 = tpu.memref_slice %arg10[%multiple_of3A] : memref<10000xf32, #tpu.memory_space<vmem_shared>> -> memref<80xf32, #tpu.memory_space<vmem_shared>>
        tpu.enqueue_dma source(%dma_start3A_136 : memref<80xf32, #tpu.memory_space<vmem_shared>>) target(%arg9 : memref<80xf32, #tpu.memory_space<vmem>>) target_semaphore(%run_scoped3A : memref<!tpu.dma_semaphore, #tpu.memory_space<semaphore_mem>>)
        %dma_wait3A = tpu.memref_slice %arg10[%multiple_of3A] : memref<10000xf32, #tpu.memory_space<vmem_shared>> -> memref<80xf32, #tpu.memory_space<vmem_shared>>
        %dma_wait3A_137 = tpu.memref_slice %arg10[%multiple_of3A] : memref<10000xf32, #tpu.memory_space<vmem_shared>> -> memref<80xf32, #tpu.memory_space<vmem_shared>>
        tpu.wait_dma2 semaphore(%run_scoped3A : memref<!tpu.dma_semaphore, #tpu.memory_space<semaphore_mem>>) src(%dma_wait3A_137 : memref<80xf32, #tpu.memory_space<vmem_shared>>) dst(%arg9 : memref<80xf32, #tpu.memory_space<vmem>>)
        tpu.yield
      }) : () -> ()
      "tpu.region"() ({
        %run_scoped3A = tpu.sem_alloc : memref<!tpu.dma_semaphore, #tpu.memory_space<semaphore_mem>>
        %dma_start3A = tpu.memref_slice %arg5[%multiple_of3A_135] : memref<20000xf32, #tpu.memory_space<hbm>> -> memref<80xf32, #tpu.memory_space<hbm>>
        %dma_start3A_136 = tpu.memref_slice %arg5[%multiple_of3A_135] : memref<20000xf32, #tpu.memory_space<hbm>> -> memref<80xf32, #tpu.memory_space<hbm>>
        tpu.enqueue_dma source(%arg9 : memref<80xf32, #tpu.memory_space<vmem>>) target(%dma_start3A_136 : memref<80xf32, #tpu.memory_space<hbm>>) target_semaphore(%run_scoped3A : memref<!tpu.dma_semaphore, #tpu.memory_space<semaphore_mem>>)
        %dma_wait3A = tpu.memref_slice %arg5[%multiple_of3A_135] : memref<20000xf32, #tpu.memory_space<hbm>> -> memref<80xf32, #tpu.memory_space<hbm>>
        %dma_wait3A_137 = tpu.memref_slice %arg5[%multiple_of3A_135] : memref<20000xf32, #tpu.memory_space<hbm>> -> memref<80xf32, #tpu.memory_space<hbm>>
        tpu.wait_dma2 semaphore(%run_scoped3A : memref<!tpu.dma_semaphore, #tpu.memory_space<semaphore_mem>>) src(%arg9 : memref<80xf32, #tpu.memory_space<vmem>>) dst(%dma_wait3A_137 : memref<80xf32, #tpu.memory_space<hbm>>)
        tpu.yield
      }) : () -> ()
    } else {
    }
    %add3A_107 = arith.constant 80 : i32
    %add3A_108 = arith.addi %arg1, %add3A_107 : i32
    %lt3A_109 = arith.constant 125 : i32
    %lt3A_110 = arith.cmpi slt, %add3A_108, %lt3A_109 : i32
    %convert_element_type3A_111 = arith.extui %lt3A_110 : i1 to i32
    %cond3A_112 = arith.constant 0 : i32
    %cond3A_113 = arith.cmpi ne, %convert_element_type3A_111, %cond3A_112 : i32
    scf.if %cond3A_113 {
      %mul3A_128 = arith.constant 80 : i32
      %mul3A_129 = arith.muli %add3A_108, %mul3A_128 : i32
      %multiple_of3A = tpu.assume_multiple %mul3A_129, 80 : i32
      %mul3A_130 = arith.constant 10000 : i32
      %mul3A_131 = arith.muli %arg0, %mul3A_130 : i32
      %mul3A_132 = arith.constant 80 : i32
      %mul3A_133 = arith.muli %add3A_108, %mul3A_132 : i32
      %add3A_134 = arith.addi %mul3A_131, %mul3A_133 : i32
      %multiple_of3A_135 = tpu.assume_multiple %add3A_134, 80 : i32
      "tpu.region"() ({
        %run_scoped3A = tpu.sem_alloc : memref<!tpu.dma_semaphore, #tpu.memory_space<semaphore_mem>>
        %dma_start3A = tpu.memref_slice %arg10[%multiple_of3A] : memref<10000xf32, #tpu.memory_space<vmem_shared>> -> memref<80xf32, #tpu.memory_space<vmem_shared>>
        %dma_start3A_136 = tpu.memref_slice %arg10[%multiple_of3A] : memref<10000xf32, #tpu.memory_space<vmem_shared>> -> memref<80xf32, #tpu.memory_space<vmem_shared>>
        tpu.enqueue_dma source(%dma_start3A_136 : memref<80xf32, #tpu.memory_space<vmem_shared>>) target(%arg9 : memref<80xf32, #tpu.memory_space<vmem>>) target_semaphore(%run_scoped3A : memref<!tpu.dma_semaphore, #tpu.memory_space<semaphore_mem>>)
        %dma_wait3A = tpu.memref_slice %arg10[%multiple_of3A] : memref<10000xf32, #tpu.memory_space<vmem_shared>> -> memref<80xf32, #tpu.memory_space<vmem_shared>>
        %dma_wait3A_137 = tpu.memref_slice %arg10[%multiple_of3A] : memref<10000xf32, #tpu.memory_space<vmem_shared>> -> memref<80xf32, #tpu.memory_space<vmem_shared>>
        tpu.wait_dma2 semaphore(%run_scoped3A : memref<!tpu.dma_semaphore, #tpu.memory_space<semaphore_mem>>) src(%dma_wait3A_137 : memref<80xf32, #tpu.memory_space<vmem_shared>>) dst(%arg9 : memref<80xf32, #tpu.memory_space<vmem>>)
        tpu.yield
      }) : () -> ()
      "tpu.region"() ({
        %run_scoped3A = tpu.sem_alloc : memref<!tpu.dma_semaphore, #tpu.memory_space<semaphore_mem>>
        %dma_start3A = tpu.memref_slice %arg5[%multiple_of3A_135] : memref<20000xf32, #tpu.memory_space<hbm>> -> memref<80xf32, #tpu.memory_space<hbm>>
        %dma_start3A_136 = tpu.memref_slice %arg5[%multiple_of3A_135] : memref<20000xf32, #tpu.memory_space<hbm>> -> memref<80xf32, #tpu.memory_space<hbm>>
        tpu.enqueue_dma source(%arg9 : memref<80xf32, #tpu.memory_space<vmem>>) target(%dma_start3A_136 : memref<80xf32, #tpu.memory_space<hbm>>) target_semaphore(%run_scoped3A : memref<!tpu.dma_semaphore, #tpu.memory_space<semaphore_mem>>)
        %dma_wait3A = tpu.memref_slice %arg5[%multiple_of3A_135] : memref<20000xf32, #tpu.memory_space<hbm>> -> memref<80xf32, #tpu.memory_space<hbm>>
        %dma_wait3A_137 = tpu.memref_slice %arg5[%multiple_of3A_135] : memref<20000xf32, #tpu.memory_space<hbm>> -> memref<80xf32, #tpu.memory_space<hbm>>
        tpu.wait_dma2 semaphore(%run_scoped3A : memref<!tpu.dma_semaphore, #tpu.memory_space<semaphore_mem>>) src(%arg9 : memref<80xf32, #tpu.memory_space<vmem>>) dst(%dma_wait3A_137 : memref<80xf32, #tpu.memory_space<hbm>>)
        tpu.yield
      }) : () -> ()
    } else {
    }
    %add3A_114 = arith.constant 96 : i32
    %add3A_115 = arith.addi %arg1, %add3A_114 : i32
    %lt3A_116 = arith.constant 125 : i32
    %lt3A_117 = arith.cmpi slt, %add3A_115, %lt3A_116 : i32
    %convert_element_type3A_118 = arith.extui %lt3A_117 : i1 to i32
    %cond3A_119 = arith.constant 0 : i32
    %cond3A_120 = arith.cmpi ne, %convert_element_type3A_118, %cond3A_119 : i32
    scf.if %cond3A_120 {
      %mul3A_128 = arith.constant 80 : i32
      %mul3A_129 = arith.muli %add3A_115, %mul3A_128 : i32
      %multiple_of3A = tpu.assume_multiple %mul3A_129, 80 : i32
      %mul3A_130 = arith.constant 10000 : i32
      %mul3A_131 = arith.muli %arg0, %mul3A_130 : i32
      %mul3A_132 = arith.constant 80 : i32
      %mul3A_133 = arith.muli %add3A_115, %mul3A_132 : i32
      %add3A_134 = arith.addi %mul3A_131, %mul3A_133 : i32
      %multiple_of3A_135 = tpu.assume_multiple %add3A_134, 80 : i32
      "tpu.region"() ({
        %run_scoped3A = tpu.sem_alloc : memref<!tpu.dma_semaphore, #tpu.memory_space<semaphore_mem>>
        %dma_start3A = tpu.memref_slice %arg10[%multiple_of3A] : memref<10000xf32, #tpu.memory_space<vmem_shared>> -> memref<80xf32, #tpu.memory_space<vmem_shared>>
        %dma_start3A_136 = tpu.memref_slice %arg10[%multiple_of3A] : memref<10000xf32, #tpu.memory_space<vmem_shared>> -> memref<80xf32, #tpu.memory_space<vmem_shared>>
        tpu.enqueue_dma source(%dma_start3A_136 : memref<80xf32, #tpu.memory_space<vmem_shared>>) target(%arg9 : memref<80xf32, #tpu.memory_space<vmem>>) target_semaphore(%run_scoped3A : memref<!tpu.dma_semaphore, #tpu.memory_space<semaphore_mem>>)
        %dma_wait3A = tpu.memref_slice %arg10[%multiple_of3A] : memref<10000xf32, #tpu.memory_space<vmem_shared>> -> memref<80xf32, #tpu.memory_space<vmem_shared>>
        %dma_wait3A_137 = tpu.memref_slice %arg10[%multiple_of3A] : memref<10000xf32, #tpu.memory_space<vmem_shared>> -> memref<80xf32, #tpu.memory_space<vmem_shared>>
        tpu.wait_dma2 semaphore(%run_scoped3A : memref<!tpu.dma_semaphore, #tpu.memory_space<semaphore_mem>>) src(%dma_wait3A_137 : memref<80xf32, #tpu.memory_space<vmem_shared>>) dst(%arg9 : memref<80xf32, #tpu.memory_space<vmem>>)
        tpu.yield
      }) : () -> ()
      "tpu.region"() ({
        %run_scoped3A = tpu.sem_alloc : memref<!tpu.dma_semaphore, #tpu.memory_space<semaphore_mem>>
        %dma_start3A = tpu.memref_slice %arg5[%multiple_of3A_135] : memref<20000xf32, #tpu.memory_space<hbm>> -> memref<80xf32, #tpu.memory_space<hbm>>
        %dma_start3A_136 = tpu.memref_slice %arg5[%multiple_of3A_135] : memref<20000xf32, #tpu.memory_space<hbm>> -> memref<80xf32, #tpu.memory_space<hbm>>
        tpu.enqueue_dma source(%arg9 : memref<80xf32, #tpu.memory_space<vmem>>) target(%dma_start3A_136 : memref<80xf32, #tpu.memory_space<hbm>>) target_semaphore(%run_scoped3A : memref<!tpu.dma_semaphore, #tpu.memory_space<semaphore_mem>>)
        %dma_wait3A = tpu.memref_slice %arg5[%multiple_of3A_135] : memref<20000xf32, #tpu.memory_space<hbm>> -> memref<80xf32, #tpu.memory_space<hbm>>
        %dma_wait3A_137 = tpu.memref_slice %arg5[%multiple_of3A_135] : memref<20000xf32, #tpu.memory_space<hbm>> -> memref<80xf32, #tpu.memory_space<hbm>>
        tpu.wait_dma2 semaphore(%run_scoped3A : memref<!tpu.dma_semaphore, #tpu.memory_space<semaphore_mem>>) src(%arg9 : memref<80xf32, #tpu.memory_space<vmem>>) dst(%dma_wait3A_137 : memref<80xf32, #tpu.memory_space<hbm>>)
        tpu.yield
      }) : () -> ()
    } else {
    }
    %add3A_121 = arith.constant 112 : i32
    %add3A_122 = arith.addi %arg1, %add3A_121 : i32
    %lt3A_123 = arith.constant 125 : i32
    %lt3A_124 = arith.cmpi slt, %add3A_122, %lt3A_123 : i32
    %convert_element_type3A_125 = arith.extui %lt3A_124 : i1 to i32
    %cond3A_126 = arith.constant 0 : i32
    %cond3A_127 = arith.cmpi ne, %convert_element_type3A_125, %cond3A_126 : i32
    scf.if %cond3A_127 {
      %mul3A_128 = arith.constant 80 : i32
      %mul3A_129 = arith.muli %add3A_122, %mul3A_128 : i32
      %multiple_of3A = tpu.assume_multiple %mul3A_129, 80 : i32
      %mul3A_130 = arith.constant 10000 : i32
      %mul3A_131 = arith.muli %arg0, %mul3A_130 : i32
      %mul3A_132 = arith.constant 80 : i32
      %mul3A_133 = arith.muli %add3A_122, %mul3A_132 : i32
      %add3A_134 = arith.addi %mul3A_131, %mul3A_133 : i32
      %multiple_of3A_135 = tpu.assume_multiple %add3A_134, 80 : i32
      "tpu.region"() ({
        %run_scoped3A = tpu.sem_alloc : memref<!tpu.dma_semaphore, #tpu.memory_space<semaphore_mem>>
        %dma_start3A = tpu.memref_slice %arg10[%multiple_of3A] : memref<10000xf32, #tpu.memory_space<vmem_shared>> -> memref<80xf32, #tpu.memory_space<vmem_shared>>
        %dma_start3A_136 = tpu.memref_slice %arg10[%multiple_of3A] : memref<10000xf32, #tpu.memory_space<vmem_shared>> -> memref<80xf32, #tpu.memory_space<vmem_shared>>
        tpu.enqueue_dma source(%dma_start3A_136 : memref<80xf32, #tpu.memory_space<vmem_shared>>) target(%arg9 : memref<80xf32, #tpu.memory_space<vmem>>) target_semaphore(%run_scoped3A : memref<!tpu.dma_semaphore, #tpu.memory_space<semaphore_mem>>)
        %dma_wait3A = tpu.memref_slice %arg10[%multiple_of3A] : memref<10000xf32, #tpu.memory_space<vmem_shared>> -> memref<80xf32, #tpu.memory_space<vmem_shared>>
        %dma_wait3A_137 = tpu.memref_slice %arg10[%multiple_of3A] : memref<10000xf32, #tpu.memory_space<vmem_shared>> -> memref<80xf32, #tpu.memory_space<vmem_shared>>
        tpu.wait_dma2 semaphore(%run_scoped3A : memref<!tpu.dma_semaphore, #tpu.memory_space<semaphore_mem>>) src(%dma_wait3A_137 : memref<80xf32, #tpu.memory_space<vmem_shared>>) dst(%arg9 : memref<80xf32, #tpu.memory_space<vmem>>)
        tpu.yield
      }) : () -> ()
      "tpu.region"() ({
        %run_scoped3A = tpu.sem_alloc : memref<!tpu.dma_semaphore, #tpu.memory_space<semaphore_mem>>
        %dma_start3A = tpu.memref_slice %arg5[%multiple_of3A_135] : memref<20000xf32, #tpu.memory_space<hbm>> -> memref<80xf32, #tpu.memory_space<hbm>>
        %dma_start3A_136 = tpu.memref_slice %arg5[%multiple_of3A_135] : memref<20000xf32, #tpu.memory_space<hbm>> -> memref<80xf32, #tpu.memory_space<hbm>>
        tpu.enqueue_dma source(%arg9 : memref<80xf32, #tpu.memory_space<vmem>>) target(%dma_start3A_136 : memref<80xf32, #tpu.memory_space<hbm>>) target_semaphore(%run_scoped3A : memref<!tpu.dma_semaphore, #tpu.memory_space<semaphore_mem>>)
        %dma_wait3A = tpu.memref_slice %arg5[%multiple_of3A_135] : memref<20000xf32, #tpu.memory_space<hbm>> -> memref<80xf32, #tpu.memory_space<hbm>>
        %dma_wait3A_137 = tpu.memref_slice %arg5[%multiple_of3A_135] : memref<20000xf32, #tpu.memory_space<hbm>> -> memref<80xf32, #tpu.memory_space<hbm>>
        tpu.wait_dma2 semaphore(%run_scoped3A : memref<!tpu.dma_semaphore, #tpu.memory_space<semaphore_mem>>) src(%arg9 : memref<80xf32, #tpu.memory_space<vmem>>) dst(%dma_wait3A_137 : memref<80xf32, #tpu.memory_space<hbm>>)
        tpu.yield
      }) : () -> ()
    } else {
    }
    return
  }
}

#map = affine_map<(d0, d1) -> (0, 0)>
#map1 = affine_map<(d0, d1) -> (0, 0, 0)>
module attributes {stable_mosaic.version = 14 : i64} {
  func.func @_scatter_body(%arg0: i32, %arg1: i32, %arg2: memref<10000x128xf32, #tpu.memory_space<hbm>>, %arg3: memref<32x125x80xi32, #tpu.memory_space<hbm>>, %arg4: memref<2x10000x128xf32, #tpu.memory_space<hbm>>, %arg5: memref<125x80xi32, #tpu.memory_space<vmem>>, %arg6: memref<80xi32, #tpu.memory_space<vmem>>, %arg7: memref<80xi32, #tpu.memory_space<vmem>>, %arg8: memref<80xi32, #tpu.memory_space<vmem>>, %arg9: memref<80xi32, #tpu.memory_space<vmem>>, %arg10: memref<80xi32, #tpu.memory_space<vmem>>, %arg11: memref<80xi32, #tpu.memory_space<vmem>>, %arg12: memref<80x128xf32, #tpu.memory_space<vmem>>, %arg13: memref<80x128xf32, #tpu.memory_space<vmem>>, %arg14: memref<80x128xf32, #tpu.memory_space<vmem>>, %arg15: memref<10000x128xf32, #tpu.memory_space<vmem_shared>>, %arg16: memref<!tpu.dma_semaphore, #tpu.memory_space<semaphore_mem>>, %arg17: memref<!tpu.dma_semaphore, #tpu.memory_space<semaphore_mem>>, %arg18: memref<!tpu.dma_semaphore, #tpu.memory_space<semaphore_mem>>, %arg19: memref<!tpu.dma_semaphore, #tpu.memory_space<semaphore_mem>>, %arg20: memref<!tpu.dma_semaphore, #tpu.memory_space<semaphore_mem>>, %arg21: memref<!tpu.dma_semaphore, #tpu.memory_space<semaphore_mem>>) attributes {dimension_semantics = [#tpu.dimension_semantics<core_parallel>, #tpu.dimension_semantics<subcore_parallel>], iteration_bounds = array<i64: 2, 16>, scalar_prefetch = 0 : i64, scratch_operands = 17 : i64, tpu.core_type = #tpu.core_type<sc_vector_subcore>, window_params = [{transform_indices = #map}, {transform_indices = #map1}, {transform_indices = #map1}]} {
    %mul3A = arith.constant 2 : i32
    %mul3A_0 = arith.muli %arg1, %mul3A : i32
    %add3A = arith.addi %mul3A_0, %arg0 : i32
    "tpu.region"() ({
      %run_scoped3A = tpu.sem_alloc : memref<!tpu.dma_semaphore, #tpu.memory_space<semaphore_mem>>
      %dma_start3A_819 = arith.constant 0 : i32
      %dma_start3A_820 = arith.constant 0 : i32
      %dma_start3A_821 = tpu.memref_slice %arg3[%add3A, %dma_start3A_819, %dma_start3A_820] : memref<32x125x80xi32, #tpu.memory_space<hbm>> -> memref<1x125x80xi32, #tpu.memory_space<hbm>>
      %dma_start3A_822 = tpu.memref_squeeze %dma_start3A_821 : memref<1x125x80xi32, #tpu.memory_space<hbm>> -> memref<125x80xi32, #tpu.memory_space<hbm>>
      %dma_start3A_823 = arith.constant 0 : i32
      %dma_start3A_824 = arith.constant 0 : i32
      %dma_start3A_825 = tpu.memref_slice %arg3[%add3A, %dma_start3A_823, %dma_start3A_824] : memref<32x125x80xi32, #tpu.memory_space<hbm>> -> memref<1x125x80xi32, #tpu.memory_space<hbm>>
      %dma_start3A_826 = tpu.memref_squeeze %dma_start3A_825 : memref<1x125x80xi32, #tpu.memory_space<hbm>> -> memref<125x80xi32, #tpu.memory_space<hbm>>
      tpu.enqueue_dma source(%dma_start3A_826 : memref<125x80xi32, #tpu.memory_space<hbm>>) target(%arg5 : memref<125x80xi32, #tpu.memory_space<vmem>>) target_semaphore(%run_scoped3A : memref<!tpu.dma_semaphore, #tpu.memory_space<semaphore_mem>>)
      %dma_wait3A_827 = arith.constant 0 : i32
      %dma_wait3A_828 = arith.constant 0 : i32
      %dma_wait3A_829 = tpu.memref_slice %arg3[%add3A, %dma_wait3A_827, %dma_wait3A_828] : memref<32x125x80xi32, #tpu.memory_space<hbm>> -> memref<1x125x80xi32, #tpu.memory_space<hbm>>
      %dma_wait3A_830 = tpu.memref_squeeze %dma_wait3A_829 : memref<1x125x80xi32, #tpu.memory_space<hbm>> -> memref<125x80xi32, #tpu.memory_space<hbm>>
      %dma_wait3A_831 = arith.constant 0 : i32
      %dma_wait3A_832 = arith.constant 0 : i32
      %dma_wait3A_833 = tpu.memref_slice %arg3[%add3A, %dma_wait3A_831, %dma_wait3A_832] : memref<32x125x80xi32, #tpu.memory_space<hbm>> -> memref<1x125x80xi32, #tpu.memory_space<hbm>>
      %dma_wait3A_834 = tpu.memref_squeeze %dma_wait3A_833 : memref<1x125x80xi32, #tpu.memory_space<hbm>> -> memref<125x80xi32, #tpu.memory_space<hbm>>
      tpu.wait_dma2 semaphore(%run_scoped3A : memref<!tpu.dma_semaphore, #tpu.memory_space<semaphore_mem>>) src(%dma_wait3A_834 : memref<125x80xi32, #tpu.memory_space<hbm>>) dst(%arg5 : memref<125x80xi32, #tpu.memory_space<vmem>>)
      tpu.yield
    }) : () -> ()
    %scan3A = arith.constant 0 : i32
    %scan3A_1 = arith.constant 0 : i32
    %scan3A_2 = arith.constant 80 : i32
    %scan3A_3 = arith.addi %scan3A_1, %scan3A_2 : i32
    %scan3A_4 = arith.constant 1 : i32
    scf.for %scan3A_819 = %scan3A_1 to %scan3A_3 step %scan3A_4  : i32 {
      %broadcast_in_dim3A = arith.constant 0.000000e+00 : f32
      %broadcast_in_dim3A_820 = vector.broadcast %broadcast_in_dim3A : f32 to vector<16xf32>
      %swap3A_821 = arith.index_cast %scan3A_819 : i32 to index
      %swap3A_822 = arith.constant 0 : index
      %swap3A_823 = tpu.vector_load %arg12[%swap3A_821, %swap3A_822] {strides = array<i32>} : memref<80x128xf32, #tpu.memory_space<vmem>>, vector<1x16xf32>,
      %swap3A_824 = vector.shape_cast %swap3A_823 : vector<1x16xf32> to vector<16xf32>
      %swap3A_825 = vector.shape_cast %broadcast_in_dim3A_820 : vector<16xf32> to vector<1x16xf32>
      tpu.vector_store %arg12[%swap3A_821, %swap3A_822], %swap3A_825 {strides = array<i32>} : memref<80x128xf32, #tpu.memory_space<vmem>>, vector<1x16xf32>,
      %broadcast_in_dim3A_826 = arith.constant 0.000000e+00 : f32
      %broadcast_in_dim3A_827 = vector.broadcast %broadcast_in_dim3A_826 : f32 to vector<16xf32>
      %swap3A_828 = arith.index_cast %scan3A_819 : i32 to index
      %swap3A_829 = arith.constant 16 : index
      %swap3A_830 = tpu.vector_load %arg12[%swap3A_828, %swap3A_829] {strides = array<i32>} : memref<80x128xf32, #tpu.memory_space<vmem>>, vector<1x16xf32>,
      %swap3A_831 = vector.shape_cast %swap3A_830 : vector<1x16xf32> to vector<16xf32>
      %swap3A_832 = vector.shape_cast %broadcast_in_dim3A_827 : vector<16xf32> to vector<1x16xf32>
      tpu.vector_store %arg12[%swap3A_828, %swap3A_829], %swap3A_832 {strides = array<i32>} : memref<80x128xf32, #tpu.memory_space<vmem>>, vector<1x16xf32>,
      %broadcast_in_dim3A_833 = arith.constant 0.000000e+00 : f32
      %broadcast_in_dim3A_834 = vector.broadcast %broadcast_in_dim3A_833 : f32 to vector<16xf32>
      %swap3A_835 = arith.index_cast %scan3A_819 : i32 to index
      %swap3A_836 = arith.constant 32 : index
      %swap3A_837 = tpu.vector_load %arg12[%swap3A_835, %swap3A_836] {strides = array<i32>} : memref<80x128xf32, #tpu.memory_space<vmem>>, vector<1x16xf32>,
      %swap3A_838 = vector.shape_cast %swap3A_837 : vector<1x16xf32> to vector<16xf32>
      %swap3A_839 = vector.shape_cast %broadcast_in_dim3A_834 : vector<16xf32> to vector<1x16xf32>
      tpu.vector_store %arg12[%swap3A_835, %swap3A_836], %swap3A_839 {strides = array<i32>} : memref<80x128xf32, #tpu.memory_space<vmem>>, vector<1x16xf32>,
      %broadcast_in_dim3A_840 = arith.constant 0.000000e+00 : f32
      %broadcast_in_dim3A_841 = vector.broadcast %broadcast_in_dim3A_840 : f32 to vector<16xf32>
      %swap3A_842 = arith.index_cast %scan3A_819 : i32 to index
      %swap3A_843 = arith.constant 48 : index
      %swap3A_844 = tpu.vector_load %arg12[%swap3A_842, %swap3A_843] {strides = array<i32>} : memref<80x128xf32, #tpu.memory_space<vmem>>, vector<1x16xf32>,
      %swap3A_845 = vector.shape_cast %swap3A_844 : vector<1x16xf32> to vector<16xf32>
      %swap3A_846 = vector.shape_cast %broadcast_in_dim3A_841 : vector<16xf32> to vector<1x16xf32>
      tpu.vector_store %arg12[%swap3A_842, %swap3A_843], %swap3A_846 {strides = array<i32>} : memref<80x128xf32, #tpu.memory_space<vmem>>, vector<1x16xf32>,
      %broadcast_in_dim3A_847 = arith.constant 0.000000e+00 : f32
      %broadcast_in_dim3A_848 = vector.broadcast %broadcast_in_dim3A_847 : f32 to vector<16xf32>
      %swap3A_849 = arith.index_cast %scan3A_819 : i32 to index
      %swap3A_850 = arith.constant 64 : index
      %swap3A_851 = tpu.vector_load %arg12[%swap3A_849, %swap3A_850] {strides = array<i32>} : memref<80x128xf32, #tpu.memory_space<vmem>>, vector<1x16xf32>,
      %swap3A_852 = vector.shape_cast %swap3A_851 : vector<1x16xf32> to vector<16xf32>
      %swap3A_853 = vector.shape_cast %broadcast_in_dim3A_848 : vector<16xf32> to vector<1x16xf32>
      tpu.vector_store %arg12[%swap3A_849, %swap3A_850], %swap3A_853 {strides = array<i32>} : memref<80x128xf32, #tpu.memory_space<vmem>>, vector<1x16xf32>,
      %broadcast_in_dim3A_854 = arith.constant 0.000000e+00 : f32
      %broadcast_in_dim3A_855 = vector.broadcast %broadcast_in_dim3A_854 : f32 to vector<16xf32>
      %swap3A_856 = arith.index_cast %scan3A_819 : i32 to index
      %swap3A_857 = arith.constant 80 : index
      %swap3A_858 = tpu.vector_load %arg12[%swap3A_856, %swap3A_857] {strides = array<i32>} : memref<80x128xf32, #tpu.memory_space<vmem>>, vector<1x16xf32>,
      %swap3A_859 = vector.shape_cast %swap3A_858 : vector<1x16xf32> to vector<16xf32>
      %swap3A_860 = vector.shape_cast %broadcast_in_dim3A_855 : vector<16xf32> to vector<1x16xf32>
      tpu.vector_store %arg12[%swap3A_856, %swap3A_857], %swap3A_860 {strides = array<i32>} : memref<80x128xf32, #tpu.memory_space<vmem>>, vector<1x16xf32>,
      %broadcast_in_dim3A_861 = arith.constant 0.000000e+00 : f32
      %broadcast_in_dim3A_862 = vector.broadcast %broadcast_in_dim3A_861 : f32 to vector<16xf32>
      %swap3A_863 = arith.index_cast %scan3A_819 : i32 to index
      %swap3A_864 = arith.constant 96 : index
      %swap3A_865 = tpu.vector_load %arg12[%swap3A_863, %swap3A_864] {strides = array<i32>} : memref<80x128xf32, #tpu.memory_space<vmem>>, vector<1x16xf32>,
      %swap3A_866 = vector.shape_cast %swap3A_865 : vector<1x16xf32> to vector<16xf32>
      %swap3A_867 = vector.shape_cast %broadcast_in_dim3A_862 : vector<16xf32> to vector<1x16xf32>
      tpu.vector_store %arg12[%swap3A_863, %swap3A_864], %swap3A_867 {strides = array<i32>} : memref<80x128xf32, #tpu.memory_space<vmem>>, vector<1x16xf32>,
      %broadcast_in_dim3A_868 = arith.constant 0.000000e+00 : f32
      %broadcast_in_dim3A_869 = vector.broadcast %broadcast_in_dim3A_868 : f32 to vector<16xf32>
      %swap3A_870 = arith.index_cast %scan3A_819 : i32 to index
      %swap3A_871 = arith.constant 112 : index
      %swap3A_872 = tpu.vector_load %arg12[%swap3A_870, %swap3A_871] {strides = array<i32>} : memref<80x128xf32, #tpu.memory_space<vmem>>, vector<1x16xf32>,
      %swap3A_873 = vector.shape_cast %swap3A_872 : vector<1x16xf32> to vector<16xf32>
      %swap3A_874 = vector.shape_cast %broadcast_in_dim3A_869 : vector<16xf32> to vector<1x16xf32>
      tpu.vector_store %arg12[%swap3A_870, %swap3A_871], %swap3A_874 {strides = array<i32>} : memref<80x128xf32, #tpu.memory_space<vmem>>, vector<1x16xf32>,
    }
    %scan3A_5 = arith.constant 80 : i32
    %add3A_6 = arith.constant 0 : i32
    %add3A_7 = arith.addi %arg1, %add3A_6 : i32
    %lt3A = arith.constant 125 : i32
    %lt3A_8 = arith.cmpi slt, %add3A_7, %lt3A : i32
    %convert_element_type3A = arith.extui %lt3A_8 : i1 to i32
    %cond3A = arith.constant 0 : i32
    %cond3A_9 = arith.cmpi ne, %convert_element_type3A, %cond3A : i32
    scf.if %cond3A_9 {
      %mul3A_819 = arith.constant 80 : i32
      %mul3A_820 = arith.muli %add3A_7, %mul3A_819 : i32
      %multiple_of3A = tpu.assume_multiple %mul3A_820, 80 : i32
      %dma_start3A_821 = arith.constant 0 : i32
      %dma_start3A_822 = tpu.memref_slice %arg15[%multiple_of3A, %dma_start3A_821] : memref<10000x128xf32, #tpu.memory_space<vmem_shared>> -> memref<80x128xf32, #tpu.memory_space<vmem_shared>>
      %dma_start3A_823 = arith.constant 0 : i32
      %dma_start3A_824 = tpu.memref_slice %arg15[%multiple_of3A, %dma_start3A_823] : memref<10000x128xf32, #tpu.memory_space<vmem_shared>> -> memref<80x128xf32, #tpu.memory_space<vmem_shared>>
      tpu.enqueue_dma source(%arg12 : memref<80x128xf32, #tpu.memory_space<vmem>>) target(%dma_start3A_824 : memref<80x128xf32, #tpu.memory_space<vmem_shared>>) target_semaphore(%arg19 : memref<!tpu.dma_semaphore, #tpu.memory_space<semaphore_mem>>)
    } else {
    }
    %add3A_10 = arith.constant 16 : i32
    %add3A_11 = arith.addi %arg1, %add3A_10 : i32
    %lt3A_12 = arith.constant 125 : i32
    %lt3A_13 = arith.cmpi slt, %add3A_11, %lt3A_12 : i32
    %convert_element_type3A_14 = arith.extui %lt3A_13 : i1 to i32
    %cond3A_15 = arith.constant 0 : i32
    %cond3A_16 = arith.cmpi ne, %convert_element_type3A_14, %cond3A_15 : i32
    scf.if %cond3A_16 {
      %mul3A_819 = arith.constant 80 : i32
      %mul3A_820 = arith.muli %add3A_11, %mul3A_819 : i32
      %multiple_of3A = tpu.assume_multiple %mul3A_820, 80 : i32
      %dma_start3A_821 = arith.constant 0 : i32
      %dma_start3A_822 = tpu.memref_slice %arg15[%multiple_of3A, %dma_start3A_821] : memref<10000x128xf32, #tpu.memory_space<vmem_shared>> -> memref<80x128xf32, #tpu.memory_space<vmem_shared>>
      %dma_start3A_823 = arith.constant 0 : i32
      %dma_start3A_824 = tpu.memref_slice %arg15[%multiple_of3A, %dma_start3A_823] : memref<10000x128xf32, #tpu.memory_space<vmem_shared>> -> memref<80x128xf32, #tpu.memory_space<vmem_shared>>
      tpu.enqueue_dma source(%arg12 : memref<80x128xf32, #tpu.memory_space<vmem>>) target(%dma_start3A_824 : memref<80x128xf32, #tpu.memory_space<vmem_shared>>) target_semaphore(%arg19 : memref<!tpu.dma_semaphore, #tpu.memory_space<semaphore_mem>>)
    } else {
    }
    %add3A_17 = arith.constant 32 : i32
    %add3A_18 = arith.addi %arg1, %add3A_17 : i32
    %lt3A_19 = arith.constant 125 : i32
    %lt3A_20 = arith.cmpi slt, %add3A_18, %lt3A_19 : i32
    %convert_element_type3A_21 = arith.extui %lt3A_20 : i1 to i32
    %cond3A_22 = arith.constant 0 : i32
    %cond3A_23 = arith.cmpi ne, %convert_element_type3A_21, %cond3A_22 : i32
    scf.if %cond3A_23 {
      %mul3A_819 = arith.constant 80 : i32
      %mul3A_820 = arith.muli %add3A_18, %mul3A_819 : i32
      %multiple_of3A = tpu.assume_multiple %mul3A_820, 80 : i32
      %dma_start3A_821 = arith.constant 0 : i32
      %dma_start3A_822 = tpu.memref_slice %arg15[%multiple_of3A, %dma_start3A_821] : memref<10000x128xf32, #tpu.memory_space<vmem_shared>> -> memref<80x128xf32, #tpu.memory_space<vmem_shared>>
      %dma_start3A_823 = arith.constant 0 : i32
      %dma_start3A_824 = tpu.memref_slice %arg15[%multiple_of3A, %dma_start3A_823] : memref<10000x128xf32, #tpu.memory_space<vmem_shared>> -> memref<80x128xf32, #tpu.memory_space<vmem_shared>>
      tpu.enqueue_dma source(%arg12 : memref<80x128xf32, #tpu.memory_space<vmem>>) target(%dma_start3A_824 : memref<80x128xf32, #tpu.memory_space<vmem_shared>>) target_semaphore(%arg19 : memref<!tpu.dma_semaphore, #tpu.memory_space<semaphore_mem>>)
    } else {
    }
    %add3A_24 = arith.constant 48 : i32
    %add3A_25 = arith.addi %arg1, %add3A_24 : i32
    %lt3A_26 = arith.constant 125 : i32
    %lt3A_27 = arith.cmpi slt, %add3A_25, %lt3A_26 : i32
    %convert_element_type3A_28 = arith.extui %lt3A_27 : i1 to i32
    %cond3A_29 = arith.constant 0 : i32
    %cond3A_30 = arith.cmpi ne, %convert_element_type3A_28, %cond3A_29 : i32
    scf.if %cond3A_30 {
      %mul3A_819 = arith.constant 80 : i32
      %mul3A_820 = arith.muli %add3A_25, %mul3A_819 : i32
      %multiple_of3A = tpu.assume_multiple %mul3A_820, 80 : i32
      %dma_start3A_821 = arith.constant 0 : i32
      %dma_start3A_822 = tpu.memref_slice %arg15[%multiple_of3A, %dma_start3A_821] : memref<10000x128xf32, #tpu.memory_space<vmem_shared>> -> memref<80x128xf32, #tpu.memory_space<vmem_shared>>
      %dma_start3A_823 = arith.constant 0 : i32
      %dma_start3A_824 = tpu.memref_slice %arg15[%multiple_of3A, %dma_start3A_823] : memref<10000x128xf32, #tpu.memory_space<vmem_shared>> -> memref<80x128xf32, #tpu.memory_space<vmem_shared>>
      tpu.enqueue_dma source(%arg12 : memref<80x128xf32, #tpu.memory_space<vmem>>) target(%dma_start3A_824 : memref<80x128xf32, #tpu.memory_space<vmem_shared>>) target_semaphore(%arg19 : memref<!tpu.dma_semaphore, #tpu.memory_space<semaphore_mem>>)
    } else {
    }
    %add3A_31 = arith.constant 64 : i32
    %add3A_32 = arith.addi %arg1, %add3A_31 : i32
    %lt3A_33 = arith.constant 125 : i32
    %lt3A_34 = arith.cmpi slt, %add3A_32, %lt3A_33 : i32
    %convert_element_type3A_35 = arith.extui %lt3A_34 : i1 to i32
    %cond3A_36 = arith.constant 0 : i32
    %cond3A_37 = arith.cmpi ne, %convert_element_type3A_35, %cond3A_36 : i32
    scf.if %cond3A_37 {
      %mul3A_819 = arith.constant 80 : i32
      %mul3A_820 = arith.muli %add3A_32, %mul3A_819 : i32
      %multiple_of3A = tpu.assume_multiple %mul3A_820, 80 : i32
      %dma_start3A_821 = arith.constant 0 : i32
      %dma_start3A_822 = tpu.memref_slice %arg15[%multiple_of3A, %dma_start3A_821] : memref<10000x128xf32, #tpu.memory_space<vmem_shared>> -> memref<80x128xf32, #tpu.memory_space<vmem_shared>>
      %dma_start3A_823 = arith.constant 0 : i32
      %dma_start3A_824 = tpu.memref_slice %arg15[%multiple_of3A, %dma_start3A_823] : memref<10000x128xf32, #tpu.memory_space<vmem_shared>> -> memref<80x128xf32, #tpu.memory_space<vmem_shared>>
      tpu.enqueue_dma source(%arg12 : memref<80x128xf32, #tpu.memory_space<vmem>>) target(%dma_start3A_824 : memref<80x128xf32, #tpu.memory_space<vmem_shared>>) target_semaphore(%arg19 : memref<!tpu.dma_semaphore, #tpu.memory_space<semaphore_mem>>)
    } else {
    }
    %add3A_38 = arith.constant 80 : i32
    %add3A_39 = arith.addi %arg1, %add3A_38 : i32
    %lt3A_40 = arith.constant 125 : i32
    %lt3A_41 = arith.cmpi slt, %add3A_39, %lt3A_40 : i32
    %convert_element_type3A_42 = arith.extui %lt3A_41 : i1 to i32
    %cond3A_43 = arith.constant 0 : i32
    %cond3A_44 = arith.cmpi ne, %convert_element_type3A_42, %cond3A_43 : i32
    scf.if %cond3A_44 {
      %mul3A_819 = arith.constant 80 : i32
      %mul3A_820 = arith.muli %add3A_39, %mul3A_819 : i32
      %multiple_of3A = tpu.assume_multiple %mul3A_820, 80 : i32
      %dma_start3A_821 = arith.constant 0 : i32
      %dma_start3A_822 = tpu.memref_slice %arg15[%multiple_of3A, %dma_start3A_821] : memref<10000x128xf32, #tpu.memory_space<vmem_shared>> -> memref<80x128xf32, #tpu.memory_space<vmem_shared>>
      %dma_start3A_823 = arith.constant 0 : i32
      %dma_start3A_824 = tpu.memref_slice %arg15[%multiple_of3A, %dma_start3A_823] : memref<10000x128xf32, #tpu.memory_space<vmem_shared>> -> memref<80x128xf32, #tpu.memory_space<vmem_shared>>
      tpu.enqueue_dma source(%arg12 : memref<80x128xf32, #tpu.memory_space<vmem>>) target(%dma_start3A_824 : memref<80x128xf32, #tpu.memory_space<vmem_shared>>) target_semaphore(%arg19 : memref<!tpu.dma_semaphore, #tpu.memory_space<semaphore_mem>>)
    } else {
    }
    %add3A_45 = arith.constant 96 : i32
    %add3A_46 = arith.addi %arg1, %add3A_45 : i32
    %lt3A_47 = arith.constant 125 : i32
    %lt3A_48 = arith.cmpi slt, %add3A_46, %lt3A_47 : i32
    %convert_element_type3A_49 = arith.extui %lt3A_48 : i1 to i32
    %cond3A_50 = arith.constant 0 : i32
    %cond3A_51 = arith.cmpi ne, %convert_element_type3A_49, %cond3A_50 : i32
    scf.if %cond3A_51 {
      %mul3A_819 = arith.constant 80 : i32
      %mul3A_820 = arith.muli %add3A_46, %mul3A_819 : i32
      %multiple_of3A = tpu.assume_multiple %mul3A_820, 80 : i32
      %dma_start3A_821 = arith.constant 0 : i32
      %dma_start3A_822 = tpu.memref_slice %arg15[%multiple_of3A, %dma_start3A_821] : memref<10000x128xf32, #tpu.memory_space<vmem_shared>> -> memref<80x128xf32, #tpu.memory_space<vmem_shared>>
      %dma_start3A_823 = arith.constant 0 : i32
      %dma_start3A_824 = tpu.memref_slice %arg15[%multiple_of3A, %dma_start3A_823] : memref<10000x128xf32, #tpu.memory_space<vmem_shared>> -> memref<80x128xf32, #tpu.memory_space<vmem_shared>>
      tpu.enqueue_dma source(%arg12 : memref<80x128xf32, #tpu.memory_space<vmem>>) target(%dma_start3A_824 : memref<80x128xf32, #tpu.memory_space<vmem_shared>>) target_semaphore(%arg19 : memref<!tpu.dma_semaphore, #tpu.memory_space<semaphore_mem>>)
    } else {
    }
    %add3A_52 = arith.constant 112 : i32
    %add3A_53 = arith.addi %arg1, %add3A_52 : i32
    %lt3A_54 = arith.constant 125 : i32
    %lt3A_55 = arith.cmpi slt, %add3A_53, %lt3A_54 : i32
    %convert_element_type3A_56 = arith.extui %lt3A_55 : i1 to i32
    %cond3A_57 = arith.constant 0 : i32
    %cond3A_58 = arith.cmpi ne, %convert_element_type3A_56, %cond3A_57 : i32
    scf.if %cond3A_58 {
      %mul3A_819 = arith.constant 80 : i32
      %mul3A_820 = arith.muli %add3A_53, %mul3A_819 : i32
      %multiple_of3A = tpu.assume_multiple %mul3A_820, 80 : i32
      %dma_start3A_821 = arith.constant 0 : i32
      %dma_start3A_822 = tpu.memref_slice %arg15[%multiple_of3A, %dma_start3A_821] : memref<10000x128xf32, #tpu.memory_space<vmem_shared>> -> memref<80x128xf32, #tpu.memory_space<vmem_shared>>
      %dma_start3A_823 = arith.constant 0 : i32
      %dma_start3A_824 = tpu.memref_slice %arg15[%multiple_of3A, %dma_start3A_823] : memref<10000x128xf32, #tpu.memory_space<vmem_shared>> -> memref<80x128xf32, #tpu.memory_space<vmem_shared>>
      tpu.enqueue_dma source(%arg12 : memref<80x128xf32, #tpu.memory_space<vmem>>) target(%dma_start3A_824 : memref<80x128xf32, #tpu.memory_space<vmem_shared>>) target_semaphore(%arg19 : memref<!tpu.dma_semaphore, #tpu.memory_space<semaphore_mem>>)
    } else {
    }
    %add3A_59 = arith.constant 0 : i32
    %add3A_60 = arith.addi %arg1, %add3A_59 : i32
    %lt3A_61 = arith.constant 125 : i32
    %lt3A_62 = arith.cmpi slt, %add3A_60, %lt3A_61 : i32
    %convert_element_type3A_63 = arith.extui %lt3A_62 : i1 to i32
    %cond3A_64 = arith.constant 0 : i32
    %cond3A_65 = arith.cmpi ne, %convert_element_type3A_63, %cond3A_64 : i32
    scf.if %cond3A_65 {
      %mul3A_819 = arith.constant 80 : i32
      %mul3A_820 = arith.muli %add3A_60, %mul3A_819 : i32
      %multiple_of3A = tpu.assume_multiple %mul3A_820, 80 : i32
      %dma_wait3A_821 = arith.constant 0 : i32
      %dma_wait3A_822 = tpu.memref_slice %arg15[%multiple_of3A, %dma_wait3A_821] : memref<10000x128xf32, #tpu.memory_space<vmem_shared>> -> memref<80x128xf32, #tpu.memory_space<vmem_shared>>
      %dma_wait3A_823 = arith.constant 0 : i32
      %dma_wait3A_824 = tpu.memref_slice %arg15[%multiple_of3A, %dma_wait3A_823] : memref<10000x128xf32, #tpu.memory_space<vmem_shared>> -> memref<80x128xf32, #tpu.memory_space<vmem_shared>>
      tpu.wait_dma2 semaphore(%arg19 : memref<!tpu.dma_semaphore, #tpu.memory_space<semaphore_mem>>) src(%arg12 : memref<80x128xf32, #tpu.memory_space<vmem>>) dst(%dma_wait3A_824 : memref<80x128xf32, #tpu.memory_space<vmem_shared>>)
    } else {
    }
    %add3A_66 = arith.constant 16 : i32
    %add3A_67 = arith.addi %arg1, %add3A_66 : i32
    %lt3A_68 = arith.constant 125 : i32
    %lt3A_69 = arith.cmpi slt, %add3A_67, %lt3A_68 : i32
    %convert_element_type3A_70 = arith.extui %lt3A_69 : i1 to i32
    %cond3A_71 = arith.constant 0 : i32
    %cond3A_72 = arith.cmpi ne, %convert_element_type3A_70, %cond3A_71 : i32
    scf.if %cond3A_72 {
      %mul3A_819 = arith.constant 80 : i32
      %mul3A_820 = arith.muli %add3A_67, %mul3A_819 : i32
      %multiple_of3A = tpu.assume_multiple %mul3A_820, 80 : i32
      %dma_wait3A_821 = arith.constant 0 : i32
      %dma_wait3A_822 = tpu.memref_slice %arg15[%multiple_of3A, %dma_wait3A_821] : memref<10000x128xf32, #tpu.memory_space<vmem_shared>> -> memref<80x128xf32, #tpu.memory_space<vmem_shared>>
      %dma_wait3A_823 = arith.constant 0 : i32
      %dma_wait3A_824 = tpu.memref_slice %arg15[%multiple_of3A, %dma_wait3A_823] : memref<10000x128xf32, #tpu.memory_space<vmem_shared>> -> memref<80x128xf32, #tpu.memory_space<vmem_shared>>
      tpu.wait_dma2 semaphore(%arg19 : memref<!tpu.dma_semaphore, #tpu.memory_space<semaphore_mem>>) src(%arg12 : memref<80x128xf32, #tpu.memory_space<vmem>>) dst(%dma_wait3A_824 : memref<80x128xf32, #tpu.memory_space<vmem_shared>>)
    } else {
    }
    %add3A_73 = arith.constant 32 : i32
    %add3A_74 = arith.addi %arg1, %add3A_73 : i32
    %lt3A_75 = arith.constant 125 : i32
    %lt3A_76 = arith.cmpi slt, %add3A_74, %lt3A_75 : i32
    %convert_element_type3A_77 = arith.extui %lt3A_76 : i1 to i32
    %cond3A_78 = arith.constant 0 : i32
    %cond3A_79 = arith.cmpi ne, %convert_element_type3A_77, %cond3A_78 : i32
    scf.if %cond3A_79 {
      %mul3A_819 = arith.constant 80 : i32
      %mul3A_820 = arith.muli %add3A_74, %mul3A_819 : i32
      %multiple_of3A = tpu.assume_multiple %mul3A_820, 80 : i32
      %dma_wait3A_821 = arith.constant 0 : i32
      %dma_wait3A_822 = tpu.memref_slice %arg15[%multiple_of3A, %dma_wait3A_821] : memref<10000x128xf32, #tpu.memory_space<vmem_shared>> -> memref<80x128xf32, #tpu.memory_space<vmem_shared>>
      %dma_wait3A_823 = arith.constant 0 : i32
      %dma_wait3A_824 = tpu.memref_slice %arg15[%multiple_of3A, %dma_wait3A_823] : memref<10000x128xf32, #tpu.memory_space<vmem_shared>> -> memref<80x128xf32, #tpu.memory_space<vmem_shared>>
      tpu.wait_dma2 semaphore(%arg19 : memref<!tpu.dma_semaphore, #tpu.memory_space<semaphore_mem>>) src(%arg12 : memref<80x128xf32, #tpu.memory_space<vmem>>) dst(%dma_wait3A_824 : memref<80x128xf32, #tpu.memory_space<vmem_shared>>)
    } else {
    }
    %add3A_80 = arith.constant 48 : i32
    %add3A_81 = arith.addi %arg1, %add3A_80 : i32
    %lt3A_82 = arith.constant 125 : i32
    %lt3A_83 = arith.cmpi slt, %add3A_81, %lt3A_82 : i32
    %convert_element_type3A_84 = arith.extui %lt3A_83 : i1 to i32
    %cond3A_85 = arith.constant 0 : i32
    %cond3A_86 = arith.cmpi ne, %convert_element_type3A_84, %cond3A_85 : i32
    scf.if %cond3A_86 {
      %mul3A_819 = arith.constant 80 : i32
      %mul3A_820 = arith.muli %add3A_81, %mul3A_819 : i32
      %multiple_of3A = tpu.assume_multiple %mul3A_820, 80 : i32
      %dma_wait3A_821 = arith.constant 0 : i32
      %dma_wait3A_822 = tpu.memref_slice %arg15[%multiple_of3A, %dma_wait3A_821] : memref<10000x128xf32, #tpu.memory_space<vmem_shared>> -> memref<80x128xf32, #tpu.memory_space<vmem_shared>>
      %dma_wait3A_823 = arith.constant 0 : i32
      %dma_wait3A_824 = tpu.memref_slice %arg15[%multiple_of3A, %dma_wait3A_823] : memref<10000x128xf32, #tpu.memory_space<vmem_shared>> -> memref<80x128xf32, #tpu.memory_space<vmem_shared>>
      tpu.wait_dma2 semaphore(%arg19 : memref<!tpu.dma_semaphore, #tpu.memory_space<semaphore_mem>>) src(%arg12 : memref<80x128xf32, #tpu.memory_space<vmem>>) dst(%dma_wait3A_824 : memref<80x128xf32, #tpu.memory_space<vmem_shared>>)
    } else {
    }
    %add3A_87 = arith.constant 64 : i32
    %add3A_88 = arith.addi %arg1, %add3A_87 : i32
    %lt3A_89 = arith.constant 125 : i32
    %lt3A_90 = arith.cmpi slt, %add3A_88, %lt3A_89 : i32
    %convert_element_type3A_91 = arith.extui %lt3A_90 : i1 to i32
    %cond3A_92 = arith.constant 0 : i32
    %cond3A_93 = arith.cmpi ne, %convert_element_type3A_91, %cond3A_92 : i32
    scf.if %cond3A_93 {
      %mul3A_819 = arith.constant 80 : i32
      %mul3A_820 = arith.muli %add3A_88, %mul3A_819 : i32
      %multiple_of3A = tpu.assume_multiple %mul3A_820, 80 : i32
      %dma_wait3A_821 = arith.constant 0 : i32
      %dma_wait3A_822 = tpu.memref_slice %arg15[%multiple_of3A, %dma_wait3A_821] : memref<10000x128xf32, #tpu.memory_space<vmem_shared>> -> memref<80x128xf32, #tpu.memory_space<vmem_shared>>
      %dma_wait3A_823 = arith.constant 0 : i32
      %dma_wait3A_824 = tpu.memref_slice %arg15[%multiple_of3A, %dma_wait3A_823] : memref<10000x128xf32, #tpu.memory_space<vmem_shared>> -> memref<80x128xf32, #tpu.memory_space<vmem_shared>>
      tpu.wait_dma2 semaphore(%arg19 : memref<!tpu.dma_semaphore, #tpu.memory_space<semaphore_mem>>) src(%arg12 : memref<80x128xf32, #tpu.memory_space<vmem>>) dst(%dma_wait3A_824 : memref<80x128xf32, #tpu.memory_space<vmem_shared>>)
    } else {
    }
    %add3A_94 = arith.constant 80 : i32
    %add3A_95 = arith.addi %arg1, %add3A_94 : i32
    %lt3A_96 = arith.constant 125 : i32
    %lt3A_97 = arith.cmpi slt, %add3A_95, %lt3A_96 : i32
    %convert_element_type3A_98 = arith.extui %lt3A_97 : i1 to i32
    %cond3A_99 = arith.constant 0 : i32
    %cond3A_100 = arith.cmpi ne, %convert_element_type3A_98, %cond3A_99 : i32
    scf.if %cond3A_100 {
      %mul3A_819 = arith.constant 80 : i32
      %mul3A_820 = arith.muli %add3A_95, %mul3A_819 : i32
      %multiple_of3A = tpu.assume_multiple %mul3A_820, 80 : i32
      %dma_wait3A_821 = arith.constant 0 : i32
      %dma_wait3A_822 = tpu.memref_slice %arg15[%multiple_of3A, %dma_wait3A_821] : memref<10000x128xf32, #tpu.memory_space<vmem_shared>> -> memref<80x128xf32, #tpu.memory_space<vmem_shared>>
      %dma_wait3A_823 = arith.constant 0 : i32
      %dma_wait3A_824 = tpu.memref_slice %arg15[%multiple_of3A, %dma_wait3A_823] : memref<10000x128xf32, #tpu.memory_space<vmem_shared>> -> memref<80x128xf32, #tpu.memory_space<vmem_shared>>
      tpu.wait_dma2 semaphore(%arg19 : memref<!tpu.dma_semaphore, #tpu.memory_space<semaphore_mem>>) src(%arg12 : memref<80x128xf32, #tpu.memory_space<vmem>>) dst(%dma_wait3A_824 : memref<80x128xf32, #tpu.memory_space<vmem_shared>>)
    } else {
    }
    %add3A_101 = arith.constant 96 : i32
    %add3A_102 = arith.addi %arg1, %add3A_101 : i32
    %lt3A_103 = arith.constant 125 : i32
    %lt3A_104 = arith.cmpi slt, %add3A_102, %lt3A_103 : i32
    %convert_element_type3A_105 = arith.extui %lt3A_104 : i1 to i32
    %cond3A_106 = arith.constant 0 : i32
    %cond3A_107 = arith.cmpi ne, %convert_element_type3A_105, %cond3A_106 : i32
    scf.if %cond3A_107 {
      %mul3A_819 = arith.constant 80 : i32
      %mul3A_820 = arith.muli %add3A_102, %mul3A_819 : i32
      %multiple_of3A = tpu.assume_multiple %mul3A_820, 80 : i32
      %dma_wait3A_821 = arith.constant 0 : i32
      %dma_wait3A_822 = tpu.memref_slice %arg15[%multiple_of3A, %dma_wait3A_821] : memref<10000x128xf32, #tpu.memory_space<vmem_shared>> -> memref<80x128xf32, #tpu.memory_space<vmem_shared>>
      %dma_wait3A_823 = arith.constant 0 : i32
      %dma_wait3A_824 = tpu.memref_slice %arg15[%multiple_of3A, %dma_wait3A_823] : memref<10000x128xf32, #tpu.memory_space<vmem_shared>> -> memref<80x128xf32, #tpu.memory_space<vmem_shared>>
      tpu.wait_dma2 semaphore(%arg19 : memref<!tpu.dma_semaphore, #tpu.memory_space<semaphore_mem>>) src(%arg12 : memref<80x128xf32, #tpu.memory_space<vmem>>) dst(%dma_wait3A_824 : memref<80x128xf32, #tpu.memory_space<vmem_shared>>)
    } else {
    }
    %add3A_108 = arith.constant 112 : i32
    %add3A_109 = arith.addi %arg1, %add3A_108 : i32
    %lt3A_110 = arith.constant 125 : i32
    %lt3A_111 = arith.cmpi slt, %add3A_109, %lt3A_110 : i32
    %convert_element_type3A_112 = arith.extui %lt3A_111 : i1 to i32
    %cond3A_113 = arith.constant 0 : i32
    %cond3A_114 = arith.cmpi ne, %convert_element_type3A_112, %cond3A_113 : i32
    scf.if %cond3A_114 {
      %mul3A_819 = arith.constant 80 : i32
      %mul3A_820 = arith.muli %add3A_109, %mul3A_819 : i32
      %multiple_of3A = tpu.assume_multiple %mul3A_820, 80 : i32
      %dma_wait3A_821 = arith.constant 0 : i32
      %dma_wait3A_822 = tpu.memref_slice %arg15[%multiple_of3A, %dma_wait3A_821] : memref<10000x128xf32, #tpu.memory_space<vmem_shared>> -> memref<80x128xf32, #tpu.memory_space<vmem_shared>>
      %dma_wait3A_823 = arith.constant 0 : i32
      %dma_wait3A_824 = tpu.memref_slice %arg15[%multiple_of3A, %dma_wait3A_823] : memref<10000x128xf32, #tpu.memory_space<vmem_shared>> -> memref<80x128xf32, #tpu.memory_space<vmem_shared>>
      tpu.wait_dma2 semaphore(%arg19 : memref<!tpu.dma_semaphore, #tpu.memory_space<semaphore_mem>>) src(%arg12 : memref<80x128xf32, #tpu.memory_space<vmem>>) dst(%dma_wait3A_824 : memref<80x128xf32, #tpu.memory_space<vmem_shared>>)
    } else {
    }
    %barrier3A = arith.constant 0 : index
    tpu.barrier barrier_id(%barrier3A)
    %get3A = arith.constant 0 : i32
    %get3A_115 = arith.index_cast %get3A : i32 to index
    %get3A_116 = arith.constant 0 : index
    %get3A_117 = tpu.vector_load %arg5[%get3A_115, %get3A_116] {strides = array<i32>} : memref<125x80xi32, #tpu.memory_space<vmem>>, vector<1x16xi32>,
    %get3A_118 = vector.shape_cast %get3A_117 : vector<1x16xi32> to vector<16xi32>
    %shift_right_logical3A = arith.constant 16 : i32
    %shift_right_logical3A_119 = vector.broadcast %shift_right_logical3A : i32 to vector<16xi32>
    %shift_right_logical3A_120 = arith.shrui %get3A_118, %shift_right_logical3A_119 : vector<16xi32>
    %swap3A = arith.constant 0 : index
    %swap3A_121 = tpu.vector_load %arg6[%swap3A] {strides = array<i32>} : memref<80xi32, #tpu.memory_space<vmem>>, vector<16xi32>,
    %swap3A_122 = vector.shape_cast %swap3A_121 : vector<16xi32> to vector<16xi32>
    %swap3A_123 = vector.shape_cast %shift_right_logical3A_120 : vector<16xi32> to vector<16xi32>
    tpu.vector_store %arg6[%swap3A], %swap3A_123 {strides = array<i32>} : memref<80xi32, #tpu.memory_space<vmem>>, vector<16xi32>,
    %and3A = arith.constant 65535 : i32
    %and3A_124 = vector.broadcast %and3A : i32 to vector<16xi32>
    %and3A_125 = arith.andi %get3A_118, %and3A_124 : vector<16xi32>
    %swap3A_126 = arith.constant 0 : index
    %swap3A_127 = tpu.vector_load %arg9[%swap3A_126] {strides = array<i32>} : memref<80xi32, #tpu.memory_space<vmem>>, vector<16xi32>,
    %swap3A_128 = vector.shape_cast %swap3A_127 : vector<16xi32> to vector<16xi32>
    %swap3A_129 = vector.shape_cast %and3A_125 : vector<16xi32> to vector<16xi32>
    tpu.vector_store %arg9[%swap3A_126], %swap3A_129 {strides = array<i32>} : memref<80xi32, #tpu.memory_space<vmem>>, vector<16xi32>,
    %get3A_130 = arith.constant 0 : i32
    %get3A_131 = arith.index_cast %get3A_130 : i32 to index
    %get3A_132 = arith.constant 16 : index
    %get3A_133 = tpu.vector_load %arg5[%get3A_131, %get3A_132] {strides = array<i32>} : memref<125x80xi32, #tpu.memory_space<vmem>>, vector<1x16xi32>,
    %get3A_134 = vector.shape_cast %get3A_133 : vector<1x16xi32> to vector<16xi32>
    %shift_right_logical3A_135 = arith.constant 16 : i32
    %shift_right_logical3A_136 = vector.broadcast %shift_right_logical3A_135 : i32 to vector<16xi32>
    %shift_right_logical3A_137 = arith.shrui %get3A_134, %shift_right_logical3A_136 : vector<16xi32>
    %swap3A_138 = arith.constant 16 : index
    %swap3A_139 = tpu.vector_load %arg6[%swap3A_138] {strides = array<i32>} : memref<80xi32, #tpu.memory_space<vmem>>, vector<16xi32>,
    %swap3A_140 = vector.shape_cast %swap3A_139 : vector<16xi32> to vector<16xi32>
    %swap3A_141 = vector.shape_cast %shift_right_logical3A_137 : vector<16xi32> to vector<16xi32>
    tpu.vector_store %arg6[%swap3A_138], %swap3A_141 {strides = array<i32>} : memref<80xi32, #tpu.memory_space<vmem>>, vector<16xi32>,
    %and3A_142 = arith.constant 65535 : i32
    %and3A_143 = vector.broadcast %and3A_142 : i32 to vector<16xi32>
    %and3A_144 = arith.andi %get3A_134, %and3A_143 : vector<16xi32>
    %swap3A_145 = arith.constant 16 : index
    %swap3A_146 = tpu.vector_load %arg9[%swap3A_145] {strides = array<i32>} : memref<80xi32, #tpu.memory_space<vmem>>, vector<16xi32>,
    %swap3A_147 = vector.shape_cast %swap3A_146 : vector<16xi32> to vector<16xi32>
    %swap3A_148 = vector.shape_cast %and3A_144 : vector<16xi32> to vector<16xi32>
    tpu.vector_store %arg9[%swap3A_145], %swap3A_148 {strides = array<i32>} : memref<80xi32, #tpu.memory_space<vmem>>, vector<16xi32>,
    %get3A_149 = arith.constant 0 : i32
    %get3A_150 = arith.index_cast %get3A_149 : i32 to index
    %get3A_151 = arith.constant 32 : index
    %get3A_152 = tpu.vector_load %arg5[%get3A_150, %get3A_151] {strides = array<i32>} : memref<125x80xi32, #tpu.memory_space<vmem>>, vector<1x16xi32>,
    %get3A_153 = vector.shape_cast %get3A_152 : vector<1x16xi32> to vector<16xi32>
    %shift_right_logical3A_154 = arith.constant 16 : i32
    %shift_right_logical3A_155 = vector.broadcast %shift_right_logical3A_154 : i32 to vector<16xi32>
    %shift_right_logical3A_156 = arith.shrui %get3A_153, %shift_right_logical3A_155 : vector<16xi32>
    %swap3A_157 = arith.constant 32 : index
    %swap3A_158 = tpu.vector_load %arg6[%swap3A_157] {strides = array<i32>} : memref<80xi32, #tpu.memory_space<vmem>>, vector<16xi32>,
    %swap3A_159 = vector.shape_cast %swap3A_158 : vector<16xi32> to vector<16xi32>
    %swap3A_160 = vector.shape_cast %shift_right_logical3A_156 : vector<16xi32> to vector<16xi32>
    tpu.vector_store %arg6[%swap3A_157], %swap3A_160 {strides = array<i32>} : memref<80xi32, #tpu.memory_space<vmem>>, vector<16xi32>,
    %and3A_161 = arith.constant 65535 : i32
    %and3A_162 = vector.broadcast %and3A_161 : i32 to vector<16xi32>
    %and3A_163 = arith.andi %get3A_153, %and3A_162 : vector<16xi32>
    %swap3A_164 = arith.constant 32 : index
    %swap3A_165 = tpu.vector_load %arg9[%swap3A_164] {strides = array<i32>} : memref<80xi32, #tpu.memory_space<vmem>>, vector<16xi32>,
    %swap3A_166 = vector.shape_cast %swap3A_165 : vector<16xi32> to vector<16xi32>
    %swap3A_167 = vector.shape_cast %and3A_163 : vector<16xi32> to vector<16xi32>
    tpu.vector_store %arg9[%swap3A_164], %swap3A_167 {strides = array<i32>} : memref<80xi32, #tpu.memory_space<vmem>>, vector<16xi32>,
    %get3A_168 = arith.constant 0 : i32
    %get3A_169 = arith.index_cast %get3A_168 : i32 to index
    %get3A_170 = arith.constant 48 : index
    %get3A_171 = tpu.vector_load %arg5[%get3A_169, %get3A_170] {strides = array<i32>} : memref<125x80xi32, #tpu.memory_space<vmem>>, vector<1x16xi32>,
    %get3A_172 = vector.shape_cast %get3A_171 : vector<1x16xi32> to vector<16xi32>
    %shift_right_logical3A_173 = arith.constant 16 : i32
    %shift_right_logical3A_174 = vector.broadcast %shift_right_logical3A_173 : i32 to vector<16xi32>
    %shift_right_logical3A_175 = arith.shrui %get3A_172, %shift_right_logical3A_174 : vector<16xi32>
    %swap3A_176 = arith.constant 48 : index
    %swap3A_177 = tpu.vector_load %arg6[%swap3A_176] {strides = array<i32>} : memref<80xi32, #tpu.memory_space<vmem>>, vector<16xi32>,
    %swap3A_178 = vector.shape_cast %swap3A_177 : vector<16xi32> to vector<16xi32>
    %swap3A_179 = vector.shape_cast %shift_right_logical3A_175 : vector<16xi32> to vector<16xi32>
    tpu.vector_store %arg6[%swap3A_176], %swap3A_179 {strides = array<i32>} : memref<80xi32, #tpu.memory_space<vmem>>, vector<16xi32>,
    %and3A_180 = arith.constant 65535 : i32
    %and3A_181 = vector.broadcast %and3A_180 : i32 to vector<16xi32>
    %and3A_182 = arith.andi %get3A_172, %and3A_181 : vector<16xi32>
    %swap3A_183 = arith.constant 48 : index
    %swap3A_184 = tpu.vector_load %arg9[%swap3A_183] {strides = array<i32>} : memref<80xi32, #tpu.memory_space<vmem>>, vector<16xi32>,
    %swap3A_185 = vector.shape_cast %swap3A_184 : vector<16xi32> to vector<16xi32>
    %swap3A_186 = vector.shape_cast %and3A_182 : vector<16xi32> to vector<16xi32>
    tpu.vector_store %arg9[%swap3A_183], %swap3A_186 {strides = array<i32>} : memref<80xi32, #tpu.memory_space<vmem>>, vector<16xi32>,
    %get3A_187 = arith.constant 0 : i32
    %get3A_188 = arith.index_cast %get3A_187 : i32 to index
    %get3A_189 = arith.constant 64 : index
    %get3A_190 = tpu.vector_load %arg5[%get3A_188, %get3A_189] {strides = array<i32>} : memref<125x80xi32, #tpu.memory_space<vmem>>, vector<1x16xi32>,
    %get3A_191 = vector.shape_cast %get3A_190 : vector<1x16xi32> to vector<16xi32>
    %shift_right_logical3A_192 = arith.constant 16 : i32
    %shift_right_logical3A_193 = vector.broadcast %shift_right_logical3A_192 : i32 to vector<16xi32>
    %shift_right_logical3A_194 = arith.shrui %get3A_191, %shift_right_logical3A_193 : vector<16xi32>
    %swap3A_195 = arith.constant 64 : index
    %swap3A_196 = tpu.vector_load %arg6[%swap3A_195] {strides = array<i32>} : memref<80xi32, #tpu.memory_space<vmem>>, vector<16xi32>,
    %swap3A_197 = vector.shape_cast %swap3A_196 : vector<16xi32> to vector<16xi32>
    %swap3A_198 = vector.shape_cast %shift_right_logical3A_194 : vector<16xi32> to vector<16xi32>
    tpu.vector_store %arg6[%swap3A_195], %swap3A_198 {strides = array<i32>} : memref<80xi32, #tpu.memory_space<vmem>>, vector<16xi32>,
    %and3A_199 = arith.constant 65535 : i32
    %and3A_200 = vector.broadcast %and3A_199 : i32 to vector<16xi32>
    %and3A_201 = arith.andi %get3A_191, %and3A_200 : vector<16xi32>
    %swap3A_202 = arith.constant 64 : index
    %swap3A_203 = tpu.vector_load %arg9[%swap3A_202] {strides = array<i32>} : memref<80xi32, #tpu.memory_space<vmem>>, vector<16xi32>,
    %swap3A_204 = vector.shape_cast %swap3A_203 : vector<16xi32> to vector<16xi32>
    %swap3A_205 = vector.shape_cast %and3A_201 : vector<16xi32> to vector<16xi32>
    tpu.vector_store %arg9[%swap3A_202], %swap3A_205 {strides = array<i32>} : memref<80xi32, #tpu.memory_space<vmem>>, vector<16xi32>,
    %dma_start3A = arith.constant 0 : i32
    %dma_start3A_206 = arith.constant 0 : i32
    %dma_start3A_207 = tpu.memref_slice %arg2[%dma_start3A, %dma_start3A_206] : memref<10000x128xf32, #tpu.memory_space<hbm>> -> memref<10000x128xf32, #tpu.memory_space<hbm>>
    tpu.enqueue_indirect_dma source(%dma_start3A_207 : memref<10000x128xf32, #tpu.memory_space<hbm>>) target(%arg12 : memref<80x128xf32, #tpu.memory_space<vmem>>) offsets(%arg6 : memref<80xi32, #tpu.memory_space<vmem>>) semaphore(%arg16 : memref<!tpu.dma_semaphore, #tpu.memory_space<semaphore_mem>>)
    %get3A_208 = arith.constant 1 : i32
    %get3A_209 = arith.index_cast %get3A_208 : i32 to index
    %get3A_210 = arith.constant 0 : index
    %get3A_211 = tpu.vector_load %arg5[%get3A_209, %get3A_210] {strides = array<i32>} : memref<125x80xi32, #tpu.memory_space<vmem>>, vector<1x16xi32>,
    %get3A_212 = vector.shape_cast %get3A_211 : vector<1x16xi32> to vector<16xi32>
    %shift_right_logical3A_213 = arith.constant 16 : i32
    %shift_right_logical3A_214 = vector.broadcast %shift_right_logical3A_213 : i32 to vector<16xi32>
    %shift_right_logical3A_215 = arith.shrui %get3A_212, %shift_right_logical3A_214 : vector<16xi32>
    %swap3A_216 = arith.constant 0 : index
    %swap3A_217 = tpu.vector_load %arg7[%swap3A_216] {strides = array<i32>} : memref<80xi32, #tpu.memory_space<vmem>>, vector<16xi32>,
    %swap3A_218 = vector.shape_cast %swap3A_217 : vector<16xi32> to vector<16xi32>
    %swap3A_219 = vector.shape_cast %shift_right_logical3A_215 : vector<16xi32> to vector<16xi32>
    tpu.vector_store %arg7[%swap3A_216], %swap3A_219 {strides = array<i32>} : memref<80xi32, #tpu.memory_space<vmem>>, vector<16xi32>,
    %and3A_220 = arith.constant 65535 : i32
    %and3A_221 = vector.broadcast %and3A_220 : i32 to vector<16xi32>
    %and3A_222 = arith.andi %get3A_212, %and3A_221 : vector<16xi32>
    %swap3A_223 = arith.constant 0 : index
    %swap3A_224 = tpu.vector_load %arg10[%swap3A_223] {strides = array<i32>} : memref<80xi32, #tpu.memory_space<vmem>>, vector<16xi32>,
    %swap3A_225 = vector.shape_cast %swap3A_224 : vector<16xi32> to vector<16xi32>
    %swap3A_226 = vector.shape_cast %and3A_222 : vector<16xi32> to vector<16xi32>
    tpu.vector_store %arg10[%swap3A_223], %swap3A_226 {strides = array<i32>} : memref<80xi32, #tpu.memory_space<vmem>>, vector<16xi32>,
    %get3A_227 = arith.constant 1 : i32
    %get3A_228 = arith.index_cast %get3A_227 : i32 to index
    %get3A_229 = arith.constant 16 : index
    %get3A_230 = tpu.vector_load %arg5[%get3A_228, %get3A_229] {strides = array<i32>} : memref<125x80xi32, #tpu.memory_space<vmem>>, vector<1x16xi32>,
    %get3A_231 = vector.shape_cast %get3A_230 : vector<1x16xi32> to vector<16xi32>
    %shift_right_logical3A_232 = arith.constant 16 : i32
    %shift_right_logical3A_233 = vector.broadcast %shift_right_logical3A_232 : i32 to vector<16xi32>
    %shift_right_logical3A_234 = arith.shrui %get3A_231, %shift_right_logical3A_233 : vector<16xi32>
    %swap3A_235 = arith.constant 16 : index
    %swap3A_236 = tpu.vector_load %arg7[%swap3A_235] {strides = array<i32>} : memref<80xi32, #tpu.memory_space<vmem>>, vector<16xi32>,
    %swap3A_237 = vector.shape_cast %swap3A_236 : vector<16xi32> to vector<16xi32>
    %swap3A_238 = vector.shape_cast %shift_right_logical3A_234 : vector<16xi32> to vector<16xi32>
    tpu.vector_store %arg7[%swap3A_235], %swap3A_238 {strides = array<i32>} : memref<80xi32, #tpu.memory_space<vmem>>, vector<16xi32>,
    %and3A_239 = arith.constant 65535 : i32
    %and3A_240 = vector.broadcast %and3A_239 : i32 to vector<16xi32>
    %and3A_241 = arith.andi %get3A_231, %and3A_240 : vector<16xi32>
    %swap3A_242 = arith.constant 16 : index
    %swap3A_243 = tpu.vector_load %arg10[%swap3A_242] {strides = array<i32>} : memref<80xi32, #tpu.memory_space<vmem>>, vector<16xi32>,
    %swap3A_244 = vector.shape_cast %swap3A_243 : vector<16xi32> to vector<16xi32>
    %swap3A_245 = vector.shape_cast %and3A_241 : vector<16xi32> to vector<16xi32>
    tpu.vector_store %arg10[%swap3A_242], %swap3A_245 {strides = array<i32>} : memref<80xi32, #tpu.memory_space<vmem>>, vector<16xi32>,
    %get3A_246 = arith.constant 1 : i32
    %get3A_247 = arith.index_cast %get3A_246 : i32 to index
    %get3A_248 = arith.constant 32 : index
    %get3A_249 = tpu.vector_load %arg5[%get3A_247, %get3A_248] {strides = array<i32>} : memref<125x80xi32, #tpu.memory_space<vmem>>, vector<1x16xi32>,
    %get3A_250 = vector.shape_cast %get3A_249 : vector<1x16xi32> to vector<16xi32>
    %shift_right_logical3A_251 = arith.constant 16 : i32
    %shift_right_logical3A_252 = vector.broadcast %shift_right_logical3A_251 : i32 to vector<16xi32>
    %shift_right_logical3A_253 = arith.shrui %get3A_250, %shift_right_logical3A_252 : vector<16xi32>
    %swap3A_254 = arith.constant 32 : index
    %swap3A_255 = tpu.vector_load %arg7[%swap3A_254] {strides = array<i32>} : memref<80xi32, #tpu.memory_space<vmem>>, vector<16xi32>,
    %swap3A_256 = vector.shape_cast %swap3A_255 : vector<16xi32> to vector<16xi32>
    %swap3A_257 = vector.shape_cast %shift_right_logical3A_253 : vector<16xi32> to vector<16xi32>
    tpu.vector_store %arg7[%swap3A_254], %swap3A_257 {strides = array<i32>} : memref<80xi32, #tpu.memory_space<vmem>>, vector<16xi32>,
    %and3A_258 = arith.constant 65535 : i32
    %and3A_259 = vector.broadcast %and3A_258 : i32 to vector<16xi32>
    %and3A_260 = arith.andi %get3A_250, %and3A_259 : vector<16xi32>
    %swap3A_261 = arith.constant 32 : index
    %swap3A_262 = tpu.vector_load %arg10[%swap3A_261] {strides = array<i32>} : memref<80xi32, #tpu.memory_space<vmem>>, vector<16xi32>,
    %swap3A_263 = vector.shape_cast %swap3A_262 : vector<16xi32> to vector<16xi32>
    %swap3A_264 = vector.shape_cast %and3A_260 : vector<16xi32> to vector<16xi32>
    tpu.vector_store %arg10[%swap3A_261], %swap3A_264 {strides = array<i32>} : memref<80xi32, #tpu.memory_space<vmem>>, vector<16xi32>,
    %get3A_265 = arith.constant 1 : i32
    %get3A_266 = arith.index_cast %get3A_265 : i32 to index
    %get3A_267 = arith.constant 48 : index
    %get3A_268 = tpu.vector_load %arg5[%get3A_266, %get3A_267] {strides = array<i32>} : memref<125x80xi32, #tpu.memory_space<vmem>>, vector<1x16xi32>,
    %get3A_269 = vector.shape_cast %get3A_268 : vector<1x16xi32> to vector<16xi32>
    %shift_right_logical3A_270 = arith.constant 16 : i32
    %shift_right_logical3A_271 = vector.broadcast %shift_right_logical3A_270 : i32 to vector<16xi32>
    %shift_right_logical3A_272 = arith.shrui %get3A_269, %shift_right_logical3A_271 : vector<16xi32>
    %swap3A_273 = arith.constant 48 : index
    %swap3A_274 = tpu.vector_load %arg7[%swap3A_273] {strides = array<i32>} : memref<80xi32, #tpu.memory_space<vmem>>, vector<16xi32>,
    %swap3A_275 = vector.shape_cast %swap3A_274 : vector<16xi32> to vector<16xi32>
    %swap3A_276 = vector.shape_cast %shift_right_logical3A_272 : vector<16xi32> to vector<16xi32>
    tpu.vector_store %arg7[%swap3A_273], %swap3A_276 {strides = array<i32>} : memref<80xi32, #tpu.memory_space<vmem>>, vector<16xi32>,
    %and3A_277 = arith.constant 65535 : i32
    %and3A_278 = vector.broadcast %and3A_277 : i32 to vector<16xi32>
    %and3A_279 = arith.andi %get3A_269, %and3A_278 : vector<16xi32>
    %swap3A_280 = arith.constant 48 : index
    %swap3A_281 = tpu.vector_load %arg10[%swap3A_280] {strides = array<i32>} : memref<80xi32, #tpu.memory_space<vmem>>, vector<16xi32>,
    %swap3A_282 = vector.shape_cast %swap3A_281 : vector<16xi32> to vector<16xi32>
    %swap3A_283 = vector.shape_cast %and3A_279 : vector<16xi32> to vector<16xi32>
    tpu.vector_store %arg10[%swap3A_280], %swap3A_283 {strides = array<i32>} : memref<80xi32, #tpu.memory_space<vmem>>, vector<16xi32>,
    %get3A_284 = arith.constant 1 : i32
    %get3A_285 = arith.index_cast %get3A_284 : i32 to index
    %get3A_286 = arith.constant 64 : index
    %get3A_287 = tpu.vector_load %arg5[%get3A_285, %get3A_286] {strides = array<i32>} : memref<125x80xi32, #tpu.memory_space<vmem>>, vector<1x16xi32>,
    %get3A_288 = vector.shape_cast %get3A_287 : vector<1x16xi32> to vector<16xi32>
    %shift_right_logical3A_289 = arith.constant 16 : i32
    %shift_right_logical3A_290 = vector.broadcast %shift_right_logical3A_289 : i32 to vector<16xi32>
    %shift_right_logical3A_291 = arith.shrui %get3A_288, %shift_right_logical3A_290 : vector<16xi32>
    %swap3A_292 = arith.constant 64 : index
    %swap3A_293 = tpu.vector_load %arg7[%swap3A_292] {strides = array<i32>} : memref<80xi32, #tpu.memory_space<vmem>>, vector<16xi32>,
    %swap3A_294 = vector.shape_cast %swap3A_293 : vector<16xi32> to vector<16xi32>
    %swap3A_295 = vector.shape_cast %shift_right_logical3A_291 : vector<16xi32> to vector<16xi32>
    tpu.vector_store %arg7[%swap3A_292], %swap3A_295 {strides = array<i32>} : memref<80xi32, #tpu.memory_space<vmem>>, vector<16xi32>,
    %and3A_296 = arith.constant 65535 : i32
    %and3A_297 = vector.broadcast %and3A_296 : i32 to vector<16xi32>
    %and3A_298 = arith.andi %get3A_288, %and3A_297 : vector<16xi32>
    %swap3A_299 = arith.constant 64 : index
    %swap3A_300 = tpu.vector_load %arg10[%swap3A_299] {strides = array<i32>} : memref<80xi32, #tpu.memory_space<vmem>>, vector<16xi32>,
    %swap3A_301 = vector.shape_cast %swap3A_300 : vector<16xi32> to vector<16xi32>
    %swap3A_302 = vector.shape_cast %and3A_298 : vector<16xi32> to vector<16xi32>
    tpu.vector_store %arg10[%swap3A_299], %swap3A_302 {strides = array<i32>} : memref<80xi32, #tpu.memory_space<vmem>>, vector<16xi32>,
    %dma_start3A_303 = arith.constant 0 : i32
    %dma_start3A_304 = arith.constant 0 : i32
    %dma_start3A_305 = tpu.memref_slice %arg2[%dma_start3A_303, %dma_start3A_304] : memref<10000x128xf32, #tpu.memory_space<hbm>> -> memref<10000x128xf32, #tpu.memory_space<hbm>>
    tpu.enqueue_indirect_dma source(%dma_start3A_305 : memref<10000x128xf32, #tpu.memory_space<hbm>>) target(%arg13 : memref<80x128xf32, #tpu.memory_space<vmem>>) offsets(%arg7 : memref<80xi32, #tpu.memory_space<vmem>>) semaphore(%arg17 : memref<!tpu.dma_semaphore, #tpu.memory_space<semaphore_mem>>)
    %get3A_306 = arith.constant 2 : i32
    %get3A_307 = arith.index_cast %get3A_306 : i32 to index
    %get3A_308 = arith.constant 0 : index
    %get3A_309 = tpu.vector_load %arg5[%get3A_307, %get3A_308] {strides = array<i32>} : memref<125x80xi32, #tpu.memory_space<vmem>>, vector<1x16xi32>,
    %get3A_310 = vector.shape_cast %get3A_309 : vector<1x16xi32> to vector<16xi32>
    %shift_right_logical3A_311 = arith.constant 16 : i32
    %shift_right_logical3A_312 = vector.broadcast %shift_right_logical3A_311 : i32 to vector<16xi32>
    %shift_right_logical3A_313 = arith.shrui %get3A_310, %shift_right_logical3A_312 : vector<16xi32>
    %swap3A_314 = arith.constant 0 : index
    %swap3A_315 = tpu.vector_load %arg8[%swap3A_314] {strides = array<i32>} : memref<80xi32, #tpu.memory_space<vmem>>, vector<16xi32>,
    %swap3A_316 = vector.shape_cast %swap3A_315 : vector<16xi32> to vector<16xi32>
    %swap3A_317 = vector.shape_cast %shift_right_logical3A_313 : vector<16xi32> to vector<16xi32>
    tpu.vector_store %arg8[%swap3A_314], %swap3A_317 {strides = array<i32>} : memref<80xi32, #tpu.memory_space<vmem>>, vector<16xi32>,
    %and3A_318 = arith.constant 65535 : i32
    %and3A_319 = vector.broadcast %and3A_318 : i32 to vector<16xi32>
    %and3A_320 = arith.andi %get3A_310, %and3A_319 : vector<16xi32>
    %swap3A_321 = arith.constant 0 : index
    %swap3A_322 = tpu.vector_load %arg11[%swap3A_321] {strides = array<i32>} : memref<80xi32, #tpu.memory_space<vmem>>, vector<16xi32>,
    %swap3A_323 = vector.shape_cast %swap3A_322 : vector<16xi32> to vector<16xi32>
    %swap3A_324 = vector.shape_cast %and3A_320 : vector<16xi32> to vector<16xi32>
    tpu.vector_store %arg11[%swap3A_321], %swap3A_324 {strides = array<i32>} : memref<80xi32, #tpu.memory_space<vmem>>, vector<16xi32>,
    %get3A_325 = arith.constant 2 : i32
    %get3A_326 = arith.index_cast %get3A_325 : i32 to index
    %get3A_327 = arith.constant 16 : index
    %get3A_328 = tpu.vector_load %arg5[%get3A_326, %get3A_327] {strides = array<i32>} : memref<125x80xi32, #tpu.memory_space<vmem>>, vector<1x16xi32>,
    %get3A_329 = vector.shape_cast %get3A_328 : vector<1x16xi32> to vector<16xi32>
    %shift_right_logical3A_330 = arith.constant 16 : i32
    %shift_right_logical3A_331 = vector.broadcast %shift_right_logical3A_330 : i32 to vector<16xi32>
    %shift_right_logical3A_332 = arith.shrui %get3A_329, %shift_right_logical3A_331 : vector<16xi32>
    %swap3A_333 = arith.constant 16 : index
    %swap3A_334 = tpu.vector_load %arg8[%swap3A_333] {strides = array<i32>} : memref<80xi32, #tpu.memory_space<vmem>>, vector<16xi32>,
    %swap3A_335 = vector.shape_cast %swap3A_334 : vector<16xi32> to vector<16xi32>
    %swap3A_336 = vector.shape_cast %shift_right_logical3A_332 : vector<16xi32> to vector<16xi32>
    tpu.vector_store %arg8[%swap3A_333], %swap3A_336 {strides = array<i32>} : memref<80xi32, #tpu.memory_space<vmem>>, vector<16xi32>,
    %and3A_337 = arith.constant 65535 : i32
    %and3A_338 = vector.broadcast %and3A_337 : i32 to vector<16xi32>
    %and3A_339 = arith.andi %get3A_329, %and3A_338 : vector<16xi32>
    %swap3A_340 = arith.constant 16 : index
    %swap3A_341 = tpu.vector_load %arg11[%swap3A_340] {strides = array<i32>} : memref<80xi32, #tpu.memory_space<vmem>>, vector<16xi32>,
    %swap3A_342 = vector.shape_cast %swap3A_341 : vector<16xi32> to vector<16xi32>
    %swap3A_343 = vector.shape_cast %and3A_339 : vector<16xi32> to vector<16xi32>
    tpu.vector_store %arg11[%swap3A_340], %swap3A_343 {strides = array<i32>} : memref<80xi32, #tpu.memory_space<vmem>>, vector<16xi32>,
    %get3A_344 = arith.constant 2 : i32
    %get3A_345 = arith.index_cast %get3A_344 : i32 to index
    %get3A_346 = arith.constant 32 : index
    %get3A_347 = tpu.vector_load %arg5[%get3A_345, %get3A_346] {strides = array<i32>} : memref<125x80xi32, #tpu.memory_space<vmem>>, vector<1x16xi32>,
    %get3A_348 = vector.shape_cast %get3A_347 : vector<1x16xi32> to vector<16xi32>
    %shift_right_logical3A_349 = arith.constant 16 : i32
    %shift_right_logical3A_350 = vector.broadcast %shift_right_logical3A_349 : i32 to vector<16xi32>
    %shift_right_logical3A_351 = arith.shrui %get3A_348, %shift_right_logical3A_350 : vector<16xi32>
    %swap3A_352 = arith.constant 32 : index
    %swap3A_353 = tpu.vector_load %arg8[%swap3A_352] {strides = array<i32>} : memref<80xi32, #tpu.memory_space<vmem>>, vector<16xi32>,
    %swap3A_354 = vector.shape_cast %swap3A_353 : vector<16xi32> to vector<16xi32>
    %swap3A_355 = vector.shape_cast %shift_right_logical3A_351 : vector<16xi32> to vector<16xi32>
    tpu.vector_store %arg8[%swap3A_352], %swap3A_355 {strides = array<i32>} : memref<80xi32, #tpu.memory_space<vmem>>, vector<16xi32>,
    %and3A_356 = arith.constant 65535 : i32
    %and3A_357 = vector.broadcast %and3A_356 : i32 to vector<16xi32>
    %and3A_358 = arith.andi %get3A_348, %and3A_357 : vector<16xi32>
    %swap3A_359 = arith.constant 32 : index
    %swap3A_360 = tpu.vector_load %arg11[%swap3A_359] {strides = array<i32>} : memref<80xi32, #tpu.memory_space<vmem>>, vector<16xi32>,
    %swap3A_361 = vector.shape_cast %swap3A_360 : vector<16xi32> to vector<16xi32>
    %swap3A_362 = vector.shape_cast %and3A_358 : vector<16xi32> to vector<16xi32>
    tpu.vector_store %arg11[%swap3A_359], %swap3A_362 {strides = array<i32>} : memref<80xi32, #tpu.memory_space<vmem>>, vector<16xi32>,
    %get3A_363 = arith.constant 2 : i32
    %get3A_364 = arith.index_cast %get3A_363 : i32 to index
    %get3A_365 = arith.constant 48 : index
    %get3A_366 = tpu.vector_load %arg5[%get3A_364, %get3A_365] {strides = array<i32>} : memref<125x80xi32, #tpu.memory_space<vmem>>, vector<1x16xi32>,
    %get3A_367 = vector.shape_cast %get3A_366 : vector<1x16xi32> to vector<16xi32>
    %shift_right_logical3A_368 = arith.constant 16 : i32
    %shift_right_logical3A_369 = vector.broadcast %shift_right_logical3A_368 : i32 to vector<16xi32>
    %shift_right_logical3A_370 = arith.shrui %get3A_367, %shift_right_logical3A_369 : vector<16xi32>
    %swap3A_371 = arith.constant 48 : index
    %swap3A_372 = tpu.vector_load %arg8[%swap3A_371] {strides = array<i32>} : memref<80xi32, #tpu.memory_space<vmem>>, vector<16xi32>,
    %swap3A_373 = vector.shape_cast %swap3A_372 : vector<16xi32> to vector<16xi32>
    %swap3A_374 = vector.shape_cast %shift_right_logical3A_370 : vector<16xi32> to vector<16xi32>
    tpu.vector_store %arg8[%swap3A_371], %swap3A_374 {strides = array<i32>} : memref<80xi32, #tpu.memory_space<vmem>>, vector<16xi32>,
    %and3A_375 = arith.constant 65535 : i32
    %and3A_376 = vector.broadcast %and3A_375 : i32 to vector<16xi32>
    %and3A_377 = arith.andi %get3A_367, %and3A_376 : vector<16xi32>
    %swap3A_378 = arith.constant 48 : index
    %swap3A_379 = tpu.vector_load %arg11[%swap3A_378] {strides = array<i32>} : memref<80xi32, #tpu.memory_space<vmem>>, vector<16xi32>,
    %swap3A_380 = vector.shape_cast %swap3A_379 : vector<16xi32> to vector<16xi32>
    %swap3A_381 = vector.shape_cast %and3A_377 : vector<16xi32> to vector<16xi32>
    tpu.vector_store %arg11[%swap3A_378], %swap3A_381 {strides = array<i32>} : memref<80xi32, #tpu.memory_space<vmem>>, vector<16xi32>,
    %get3A_382 = arith.constant 2 : i32
    %get3A_383 = arith.index_cast %get3A_382 : i32 to index
    %get3A_384 = arith.constant 64 : index
    %get3A_385 = tpu.vector_load %arg5[%get3A_383, %get3A_384] {strides = array<i32>} : memref<125x80xi32, #tpu.memory_space<vmem>>, vector<1x16xi32>,
    %get3A_386 = vector.shape_cast %get3A_385 : vector<1x16xi32> to vector<16xi32>
    %shift_right_logical3A_387 = arith.constant 16 : i32
    %shift_right_logical3A_388 = vector.broadcast %shift_right_logical3A_387 : i32 to vector<16xi32>
    %shift_right_logical3A_389 = arith.shrui %get3A_386, %shift_right_logical3A_388 : vector<16xi32>
    %swap3A_390 = arith.constant 64 : index
    %swap3A_391 = tpu.vector_load %arg8[%swap3A_390] {strides = array<i32>} : memref<80xi32, #tpu.memory_space<vmem>>, vector<16xi32>,
    %swap3A_392 = vector.shape_cast %swap3A_391 : vector<16xi32> to vector<16xi32>
    %swap3A_393 = vector.shape_cast %shift_right_logical3A_389 : vector<16xi32> to vector<16xi32>
    tpu.vector_store %arg8[%swap3A_390], %swap3A_393 {strides = array<i32>} : memref<80xi32, #tpu.memory_space<vmem>>, vector<16xi32>,
    %and3A_394 = arith.constant 65535 : i32
    %and3A_395 = vector.broadcast %and3A_394 : i32 to vector<16xi32>
    %and3A_396 = arith.andi %get3A_386, %and3A_395 : vector<16xi32>
    %swap3A_397 = arith.constant 64 : index
    %swap3A_398 = tpu.vector_load %arg11[%swap3A_397] {strides = array<i32>} : memref<80xi32, #tpu.memory_space<vmem>>, vector<16xi32>,
    %swap3A_399 = vector.shape_cast %swap3A_398 : vector<16xi32> to vector<16xi32>
    %swap3A_400 = vector.shape_cast %and3A_396 : vector<16xi32> to vector<16xi32>
    tpu.vector_store %arg11[%swap3A_397], %swap3A_400 {strides = array<i32>} : memref<80xi32, #tpu.memory_space<vmem>>, vector<16xi32>,
    %dma_start3A_401 = arith.constant 0 : i32
    %dma_start3A_402 = arith.constant 0 : i32
    %dma_start3A_403 = tpu.memref_slice %arg2[%dma_start3A_401, %dma_start3A_402] : memref<10000x128xf32, #tpu.memory_space<hbm>> -> memref<10000x128xf32, #tpu.memory_space<hbm>>
    tpu.enqueue_indirect_dma source(%dma_start3A_403 : memref<10000x128xf32, #tpu.memory_space<hbm>>) target(%arg14 : memref<80x128xf32, #tpu.memory_space<vmem>>) offsets(%arg8 : memref<80xi32, #tpu.memory_space<vmem>>) semaphore(%arg18 : memref<!tpu.dma_semaphore, #tpu.memory_space<semaphore_mem>>)
    %scan3A_404 = arith.constant 0 : i32
    %scan3A_405 = arith.constant 0 : i32
    %scan3A_406 = arith.constant 40 : i32
    %scan3A_407 = arith.addi %scan3A_405, %scan3A_406 : i32
    %scan3A_408 = arith.constant 1 : i32
    scf.for %scan3A_819 = %scan3A_405 to %scan3A_407 step %scan3A_408  : i32 {
      %mul3A_820 = arith.constant 3 : i32
      %mul3A_821 = arith.muli %mul3A_820, %scan3A_819 : i32
      %dma_wait3A_822 = arith.constant 0 : i32
      %dma_wait3A_823 = arith.constant 0 : i32
      %dma_wait3A_824 = tpu.memref_slice %arg2[%dma_wait3A_822, %dma_wait3A_823] : memref<10000x128xf32, #tpu.memory_space<hbm>> -> memref<10000x128xf32, #tpu.memory_space<hbm>>
      tpu.wait_indirect_dma semaphore(%arg16 : memref<!tpu.dma_semaphore, #tpu.memory_space<semaphore_mem>>) src(%dma_wait3A_824 : memref<10000x128xf32, #tpu.memory_space<hbm>>) dst(%arg12 : memref<80x128xf32, #tpu.memory_space<vmem>>)
      %dma_start3A_825 = arith.constant 0 : i32
      %dma_start3A_826 = arith.constant 0 : i32
      %dma_start3A_827 = tpu.memref_slice %arg15[%dma_start3A_825, %dma_start3A_826] : memref<10000x128xf32, #tpu.memory_space<vmem_shared>> -> memref<10000x128xf32, #tpu.memory_space<vmem_shared>>
      tpu.enqueue_indirect_dma source(%arg12 : memref<80x128xf32, #tpu.memory_space<vmem>>) target(%dma_start3A_827 : memref<10000x128xf32, #tpu.memory_space<vmem_shared>>) offsets(%arg9 : memref<80xi32, #tpu.memory_space<vmem>>) semaphore(%arg19 : memref<!tpu.dma_semaphore, #tpu.memory_space<semaphore_mem>>) {add = true}
      %dma_wait3A_828 = arith.constant 0 : i32
      %dma_wait3A_829 = arith.constant 0 : i32
      %dma_wait3A_830 = tpu.memref_slice %arg2[%dma_wait3A_828, %dma_wait3A_829] : memref<10000x128xf32, #tpu.memory_space<hbm>> -> memref<10000x128xf32, #tpu.memory_space<hbm>>
      tpu.wait_indirect_dma semaphore(%arg17 : memref<!tpu.dma_semaphore, #tpu.memory_space<semaphore_mem>>) src(%dma_wait3A_830 : memref<10000x128xf32, #tpu.memory_space<hbm>>) dst(%arg13 : memref<80x128xf32, #tpu.memory_space<vmem>>)
      %dma_start3A_831 = arith.constant 0 : i32
      %dma_start3A_832 = arith.constant 0 : i32
      %dma_start3A_833 = tpu.memref_slice %arg15[%dma_start3A_831, %dma_start3A_832] : memref<10000x128xf32, #tpu.memory_space<vmem_shared>> -> memref<10000x128xf32, #tpu.memory_space<vmem_shared>>
      tpu.enqueue_indirect_dma source(%arg13 : memref<80x128xf32, #tpu.memory_space<vmem>>) target(%dma_start3A_833 : memref<10000x128xf32, #tpu.memory_space<vmem_shared>>) offsets(%arg10 : memref<80xi32, #tpu.memory_space<vmem>>) semaphore(%arg20 : memref<!tpu.dma_semaphore, #tpu.memory_space<semaphore_mem>>) {add = true}
      %dma_wait3A_834 = arith.constant 0 : i32
      %dma_wait3A_835 = arith.constant 0 : i32
      %dma_wait3A_836 = tpu.memref_slice %arg2[%dma_wait3A_834, %dma_wait3A_835] : memref<10000x128xf32, #tpu.memory_space<hbm>> -> memref<10000x128xf32, #tpu.memory_space<hbm>>
      tpu.wait_indirect_dma semaphore(%arg18 : memref<!tpu.dma_semaphore, #tpu.memory_space<semaphore_mem>>) src(%dma_wait3A_836 : memref<10000x128xf32, #tpu.memory_space<hbm>>) dst(%arg14 : memref<80x128xf32, #tpu.memory_space<vmem>>)
      %dma_start3A_837 = arith.constant 0 : i32
      %dma_start3A_838 = arith.constant 0 : i32
      %dma_start3A_839 = tpu.memref_slice %arg15[%dma_start3A_837, %dma_start3A_838] : memref<10000x128xf32, #tpu.memory_space<vmem_shared>> -> memref<10000x128xf32, #tpu.memory_space<vmem_shared>>
      tpu.enqueue_indirect_dma source(%arg14 : memref<80x128xf32, #tpu.memory_space<vmem>>) target(%dma_start3A_839 : memref<10000x128xf32, #tpu.memory_space<vmem_shared>>) offsets(%arg11 : memref<80xi32, #tpu.memory_space<vmem>>) semaphore(%arg21 : memref<!tpu.dma_semaphore, #tpu.memory_space<semaphore_mem>>) {add = true}
      %dma_wait3A_840 = arith.constant 0 : i32
      %dma_wait3A_841 = arith.constant 0 : i32
      %dma_wait3A_842 = tpu.memref_slice %arg15[%dma_wait3A_840, %dma_wait3A_841] : memref<10000x128xf32, #tpu.memory_space<vmem_shared>> -> memref<10000x128xf32, #tpu.memory_space<vmem_shared>>
      tpu.wait_indirect_dma semaphore(%arg19 : memref<!tpu.dma_semaphore, #tpu.memory_space<semaphore_mem>>) src(%arg12 : memref<80x128xf32, #tpu.memory_space<vmem>>) dst(%dma_wait3A_842 : memref<10000x128xf32, #tpu.memory_space<vmem_shared>>)
      %add3A_843 = arith.constant 3 : i32
      %add3A_844 = arith.addi %mul3A_821, %add3A_843 : i32
      %add3A_845 = arith.constant 0 : i32
      %add3A_846 = arith.addi %add3A_844, %add3A_845 : i32
      %get3A_847 = arith.index_cast %add3A_846 : i32 to index
      %get3A_848 = arith.constant 0 : index
      %get3A_849 = tpu.vector_load %arg5[%get3A_847, %get3A_848] {strides = array<i32>} : memref<125x80xi32, #tpu.memory_space<vmem>>, vector<1x16xi32>,
      %get3A_850 = vector.shape_cast %get3A_849 : vector<1x16xi32> to vector<16xi32>
      %shift_right_logical3A_851 = arith.constant 16 : i32
      %shift_right_logical3A_852 = vector.broadcast %shift_right_logical3A_851 : i32 to vector<16xi32>
      %shift_right_logical3A_853 = arith.shrui %get3A_850, %shift_right_logical3A_852 : vector<16xi32>
      %swap3A_854 = arith.constant 0 : index
      %swap3A_855 = tpu.vector_load %arg6[%swap3A_854] {strides = array<i32>} : memref<80xi32, #tpu.memory_space<vmem>>, vector<16xi32>,
      %swap3A_856 = vector.shape_cast %swap3A_855 : vector<16xi32> to vector<16xi32>
      %swap3A_857 = vector.shape_cast %shift_right_logical3A_853 : vector<16xi32> to vector<16xi32>
      tpu.vector_store %arg6[%swap3A_854], %swap3A_857 {strides = array<i32>} : memref<80xi32, #tpu.memory_space<vmem>>, vector<16xi32>,
      %and3A_858 = arith.constant 65535 : i32
      %and3A_859 = vector.broadcast %and3A_858 : i32 to vector<16xi32>
      %and3A_860 = arith.andi %get3A_850, %and3A_859 : vector<16xi32>
      %swap3A_861 = arith.constant 0 : index
      %swap3A_862 = tpu.vector_load %arg9[%swap3A_861] {strides = array<i32>} : memref<80xi32, #tpu.memory_space<vmem>>, vector<16xi32>,
      %swap3A_863 = vector.shape_cast %swap3A_862 : vector<16xi32> to vector<16xi32>
      %swap3A_864 = vector.shape_cast %and3A_860 : vector<16xi32> to vector<16xi32>
      tpu.vector_store %arg9[%swap3A_861], %swap3A_864 {strides = array<i32>} : memref<80xi32, #tpu.memory_space<vmem>>, vector<16xi32>,
      %get3A_865 = arith.index_cast %add3A_846 : i32 to index
      %get3A_866 = arith.constant 16 : index
      %get3A_867 = tpu.vector_load %arg5[%get3A_865, %get3A_866] {strides = array<i32>} : memref<125x80xi32, #tpu.memory_space<vmem>>, vector<1x16xi32>,
      %get3A_868 = vector.shape_cast %get3A_867 : vector<1x16xi32> to vector<16xi32>
      %shift_right_logical3A_869 = arith.constant 16 : i32
      %shift_right_logical3A_870 = vector.broadcast %shift_right_logical3A_869 : i32 to vector<16xi32>
      %shift_right_logical3A_871 = arith.shrui %get3A_868, %shift_right_logical3A_870 : vector<16xi32>
      %swap3A_872 = arith.constant 16 : index
      %swap3A_873 = tpu.vector_load %arg6[%swap3A_872] {strides = array<i32>} : memref<80xi32, #tpu.memory_space<vmem>>, vector<16xi32>,
      %swap3A_874 = vector.shape_cast %swap3A_873 : vector<16xi32> to vector<16xi32>
      %swap3A_875 = vector.shape_cast %shift_right_logical3A_871 : vector<16xi32> to vector<16xi32>
      tpu.vector_store %arg6[%swap3A_872], %swap3A_875 {strides = array<i32>} : memref<80xi32, #tpu.memory_space<vmem>>, vector<16xi32>,
      %and3A_876 = arith.constant 65535 : i32
      %and3A_877 = vector.broadcast %and3A_876 : i32 to vector<16xi32>
      %and3A_878 = arith.andi %get3A_868, %and3A_877 : vector<16xi32>
      %swap3A_879 = arith.constant 16 : index
      %swap3A_880 = tpu.vector_load %arg9[%swap3A_879] {strides = array<i32>} : memref<80xi32, #tpu.memory_space<vmem>>, vector<16xi32>,
      %swap3A_881 = vector.shape_cast %swap3A_880 : vector<16xi32> to vector<16xi32>
      %swap3A_882 = vector.shape_cast %and3A_878 : vector<16xi32> to vector<16xi32>
      tpu.vector_store %arg9[%swap3A_879], %swap3A_882 {strides = array<i32>} : memref<80xi32, #tpu.memory_space<vmem>>, vector<16xi32>,
      %get3A_883 = arith.index_cast %add3A_846 : i32 to index
      %get3A_884 = arith.constant 32 : index
      %get3A_885 = tpu.vector_load %arg5[%get3A_883, %get3A_884] {strides = array<i32>} : memref<125x80xi32, #tpu.memory_space<vmem>>, vector<1x16xi32>,
      %get3A_886 = vector.shape_cast %get3A_885 : vector<1x16xi32> to vector<16xi32>
      %shift_right_logical3A_887 = arith.constant 16 : i32
      %shift_right_logical3A_888 = vector.broadcast %shift_right_logical3A_887 : i32 to vector<16xi32>
      %shift_right_logical3A_889 = arith.shrui %get3A_886, %shift_right_logical3A_888 : vector<16xi32>
      %swap3A_890 = arith.constant 32 : index
      %swap3A_891 = tpu.vector_load %arg6[%swap3A_890] {strides = array<i32>} : memref<80xi32, #tpu.memory_space<vmem>>, vector<16xi32>,
      %swap3A_892 = vector.shape_cast %swap3A_891 : vector<16xi32> to vector<16xi32>
      %swap3A_893 = vector.shape_cast %shift_right_logical3A_889 : vector<16xi32> to vector<16xi32>
      tpu.vector_store %arg6[%swap3A_890], %swap3A_893 {strides = array<i32>} : memref<80xi32, #tpu.memory_space<vmem>>, vector<16xi32>,
      %and3A_894 = arith.constant 65535 : i32
      %and3A_895 = vector.broadcast %and3A_894 : i32 to vector<16xi32>
      %and3A_896 = arith.andi %get3A_886, %and3A_895 : vector<16xi32>
      %swap3A_897 = arith.constant 32 : index
      %swap3A_898 = tpu.vector_load %arg9[%swap3A_897] {strides = array<i32>} : memref<80xi32, #tpu.memory_space<vmem>>, vector<16xi32>,
      %swap3A_899 = vector.shape_cast %swap3A_898 : vector<16xi32> to vector<16xi32>
      %swap3A_900 = vector.shape_cast %and3A_896 : vector<16xi32> to vector<16xi32>
      tpu.vector_store %arg9[%swap3A_897], %swap3A_900 {strides = array<i32>} : memref<80xi32, #tpu.memory_space<vmem>>, vector<16xi32>,
      %get3A_901 = arith.index_cast %add3A_846 : i32 to index
      %get3A_902 = arith.constant 48 : index
      %get3A_903 = tpu.vector_load %arg5[%get3A_901, %get3A_902] {strides = array<i32>} : memref<125x80xi32, #tpu.memory_space<vmem>>, vector<1x16xi32>,
      %get3A_904 = vector.shape_cast %get3A_903 : vector<1x16xi32> to vector<16xi32>
      %shift_right_logical3A_905 = arith.constant 16 : i32
      %shift_right_logical3A_906 = vector.broadcast %shift_right_logical3A_905 : i32 to vector<16xi32>
      %shift_right_logical3A_907 = arith.shrui %get3A_904, %shift_right_logical3A_906 : vector<16xi32>
      %swap3A_908 = arith.constant 48 : index
      %swap3A_909 = tpu.vector_load %arg6[%swap3A_908] {strides = array<i32>} : memref<80xi32, #tpu.memory_space<vmem>>, vector<16xi32>,
      %swap3A_910 = vector.shape_cast %swap3A_909 : vector<16xi32> to vector<16xi32>
      %swap3A_911 = vector.shape_cast %shift_right_logical3A_907 : vector<16xi32> to vector<16xi32>
      tpu.vector_store %arg6[%swap3A_908], %swap3A_911 {strides = array<i32>} : memref<80xi32, #tpu.memory_space<vmem>>, vector<16xi32>,
      %and3A_912 = arith.constant 65535 : i32
      %and3A_913 = vector.broadcast %and3A_912 : i32 to vector<16xi32>
      %and3A_914 = arith.andi %get3A_904, %and3A_913 : vector<16xi32>
      %swap3A_915 = arith.constant 48 : index
      %swap3A_916 = tpu.vector_load %arg9[%swap3A_915] {strides = array<i32>} : memref<80xi32, #tpu.memory_space<vmem>>, vector<16xi32>,
      %swap3A_917 = vector.shape_cast %swap3A_916 : vector<16xi32> to vector<16xi32>
      %swap3A_918 = vector.shape_cast %and3A_914 : vector<16xi32> to vector<16xi32>
      tpu.vector_store %arg9[%swap3A_915], %swap3A_918 {strides = array<i32>} : memref<80xi32, #tpu.memory_space<vmem>>, vector<16xi32>,
      %get3A_919 = arith.index_cast %add3A_846 : i32 to index
      %get3A_920 = arith.constant 64 : index
      %get3A_921 = tpu.vector_load %arg5[%get3A_919, %get3A_920] {strides = array<i32>} : memref<125x80xi32, #tpu.memory_space<vmem>>, vector<1x16xi32>,
      %get3A_922 = vector.shape_cast %get3A_921 : vector<1x16xi32> to vector<16xi32>
      %shift_right_logical3A_923 = arith.constant 16 : i32
      %shift_right_logical3A_924 = vector.broadcast %shift_right_logical3A_923 : i32 to vector<16xi32>
      %shift_right_logical3A_925 = arith.shrui %get3A_922, %shift_right_logical3A_924 : vector<16xi32>
      %swap3A_926 = arith.constant 64 : index
      %swap3A_927 = tpu.vector_load %arg6[%swap3A_926] {strides = array<i32>} : memref<80xi32, #tpu.memory_space<vmem>>, vector<16xi32>,
      %swap3A_928 = vector.shape_cast %swap3A_927 : vector<16xi32> to vector<16xi32>
      %swap3A_929 = vector.shape_cast %shift_right_logical3A_925 : vector<16xi32> to vector<16xi32>
      tpu.vector_store %arg6[%swap3A_926], %swap3A_929 {strides = array<i32>} : memref<80xi32, #tpu.memory_space<vmem>>, vector<16xi32>,
      %and3A_930 = arith.constant 65535 : i32
      %and3A_931 = vector.broadcast %and3A_930 : i32 to vector<16xi32>
      %and3A_932 = arith.andi %get3A_922, %and3A_931 : vector<16xi32>
      %swap3A_933 = arith.constant 64 : index
      %swap3A_934 = tpu.vector_load %arg9[%swap3A_933] {strides = array<i32>} : memref<80xi32, #tpu.memory_space<vmem>>, vector<16xi32>,
      %swap3A_935 = vector.shape_cast %swap3A_934 : vector<16xi32> to vector<16xi32>
      %swap3A_936 = vector.shape_cast %and3A_932 : vector<16xi32> to vector<16xi32>
      tpu.vector_store %arg9[%swap3A_933], %swap3A_936 {strides = array<i32>} : memref<80xi32, #tpu.memory_space<vmem>>, vector<16xi32>,
      %dma_start3A_937 = arith.constant 0 : i32
      %dma_start3A_938 = arith.constant 0 : i32
      %dma_start3A_939 = tpu.memref_slice %arg2[%dma_start3A_937, %dma_start3A_938] : memref<10000x128xf32, #tpu.memory_space<hbm>> -> memref<10000x128xf32, #tpu.memory_space<hbm>>
      tpu.enqueue_indirect_dma source(%dma_start3A_939 : memref<10000x128xf32, #tpu.memory_space<hbm>>) target(%arg12 : memref<80x128xf32, #tpu.memory_space<vmem>>) offsets(%arg6 : memref<80xi32, #tpu.memory_space<vmem>>) semaphore(%arg16 : memref<!tpu.dma_semaphore, #tpu.memory_space<semaphore_mem>>)
      %dma_wait3A_940 = arith.constant 0 : i32
      %dma_wait3A_941 = arith.constant 0 : i32
      %dma_wait3A_942 = tpu.memref_slice %arg15[%dma_wait3A_940, %dma_wait3A_941] : memref<10000x128xf32, #tpu.memory_space<vmem_shared>> -> memref<10000x128xf32, #tpu.memory_space<vmem_shared>>
      tpu.wait_indirect_dma semaphore(%arg20 : memref<!tpu.dma_semaphore, #tpu.memory_space<semaphore_mem>>) src(%arg13 : memref<80x128xf32, #tpu.memory_space<vmem>>) dst(%dma_wait3A_942 : memref<10000x128xf32, #tpu.memory_space<vmem_shared>>)
      %add3A_943 = arith.constant 3 : i32
      %add3A_944 = arith.addi %mul3A_821, %add3A_943 : i32
      %add3A_945 = arith.constant 1 : i32
      %add3A_946 = arith.addi %add3A_944, %add3A_945 : i32
      %get3A_947 = arith.index_cast %add3A_946 : i32 to index
      %get3A_948 = arith.constant 0 : index
      %get3A_949 = tpu.vector_load %arg5[%get3A_947, %get3A_948] {strides = array<i32>} : memref<125x80xi32, #tpu.memory_space<vmem>>, vector<1x16xi32>,
      %get3A_950 = vector.shape_cast %get3A_949 : vector<1x16xi32> to vector<16xi32>
      %shift_right_logical3A_951 = arith.constant 16 : i32
      %shift_right_logical3A_952 = vector.broadcast %shift_right_logical3A_951 : i32 to vector<16xi32>
      %shift_right_logical3A_953 = arith.shrui %get3A_950, %shift_right_logical3A_952 : vector<16xi32>
      %swap3A_954 = arith.constant 0 : index
      %swap3A_955 = tpu.vector_load %arg7[%swap3A_954] {strides = array<i32>} : memref<80xi32, #tpu.memory_space<vmem>>, vector<16xi32>,
      %swap3A_956 = vector.shape_cast %swap3A_955 : vector<16xi32> to vector<16xi32>
      %swap3A_957 = vector.shape_cast %shift_right_logical3A_953 : vector<16xi32> to vector<16xi32>
      tpu.vector_store %arg7[%swap3A_954], %swap3A_957 {strides = array<i32>} : memref<80xi32, #tpu.memory_space<vmem>>, vector<16xi32>,
      %and3A_958 = arith.constant 65535 : i32
      %and3A_959 = vector.broadcast %and3A_958 : i32 to vector<16xi32>
      %and3A_960 = arith.andi %get3A_950, %and3A_959 : vector<16xi32>
      %swap3A_961 = arith.constant 0 : index
      %swap3A_962 = tpu.vector_load %arg10[%swap3A_961] {strides = array<i32>} : memref<80xi32, #tpu.memory_space<vmem>>, vector<16xi32>,
      %swap3A_963 = vector.shape_cast %swap3A_962 : vector<16xi32> to vector<16xi32>
      %swap3A_964 = vector.shape_cast %and3A_960 : vector<16xi32> to vector<16xi32>
      tpu.vector_store %arg10[%swap3A_961], %swap3A_964 {strides = array<i32>} : memref<80xi32, #tpu.memory_space<vmem>>, vector<16xi32>,
      %get3A_965 = arith.index_cast %add3A_946 : i32 to index
      %get3A_966 = arith.constant 16 : index
      %get3A_967 = tpu.vector_load %arg5[%get3A_965, %get3A_966] {strides = array<i32>} : memref<125x80xi32, #tpu.memory_space<vmem>>, vector<1x16xi32>,
      %get3A_968 = vector.shape_cast %get3A_967 : vector<1x16xi32> to vector<16xi32>
      %shift_right_logical3A_969 = arith.constant 16 : i32
      %shift_right_logical3A_970 = vector.broadcast %shift_right_logical3A_969 : i32 to vector<16xi32>
      %shift_right_logical3A_971 = arith.shrui %get3A_968, %shift_right_logical3A_970 : vector<16xi32>
      %swap3A_972 = arith.constant 16 : index
      %swap3A_973 = tpu.vector_load %arg7[%swap3A_972] {strides = array<i32>} : memref<80xi32, #tpu.memory_space<vmem>>, vector<16xi32>,
      %swap3A_974 = vector.shape_cast %swap3A_973 : vector<16xi32> to vector<16xi32>
      %swap3A_975 = vector.shape_cast %shift_right_logical3A_971 : vector<16xi32> to vector<16xi32>
      tpu.vector_store %arg7[%swap3A_972], %swap3A_975 {strides = array<i32>} : memref<80xi32, #tpu.memory_space<vmem>>, vector<16xi32>,
      %and3A_976 = arith.constant 65535 : i32
      %and3A_977 = vector.broadcast %and3A_976 : i32 to vector<16xi32>
      %and3A_978 = arith.andi %get3A_968, %and3A_977 : vector<16xi32>
      %swap3A_979 = arith.constant 16 : index
      %swap3A_980 = tpu.vector_load %arg10[%swap3A_979] {strides = array<i32>} : memref<80xi32, #tpu.memory_space<vmem>>, vector<16xi32>,
      %swap3A_981 = vector.shape_cast %swap3A_980 : vector<16xi32> to vector<16xi32>
      %swap3A_982 = vector.shape_cast %and3A_978 : vector<16xi32> to vector<16xi32>
      tpu.vector_store %arg10[%swap3A_979], %swap3A_982 {strides = array<i32>} : memref<80xi32, #tpu.memory_space<vmem>>, vector<16xi32>,
      %get3A_983 = arith.index_cast %add3A_946 : i32 to index
      %get3A_984 = arith.constant 32 : index
      %get3A_985 = tpu.vector_load %arg5[%get3A_983, %get3A_984] {strides = array<i32>} : memref<125x80xi32, #tpu.memory_space<vmem>>, vector<1x16xi32>,
      %get3A_986 = vector.shape_cast %get3A_985 : vector<1x16xi32> to vector<16xi32>
      %shift_right_logical3A_987 = arith.constant 16 : i32
      %shift_right_logical3A_988 = vector.broadcast %shift_right_logical3A_987 : i32 to vector<16xi32>
      %shift_right_logical3A_989 = arith.shrui %get3A_986, %shift_right_logical3A_988 : vector<16xi32>
      %swap3A_990 = arith.constant 32 : index
      %swap3A_991 = tpu.vector_load %arg7[%swap3A_990] {strides = array<i32>} : memref<80xi32, #tpu.memory_space<vmem>>, vector<16xi32>,
      %swap3A_992 = vector.shape_cast %swap3A_991 : vector<16xi32> to vector<16xi32>
      %swap3A_993 = vector.shape_cast %shift_right_logical3A_989 : vector<16xi32> to vector<16xi32>
      tpu.vector_store %arg7[%swap3A_990], %swap3A_993 {strides = array<i32>} : memref<80xi32, #tpu.memory_space<vmem>>, vector<16xi32>,
      %and3A_994 = arith.constant 65535 : i32
      %and3A_995 = vector.broadcast %and3A_994 : i32 to vector<16xi32>
      %and3A_996 = arith.andi %get3A_986, %and3A_995 : vector<16xi32>
      %swap3A_997 = arith.constant 32 : index
      %swap3A_998 = tpu.vector_load %arg10[%swap3A_997] {strides = array<i32>} : memref<80xi32, #tpu.memory_space<vmem>>, vector<16xi32>,
      %swap3A_999 = vector.shape_cast %swap3A_998 : vector<16xi32> to vector<16xi32>
      %swap3A_1000 = vector.shape_cast %and3A_996 : vector<16xi32> to vector<16xi32>
      tpu.vector_store %arg10[%swap3A_997], %swap3A_1000 {strides = array<i32>} : memref<80xi32, #tpu.memory_space<vmem>>, vector<16xi32>,
      %get3A_1001 = arith.index_cast %add3A_946 : i32 to index
      %get3A_1002 = arith.constant 48 : index
      %get3A_1003 = tpu.vector_load %arg5[%get3A_1001, %get3A_1002] {strides = array<i32>} : memref<125x80xi32, #tpu.memory_space<vmem>>, vector<1x16xi32>,
      %get3A_1004 = vector.shape_cast %get3A_1003 : vector<1x16xi32> to vector<16xi32>
      %shift_right_logical3A_1005 = arith.constant 16 : i32
      %shift_right_logical3A_1006 = vector.broadcast %shift_right_logical3A_1005 : i32 to vector<16xi32>
      %shift_right_logical3A_1007 = arith.shrui %get3A_1004, %shift_right_logical3A_1006 : vector<16xi32>
      %swap3A_1008 = arith.constant 48 : index
      %swap3A_1009 = tpu.vector_load %arg7[%swap3A_1008] {strides = array<i32>} : memref<80xi32, #tpu.memory_space<vmem>>, vector<16xi32>,
      %swap3A_1010 = vector.shape_cast %swap3A_1009 : vector<16xi32> to vector<16xi32>
      %swap3A_1011 = vector.shape_cast %shift_right_logical3A_1007 : vector<16xi32> to vector<16xi32>
      tpu.vector_store %arg7[%swap3A_1008], %swap3A_1011 {strides = array<i32>} : memref<80xi32, #tpu.memory_space<vmem>>, vector<16xi32>,
      %and3A_1012 = arith.constant 65535 : i32
      %and3A_1013 = vector.broadcast %and3A_1012 : i32 to vector<16xi32>
      %and3A_1014 = arith.andi %get3A_1004, %and3A_1013 : vector<16xi32>
      %swap3A_1015 = arith.constant 48 : index
      %swap3A_1016 = tpu.vector_load %arg10[%swap3A_1015] {strides = array<i32>} : memref<80xi32, #tpu.memory_space<vmem>>, vector<16xi32>,
      %swap3A_1017 = vector.shape_cast %swap3A_1016 : vector<16xi32> to vector<16xi32>
      %swap3A_1018 = vector.shape_cast %and3A_1014 : vector<16xi32> to vector<16xi32>
      tpu.vector_store %arg10[%swap3A_1015], %swap3A_1018 {strides = array<i32>} : memref<80xi32, #tpu.memory_space<vmem>>, vector<16xi32>,
      %get3A_1019 = arith.index_cast %add3A_946 : i32 to index
      %get3A_1020 = arith.constant 64 : index
      %get3A_1021 = tpu.vector_load %arg5[%get3A_1019, %get3A_1020] {strides = array<i32>} : memref<125x80xi32, #tpu.memory_space<vmem>>, vector<1x16xi32>,
      %get3A_1022 = vector.shape_cast %get3A_1021 : vector<1x16xi32> to vector<16xi32>
      %shift_right_logical3A_1023 = arith.constant 16 : i32
      %shift_right_logical3A_1024 = vector.broadcast %shift_right_logical3A_1023 : i32 to vector<16xi32>
      %shift_right_logical3A_1025 = arith.shrui %get3A_1022, %shift_right_logical3A_1024 : vector<16xi32>
      %swap3A_1026 = arith.constant 64 : index
      %swap3A_1027 = tpu.vector_load %arg7[%swap3A_1026] {strides = array<i32>} : memref<80xi32, #tpu.memory_space<vmem>>, vector<16xi32>,
      %swap3A_1028 = vector.shape_cast %swap3A_1027 : vector<16xi32> to vector<16xi32>
      %swap3A_1029 = vector.shape_cast %shift_right_logical3A_1025 : vector<16xi32> to vector<16xi32>
      tpu.vector_store %arg7[%swap3A_1026], %swap3A_1029 {strides = array<i32>} : memref<80xi32, #tpu.memory_space<vmem>>, vector<16xi32>,
      %and3A_1030 = arith.constant 65535 : i32
      %and3A_1031 = vector.broadcast %and3A_1030 : i32 to vector<16xi32>
      %and3A_1032 = arith.andi %get3A_1022, %and3A_1031 : vector<16xi32>
      %swap3A_1033 = arith.constant 64 : index
      %swap3A_1034 = tpu.vector_load %arg10[%swap3A_1033] {strides = array<i32>} : memref<80xi32, #tpu.memory_space<vmem>>, vector<16xi32>,
      %swap3A_1035 = vector.shape_cast %swap3A_1034 : vector<16xi32> to vector<16xi32>
      %swap3A_1036 = vector.shape_cast %and3A_1032 : vector<16xi32> to vector<16xi32>
      tpu.vector_store %arg10[%swap3A_1033], %swap3A_1036 {strides = array<i32>} : memref<80xi32, #tpu.memory_space<vmem>>, vector<16xi32>,
      %dma_start3A_1037 = arith.constant 0 : i32
      %dma_start3A_1038 = arith.constant 0 : i32
      %dma_start3A_1039 = tpu.memref_slice %arg2[%dma_start3A_1037, %dma_start3A_1038] : memref<10000x128xf32, #tpu.memory_space<hbm>> -> memref<10000x128xf32, #tpu.memory_space<hbm>>
      tpu.enqueue_indirect_dma source(%dma_start3A_1039 : memref<10000x128xf32, #tpu.memory_space<hbm>>) target(%arg13 : memref<80x128xf32, #tpu.memory_space<vmem>>) offsets(%arg7 : memref<80xi32, #tpu.memory_space<vmem>>) semaphore(%arg17 : memref<!tpu.dma_semaphore, #tpu.memory_space<semaphore_mem>>)
      %dma_wait3A_1040 = arith.constant 0 : i32
      %dma_wait3A_1041 = arith.constant 0 : i32
      %dma_wait3A_1042 = tpu.memref_slice %arg15[%dma_wait3A_1040, %dma_wait3A_1041] : memref<10000x128xf32, #tpu.memory_space<vmem_shared>> -> memref<10000x128xf32, #tpu.memory_space<vmem_shared>>
      tpu.wait_indirect_dma semaphore(%arg21 : memref<!tpu.dma_semaphore, #tpu.memory_space<semaphore_mem>>) src(%arg14 : memref<80x128xf32, #tpu.memory_space<vmem>>) dst(%dma_wait3A_1042 : memref<10000x128xf32, #tpu.memory_space<vmem_shared>>)
      %add3A_1043 = arith.constant 3 : i32
      %add3A_1044 = arith.addi %mul3A_821, %add3A_1043 : i32
      %add3A_1045 = arith.constant 2 : i32
      %add3A_1046 = arith.addi %add3A_1044, %add3A_1045 : i32
      %get3A_1047 = arith.index_cast %add3A_1046 : i32 to index
      %get3A_1048 = arith.constant 0 : index
      %get3A_1049 = tpu.vector_load %arg5[%get3A_1047, %get3A_1048] {strides = array<i32>} : memref<125x80xi32, #tpu.memory_space<vmem>>, vector<1x16xi32>,
      %get3A_1050 = vector.shape_cast %get3A_1049 : vector<1x16xi32> to vector<16xi32>
      %shift_right_logical3A_1051 = arith.constant 16 : i32
      %shift_right_logical3A_1052 = vector.broadcast %shift_right_logical3A_1051 : i32 to vector<16xi32>
      %shift_right_logical3A_1053 = arith.shrui %get3A_1050, %shift_right_logical3A_1052 : vector<16xi32>
      %swap3A_1054 = arith.constant 0 : index
      %swap3A_1055 = tpu.vector_load %arg8[%swap3A_1054] {strides = array<i32>} : memref<80xi32, #tpu.memory_space<vmem>>, vector<16xi32>,
      %swap3A_1056 = vector.shape_cast %swap3A_1055 : vector<16xi32> to vector<16xi32>
      %swap3A_1057 = vector.shape_cast %shift_right_logical3A_1053 : vector<16xi32> to vector<16xi32>
      tpu.vector_store %arg8[%swap3A_1054], %swap3A_1057 {strides = array<i32>} : memref<80xi32, #tpu.memory_space<vmem>>, vector<16xi32>,
      %and3A_1058 = arith.constant 65535 : i32
      %and3A_1059 = vector.broadcast %and3A_1058 : i32 to vector<16xi32>
      %and3A_1060 = arith.andi %get3A_1050, %and3A_1059 : vector<16xi32>
      %swap3A_1061 = arith.constant 0 : index
      %swap3A_1062 = tpu.vector_load %arg11[%swap3A_1061] {strides = array<i32>} : memref<80xi32, #tpu.memory_space<vmem>>, vector<16xi32>,
      %swap3A_1063 = vector.shape_cast %swap3A_1062 : vector<16xi32> to vector<16xi32>
      %swap3A_1064 = vector.shape_cast %and3A_1060 : vector<16xi32> to vector<16xi32>
      tpu.vector_store %arg11[%swap3A_1061], %swap3A_1064 {strides = array<i32>} : memref<80xi32, #tpu.memory_space<vmem>>, vector<16xi32>,
      %get3A_1065 = arith.index_cast %add3A_1046 : i32 to index
      %get3A_1066 = arith.constant 16 : index
      %get3A_1067 = tpu.vector_load %arg5[%get3A_1065, %get3A_1066] {strides = array<i32>} : memref<125x80xi32, #tpu.memory_space<vmem>>, vector<1x16xi32>,
      %get3A_1068 = vector.shape_cast %get3A_1067 : vector<1x16xi32> to vector<16xi32>
      %shift_right_logical3A_1069 = arith.constant 16 : i32
      %shift_right_logical3A_1070 = vector.broadcast %shift_right_logical3A_1069 : i32 to vector<16xi32>
      %shift_right_logical3A_1071 = arith.shrui %get3A_1068, %shift_right_logical3A_1070 : vector<16xi32>
      %swap3A_1072 = arith.constant 16 : index
      %swap3A_1073 = tpu.vector_load %arg8[%swap3A_1072] {strides = array<i32>} : memref<80xi32, #tpu.memory_space<vmem>>, vector<16xi32>,
      %swap3A_1074 = vector.shape_cast %swap3A_1073 : vector<16xi32> to vector<16xi32>
      %swap3A_1075 = vector.shape_cast %shift_right_logical3A_1071 : vector<16xi32> to vector<16xi32>
      tpu.vector_store %arg8[%swap3A_1072], %swap3A_1075 {strides = array<i32>} : memref<80xi32, #tpu.memory_space<vmem>>, vector<16xi32>,
      %and3A_1076 = arith.constant 65535 : i32
      %and3A_1077 = vector.broadcast %and3A_1076 : i32 to vector<16xi32>
      %and3A_1078 = arith.andi %get3A_1068, %and3A_1077 : vector<16xi32>
      %swap3A_1079 = arith.constant 16 : index
      %swap3A_1080 = tpu.vector_load %arg11[%swap3A_1079] {strides = array<i32>} : memref<80xi32, #tpu.memory_space<vmem>>, vector<16xi32>,
      %swap3A_1081 = vector.shape_cast %swap3A_1080 : vector<16xi32> to vector<16xi32>
      %swap3A_1082 = vector.shape_cast %and3A_1078 : vector<16xi32> to vector<16xi32>
      tpu.vector_store %arg11[%swap3A_1079], %swap3A_1082 {strides = array<i32>} : memref<80xi32, #tpu.memory_space<vmem>>, vector<16xi32>,
      %get3A_1083 = arith.index_cast %add3A_1046 : i32 to index
      %get3A_1084 = arith.constant 32 : index
      %get3A_1085 = tpu.vector_load %arg5[%get3A_1083, %get3A_1084] {strides = array<i32>} : memref<125x80xi32, #tpu.memory_space<vmem>>, vector<1x16xi32>,
      %get3A_1086 = vector.shape_cast %get3A_1085 : vector<1x16xi32> to vector<16xi32>
      %shift_right_logical3A_1087 = arith.constant 16 : i32
      %shift_right_logical3A_1088 = vector.broadcast %shift_right_logical3A_1087 : i32 to vector<16xi32>
      %shift_right_logical3A_1089 = arith.shrui %get3A_1086, %shift_right_logical3A_1088 : vector<16xi32>
      %swap3A_1090 = arith.constant 32 : index
      %swap3A_1091 = tpu.vector_load %arg8[%swap3A_1090] {strides = array<i32>} : memref<80xi32, #tpu.memory_space<vmem>>, vector<16xi32>,
      %swap3A_1092 = vector.shape_cast %swap3A_1091 : vector<16xi32> to vector<16xi32>
      %swap3A_1093 = vector.shape_cast %shift_right_logical3A_1089 : vector<16xi32> to vector<16xi32>
      tpu.vector_store %arg8[%swap3A_1090], %swap3A_1093 {strides = array<i32>} : memref<80xi32, #tpu.memory_space<vmem>>, vector<16xi32>,
      %and3A_1094 = arith.constant 65535 : i32
      %and3A_1095 = vector.broadcast %and3A_1094 : i32 to vector<16xi32>
      %and3A_1096 = arith.andi %get3A_1086, %and3A_1095 : vector<16xi32>
      %swap3A_1097 = arith.constant 32 : index
      %swap3A_1098 = tpu.vector_load %arg11[%swap3A_1097] {strides = array<i32>} : memref<80xi32, #tpu.memory_space<vmem>>, vector<16xi32>,
      %swap3A_1099 = vector.shape_cast %swap3A_1098 : vector<16xi32> to vector<16xi32>
      %swap3A_1100 = vector.shape_cast %and3A_1096 : vector<16xi32> to vector<16xi32>
      tpu.vector_store %arg11[%swap3A_1097], %swap3A_1100 {strides = array<i32>} : memref<80xi32, #tpu.memory_space<vmem>>, vector<16xi32>,
      %get3A_1101 = arith.index_cast %add3A_1046 : i32 to index
      %get3A_1102 = arith.constant 48 : index
      %get3A_1103 = tpu.vector_load %arg5[%get3A_1101, %get3A_1102] {strides = array<i32>} : memref<125x80xi32, #tpu.memory_space<vmem>>, vector<1x16xi32>,
      %get3A_1104 = vector.shape_cast %get3A_1103 : vector<1x16xi32> to vector<16xi32>
      %shift_right_logical3A_1105 = arith.constant 16 : i32
      %shift_right_logical3A_1106 = vector.broadcast %shift_right_logical3A_1105 : i32 to vector<16xi32>
      %shift_right_logical3A_1107 = arith.shrui %get3A_1104, %shift_right_logical3A_1106 : vector<16xi32>
      %swap3A_1108 = arith.constant 48 : index
      %swap3A_1109 = tpu.vector_load %arg8[%swap3A_1108] {strides = array<i32>} : memref<80xi32, #tpu.memory_space<vmem>>, vector<16xi32>,
      %swap3A_1110 = vector.shape_cast %swap3A_1109 : vector<16xi32> to vector<16xi32>
      %swap3A_1111 = vector.shape_cast %shift_right_logical3A_1107 : vector<16xi32> to vector<16xi32>
      tpu.vector_store %arg8[%swap3A_1108], %swap3A_1111 {strides = array<i32>} : memref<80xi32, #tpu.memory_space<vmem>>, vector<16xi32>,
      %and3A_1112 = arith.constant 65535 : i32
      %and3A_1113 = vector.broadcast %and3A_1112 : i32 to vector<16xi32>
      %and3A_1114 = arith.andi %get3A_1104, %and3A_1113 : vector<16xi32>
      %swap3A_1115 = arith.constant 48 : index
      %swap3A_1116 = tpu.vector_load %arg11[%swap3A_1115] {strides = array<i32>} : memref<80xi32, #tpu.memory_space<vmem>>, vector<16xi32>,
      %swap3A_1117 = vector.shape_cast %swap3A_1116 : vector<16xi32> to vector<16xi32>
      %swap3A_1118 = vector.shape_cast %and3A_1114 : vector<16xi32> to vector<16xi32>
      tpu.vector_store %arg11[%swap3A_1115], %swap3A_1118 {strides = array<i32>} : memref<80xi32, #tpu.memory_space<vmem>>, vector<16xi32>,
      %get3A_1119 = arith.index_cast %add3A_1046 : i32 to index
      %get3A_1120 = arith.constant 64 : index
      %get3A_1121 = tpu.vector_load %arg5[%get3A_1119, %get3A_1120] {strides = array<i32>} : memref<125x80xi32, #tpu.memory_space<vmem>>, vector<1x16xi32>,
      %get3A_1122 = vector.shape_cast %get3A_1121 : vector<1x16xi32> to vector<16xi32>
      %shift_right_logical3A_1123 = arith.constant 16 : i32
      %shift_right_logical3A_1124 = vector.broadcast %shift_right_logical3A_1123 : i32 to vector<16xi32>
      %shift_right_logical3A_1125 = arith.shrui %get3A_1122, %shift_right_logical3A_1124 : vector<16xi32>
      %swap3A_1126 = arith.constant 64 : index
      %swap3A_1127 = tpu.vector_load %arg8[%swap3A_1126] {strides = array<i32>} : memref<80xi32, #tpu.memory_space<vmem>>, vector<16xi32>,
      %swap3A_1128 = vector.shape_cast %swap3A_1127 : vector<16xi32> to vector<16xi32>
      %swap3A_1129 = vector.shape_cast %shift_right_logical3A_1125 : vector<16xi32> to vector<16xi32>
      tpu.vector_store %arg8[%swap3A_1126], %swap3A_1129 {strides = array<i32>} : memref<80xi32, #tpu.memory_space<vmem>>, vector<16xi32>,
      %and3A_1130 = arith.constant 65535 : i32
      %and3A_1131 = vector.broadcast %and3A_1130 : i32 to vector<16xi32>
      %and3A_1132 = arith.andi %get3A_1122, %and3A_1131 : vector<16xi32>
      %swap3A_1133 = arith.constant 64 : index
      %swap3A_1134 = tpu.vector_load %arg11[%swap3A_1133] {strides = array<i32>} : memref<80xi32, #tpu.memory_space<vmem>>, vector<16xi32>,
      %swap3A_1135 = vector.shape_cast %swap3A_1134 : vector<16xi32> to vector<16xi32>
      %swap3A_1136 = vector.shape_cast %and3A_1132 : vector<16xi32> to vector<16xi32>
      tpu.vector_store %arg11[%swap3A_1133], %swap3A_1136 {strides = array<i32>} : memref<80xi32, #tpu.memory_space<vmem>>, vector<16xi32>,
      %dma_start3A_1137 = arith.constant 0 : i32
      %dma_start3A_1138 = arith.constant 0 : i32
      %dma_start3A_1139 = tpu.memref_slice %arg2[%dma_start3A_1137, %dma_start3A_1138] : memref<10000x128xf32, #tpu.memory_space<hbm>> -> memref<10000x128xf32, #tpu.memory_space<hbm>>
      tpu.enqueue_indirect_dma source(%dma_start3A_1139 : memref<10000x128xf32, #tpu.memory_space<hbm>>) target(%arg14 : memref<80x128xf32, #tpu.memory_space<vmem>>) offsets(%arg8 : memref<80xi32, #tpu.memory_space<vmem>>) semaphore(%arg18 : memref<!tpu.dma_semaphore, #tpu.memory_space<semaphore_mem>>)
    }
    %scan3A_409 = arith.constant 40 : i32
    %dma_wait3A = arith.constant 0 : i32
    %dma_wait3A_410 = arith.constant 0 : i32
    %dma_wait3A_411 = tpu.memref_slice %arg2[%dma_wait3A, %dma_wait3A_410] : memref<10000x128xf32, #tpu.memory_space<hbm>> -> memref<10000x128xf32, #tpu.memory_space<hbm>>
    tpu.wait_indirect_dma semaphore(%arg16 : memref<!tpu.dma_semaphore, #tpu.memory_space<semaphore_mem>>) src(%dma_wait3A_411 : memref<10000x128xf32, #tpu.memory_space<hbm>>) dst(%arg12 : memref<80x128xf32, #tpu.memory_space<vmem>>)
    %dma_start3A_412 = arith.constant 0 : i32
    %dma_start3A_413 = arith.constant 0 : i32
    %dma_start3A_414 = tpu.memref_slice %arg15[%dma_start3A_412, %dma_start3A_413] : memref<10000x128xf32, #tpu.memory_space<vmem_shared>> -> memref<10000x128xf32, #tpu.memory_space<vmem_shared>>
    tpu.enqueue_indirect_dma source(%arg12 : memref<80x128xf32, #tpu.memory_space<vmem>>) target(%dma_start3A_414 : memref<10000x128xf32, #tpu.memory_space<vmem_shared>>) offsets(%arg9 : memref<80xi32, #tpu.memory_space<vmem>>) semaphore(%arg19 : memref<!tpu.dma_semaphore, #tpu.memory_space<semaphore_mem>>) {add = true}
    %dma_wait3A_415 = arith.constant 0 : i32
    %dma_wait3A_416 = arith.constant 0 : i32
    %dma_wait3A_417 = tpu.memref_slice %arg2[%dma_wait3A_415, %dma_wait3A_416] : memref<10000x128xf32, #tpu.memory_space<hbm>> -> memref<10000x128xf32, #tpu.memory_space<hbm>>
    tpu.wait_indirect_dma semaphore(%arg17 : memref<!tpu.dma_semaphore, #tpu.memory_space<semaphore_mem>>) src(%dma_wait3A_417 : memref<10000x128xf32, #tpu.memory_space<hbm>>) dst(%arg13 : memref<80x128xf32, #tpu.memory_space<vmem>>)
    %dma_start3A_418 = arith.constant 0 : i32
    %dma_start3A_419 = arith.constant 0 : i32
    %dma_start3A_420 = tpu.memref_slice %arg15[%dma_start3A_418, %dma_start3A_419] : memref<10000x128xf32, #tpu.memory_space<vmem_shared>> -> memref<10000x128xf32, #tpu.memory_space<vmem_shared>>
    tpu.enqueue_indirect_dma source(%arg13 : memref<80x128xf32, #tpu.memory_space<vmem>>) target(%dma_start3A_420 : memref<10000x128xf32, #tpu.memory_space<vmem_shared>>) offsets(%arg10 : memref<80xi32, #tpu.memory_space<vmem>>) semaphore(%arg20 : memref<!tpu.dma_semaphore, #tpu.memory_space<semaphore_mem>>) {add = true}
    %dma_wait3A_421 = arith.constant 0 : i32
    %dma_wait3A_422 = arith.constant 0 : i32
    %dma_wait3A_423 = tpu.memref_slice %arg2[%dma_wait3A_421, %dma_wait3A_422] : memref<10000x128xf32, #tpu.memory_space<hbm>> -> memref<10000x128xf32, #tpu.memory_space<hbm>>
    tpu.wait_indirect_dma semaphore(%arg18 : memref<!tpu.dma_semaphore, #tpu.memory_space<semaphore_mem>>) src(%dma_wait3A_423 : memref<10000x128xf32, #tpu.memory_space<hbm>>) dst(%arg14 : memref<80x128xf32, #tpu.memory_space<vmem>>)
    %dma_start3A_424 = arith.constant 0 : i32
    %dma_start3A_425 = arith.constant 0 : i32
    %dma_start3A_426 = tpu.memref_slice %arg15[%dma_start3A_424, %dma_start3A_425] : memref<10000x128xf32, #tpu.memory_space<vmem_shared>> -> memref<10000x128xf32, #tpu.memory_space<vmem_shared>>
    tpu.enqueue_indirect_dma source(%arg14 : memref<80x128xf32, #tpu.memory_space<vmem>>) target(%dma_start3A_426 : memref<10000x128xf32, #tpu.memory_space<vmem_shared>>) offsets(%arg11 : memref<80xi32, #tpu.memory_space<vmem>>) semaphore(%arg21 : memref<!tpu.dma_semaphore, #tpu.memory_space<semaphore_mem>>) {add = true}
    %dma_wait3A_427 = arith.constant 0 : i32
    %dma_wait3A_428 = arith.constant 0 : i32
    %dma_wait3A_429 = tpu.memref_slice %arg15[%dma_wait3A_427, %dma_wait3A_428] : memref<10000x128xf32, #tpu.memory_space<vmem_shared>> -> memref<10000x128xf32, #tpu.memory_space<vmem_shared>>
    tpu.wait_indirect_dma semaphore(%arg19 : memref<!tpu.dma_semaphore, #tpu.memory_space<semaphore_mem>>) src(%arg12 : memref<80x128xf32, #tpu.memory_space<vmem>>) dst(%dma_wait3A_429 : memref<10000x128xf32, #tpu.memory_space<vmem_shared>>)
    %get3A_430 = arith.constant 123 : i32
    %get3A_431 = arith.index_cast %get3A_430 : i32 to index
    %get3A_432 = arith.constant 0 : index
    %get3A_433 = tpu.vector_load %arg5[%get3A_431, %get3A_432] {strides = array<i32>} : memref<125x80xi32, #tpu.memory_space<vmem>>, vector<1x16xi32>,
    %get3A_434 = vector.shape_cast %get3A_433 : vector<1x16xi32> to vector<16xi32>
    %shift_right_logical3A_435 = arith.constant 16 : i32
    %shift_right_logical3A_436 = vector.broadcast %shift_right_logical3A_435 : i32 to vector<16xi32>
    %shift_right_logical3A_437 = arith.shrui %get3A_434, %shift_right_logical3A_436 : vector<16xi32>
    %swap3A_438 = arith.constant 0 : index
    %swap3A_439 = tpu.vector_load %arg6[%swap3A_438] {strides = array<i32>} : memref<80xi32, #tpu.memory_space<vmem>>, vector<16xi32>,
    %swap3A_440 = vector.shape_cast %swap3A_439 : vector<16xi32> to vector<16xi32>
    %swap3A_441 = vector.shape_cast %shift_right_logical3A_437 : vector<16xi32> to vector<16xi32>
    tpu.vector_store %arg6[%swap3A_438], %swap3A_441 {strides = array<i32>} : memref<80xi32, #tpu.memory_space<vmem>>, vector<16xi32>,
    %and3A_442 = arith.constant 65535 : i32
    %and3A_443 = vector.broadcast %and3A_442 : i32 to vector<16xi32>
    %and3A_444 = arith.andi %get3A_434, %and3A_443 : vector<16xi32>
    %swap3A_445 = arith.constant 0 : index
    %swap3A_446 = tpu.vector_load %arg9[%swap3A_445] {strides = array<i32>} : memref<80xi32, #tpu.memory_space<vmem>>, vector<16xi32>,
    %swap3A_447 = vector.shape_cast %swap3A_446 : vector<16xi32> to vector<16xi32>
    %swap3A_448 = vector.shape_cast %and3A_444 : vector<16xi32> to vector<16xi32>
    tpu.vector_store %arg9[%swap3A_445], %swap3A_448 {strides = array<i32>} : memref<80xi32, #tpu.memory_space<vmem>>, vector<16xi32>,
    %get3A_449 = arith.constant 123 : i32
    %get3A_450 = arith.index_cast %get3A_449 : i32 to index
    %get3A_451 = arith.constant 16 : index
    %get3A_452 = tpu.vector_load %arg5[%get3A_450, %get3A_451] {strides = array<i32>} : memref<125x80xi32, #tpu.memory_space<vmem>>, vector<1x16xi32>,
    %get3A_453 = vector.shape_cast %get3A_452 : vector<1x16xi32> to vector<16xi32>
    %shift_right_logical3A_454 = arith.constant 16 : i32
    %shift_right_logical3A_455 = vector.broadcast %shift_right_logical3A_454 : i32 to vector<16xi32>
    %shift_right_logical3A_456 = arith.shrui %get3A_453, %shift_right_logical3A_455 : vector<16xi32>
    %swap3A_457 = arith.constant 16 : index
    %swap3A_458 = tpu.vector_load %arg6[%swap3A_457] {strides = array<i32>} : memref<80xi32, #tpu.memory_space<vmem>>, vector<16xi32>,
    %swap3A_459 = vector.shape_cast %swap3A_458 : vector<16xi32> to vector<16xi32>
    %swap3A_460 = vector.shape_cast %shift_right_logical3A_456 : vector<16xi32> to vector<16xi32>
    tpu.vector_store %arg6[%swap3A_457], %swap3A_460 {strides = array<i32>} : memref<80xi32, #tpu.memory_space<vmem>>, vector<16xi32>,
    %and3A_461 = arith.constant 65535 : i32
    %and3A_462 = vector.broadcast %and3A_461 : i32 to vector<16xi32>
    %and3A_463 = arith.andi %get3A_453, %and3A_462 : vector<16xi32>
    %swap3A_464 = arith.constant 16 : index
    %swap3A_465 = tpu.vector_load %arg9[%swap3A_464] {strides = array<i32>} : memref<80xi32, #tpu.memory_space<vmem>>, vector<16xi32>,
    %swap3A_466 = vector.shape_cast %swap3A_465 : vector<16xi32> to vector<16xi32>
    %swap3A_467 = vector.shape_cast %and3A_463 : vector<16xi32> to vector<16xi32>
    tpu.vector_store %arg9[%swap3A_464], %swap3A_467 {strides = array<i32>} : memref<80xi32, #tpu.memory_space<vmem>>, vector<16xi32>,
    %get3A_468 = arith.constant 123 : i32
    %get3A_469 = arith.index_cast %get3A_468 : i32 to index
    %get3A_470 = arith.constant 32 : index
    %get3A_471 = tpu.vector_load %arg5[%get3A_469, %get3A_470] {strides = array<i32>} : memref<125x80xi32, #tpu.memory_space<vmem>>, vector<1x16xi32>,
    %get3A_472 = vector.shape_cast %get3A_471 : vector<1x16xi32> to vector<16xi32>
    %shift_right_logical3A_473 = arith.constant 16 : i32
    %shift_right_logical3A_474 = vector.broadcast %shift_right_logical3A_473 : i32 to vector<16xi32>
    %shift_right_logical3A_475 = arith.shrui %get3A_472, %shift_right_logical3A_474 : vector<16xi32>
    %swap3A_476 = arith.constant 32 : index
    %swap3A_477 = tpu.vector_load %arg6[%swap3A_476] {strides = array<i32>} : memref<80xi32, #tpu.memory_space<vmem>>, vector<16xi32>,
    %swap3A_478 = vector.shape_cast %swap3A_477 : vector<16xi32> to vector<16xi32>
    %swap3A_479 = vector.shape_cast %shift_right_logical3A_475 : vector<16xi32> to vector<16xi32>
    tpu.vector_store %arg6[%swap3A_476], %swap3A_479 {strides = array<i32>} : memref<80xi32, #tpu.memory_space<vmem>>, vector<16xi32>,
    %and3A_480 = arith.constant 65535 : i32
    %and3A_481 = vector.broadcast %and3A_480 : i32 to vector<16xi32>
    %and3A_482 = arith.andi %get3A_472, %and3A_481 : vector<16xi32>
    %swap3A_483 = arith.constant 32 : index
    %swap3A_484 = tpu.vector_load %arg9[%swap3A_483] {strides = array<i32>} : memref<80xi32, #tpu.memory_space<vmem>>, vector<16xi32>,
    %swap3A_485 = vector.shape_cast %swap3A_484 : vector<16xi32> to vector<16xi32>
    %swap3A_486 = vector.shape_cast %and3A_482 : vector<16xi32> to vector<16xi32>
    tpu.vector_store %arg9[%swap3A_483], %swap3A_486 {strides = array<i32>} : memref<80xi32, #tpu.memory_space<vmem>>, vector<16xi32>,
    %get3A_487 = arith.constant 123 : i32
    %get3A_488 = arith.index_cast %get3A_487 : i32 to index
    %get3A_489 = arith.constant 48 : index
    %get3A_490 = tpu.vector_load %arg5[%get3A_488, %get3A_489] {strides = array<i32>} : memref<125x80xi32, #tpu.memory_space<vmem>>, vector<1x16xi32>,
    %get3A_491 = vector.shape_cast %get3A_490 : vector<1x16xi32> to vector<16xi32>
    %shift_right_logical3A_492 = arith.constant 16 : i32
    %shift_right_logical3A_493 = vector.broadcast %shift_right_logical3A_492 : i32 to vector<16xi32>
    %shift_right_logical3A_494 = arith.shrui %get3A_491, %shift_right_logical3A_493 : vector<16xi32>
    %swap3A_495 = arith.constant 48 : index
    %swap3A_496 = tpu.vector_load %arg6[%swap3A_495] {strides = array<i32>} : memref<80xi32, #tpu.memory_space<vmem>>, vector<16xi32>,
    %swap3A_497 = vector.shape_cast %swap3A_496 : vector<16xi32> to vector<16xi32>
    %swap3A_498 = vector.shape_cast %shift_right_logical3A_494 : vector<16xi32> to vector<16xi32>
    tpu.vector_store %arg6[%swap3A_495], %swap3A_498 {strides = array<i32>} : memref<80xi32, #tpu.memory_space<vmem>>, vector<16xi32>,
    %and3A_499 = arith.constant 65535 : i32
    %and3A_500 = vector.broadcast %and3A_499 : i32 to vector<16xi32>
    %and3A_501 = arith.andi %get3A_491, %and3A_500 : vector<16xi32>
    %swap3A_502 = arith.constant 48 : index
    %swap3A_503 = tpu.vector_load %arg9[%swap3A_502] {strides = array<i32>} : memref<80xi32, #tpu.memory_space<vmem>>, vector<16xi32>,
    %swap3A_504 = vector.shape_cast %swap3A_503 : vector<16xi32> to vector<16xi32>
    %swap3A_505 = vector.shape_cast %and3A_501 : vector<16xi32> to vector<16xi32>
    tpu.vector_store %arg9[%swap3A_502], %swap3A_505 {strides = array<i32>} : memref<80xi32, #tpu.memory_space<vmem>>, vector<16xi32>,
    %get3A_506 = arith.constant 123 : i32
    %get3A_507 = arith.index_cast %get3A_506 : i32 to index
    %get3A_508 = arith.constant 64 : index
    %get3A_509 = tpu.vector_load %arg5[%get3A_507, %get3A_508] {strides = array<i32>} : memref<125x80xi32, #tpu.memory_space<vmem>>, vector<1x16xi32>,
    %get3A_510 = vector.shape_cast %get3A_509 : vector<1x16xi32> to vector<16xi32>
    %shift_right_logical3A_511 = arith.constant 16 : i32
    %shift_right_logical3A_512 = vector.broadcast %shift_right_logical3A_511 : i32 to vector<16xi32>
    %shift_right_logical3A_513 = arith.shrui %get3A_510, %shift_right_logical3A_512 : vector<16xi32>
    %swap3A_514 = arith.constant 64 : index
    %swap3A_515 = tpu.vector_load %arg6[%swap3A_514] {strides = array<i32>} : memref<80xi32, #tpu.memory_space<vmem>>, vector<16xi32>,
    %swap3A_516 = vector.shape_cast %swap3A_515 : vector<16xi32> to vector<16xi32>
    %swap3A_517 = vector.shape_cast %shift_right_logical3A_513 : vector<16xi32> to vector<16xi32>
    tpu.vector_store %arg6[%swap3A_514], %swap3A_517 {strides = array<i32>} : memref<80xi32, #tpu.memory_space<vmem>>, vector<16xi32>,
    %and3A_518 = arith.constant 65535 : i32
    %and3A_519 = vector.broadcast %and3A_518 : i32 to vector<16xi32>
    %and3A_520 = arith.andi %get3A_510, %and3A_519 : vector<16xi32>
    %swap3A_521 = arith.constant 64 : index
    %swap3A_522 = tpu.vector_load %arg9[%swap3A_521] {strides = array<i32>} : memref<80xi32, #tpu.memory_space<vmem>>, vector<16xi32>,
    %swap3A_523 = vector.shape_cast %swap3A_522 : vector<16xi32> to vector<16xi32>
    %swap3A_524 = vector.shape_cast %and3A_520 : vector<16xi32> to vector<16xi32>
    tpu.vector_store %arg9[%swap3A_521], %swap3A_524 {strides = array<i32>} : memref<80xi32, #tpu.memory_space<vmem>>, vector<16xi32>,
    %dma_start3A_525 = arith.constant 0 : i32
    %dma_start3A_526 = arith.constant 0 : i32
    %dma_start3A_527 = tpu.memref_slice %arg2[%dma_start3A_525, %dma_start3A_526] : memref<10000x128xf32, #tpu.memory_space<hbm>> -> memref<10000x128xf32, #tpu.memory_space<hbm>>
    tpu.enqueue_indirect_dma source(%dma_start3A_527 : memref<10000x128xf32, #tpu.memory_space<hbm>>) target(%arg12 : memref<80x128xf32, #tpu.memory_space<vmem>>) offsets(%arg6 : memref<80xi32, #tpu.memory_space<vmem>>) semaphore(%arg16 : memref<!tpu.dma_semaphore, #tpu.memory_space<semaphore_mem>>)
    %dma_wait3A_528 = arith.constant 0 : i32
    %dma_wait3A_529 = arith.constant 0 : i32
    %dma_wait3A_530 = tpu.memref_slice %arg15[%dma_wait3A_528, %dma_wait3A_529] : memref<10000x128xf32, #tpu.memory_space<vmem_shared>> -> memref<10000x128xf32, #tpu.memory_space<vmem_shared>>
    tpu.wait_indirect_dma semaphore(%arg20 : memref<!tpu.dma_semaphore, #tpu.memory_space<semaphore_mem>>) src(%arg13 : memref<80x128xf32, #tpu.memory_space<vmem>>) dst(%dma_wait3A_530 : memref<10000x128xf32, #tpu.memory_space<vmem_shared>>)
    %get3A_531 = arith.constant 124 : i32
    %get3A_532 = arith.index_cast %get3A_531 : i32 to index
    %get3A_533 = arith.constant 0 : index
    %get3A_534 = tpu.vector_load %arg5[%get3A_532, %get3A_533] {strides = array<i32>} : memref<125x80xi32, #tpu.memory_space<vmem>>, vector<1x16xi32>,
    %get3A_535 = vector.shape_cast %get3A_534 : vector<1x16xi32> to vector<16xi32>
    %shift_right_logical3A_536 = arith.constant 16 : i32
    %shift_right_logical3A_537 = vector.broadcast %shift_right_logical3A_536 : i32 to vector<16xi32>
    %shift_right_logical3A_538 = arith.shrui %get3A_535, %shift_right_logical3A_537 : vector<16xi32>
    %swap3A_539 = arith.constant 0 : index
    %swap3A_540 = tpu.vector_load %arg7[%swap3A_539] {strides = array<i32>} : memref<80xi32, #tpu.memory_space<vmem>>, vector<16xi32>,
    %swap3A_541 = vector.shape_cast %swap3A_540 : vector<16xi32> to vector<16xi32>
    %swap3A_542 = vector.shape_cast %shift_right_logical3A_538 : vector<16xi32> to vector<16xi32>
    tpu.vector_store %arg7[%swap3A_539], %swap3A_542 {strides = array<i32>} : memref<80xi32, #tpu.memory_space<vmem>>, vector<16xi32>,
    %and3A_543 = arith.constant 65535 : i32
    %and3A_544 = vector.broadcast %and3A_543 : i32 to vector<16xi32>
    %and3A_545 = arith.andi %get3A_535, %and3A_544 : vector<16xi32>
    %swap3A_546 = arith.constant 0 : index
    %swap3A_547 = tpu.vector_load %arg10[%swap3A_546] {strides = array<i32>} : memref<80xi32, #tpu.memory_space<vmem>>, vector<16xi32>,
    %swap3A_548 = vector.shape_cast %swap3A_547 : vector<16xi32> to vector<16xi32>
    %swap3A_549 = vector.shape_cast %and3A_545 : vector<16xi32> to vector<16xi32>
    tpu.vector_store %arg10[%swap3A_546], %swap3A_549 {strides = array<i32>} : memref<80xi32, #tpu.memory_space<vmem>>, vector<16xi32>,
    %get3A_550 = arith.constant 124 : i32
    %get3A_551 = arith.index_cast %get3A_550 : i32 to index
    %get3A_552 = arith.constant 16 : index
    %get3A_553 = tpu.vector_load %arg5[%get3A_551, %get3A_552] {strides = array<i32>} : memref<125x80xi32, #tpu.memory_space<vmem>>, vector<1x16xi32>,
    %get3A_554 = vector.shape_cast %get3A_553 : vector<1x16xi32> to vector<16xi32>
    %shift_right_logical3A_555 = arith.constant 16 : i32
    %shift_right_logical3A_556 = vector.broadcast %shift_right_logical3A_555 : i32 to vector<16xi32>
    %shift_right_logical3A_557 = arith.shrui %get3A_554, %shift_right_logical3A_556 : vector<16xi32>
    %swap3A_558 = arith.constant 16 : index
    %swap3A_559 = tpu.vector_load %arg7[%swap3A_558] {strides = array<i32>} : memref<80xi32, #tpu.memory_space<vmem>>, vector<16xi32>,
    %swap3A_560 = vector.shape_cast %swap3A_559 : vector<16xi32> to vector<16xi32>
    %swap3A_561 = vector.shape_cast %shift_right_logical3A_557 : vector<16xi32> to vector<16xi32>
    tpu.vector_store %arg7[%swap3A_558], %swap3A_561 {strides = array<i32>} : memref<80xi32, #tpu.memory_space<vmem>>, vector<16xi32>,
    %and3A_562 = arith.constant 65535 : i32
    %and3A_563 = vector.broadcast %and3A_562 : i32 to vector<16xi32>
    %and3A_564 = arith.andi %get3A_554, %and3A_563 : vector<16xi32>
    %swap3A_565 = arith.constant 16 : index
    %swap3A_566 = tpu.vector_load %arg10[%swap3A_565] {strides = array<i32>} : memref<80xi32, #tpu.memory_space<vmem>>, vector<16xi32>,
    %swap3A_567 = vector.shape_cast %swap3A_566 : vector<16xi32> to vector<16xi32>
    %swap3A_568 = vector.shape_cast %and3A_564 : vector<16xi32> to vector<16xi32>
    tpu.vector_store %arg10[%swap3A_565], %swap3A_568 {strides = array<i32>} : memref<80xi32, #tpu.memory_space<vmem>>, vector<16xi32>,
    %get3A_569 = arith.constant 124 : i32
    %get3A_570 = arith.index_cast %get3A_569 : i32 to index
    %get3A_571 = arith.constant 32 : index
    %get3A_572 = tpu.vector_load %arg5[%get3A_570, %get3A_571] {strides = array<i32>} : memref<125x80xi32, #tpu.memory_space<vmem>>, vector<1x16xi32>,
    %get3A_573 = vector.shape_cast %get3A_572 : vector<1x16xi32> to vector<16xi32>
    %shift_right_logical3A_574 = arith.constant 16 : i32
    %shift_right_logical3A_575 = vector.broadcast %shift_right_logical3A_574 : i32 to vector<16xi32>
    %shift_right_logical3A_576 = arith.shrui %get3A_573, %shift_right_logical3A_575 : vector<16xi32>
    %swap3A_577 = arith.constant 32 : index
    %swap3A_578 = tpu.vector_load %arg7[%swap3A_577] {strides = array<i32>} : memref<80xi32, #tpu.memory_space<vmem>>, vector<16xi32>,
    %swap3A_579 = vector.shape_cast %swap3A_578 : vector<16xi32> to vector<16xi32>
    %swap3A_580 = vector.shape_cast %shift_right_logical3A_576 : vector<16xi32> to vector<16xi32>
    tpu.vector_store %arg7[%swap3A_577], %swap3A_580 {strides = array<i32>} : memref<80xi32, #tpu.memory_space<vmem>>, vector<16xi32>,
    %and3A_581 = arith.constant 65535 : i32
    %and3A_582 = vector.broadcast %and3A_581 : i32 to vector<16xi32>
    %and3A_583 = arith.andi %get3A_573, %and3A_582 : vector<16xi32>
    %swap3A_584 = arith.constant 32 : index
    %swap3A_585 = tpu.vector_load %arg10[%swap3A_584] {strides = array<i32>} : memref<80xi32, #tpu.memory_space<vmem>>, vector<16xi32>,
    %swap3A_586 = vector.shape_cast %swap3A_585 : vector<16xi32> to vector<16xi32>
    %swap3A_587 = vector.shape_cast %and3A_583 : vector<16xi32> to vector<16xi32>
    tpu.vector_store %arg10[%swap3A_584], %swap3A_587 {strides = array<i32>} : memref<80xi32, #tpu.memory_space<vmem>>, vector<16xi32>,
    %get3A_588 = arith.constant 124 : i32
    %get3A_589 = arith.index_cast %get3A_588 : i32 to index
    %get3A_590 = arith.constant 48 : index
    %get3A_591 = tpu.vector_load %arg5[%get3A_589, %get3A_590] {strides = array<i32>} : memref<125x80xi32, #tpu.memory_space<vmem>>, vector<1x16xi32>,
    %get3A_592 = vector.shape_cast %get3A_591 : vector<1x16xi32> to vector<16xi32>
    %shift_right_logical3A_593 = arith.constant 16 : i32
    %shift_right_logical3A_594 = vector.broadcast %shift_right_logical3A_593 : i32 to vector<16xi32>
    %shift_right_logical3A_595 = arith.shrui %get3A_592, %shift_right_logical3A_594 : vector<16xi32>
    %swap3A_596 = arith.constant 48 : index
    %swap3A_597 = tpu.vector_load %arg7[%swap3A_596] {strides = array<i32>} : memref<80xi32, #tpu.memory_space<vmem>>, vector<16xi32>,
    %swap3A_598 = vector.shape_cast %swap3A_597 : vector<16xi32> to vector<16xi32>
    %swap3A_599 = vector.shape_cast %shift_right_logical3A_595 : vector<16xi32> to vector<16xi32>
    tpu.vector_store %arg7[%swap3A_596], %swap3A_599 {strides = array<i32>} : memref<80xi32, #tpu.memory_space<vmem>>, vector<16xi32>,
    %and3A_600 = arith.constant 65535 : i32
    %and3A_601 = vector.broadcast %and3A_600 : i32 to vector<16xi32>
    %and3A_602 = arith.andi %get3A_592, %and3A_601 : vector<16xi32>
    %swap3A_603 = arith.constant 48 : index
    %swap3A_604 = tpu.vector_load %arg10[%swap3A_603] {strides = array<i32>} : memref<80xi32, #tpu.memory_space<vmem>>, vector<16xi32>,
    %swap3A_605 = vector.shape_cast %swap3A_604 : vector<16xi32> to vector<16xi32>
    %swap3A_606 = vector.shape_cast %and3A_602 : vector<16xi32> to vector<16xi32>
    tpu.vector_store %arg10[%swap3A_603], %swap3A_606 {strides = array<i32>} : memref<80xi32, #tpu.memory_space<vmem>>, vector<16xi32>,
    %get3A_607 = arith.constant 124 : i32
    %get3A_608 = arith.index_cast %get3A_607 : i32 to index
    %get3A_609 = arith.constant 64 : index
    %get3A_610 = tpu.vector_load %arg5[%get3A_608, %get3A_609] {strides = array<i32>} : memref<125x80xi32, #tpu.memory_space<vmem>>, vector<1x16xi32>,
    %get3A_611 = vector.shape_cast %get3A_610 : vector<1x16xi32> to vector<16xi32>
    %shift_right_logical3A_612 = arith.constant 16 : i32
    %shift_right_logical3A_613 = vector.broadcast %shift_right_logical3A_612 : i32 to vector<16xi32>
    %shift_right_logical3A_614 = arith.shrui %get3A_611, %shift_right_logical3A_613 : vector<16xi32>
    %swap3A_615 = arith.constant 64 : index
    %swap3A_616 = tpu.vector_load %arg7[%swap3A_615] {strides = array<i32>} : memref<80xi32, #tpu.memory_space<vmem>>, vector<16xi32>,
    %swap3A_617 = vector.shape_cast %swap3A_616 : vector<16xi32> to vector<16xi32>
    %swap3A_618 = vector.shape_cast %shift_right_logical3A_614 : vector<16xi32> to vector<16xi32>
    tpu.vector_store %arg7[%swap3A_615], %swap3A_618 {strides = array<i32>} : memref<80xi32, #tpu.memory_space<vmem>>, vector<16xi32>,
    %and3A_619 = arith.constant 65535 : i32
    %and3A_620 = vector.broadcast %and3A_619 : i32 to vector<16xi32>
    %and3A_621 = arith.andi %get3A_611, %and3A_620 : vector<16xi32>
    %swap3A_622 = arith.constant 64 : index
    %swap3A_623 = tpu.vector_load %arg10[%swap3A_622] {strides = array<i32>} : memref<80xi32, #tpu.memory_space<vmem>>, vector<16xi32>,
    %swap3A_624 = vector.shape_cast %swap3A_623 : vector<16xi32> to vector<16xi32>
    %swap3A_625 = vector.shape_cast %and3A_621 : vector<16xi32> to vector<16xi32>
    tpu.vector_store %arg10[%swap3A_622], %swap3A_625 {strides = array<i32>} : memref<80xi32, #tpu.memory_space<vmem>>, vector<16xi32>,
    %dma_start3A_626 = arith.constant 0 : i32
    %dma_start3A_627 = arith.constant 0 : i32
    %dma_start3A_628 = tpu.memref_slice %arg2[%dma_start3A_626, %dma_start3A_627] : memref<10000x128xf32, #tpu.memory_space<hbm>> -> memref<10000x128xf32, #tpu.memory_space<hbm>>
    tpu.enqueue_indirect_dma source(%dma_start3A_628 : memref<10000x128xf32, #tpu.memory_space<hbm>>) target(%arg13 : memref<80x128xf32, #tpu.memory_space<vmem>>) offsets(%arg7 : memref<80xi32, #tpu.memory_space<vmem>>) semaphore(%arg17 : memref<!tpu.dma_semaphore, #tpu.memory_space<semaphore_mem>>)
    %dma_wait3A_629 = arith.constant 0 : i32
    %dma_wait3A_630 = arith.constant 0 : i32
    %dma_wait3A_631 = tpu.memref_slice %arg2[%dma_wait3A_629, %dma_wait3A_630] : memref<10000x128xf32, #tpu.memory_space<hbm>> -> memref<10000x128xf32, #tpu.memory_space<hbm>>
    tpu.wait_indirect_dma semaphore(%arg16 : memref<!tpu.dma_semaphore, #tpu.memory_space<semaphore_mem>>) src(%dma_wait3A_631 : memref<10000x128xf32, #tpu.memory_space<hbm>>) dst(%arg12 : memref<80x128xf32, #tpu.memory_space<vmem>>)
    %dma_start3A_632 = arith.constant 0 : i32
    %dma_start3A_633 = arith.constant 0 : i32
    %dma_start3A_634 = tpu.memref_slice %arg15[%dma_start3A_632, %dma_start3A_633] : memref<10000x128xf32, #tpu.memory_space<vmem_shared>> -> memref<10000x128xf32, #tpu.memory_space<vmem_shared>>
    tpu.enqueue_indirect_dma source(%arg12 : memref<80x128xf32, #tpu.memory_space<vmem>>) target(%dma_start3A_634 : memref<10000x128xf32, #tpu.memory_space<vmem_shared>>) offsets(%arg9 : memref<80xi32, #tpu.memory_space<vmem>>) semaphore(%arg19 : memref<!tpu.dma_semaphore, #tpu.memory_space<semaphore_mem>>) {add = true}
    %dma_wait3A_635 = arith.constant 0 : i32
    %dma_wait3A_636 = arith.constant 0 : i32
    %dma_wait3A_637 = tpu.memref_slice %arg2[%dma_wait3A_635, %dma_wait3A_636] : memref<10000x128xf32, #tpu.memory_space<hbm>> -> memref<10000x128xf32, #tpu.memory_space<hbm>>
    tpu.wait_indirect_dma semaphore(%arg17 : memref<!tpu.dma_semaphore, #tpu.memory_space<semaphore_mem>>) src(%dma_wait3A_637 : memref<10000x128xf32, #tpu.memory_space<hbm>>) dst(%arg13 : memref<80x128xf32, #tpu.memory_space<vmem>>)
    %dma_start3A_638 = arith.constant 0 : i32
    %dma_start3A_639 = arith.constant 0 : i32
    %dma_start3A_640 = tpu.memref_slice %arg15[%dma_start3A_638, %dma_start3A_639] : memref<10000x128xf32, #tpu.memory_space<vmem_shared>> -> memref<10000x128xf32, #tpu.memory_space<vmem_shared>>
    tpu.enqueue_indirect_dma source(%arg13 : memref<80x128xf32, #tpu.memory_space<vmem>>) target(%dma_start3A_640 : memref<10000x128xf32, #tpu.memory_space<vmem_shared>>) offsets(%arg10 : memref<80xi32, #tpu.memory_space<vmem>>) semaphore(%arg20 : memref<!tpu.dma_semaphore, #tpu.memory_space<semaphore_mem>>) {add = true}
    %dma_wait3A_641 = arith.constant 0 : i32
    %dma_wait3A_642 = arith.constant 0 : i32
    %dma_wait3A_643 = tpu.memref_slice %arg15[%dma_wait3A_641, %dma_wait3A_642] : memref<10000x128xf32, #tpu.memory_space<vmem_shared>> -> memref<10000x128xf32, #tpu.memory_space<vmem_shared>>
    tpu.wait_indirect_dma semaphore(%arg19 : memref<!tpu.dma_semaphore, #tpu.memory_space<semaphore_mem>>) src(%arg12 : memref<80x128xf32, #tpu.memory_space<vmem>>) dst(%dma_wait3A_643 : memref<10000x128xf32, #tpu.memory_space<vmem_shared>>)
    %dma_wait3A_644 = arith.constant 0 : i32
    %dma_wait3A_645 = arith.constant 0 : i32
    %dma_wait3A_646 = tpu.memref_slice %arg15[%dma_wait3A_644, %dma_wait3A_645] : memref<10000x128xf32, #tpu.memory_space<vmem_shared>> -> memref<10000x128xf32, #tpu.memory_space<vmem_shared>>
    tpu.wait_indirect_dma semaphore(%arg20 : memref<!tpu.dma_semaphore, #tpu.memory_space<semaphore_mem>>) src(%arg13 : memref<80x128xf32, #tpu.memory_space<vmem>>) dst(%dma_wait3A_646 : memref<10000x128xf32, #tpu.memory_space<vmem_shared>>)
    %dma_wait3A_647 = arith.constant 0 : i32
    %dma_wait3A_648 = arith.constant 0 : i32
    %dma_wait3A_649 = tpu.memref_slice %arg15[%dma_wait3A_647, %dma_wait3A_648] : memref<10000x128xf32, #tpu.memory_space<vmem_shared>> -> memref<10000x128xf32, #tpu.memory_space<vmem_shared>>
    tpu.wait_indirect_dma semaphore(%arg21 : memref<!tpu.dma_semaphore, #tpu.memory_space<semaphore_mem>>) src(%arg14 : memref<80x128xf32, #tpu.memory_space<vmem>>) dst(%dma_wait3A_649 : memref<10000x128xf32, #tpu.memory_space<vmem_shared>>)
    %barrier3A_650 = arith.constant 0 : index
    tpu.barrier barrier_id(%barrier3A_650)
    %add3A_651 = arith.constant 0 : i32
    %add3A_652 = arith.addi %arg1, %add3A_651 : i32
    %lt3A_653 = arith.constant 125 : i32
    %lt3A_654 = arith.cmpi slt, %add3A_652, %lt3A_653 : i32
    %convert_element_type3A_655 = arith.extui %lt3A_654 : i1 to i32
    %cond3A_656 = arith.constant 0 : i32
    %cond3A_657 = arith.cmpi ne, %convert_element_type3A_655, %cond3A_656 : i32
    scf.if %cond3A_657 {
      %mul3A_819 = arith.constant 80 : i32
      %mul3A_820 = arith.muli %add3A_652, %mul3A_819 : i32
      %multiple_of3A = tpu.assume_multiple %mul3A_820, 80 : i32
      %dma_start3A_821 = arith.constant 0 : i32
      %dma_start3A_822 = tpu.memref_slice %arg15[%multiple_of3A, %dma_start3A_821] : memref<10000x128xf32, #tpu.memory_space<vmem_shared>> -> memref<80x128xf32, #tpu.memory_space<vmem_shared>>
      %dma_start3A_823 = arith.constant 0 : i32
      %dma_start3A_824 = tpu.memref_slice %arg15[%multiple_of3A, %dma_start3A_823] : memref<10000x128xf32, #tpu.memory_space<vmem_shared>> -> memref<80x128xf32, #tpu.memory_space<vmem_shared>>
      tpu.enqueue_dma source(%dma_start3A_824 : memref<80x128xf32, #tpu.memory_space<vmem_shared>>) target(%arg12 : memref<80x128xf32, #tpu.memory_space<vmem>>) target_semaphore(%arg16 : memref<!tpu.dma_semaphore, #tpu.memory_space<semaphore_mem>>)
    } else {
    }
    %add3A_658 = arith.constant 16 : i32
    %add3A_659 = arith.addi %arg1, %add3A_658 : i32
    %lt3A_660 = arith.constant 125 : i32
    %lt3A_661 = arith.cmpi slt, %add3A_659, %lt3A_660 : i32
    %convert_element_type3A_662 = arith.extui %lt3A_661 : i1 to i32
    %cond3A_663 = arith.constant 0 : i32
    %cond3A_664 = arith.cmpi ne, %convert_element_type3A_662, %cond3A_663 : i32
    scf.if %cond3A_664 {
      %mul3A_819 = arith.constant 80 : i32
      %mul3A_820 = arith.muli %add3A_659, %mul3A_819 : i32
      %multiple_of3A = tpu.assume_multiple %mul3A_820, 80 : i32
      %dma_start3A_821 = arith.constant 0 : i32
      %dma_start3A_822 = tpu.memref_slice %arg15[%multiple_of3A, %dma_start3A_821] : memref<10000x128xf32, #tpu.memory_space<vmem_shared>> -> memref<80x128xf32, #tpu.memory_space<vmem_shared>>
      %dma_start3A_823 = arith.constant 0 : i32
      %dma_start3A_824 = tpu.memref_slice %arg15[%multiple_of3A, %dma_start3A_823] : memref<10000x128xf32, #tpu.memory_space<vmem_shared>> -> memref<80x128xf32, #tpu.memory_space<vmem_shared>>
      tpu.enqueue_dma source(%dma_start3A_824 : memref<80x128xf32, #tpu.memory_space<vmem_shared>>) target(%arg13 : memref<80x128xf32, #tpu.memory_space<vmem>>) target_semaphore(%arg17 : memref<!tpu.dma_semaphore, #tpu.memory_space<semaphore_mem>>)
    } else {
    }
    %add3A_665 = arith.constant 32 : i32
    %add3A_666 = arith.addi %arg1, %add3A_665 : i32
    %lt3A_667 = arith.constant 125 : i32
    %lt3A_668 = arith.cmpi slt, %add3A_666, %lt3A_667 : i32
    %convert_element_type3A_669 = arith.extui %lt3A_668 : i1 to i32
    %cond3A_670 = arith.constant 0 : i32
    %cond3A_671 = arith.cmpi ne, %convert_element_type3A_669, %cond3A_670 : i32
    scf.if %cond3A_671 {
      %mul3A_819 = arith.constant 80 : i32
      %mul3A_820 = arith.muli %add3A_666, %mul3A_819 : i32
      %multiple_of3A = tpu.assume_multiple %mul3A_820, 80 : i32
      %dma_start3A_821 = arith.constant 0 : i32
      %dma_start3A_822 = tpu.memref_slice %arg15[%multiple_of3A, %dma_start3A_821] : memref<10000x128xf32, #tpu.memory_space<vmem_shared>> -> memref<80x128xf32, #tpu.memory_space<vmem_shared>>
      %dma_start3A_823 = arith.constant 0 : i32
      %dma_start3A_824 = tpu.memref_slice %arg15[%multiple_of3A, %dma_start3A_823] : memref<10000x128xf32, #tpu.memory_space<vmem_shared>> -> memref<80x128xf32, #tpu.memory_space<vmem_shared>>
      tpu.enqueue_dma source(%dma_start3A_824 : memref<80x128xf32, #tpu.memory_space<vmem_shared>>) target(%arg14 : memref<80x128xf32, #tpu.memory_space<vmem>>) target_semaphore(%arg18 : memref<!tpu.dma_semaphore, #tpu.memory_space<semaphore_mem>>)
    } else {
    }
    %add3A_672 = arith.constant 0 : i32
    %add3A_673 = arith.addi %arg1, %add3A_672 : i32
    %lt3A_674 = arith.constant 125 : i32
    %lt3A_675 = arith.cmpi slt, %add3A_673, %lt3A_674 : i32
    %convert_element_type3A_676 = arith.extui %lt3A_675 : i1 to i32
    %cond3A_677 = arith.constant 0 : i32
    %cond3A_678 = arith.cmpi ne, %convert_element_type3A_676, %cond3A_677 : i32
    scf.if %cond3A_678 {
      %mul3A_819 = arith.constant 80 : i32
      %mul3A_820 = arith.muli %add3A_673, %mul3A_819 : i32
      %multiple_of3A = tpu.assume_multiple %mul3A_820, 80 : i32
      %dma_wait3A_821 = arith.constant 0 : i32
      %dma_wait3A_822 = tpu.memref_slice %arg15[%multiple_of3A, %dma_wait3A_821] : memref<10000x128xf32, #tpu.memory_space<vmem_shared>> -> memref<80x128xf32, #tpu.memory_space<vmem_shared>>
      %dma_wait3A_823 = arith.constant 0 : i32
      %dma_wait3A_824 = tpu.memref_slice %arg15[%multiple_of3A, %dma_wait3A_823] : memref<10000x128xf32, #tpu.memory_space<vmem_shared>> -> memref<80x128xf32, #tpu.memory_space<vmem_shared>>
      tpu.wait_dma2 semaphore(%arg16 : memref<!tpu.dma_semaphore, #tpu.memory_space<semaphore_mem>>) src(%dma_wait3A_824 : memref<80x128xf32, #tpu.memory_space<vmem_shared>>) dst(%arg12 : memref<80x128xf32, #tpu.memory_space<vmem>>)
      %dma_start3A_825 = arith.constant 0 : i32
      %dma_start3A_826 = tpu.memref_slice %arg4[%arg0, %multiple_of3A, %dma_start3A_825] : memref<2x10000x128xf32, #tpu.memory_space<hbm>> -> memref<1x80x128xf32, #tpu.memory_space<hbm>>
      %dma_start3A_827 = tpu.memref_squeeze %dma_start3A_826 : memref<1x80x128xf32, #tpu.memory_space<hbm>> -> memref<80x128xf32, #tpu.memory_space<hbm>>
      %dma_start3A_828 = arith.constant 0 : i32
      %dma_start3A_829 = tpu.memref_slice %arg4[%arg0, %multiple_of3A, %dma_start3A_828] : memref<2x10000x128xf32, #tpu.memory_space<hbm>> -> memref<1x80x128xf32, #tpu.memory_space<hbm>>
      %dma_start3A_830 = tpu.memref_squeeze %dma_start3A_829 : memref<1x80x128xf32, #tpu.memory_space<hbm>> -> memref<80x128xf32, #tpu.memory_space<hbm>>
      tpu.enqueue_dma source(%arg12 : memref<80x128xf32, #tpu.memory_space<vmem>>) target(%dma_start3A_830 : memref<80x128xf32, #tpu.memory_space<hbm>>) target_semaphore(%arg19 : memref<!tpu.dma_semaphore, #tpu.memory_space<semaphore_mem>>)
    } else {
    }
    %add3A_679 = arith.constant 0 : i32
    %add3A_680 = arith.addi %arg1, %add3A_679 : i32
    %lt3A_681 = arith.constant 125 : i32
    %lt3A_682 = arith.cmpi slt, %add3A_680, %lt3A_681 : i32
    %convert_element_type3A_683 = arith.extui %lt3A_682 : i1 to i32
    %cond3A_684 = arith.constant 0 : i32
    %cond3A_685 = arith.cmpi ne, %convert_element_type3A_683, %cond3A_684 : i32
    scf.if %cond3A_685 {
      %mul3A_819 = arith.constant 80 : i32
      %mul3A_820 = arith.muli %add3A_680, %mul3A_819 : i32
      %multiple_of3A = tpu.assume_multiple %mul3A_820, 80 : i32
      %dma_wait3A_821 = arith.constant 0 : i32
      %dma_wait3A_822 = tpu.memref_slice %arg4[%arg0, %multiple_of3A, %dma_wait3A_821] : memref<2x10000x128xf32, #tpu.memory_space<hbm>> -> memref<1x80x128xf32, #tpu.memory_space<hbm>>
      %dma_wait3A_823 = tpu.memref_squeeze %dma_wait3A_822 : memref<1x80x128xf32, #tpu.memory_space<hbm>> -> memref<80x128xf32, #tpu.memory_space<hbm>>
      %dma_wait3A_824 = arith.constant 0 : i32
      %dma_wait3A_825 = tpu.memref_slice %arg4[%arg0, %multiple_of3A, %dma_wait3A_824] : memref<2x10000x128xf32, #tpu.memory_space<hbm>> -> memref<1x80x128xf32, #tpu.memory_space<hbm>>
      %dma_wait3A_826 = tpu.memref_squeeze %dma_wait3A_825 : memref<1x80x128xf32, #tpu.memory_space<hbm>> -> memref<80x128xf32, #tpu.memory_space<hbm>>
      tpu.wait_dma2 semaphore(%arg19 : memref<!tpu.dma_semaphore, #tpu.memory_space<semaphore_mem>>) src(%arg12 : memref<80x128xf32, #tpu.memory_space<vmem>>) dst(%dma_wait3A_826 : memref<80x128xf32, #tpu.memory_space<hbm>>)
    } else {
    }
    %add3A_686 = arith.constant 48 : i32
    %add3A_687 = arith.addi %arg1, %add3A_686 : i32
    %lt3A_688 = arith.constant 125 : i32
    %lt3A_689 = arith.cmpi slt, %add3A_687, %lt3A_688 : i32
    %convert_element_type3A_690 = arith.extui %lt3A_689 : i1 to i32
    %cond3A_691 = arith.constant 0 : i32
    %cond3A_692 = arith.cmpi ne, %convert_element_type3A_690, %cond3A_691 : i32
    scf.if %cond3A_692 {
      %mul3A_819 = arith.constant 80 : i32
      %mul3A_820 = arith.muli %add3A_687, %mul3A_819 : i32
      %multiple_of3A = tpu.assume_multiple %mul3A_820, 80 : i32
      %dma_start3A_821 = arith.constant 0 : i32
      %dma_start3A_822 = tpu.memref_slice %arg15[%multiple_of3A, %dma_start3A_821] : memref<10000x128xf32, #tpu.memory_space<vmem_shared>> -> memref<80x128xf32, #tpu.memory_space<vmem_shared>>
      %dma_start3A_823 = arith.constant 0 : i32
      %dma_start3A_824 = tpu.memref_slice %arg15[%multiple_of3A, %dma_start3A_823] : memref<10000x128xf32, #tpu.memory_space<vmem_shared>> -> memref<80x128xf32, #tpu.memory_space<vmem_shared>>
      tpu.enqueue_dma source(%dma_start3A_824 : memref<80x128xf32, #tpu.memory_space<vmem_shared>>) target(%arg12 : memref<80x128xf32, #tpu.memory_space<vmem>>) target_semaphore(%arg16 : memref<!tpu.dma_semaphore, #tpu.memory_space<semaphore_mem>>)
    } else {
    }
    %add3A_693 = arith.constant 16 : i32
    %add3A_694 = arith.addi %arg1, %add3A_693 : i32
    %lt3A_695 = arith.constant 125 : i32
    %lt3A_696 = arith.cmpi slt, %add3A_694, %lt3A_695 : i32
    %convert_element_type3A_697 = arith.extui %lt3A_696 : i1 to i32
    %cond3A_698 = arith.constant 0 : i32
    %cond3A_699 = arith.cmpi ne, %convert_element_type3A_697, %cond3A_698 : i32
    scf.if %cond3A_699 {
      %mul3A_819 = arith.constant 80 : i32
      %mul3A_820 = arith.muli %add3A_694, %mul3A_819 : i32
      %multiple_of3A = tpu.assume_multiple %mul3A_820, 80 : i32
      %dma_wait3A_821 = arith.constant 0 : i32
      %dma_wait3A_822 = tpu.memref_slice %arg15[%multiple_of3A, %dma_wait3A_821] : memref<10000x128xf32, #tpu.memory_space<vmem_shared>> -> memref<80x128xf32, #tpu.memory_space<vmem_shared>>
      %dma_wait3A_823 = arith.constant 0 : i32
      %dma_wait3A_824 = tpu.memref_slice %arg15[%multiple_of3A, %dma_wait3A_823] : memref<10000x128xf32, #tpu.memory_space<vmem_shared>> -> memref<80x128xf32, #tpu.memory_space<vmem_shared>>
      tpu.wait_dma2 semaphore(%arg17 : memref<!tpu.dma_semaphore, #tpu.memory_space<semaphore_mem>>) src(%dma_wait3A_824 : memref<80x128xf32, #tpu.memory_space<vmem_shared>>) dst(%arg13 : memref<80x128xf32, #tpu.memory_space<vmem>>)
      %dma_start3A_825 = arith.constant 0 : i32
      %dma_start3A_826 = tpu.memref_slice %arg4[%arg0, %multiple_of3A, %dma_start3A_825] : memref<2x10000x128xf32, #tpu.memory_space<hbm>> -> memref<1x80x128xf32, #tpu.memory_space<hbm>>
      %dma_start3A_827 = tpu.memref_squeeze %dma_start3A_826 : memref<1x80x128xf32, #tpu.memory_space<hbm>> -> memref<80x128xf32, #tpu.memory_space<hbm>>
      %dma_start3A_828 = arith.constant 0 : i32
      %dma_start3A_829 = tpu.memref_slice %arg4[%arg0, %multiple_of3A, %dma_start3A_828] : memref<2x10000x128xf32, #tpu.memory_space<hbm>> -> memref<1x80x128xf32, #tpu.memory_space<hbm>>
      %dma_start3A_830 = tpu.memref_squeeze %dma_start3A_829 : memref<1x80x128xf32, #tpu.memory_space<hbm>> -> memref<80x128xf32, #tpu.memory_space<hbm>>
      tpu.enqueue_dma source(%arg13 : memref<80x128xf32, #tpu.memory_space<vmem>>) target(%dma_start3A_830 : memref<80x128xf32, #tpu.memory_space<hbm>>) target_semaphore(%arg20 : memref<!tpu.dma_semaphore, #tpu.memory_space<semaphore_mem>>)
    } else {
    }
    %add3A_700 = arith.constant 16 : i32
    %add3A_701 = arith.addi %arg1, %add3A_700 : i32
    %lt3A_702 = arith.constant 125 : i32
    %lt3A_703 = arith.cmpi slt, %add3A_701, %lt3A_702 : i32
    %convert_element_type3A_704 = arith.extui %lt3A_703 : i1 to i32
    %cond3A_705 = arith.constant 0 : i32
    %cond3A_706 = arith.cmpi ne, %convert_element_type3A_704, %cond3A_705 : i32
    scf.if %cond3A_706 {
      %mul3A_819 = arith.constant 80 : i32
      %mul3A_820 = arith.muli %add3A_701, %mul3A_819 : i32
      %multiple_of3A = tpu.assume_multiple %mul3A_820, 80 : i32
      %dma_wait3A_821 = arith.constant 0 : i32
      %dma_wait3A_822 = tpu.memref_slice %arg4[%arg0, %multiple_of3A, %dma_wait3A_821] : memref<2x10000x128xf32, #tpu.memory_space<hbm>> -> memref<1x80x128xf32, #tpu.memory_space<hbm>>
      %dma_wait3A_823 = tpu.memref_squeeze %dma_wait3A_822 : memref<1x80x128xf32, #tpu.memory_space<hbm>> -> memref<80x128xf32, #tpu.memory_space<hbm>>
      %dma_wait3A_824 = arith.constant 0 : i32
      %dma_wait3A_825 = tpu.memref_slice %arg4[%arg0, %multiple_of3A, %dma_wait3A_824] : memref<2x10000x128xf32, #tpu.memory_space<hbm>> -> memref<1x80x128xf32, #tpu.memory_space<hbm>>
      %dma_wait3A_826 = tpu.memref_squeeze %dma_wait3A_825 : memref<1x80x128xf32, #tpu.memory_space<hbm>> -> memref<80x128xf32, #tpu.memory_space<hbm>>
      tpu.wait_dma2 semaphore(%arg20 : memref<!tpu.dma_semaphore, #tpu.memory_space<semaphore_mem>>) src(%arg13 : memref<80x128xf32, #tpu.memory_space<vmem>>) dst(%dma_wait3A_826 : memref<80x128xf32, #tpu.memory_space<hbm>>)
    } else {
    }
    %add3A_707 = arith.constant 64 : i32
    %add3A_708 = arith.addi %arg1, %add3A_707 : i32
    %lt3A_709 = arith.constant 125 : i32
    %lt3A_710 = arith.cmpi slt, %add3A_708, %lt3A_709 : i32
    %convert_element_type3A_711 = arith.extui %lt3A_710 : i1 to i32
    %cond3A_712 = arith.constant 0 : i32
    %cond3A_713 = arith.cmpi ne, %convert_element_type3A_711, %cond3A_712 : i32
    scf.if %cond3A_713 {
      %mul3A_819 = arith.constant 80 : i32
      %mul3A_820 = arith.muli %add3A_708, %mul3A_819 : i32
      %multiple_of3A = tpu.assume_multiple %mul3A_820, 80 : i32
      %dma_start3A_821 = arith.constant 0 : i32
      %dma_start3A_822 = tpu.memref_slice %arg15[%multiple_of3A, %dma_start3A_821] : memref<10000x128xf32, #tpu.memory_space<vmem_shared>> -> memref<80x128xf32, #tpu.memory_space<vmem_shared>>
      %dma_start3A_823 = arith.constant 0 : i32
      %dma_start3A_824 = tpu.memref_slice %arg15[%multiple_of3A, %dma_start3A_823] : memref<10000x128xf32, #tpu.memory_space<vmem_shared>> -> memref<80x128xf32, #tpu.memory_space<vmem_shared>>
      tpu.enqueue_dma source(%dma_start3A_824 : memref<80x128xf32, #tpu.memory_space<vmem_shared>>) target(%arg13 : memref<80x128xf32, #tpu.memory_space<vmem>>) target_semaphore(%arg17 : memref<!tpu.dma_semaphore, #tpu.memory_space<semaphore_mem>>)
    } else {
    }
    %add3A_714 = arith.constant 32 : i32
    %add3A_715 = arith.addi %arg1, %add3A_714 : i32
    %lt3A_716 = arith.constant 125 : i32
    %lt3A_717 = arith.cmpi slt, %add3A_715, %lt3A_716 : i32
    %convert_element_type3A_718 = arith.extui %lt3A_717 : i1 to i32
    %cond3A_719 = arith.constant 0 : i32
    %cond3A_720 = arith.cmpi ne, %convert_element_type3A_718, %cond3A_719 : i32
    scf.if %cond3A_720 {
      %mul3A_819 = arith.constant 80 : i32
      %mul3A_820 = arith.muli %add3A_715, %mul3A_819 : i32
      %multiple_of3A = tpu.assume_multiple %mul3A_820, 80 : i32
      %dma_wait3A_821 = arith.constant 0 : i32
      %dma_wait3A_822 = tpu.memref_slice %arg15[%multiple_of3A, %dma_wait3A_821] : memref<10000x128xf32, #tpu.memory_space<vmem_shared>> -> memref<80x128xf32, #tpu.memory_space<vmem_shared>>
      %dma_wait3A_823 = arith.constant 0 : i32
      %dma_wait3A_824 = tpu.memref_slice %arg15[%multiple_of3A, %dma_wait3A_823] : memref<10000x128xf32, #tpu.memory_space<vmem_shared>> -> memref<80x128xf32, #tpu.memory_space<vmem_shared>>
      tpu.wait_dma2 semaphore(%arg18 : memref<!tpu.dma_semaphore, #tpu.memory_space<semaphore_mem>>) src(%dma_wait3A_824 : memref<80x128xf32, #tpu.memory_space<vmem_shared>>) dst(%arg14 : memref<80x128xf32, #tpu.memory_space<vmem>>)
      %dma_start3A_825 = arith.constant 0 : i32
      %dma_start3A_826 = tpu.memref_slice %arg4[%arg0, %multiple_of3A, %dma_start3A_825] : memref<2x10000x128xf32, #tpu.memory_space<hbm>> -> memref<1x80x128xf32, #tpu.memory_space<hbm>>
      %dma_start3A_827 = tpu.memref_squeeze %dma_start3A_826 : memref<1x80x128xf32, #tpu.memory_space<hbm>> -> memref<80x128xf32, #tpu.memory_space<hbm>>
      %dma_start3A_828 = arith.constant 0 : i32
      %dma_start3A_829 = tpu.memref_slice %arg4[%arg0, %multiple_of3A, %dma_start3A_828] : memref<2x10000x128xf32, #tpu.memory_space<hbm>> -> memref<1x80x128xf32, #tpu.memory_space<hbm>>
      %dma_start3A_830 = tpu.memref_squeeze %dma_start3A_829 : memref<1x80x128xf32, #tpu.memory_space<hbm>> -> memref<80x128xf32, #tpu.memory_space<hbm>>
      tpu.enqueue_dma source(%arg14 : memref<80x128xf32, #tpu.memory_space<vmem>>) target(%dma_start3A_830 : memref<80x128xf32, #tpu.memory_space<hbm>>) target_semaphore(%arg21 : memref<!tpu.dma_semaphore, #tpu.memory_space<semaphore_mem>>)
    } else {
    }
    %add3A_721 = arith.constant 32 : i32
    %add3A_722 = arith.addi %arg1, %add3A_721 : i32
    %lt3A_723 = arith.constant 125 : i32
    %lt3A_724 = arith.cmpi slt, %add3A_722, %lt3A_723 : i32
    %convert_element_type3A_725 = arith.extui %lt3A_724 : i1 to i32
    %cond3A_726 = arith.constant 0 : i32
    %cond3A_727 = arith.cmpi ne, %convert_element_type3A_725, %cond3A_726 : i32
    scf.if %cond3A_727 {
      %mul3A_819 = arith.constant 80 : i32
      %mul3A_820 = arith.muli %add3A_722, %mul3A_819 : i32
      %multiple_of3A = tpu.assume_multiple %mul3A_820, 80 : i32
      %dma_wait3A_821 = arith.constant 0 : i32
      %dma_wait3A_822 = tpu.memref_slice %arg4[%arg0, %multiple_of3A, %dma_wait3A_821] : memref<2x10000x128xf32, #tpu.memory_space<hbm>> -> memref<1x80x128xf32, #tpu.memory_space<hbm>>
      %dma_wait3A_823 = tpu.memref_squeeze %dma_wait3A_822 : memref<1x80x128xf32, #tpu.memory_space<hbm>> -> memref<80x128xf32, #tpu.memory_space<hbm>>
      %dma_wait3A_824 = arith.constant 0 : i32
      %dma_wait3A_825 = tpu.memref_slice %arg4[%arg0, %multiple_of3A, %dma_wait3A_824] : memref<2x10000x128xf32, #tpu.memory_space<hbm>> -> memref<1x80x128xf32, #tpu.memory_space<hbm>>
      %dma_wait3A_826 = tpu.memref_squeeze %dma_wait3A_825 : memref<1x80x128xf32, #tpu.memory_space<hbm>> -> memref<80x128xf32, #tpu.memory_space<hbm>>
      tpu.wait_dma2 semaphore(%arg21 : memref<!tpu.dma_semaphore, #tpu.memory_space<semaphore_mem>>) src(%arg14 : memref<80x128xf32, #tpu.memory_space<vmem>>) dst(%dma_wait3A_826 : memref<80x128xf32, #tpu.memory_space<hbm>>)
    } else {
    }
    %add3A_728 = arith.constant 80 : i32
    %add3A_729 = arith.addi %arg1, %add3A_728 : i32
    %lt3A_730 = arith.constant 125 : i32
    %lt3A_731 = arith.cmpi slt, %add3A_729, %lt3A_730 : i32
    %convert_element_type3A_732 = arith.extui %lt3A_731 : i1 to i32
    %cond3A_733 = arith.constant 0 : i32
    %cond3A_734 = arith.cmpi ne, %convert_element_type3A_732, %cond3A_733 : i32
    scf.if %cond3A_734 {
      %mul3A_819 = arith.constant 80 : i32
      %mul3A_820 = arith.muli %add3A_729, %mul3A_819 : i32
      %multiple_of3A = tpu.assume_multiple %mul3A_820, 80 : i32
      %dma_start3A_821 = arith.constant 0 : i32
      %dma_start3A_822 = tpu.memref_slice %arg15[%multiple_of3A, %dma_start3A_821] : memref<10000x128xf32, #tpu.memory_space<vmem_shared>> -> memref<80x128xf32, #tpu.memory_space<vmem_shared>>
      %dma_start3A_823 = arith.constant 0 : i32
      %dma_start3A_824 = tpu.memref_slice %arg15[%multiple_of3A, %dma_start3A_823] : memref<10000x128xf32, #tpu.memory_space<vmem_shared>> -> memref<80x128xf32, #tpu.memory_space<vmem_shared>>
      tpu.enqueue_dma source(%dma_start3A_824 : memref<80x128xf32, #tpu.memory_space<vmem_shared>>) target(%arg14 : memref<80x128xf32, #tpu.memory_space<vmem>>) target_semaphore(%arg18 : memref<!tpu.dma_semaphore, #tpu.memory_space<semaphore_mem>>)
    } else {
    }
    %add3A_735 = arith.constant 48 : i32
    %add3A_736 = arith.addi %arg1, %add3A_735 : i32
    %lt3A_737 = arith.constant 125 : i32
    %lt3A_738 = arith.cmpi slt, %add3A_736, %lt3A_737 : i32
    %convert_element_type3A_739 = arith.extui %lt3A_738 : i1 to i32
    %cond3A_740 = arith.constant 0 : i32
    %cond3A_741 = arith.cmpi ne, %convert_element_type3A_739, %cond3A_740 : i32
    scf.if %cond3A_741 {
      %mul3A_819 = arith.constant 80 : i32
      %mul3A_820 = arith.muli %add3A_736, %mul3A_819 : i32
      %multiple_of3A = tpu.assume_multiple %mul3A_820, 80 : i32
      %dma_wait3A_821 = arith.constant 0 : i32
      %dma_wait3A_822 = tpu.memref_slice %arg15[%multiple_of3A, %dma_wait3A_821] : memref<10000x128xf32, #tpu.memory_space<vmem_shared>> -> memref<80x128xf32, #tpu.memory_space<vmem_shared>>
      %dma_wait3A_823 = arith.constant 0 : i32
      %dma_wait3A_824 = tpu.memref_slice %arg15[%multiple_of3A, %dma_wait3A_823] : memref<10000x128xf32, #tpu.memory_space<vmem_shared>> -> memref<80x128xf32, #tpu.memory_space<vmem_shared>>
      tpu.wait_dma2 semaphore(%arg16 : memref<!tpu.dma_semaphore, #tpu.memory_space<semaphore_mem>>) src(%dma_wait3A_824 : memref<80x128xf32, #tpu.memory_space<vmem_shared>>) dst(%arg12 : memref<80x128xf32, #tpu.memory_space<vmem>>)
      %dma_start3A_825 = arith.constant 0 : i32
      %dma_start3A_826 = tpu.memref_slice %arg4[%arg0, %multiple_of3A, %dma_start3A_825] : memref<2x10000x128xf32, #tpu.memory_space<hbm>> -> memref<1x80x128xf32, #tpu.memory_space<hbm>>
      %dma_start3A_827 = tpu.memref_squeeze %dma_start3A_826 : memref<1x80x128xf32, #tpu.memory_space<hbm>> -> memref<80x128xf32, #tpu.memory_space<hbm>>
      %dma_start3A_828 = arith.constant 0 : i32
      %dma_start3A_829 = tpu.memref_slice %arg4[%arg0, %multiple_of3A, %dma_start3A_828] : memref<2x10000x128xf32, #tpu.memory_space<hbm>> -> memref<1x80x128xf32, #tpu.memory_space<hbm>>
      %dma_start3A_830 = tpu.memref_squeeze %dma_start3A_829 : memref<1x80x128xf32, #tpu.memory_space<hbm>> -> memref<80x128xf32, #tpu.memory_space<hbm>>
      tpu.enqueue_dma source(%arg12 : memref<80x128xf32, #tpu.memory_space<vmem>>) target(%dma_start3A_830 : memref<80x128xf32, #tpu.memory_space<hbm>>) target_semaphore(%arg19 : memref<!tpu.dma_semaphore, #tpu.memory_space<semaphore_mem>>)
    } else {
    }
    %add3A_742 = arith.constant 48 : i32
    %add3A_743 = arith.addi %arg1, %add3A_742 : i32
    %lt3A_744 = arith.constant 125 : i32
    %lt3A_745 = arith.cmpi slt, %add3A_743, %lt3A_744 : i32
    %convert_element_type3A_746 = arith.extui %lt3A_745 : i1 to i32
    %cond3A_747 = arith.constant 0 : i32
    %cond3A_748 = arith.cmpi ne, %convert_element_type3A_746, %cond3A_747 : i32
    scf.if %cond3A_748 {
      %mul3A_819 = arith.constant 80 : i32
      %mul3A_820 = arith.muli %add3A_743, %mul3A_819 : i32
      %multiple_of3A = tpu.assume_multiple %mul3A_820, 80 : i32
      %dma_wait3A_821 = arith.constant 0 : i32
      %dma_wait3A_822 = tpu.memref_slice %arg4[%arg0, %multiple_of3A, %dma_wait3A_821] : memref<2x10000x128xf32, #tpu.memory_space<hbm>> -> memref<1x80x128xf32, #tpu.memory_space<hbm>>
      %dma_wait3A_823 = tpu.memref_squeeze %dma_wait3A_822 : memref<1x80x128xf32, #tpu.memory_space<hbm>> -> memref<80x128xf32, #tpu.memory_space<hbm>>
      %dma_wait3A_824 = arith.constant 0 : i32
      %dma_wait3A_825 = tpu.memref_slice %arg4[%arg0, %multiple_of3A, %dma_wait3A_824] : memref<2x10000x128xf32, #tpu.memory_space<hbm>> -> memref<1x80x128xf32, #tpu.memory_space<hbm>>
      %dma_wait3A_826 = tpu.memref_squeeze %dma_wait3A_825 : memref<1x80x128xf32, #tpu.memory_space<hbm>> -> memref<80x128xf32, #tpu.memory_space<hbm>>
      tpu.wait_dma2 semaphore(%arg19 : memref<!tpu.dma_semaphore, #tpu.memory_space<semaphore_mem>>) src(%arg12 : memref<80x128xf32, #tpu.memory_space<vmem>>) dst(%dma_wait3A_826 : memref<80x128xf32, #tpu.memory_space<hbm>>)
    } else {
    }
    %add3A_749 = arith.constant 96 : i32
    %add3A_750 = arith.addi %arg1, %add3A_749 : i32
    %lt3A_751 = arith.constant 125 : i32
    %lt3A_752 = arith.cmpi slt, %add3A_750, %lt3A_751 : i32
    %convert_element_type3A_753 = arith.extui %lt3A_752 : i1 to i32
    %cond3A_754 = arith.constant 0 : i32
    %cond3A_755 = arith.cmpi ne, %convert_element_type3A_753, %cond3A_754 : i32
    scf.if %cond3A_755 {
      %mul3A_819 = arith.constant 80 : i32
      %mul3A_820 = arith.muli %add3A_750, %mul3A_819 : i32
      %multiple_of3A = tpu.assume_multiple %mul3A_820, 80 : i32
      %dma_start3A_821 = arith.constant 0 : i32
      %dma_start3A_822 = tpu.memref_slice %arg15[%multiple_of3A, %dma_start3A_821] : memref<10000x128xf32, #tpu.memory_space<vmem_shared>> -> memref<80x128xf32, #tpu.memory_space<vmem_shared>>
      %dma_start3A_823 = arith.constant 0 : i32
      %dma_start3A_824 = tpu.memref_slice %arg15[%multiple_of3A, %dma_start3A_823] : memref<10000x128xf32, #tpu.memory_space<vmem_shared>> -> memref<80x128xf32, #tpu.memory_space<vmem_shared>>
      tpu.enqueue_dma source(%dma_start3A_824 : memref<80x128xf32, #tpu.memory_space<vmem_shared>>) target(%arg12 : memref<80x128xf32, #tpu.memory_space<vmem>>) target_semaphore(%arg16 : memref<!tpu.dma_semaphore, #tpu.memory_space<semaphore_mem>>)
    } else {
    }
    %add3A_756 = arith.constant 64 : i32
    %add3A_757 = arith.addi %arg1, %add3A_756 : i32
    %lt3A_758 = arith.constant 125 : i32
    %lt3A_759 = arith.cmpi slt, %add3A_757, %lt3A_758 : i32
    %convert_element_type3A_760 = arith.extui %lt3A_759 : i1 to i32
    %cond3A_761 = arith.constant 0 : i32
    %cond3A_762 = arith.cmpi ne, %convert_element_type3A_760, %cond3A_761 : i32
    scf.if %cond3A_762 {
      %mul3A_819 = arith.constant 80 : i32
      %mul3A_820 = arith.muli %add3A_757, %mul3A_819 : i32
      %multiple_of3A = tpu.assume_multiple %mul3A_820, 80 : i32
      %dma_wait3A_821 = arith.constant 0 : i32
      %dma_wait3A_822 = tpu.memref_slice %arg15[%multiple_of3A, %dma_wait3A_821] : memref<10000x128xf32, #tpu.memory_space<vmem_shared>> -> memref<80x128xf32, #tpu.memory_space<vmem_shared>>
      %dma_wait3A_823 = arith.constant 0 : i32
      %dma_wait3A_824 = tpu.memref_slice %arg15[%multiple_of3A, %dma_wait3A_823] : memref<10000x128xf32, #tpu.memory_space<vmem_shared>> -> memref<80x128xf32, #tpu.memory_space<vmem_shared>>
      tpu.wait_dma2 semaphore(%arg17 : memref<!tpu.dma_semaphore, #tpu.memory_space<semaphore_mem>>) src(%dma_wait3A_824 : memref<80x128xf32, #tpu.memory_space<vmem_shared>>) dst(%arg13 : memref<80x128xf32, #tpu.memory_space<vmem>>)
      %dma_start3A_825 = arith.constant 0 : i32
      %dma_start3A_826 = tpu.memref_slice %arg4[%arg0, %multiple_of3A, %dma_start3A_825] : memref<2x10000x128xf32, #tpu.memory_space<hbm>> -> memref<1x80x128xf32, #tpu.memory_space<hbm>>
      %dma_start3A_827 = tpu.memref_squeeze %dma_start3A_826 : memref<1x80x128xf32, #tpu.memory_space<hbm>> -> memref<80x128xf32, #tpu.memory_space<hbm>>
      %dma_start3A_828 = arith.constant 0 : i32
      %dma_start3A_829 = tpu.memref_slice %arg4[%arg0, %multiple_of3A, %dma_start3A_828] : memref<2x10000x128xf32, #tpu.memory_space<hbm>> -> memref<1x80x128xf32, #tpu.memory_space<hbm>>
      %dma_start3A_830 = tpu.memref_squeeze %dma_start3A_829 : memref<1x80x128xf32, #tpu.memory_space<hbm>> -> memref<80x128xf32, #tpu.memory_space<hbm>>
      tpu.enqueue_dma source(%arg13 : memref<80x128xf32, #tpu.memory_space<vmem>>) target(%dma_start3A_830 : memref<80x128xf32, #tpu.memory_space<hbm>>) target_semaphore(%arg20 : memref<!tpu.dma_semaphore, #tpu.memory_space<semaphore_mem>>)
    } else {
    }
    %add3A_763 = arith.constant 64 : i32
    %add3A_764 = arith.addi %arg1, %add3A_763 : i32
    %lt3A_765 = arith.constant 125 : i32
    %lt3A_766 = arith.cmpi slt, %add3A_764, %lt3A_765 : i32
    %convert_element_type3A_767 = arith.extui %lt3A_766 : i1 to i32
    %cond3A_768 = arith.constant 0 : i32
    %cond3A_769 = arith.cmpi ne, %convert_element_type3A_767, %cond3A_768 : i32
    scf.if %cond3A_769 {
      %mul3A_819 = arith.constant 80 : i32
      %mul3A_820 = arith.muli %add3A_764, %mul3A_819 : i32
      %multiple_of3A = tpu.assume_multiple %mul3A_820, 80 : i32
      %dma_wait3A_821 = arith.constant 0 : i32
      %dma_wait3A_822 = tpu.memref_slice %arg4[%arg0, %multiple_of3A, %dma_wait3A_821] : memref<2x10000x128xf32, #tpu.memory_space<hbm>> -> memref<1x80x128xf32, #tpu.memory_space<hbm>>
      %dma_wait3A_823 = tpu.memref_squeeze %dma_wait3A_822 : memref<1x80x128xf32, #tpu.memory_space<hbm>> -> memref<80x128xf32, #tpu.memory_space<hbm>>
      %dma_wait3A_824 = arith.constant 0 : i32
      %dma_wait3A_825 = tpu.memref_slice %arg4[%arg0, %multiple_of3A, %dma_wait3A_824] : memref<2x10000x128xf32, #tpu.memory_space<hbm>> -> memref<1x80x128xf32, #tpu.memory_space<hbm>>
      %dma_wait3A_826 = tpu.memref_squeeze %dma_wait3A_825 : memref<1x80x128xf32, #tpu.memory_space<hbm>> -> memref<80x128xf32, #tpu.memory_space<hbm>>
      tpu.wait_dma2 semaphore(%arg20 : memref<!tpu.dma_semaphore, #tpu.memory_space<semaphore_mem>>) src(%arg13 : memref<80x128xf32, #tpu.memory_space<vmem>>) dst(%dma_wait3A_826 : memref<80x128xf32, #tpu.memory_space<hbm>>)
    } else {
    }
    %add3A_770 = arith.constant 112 : i32
    %add3A_771 = arith.addi %arg1, %add3A_770 : i32
    %lt3A_772 = arith.constant 125 : i32
    %lt3A_773 = arith.cmpi slt, %add3A_771, %lt3A_772 : i32
    %convert_element_type3A_774 = arith.extui %lt3A_773 : i1 to i32
    %cond3A_775 = arith.constant 0 : i32
    %cond3A_776 = arith.cmpi ne, %convert_element_type3A_774, %cond3A_775 : i32
    scf.if %cond3A_776 {
      %mul3A_819 = arith.constant 80 : i32
      %mul3A_820 = arith.muli %add3A_771, %mul3A_819 : i32
      %multiple_of3A = tpu.assume_multiple %mul3A_820, 80 : i32
      %dma_start3A_821 = arith.constant 0 : i32
      %dma_start3A_822 = tpu.memref_slice %arg15[%multiple_of3A, %dma_start3A_821] : memref<10000x128xf32, #tpu.memory_space<vmem_shared>> -> memref<80x128xf32, #tpu.memory_space<vmem_shared>>
      %dma_start3A_823 = arith.constant 0 : i32
      %dma_start3A_824 = tpu.memref_slice %arg15[%multiple_of3A, %dma_start3A_823] : memref<10000x128xf32, #tpu.memory_space<vmem_shared>> -> memref<80x128xf32, #tpu.memory_space<vmem_shared>>
      tpu.enqueue_dma source(%dma_start3A_824 : memref<80x128xf32, #tpu.memory_space<vmem_shared>>) target(%arg13 : memref<80x128xf32, #tpu.memory_space<vmem>>) target_semaphore(%arg17 : memref<!tpu.dma_semaphore, #tpu.memory_space<semaphore_mem>>)
    } else {
    }
    %add3A_777 = arith.constant 80 : i32
    %add3A_778 = arith.addi %arg1, %add3A_777 : i32
    %lt3A_779 = arith.constant 125 : i32
    %lt3A_780 = arith.cmpi slt, %add3A_778, %lt3A_779 : i32
    %convert_element_type3A_781 = arith.extui %lt3A_780 : i1 to i32
    %cond3A_782 = arith.constant 0 : i32
    %cond3A_783 = arith.cmpi ne, %convert_element_type3A_781, %cond3A_782 : i32
    scf.if %cond3A_783 {
      %mul3A_819 = arith.constant 80 : i32
      %mul3A_820 = arith.muli %add3A_778, %mul3A_819 : i32
      %multiple_of3A = tpu.assume_multiple %mul3A_820, 80 : i32
      %dma_wait3A_821 = arith.constant 0 : i32
      %dma_wait3A_822 = tpu.memref_slice %arg15[%multiple_of3A, %dma_wait3A_821] : memref<10000x128xf32, #tpu.memory_space<vmem_shared>> -> memref<80x128xf32, #tpu.memory_space<vmem_shared>>
      %dma_wait3A_823 = arith.constant 0 : i32
      %dma_wait3A_824 = tpu.memref_slice %arg15[%multiple_of3A, %dma_wait3A_823] : memref<10000x128xf32, #tpu.memory_space<vmem_shared>> -> memref<80x128xf32, #tpu.memory_space<vmem_shared>>
      tpu.wait_dma2 semaphore(%arg18 : memref<!tpu.dma_semaphore, #tpu.memory_space<semaphore_mem>>) src(%dma_wait3A_824 : memref<80x128xf32, #tpu.memory_space<vmem_shared>>) dst(%arg14 : memref<80x128xf32, #tpu.memory_space<vmem>>)
      %dma_start3A_825 = arith.constant 0 : i32
      %dma_start3A_826 = tpu.memref_slice %arg4[%arg0, %multiple_of3A, %dma_start3A_825] : memref<2x10000x128xf32, #tpu.memory_space<hbm>> -> memref<1x80x128xf32, #tpu.memory_space<hbm>>
      %dma_start3A_827 = tpu.memref_squeeze %dma_start3A_826 : memref<1x80x128xf32, #tpu.memory_space<hbm>> -> memref<80x128xf32, #tpu.memory_space<hbm>>
      %dma_start3A_828 = arith.constant 0 : i32
      %dma_start3A_829 = tpu.memref_slice %arg4[%arg0, %multiple_of3A, %dma_start3A_828] : memref<2x10000x128xf32, #tpu.memory_space<hbm>> -> memref<1x80x128xf32, #tpu.memory_space<hbm>>
      %dma_start3A_830 = tpu.memref_squeeze %dma_start3A_829 : memref<1x80x128xf32, #tpu.memory_space<hbm>> -> memref<80x128xf32, #tpu.memory_space<hbm>>
      tpu.enqueue_dma source(%arg14 : memref<80x128xf32, #tpu.memory_space<vmem>>) target(%dma_start3A_830 : memref<80x128xf32, #tpu.memory_space<hbm>>) target_semaphore(%arg21 : memref<!tpu.dma_semaphore, #tpu.memory_space<semaphore_mem>>)
    } else {
    }
    %add3A_784 = arith.constant 96 : i32
    %add3A_785 = arith.addi %arg1, %add3A_784 : i32
    %lt3A_786 = arith.constant 125 : i32
    %lt3A_787 = arith.cmpi slt, %add3A_785, %lt3A_786 : i32
    %convert_element_type3A_788 = arith.extui %lt3A_787 : i1 to i32
    %cond3A_789 = arith.constant 0 : i32
    %cond3A_790 = arith.cmpi ne, %convert_element_type3A_788, %cond3A_789 : i32
    scf.if %cond3A_790 {
      %mul3A_819 = arith.constant 80 : i32
      %mul3A_820 = arith.muli %add3A_785, %mul3A_819 : i32
      %multiple_of3A = tpu.assume_multiple %mul3A_820, 80 : i32
      %dma_wait3A_821 = arith.constant 0 : i32
      %dma_wait3A_822 = tpu.memref_slice %arg15[%multiple_of3A, %dma_wait3A_821] : memref<10000x128xf32, #tpu.memory_space<vmem_shared>> -> memref<80x128xf32, #tpu.memory_space<vmem_shared>>
      %dma_wait3A_823 = arith.constant 0 : i32
      %dma_wait3A_824 = tpu.memref_slice %arg15[%multiple_of3A, %dma_wait3A_823] : memref<10000x128xf32, #tpu.memory_space<vmem_shared>> -> memref<80x128xf32, #tpu.memory_space<vmem_shared>>
      tpu.wait_dma2 semaphore(%arg16 : memref<!tpu.dma_semaphore, #tpu.memory_space<semaphore_mem>>) src(%dma_wait3A_824 : memref<80x128xf32, #tpu.memory_space<vmem_shared>>) dst(%arg12 : memref<80x128xf32, #tpu.memory_space<vmem>>)
      %dma_start3A_825 = arith.constant 0 : i32
      %dma_start3A_826 = tpu.memref_slice %arg4[%arg0, %multiple_of3A, %dma_start3A_825] : memref<2x10000x128xf32, #tpu.memory_space<hbm>> -> memref<1x80x128xf32, #tpu.memory_space<hbm>>
      %dma_start3A_827 = tpu.memref_squeeze %dma_start3A_826 : memref<1x80x128xf32, #tpu.memory_space<hbm>> -> memref<80x128xf32, #tpu.memory_space<hbm>>
      %dma_start3A_828 = arith.constant 0 : i32
      %dma_start3A_829 = tpu.memref_slice %arg4[%arg0, %multiple_of3A, %dma_start3A_828] : memref<2x10000x128xf32, #tpu.memory_space<hbm>> -> memref<1x80x128xf32, #tpu.memory_space<hbm>>
      %dma_start3A_830 = tpu.memref_squeeze %dma_start3A_829 : memref<1x80x128xf32, #tpu.memory_space<hbm>> -> memref<80x128xf32, #tpu.memory_space<hbm>>
      tpu.enqueue_dma source(%arg12 : memref<80x128xf32, #tpu.memory_space<vmem>>) target(%dma_start3A_830 : memref<80x128xf32, #tpu.memory_space<hbm>>) target_semaphore(%arg19 : memref<!tpu.dma_semaphore, #tpu.memory_space<semaphore_mem>>)
    } else {
    }
    %add3A_791 = arith.constant 112 : i32
    %add3A_792 = arith.addi %arg1, %add3A_791 : i32
    %lt3A_793 = arith.constant 125 : i32
    %lt3A_794 = arith.cmpi slt, %add3A_792, %lt3A_793 : i32
    %convert_element_type3A_795 = arith.extui %lt3A_794 : i1 to i32
    %cond3A_796 = arith.constant 0 : i32
    %cond3A_797 = arith.cmpi ne, %convert_element_type3A_795, %cond3A_796 : i32
    scf.if %cond3A_797 {
      %mul3A_819 = arith.constant 80 : i32
      %mul3A_820 = arith.muli %add3A_792, %mul3A_819 : i32
      %multiple_of3A = tpu.assume_multiple %mul3A_820, 80 : i32
      %dma_wait3A_821 = arith.constant 0 : i32
      %dma_wait3A_822 = tpu.memref_slice %arg15[%multiple_of3A, %dma_wait3A_821] : memref<10000x128xf32, #tpu.memory_space<vmem_shared>> -> memref<80x128xf32, #tpu.memory_space<vmem_shared>>
      %dma_wait3A_823 = arith.constant 0 : i32
      %dma_wait3A_824 = tpu.memref_slice %arg15[%multiple_of3A, %dma_wait3A_823] : memref<10000x128xf32, #tpu.memory_space<vmem_shared>> -> memref<80x128xf32, #tpu.memory_space<vmem_shared>>
      tpu.wait_dma2 semaphore(%arg17 : memref<!tpu.dma_semaphore, #tpu.memory_space<semaphore_mem>>) src(%dma_wait3A_824 : memref<80x128xf32, #tpu.memory_space<vmem_shared>>) dst(%arg13 : memref<80x128xf32, #tpu.memory_space<vmem>>)
      %dma_start3A_825 = arith.constant 0 : i32
      %dma_start3A_826 = tpu.memref_slice %arg4[%arg0, %multiple_of3A, %dma_start3A_825] : memref<2x10000x128xf32, #tpu.memory_space<hbm>> -> memref<1x80x128xf32, #tpu.memory_space<hbm>>
      %dma_start3A_827 = tpu.memref_squeeze %dma_start3A_826 : memref<1x80x128xf32, #tpu.memory_space<hbm>> -> memref<80x128xf32, #tpu.memory_space<hbm>>
      %dma_start3A_828 = arith.constant 0 : i32
      %dma_start3A_829 = tpu.memref_slice %arg4[%arg0, %multiple_of3A, %dma_start3A_828] : memref<2x10000x128xf32, #tpu.memory_space<hbm>> -> memref<1x80x128xf32, #tpu.memory_space<hbm>>
      %dma_start3A_830 = tpu.memref_squeeze %dma_start3A_829 : memref<1x80x128xf32, #tpu.memory_space<hbm>> -> memref<80x128xf32, #tpu.memory_space<hbm>>
      tpu.enqueue_dma source(%arg13 : memref<80x128xf32, #tpu.memory_space<vmem>>) target(%dma_start3A_830 : memref<80x128xf32, #tpu.memory_space<hbm>>) target_semaphore(%arg20 : memref<!tpu.dma_semaphore, #tpu.memory_space<semaphore_mem>>)
    } else {
    }
    %add3A_798 = arith.constant 80 : i32
    %add3A_799 = arith.addi %arg1, %add3A_798 : i32
    %lt3A_800 = arith.constant 125 : i32
    %lt3A_801 = arith.cmpi slt, %add3A_799, %lt3A_800 : i32
    %convert_element_type3A_802 = arith.extui %lt3A_801 : i1 to i32
    %cond3A_803 = arith.constant 0 : i32
    %cond3A_804 = arith.cmpi ne, %convert_element_type3A_802, %cond3A_803 : i32
    scf.if %cond3A_804 {
      %mul3A_819 = arith.constant 80 : i32
      %mul3A_820 = arith.muli %add3A_799, %mul3A_819 : i32
      %multiple_of3A = tpu.assume_multiple %mul3A_820, 80 : i32
      %dma_wait3A_821 = arith.constant 0 : i32
      %dma_wait3A_822 = tpu.memref_slice %arg4[%arg0, %multiple_of3A, %dma_wait3A_821] : memref<2x10000x128xf32, #tpu.memory_space<hbm>> -> memref<1x80x128xf32, #tpu.memory_space<hbm>>
      %dma_wait3A_823 = tpu.memref_squeeze %dma_wait3A_822 : memref<1x80x128xf32, #tpu.memory_space<hbm>> -> memref<80x128xf32, #tpu.memory_space<hbm>>
      %dma_wait3A_824 = arith.constant 0 : i32
      %dma_wait3A_825 = tpu.memref_slice %arg4[%arg0, %multiple_of3A, %dma_wait3A_824] : memref<2x10000x128xf32, #tpu.memory_space<hbm>> -> memref<1x80x128xf32, #tpu.memory_space<hbm>>
      %dma_wait3A_826 = tpu.memref_squeeze %dma_wait3A_825 : memref<1x80x128xf32, #tpu.memory_space<hbm>> -> memref<80x128xf32, #tpu.memory_space<hbm>>
      tpu.wait_dma2 semaphore(%arg21 : memref<!tpu.dma_semaphore, #tpu.memory_space<semaphore_mem>>) src(%arg14 : memref<80x128xf32, #tpu.memory_space<vmem>>) dst(%dma_wait3A_826 : memref<80x128xf32, #tpu.memory_space<hbm>>)
    } else {
    }
    %add3A_805 = arith.constant 96 : i32
    %add3A_806 = arith.addi %arg1, %add3A_805 : i32
    %lt3A_807 = arith.constant 125 : i32
    %lt3A_808 = arith.cmpi slt, %add3A_806, %lt3A_807 : i32
    %convert_element_type3A_809 = arith.extui %lt3A_808 : i1 to i32
    %cond3A_810 = arith.constant 0 : i32
    %cond3A_811 = arith.cmpi ne, %convert_element_type3A_809, %cond3A_810 : i32
    scf.if %cond3A_811 {
      %mul3A_819 = arith.constant 80 : i32
      %mul3A_820 = arith.muli %add3A_806, %mul3A_819 : i32
      %multiple_of3A = tpu.assume_multiple %mul3A_820, 80 : i32
      %dma_wait3A_821 = arith.constant 0 : i32
      %dma_wait3A_822 = tpu.memref_slice %arg4[%arg0, %multiple_of3A, %dma_wait3A_821] : memref<2x10000x128xf32, #tpu.memory_space<hbm>> -> memref<1x80x128xf32, #tpu.memory_space<hbm>>
      %dma_wait3A_823 = tpu.memref_squeeze %dma_wait3A_822 : memref<1x80x128xf32, #tpu.memory_space<hbm>> -> memref<80x128xf32, #tpu.memory_space<hbm>>
      %dma_wait3A_824 = arith.constant 0 : i32
      %dma_wait3A_825 = tpu.memref_slice %arg4[%arg0, %multiple_of3A, %dma_wait3A_824] : memref<2x10000x128xf32, #tpu.memory_space<hbm>> -> memref<1x80x128xf32, #tpu.memory_space<hbm>>
      %dma_wait3A_826 = tpu.memref_squeeze %dma_wait3A_825 : memref<1x80x128xf32, #tpu.memory_space<hbm>> -> memref<80x128xf32, #tpu.memory_space<hbm>>
      tpu.wait_dma2 semaphore(%arg19 : memref<!tpu.dma_semaphore, #tpu.memory_space<semaphore_mem>>) src(%arg12 : memref<80x128xf32, #tpu.memory_space<vmem>>) dst(%dma_wait3A_826 : memref<80x128xf32, #tpu.memory_space<hbm>>)
    } else {
    }
    %add3A_812 = arith.constant 112 : i32
    %add3A_813 = arith.addi %arg1, %add3A_812 : i32
    %lt3A_814 = arith.constant 125 : i32
    %lt3A_815 = arith.cmpi slt, %add3A_813, %lt3A_814 : i32
    %convert_element_type3A_816 = arith.extui %lt3A_815 : i1 to i32
    %cond3A_817 = arith.constant 0 : i32
    %cond3A_818 = arith.cmpi ne, %convert_element_type3A_816, %cond3A_817 : i32
    scf.if %cond3A_818 {
      %mul3A_819 = arith.constant 80 : i32
      %mul3A_820 = arith.muli %add3A_813, %mul3A_819 : i32
      %multiple_of3A = tpu.assume_multiple %mul3A_820, 80 : i32
      %dma_wait3A_821 = arith.constant 0 : i32
      %dma_wait3A_822 = tpu.memref_slice %arg4[%arg0, %multiple_of3A, %dma_wait3A_821] : memref<2x10000x128xf32, #tpu.memory_space<hbm>> -> memref<1x80x128xf32, #tpu.memory_space<hbm>>
      %dma_wait3A_823 = tpu.memref_squeeze %dma_wait3A_822 : memref<1x80x128xf32, #tpu.memory_space<hbm>> -> memref<80x128xf32, #tpu.memory_space<hbm>>
      %dma_wait3A_824 = arith.constant 0 : i32
      %dma_wait3A_825 = tpu.memref_slice %arg4[%arg0, %multiple_of3A, %dma_wait3A_824] : memref<2x10000x128xf32, #tpu.memory_space<hbm>> -> memref<1x80x128xf32, #tpu.memory_space<hbm>>
      %dma_wait3A_826 = tpu.memref_squeeze %dma_wait3A_825 : memref<1x80x128xf32, #tpu.memory_space<hbm>> -> memref<80x128xf32, #tpu.memory_space<hbm>>
      tpu.wait_dma2 semaphore(%arg20 : memref<!tpu.dma_semaphore, #tpu.memory_space<semaphore_mem>>) src(%arg13 : memref<80x128xf32, #tpu.memory_space<vmem>>) dst(%dma_wait3A_826 : memref<80x128xf32, #tpu.memory_space<hbm>>)
    } else {
    }
    return
  }
}

module attributes {stable_mosaic.version = 14 : i64} {
  func.func @_seg_body(%arg0: i32, %arg1: memref<1x1x128xf32, #tpu.memory_space<vmem>>, %arg2: memref<1x1250x128xf32, #tpu.memory_space<vmem>>, %arg3: memref<2x1x1250x1xf32, #tpu.memory_space<vmem>>, %arg4: memref<128x1xf32, #tpu.memory_space<vmem>>, %arg5: memref<128x128xf32, #tpu.memory_space<vmem>>, %arg6: memref<128x128xf32, #tpu.memory_space<vmem>>, %arg7: memref<1x1250x128xf32, #tpu.memory_space<vmem>>, %arg8: memref<1x1250x1xf32, #tpu.memory_space<vmem>>) attributes {dimension_semantics = [#tpu.dimension_semantics<arbitrary>], iteration_bounds = array<i64: 8>, scalar_prefetch = 0 : i64, scratch_operands = 0 : i64, tpu.core_type = #tpu.core_type<tc>, window_params = [{transform_indices = @transform_0, window_bounds = array<i64: 1, 1, 128>}, {transform_indices = @transform_1, window_bounds = array<i64: 1, 1250, 128>}, {transform_indices = @transform_2, window_bounds = array<i64: 2, 1, 1250, 1>}, {pipeline_mode = #tpu.pipeline_mode<synchronous>, transform_indices = @transform_3, window_bounds = array<i64: 128, 1>}, {pipeline_mode = #tpu.pipeline_mode<synchronous>, transform_indices = @transform_4, window_bounds = array<i64: 128, 128>}, {pipeline_mode = #tpu.pipeline_mode<synchronous>, transform_indices = @transform_5, window_bounds = array<i64: 128, 128>}, {transform_indices = @transform_6, window_bounds = array<i64: 1, 1250, 128>}, {transform_indices = @transform_7, window_bounds = array<i64: 1, 1250, 1>}]} {
    %get3A = arith.constant 0 : index
    %get3A_0 = arith.constant 0 : index
    %get3A_1 = vector.load %arg4[%get3A, %get3A_0] : memref<128x1xf32, #tpu.memory_space<vmem>>, vector<128x1xf32>
    %get3A_2 = arith.constant 0 : index
    %get3A_3 = arith.constant 0 : index
    %get3A_4 = arith.constant 0 : index
    %get3A_5 = vector.load %arg1[%get3A_2, %get3A_3, %get3A_4] : memref<1x1x128xf32, #tpu.memory_space<vmem>>, vector<1x1x128xf32>
    %get3A_6 = vector.shape_cast %get3A_5 : vector<1x1x128xf32> to vector<1x128xf32>
    %mul3A = vector.broadcast %get3A_1 : vector<128x1xf32> to vector<128x128xf32>
    %mul3A_7 = vector.broadcast %get3A_6 : vector<1x128xf32> to vector<128x128xf32>
    %mul3A_8 = arith.mulf %mul3A, %mul3A_7 : vector<128x128xf32>
    %get3A_9 = arith.constant 0 : index
    %get3A_10 = arith.constant 0 : index
    %get3A_11 = vector.load %arg5[%get3A_9, %get3A_10] : memref<128x128xf32, #tpu.memory_space<vmem>>, vector<128x128xf32>
    %add3A = arith.addf %mul3A_8, %get3A_11 : vector<128x128xf32>
    %max3A = arith.constant 0.000000e+00 : f32
    %max3A_12 = vector.broadcast %max3A : f32 to vector<128x128xf32>
    %max3A_13 = arith.maximumf %add3A, %max3A_12 : vector<128x128xf32>
    %get3A_14 = arith.constant 0 : index
    %get3A_15 = arith.constant 0 : index
    %get3A_16 = arith.constant 0 : index
    %get3A_17 = vector.load %arg2[%get3A_14, %get3A_15, %get3A_16] : memref<1x1250x128xf32, #tpu.memory_space<vmem>>, vector<1x1250x128xf32>
    %get3A_18 = vector.shape_cast %get3A_17 : vector<1x1250x128xf32> to vector<1250x128xf32>
    %dot_general3A = arith.constant dense<0.000000e+00> : vector<1250x128xf32>
    %dot_general3A_19 = tpu.matmul %get3A_18, %max3A_13, %dot_general3A {dimension_numbers = #tpu.dot_dimension_numbers<[1], [0], [0], [1], [0, 0, 1, 1], [], []>, transpose_lhs_hint = false} : vector<1250x128xf32>, vector<128x128xf32>, vector<1250x128xf32> -> vector<1250x128xf32>
    %get3A_20 = arith.constant 0 : index
    %get3A_21 = arith.constant 0 : index
    %get3A_22 = vector.load %arg6[%get3A_20, %get3A_21] : memref<128x128xf32, #tpu.memory_space<vmem>>, vector<128x128xf32>
    %dot_general3A_23 = arith.constant dense<0.000000e+00> : vector<1250x128xf32>
    %dot_general3A_24 = tpu.matmul %dot_general3A_19, %get3A_22, %dot_general3A_23 {dimension_numbers = #tpu.dot_dimension_numbers<[1], [0], [0], [1], [0, 0, 1, 1], [], []>, transpose_lhs_hint = false} : vector<1250x128xf32>, vector<128x128xf32>, vector<1250x128xf32> -> vector<1250x128xf32>
    %get3A_25 = arith.constant 0 : index
    %get3A_26 = arith.constant 0 : index
    %get3A_27 = arith.constant 0 : index
    %get3A_28 = arith.constant 0 : index
    %get3A_29 = vector.load %arg3[%get3A_25, %get3A_26, %get3A_27, %get3A_28] : memref<2x1x1250x1xf32, #tpu.memory_space<vmem>>, vector<1x1x1250x1xf32>
    %get3A_30 = vector.shape_cast %get3A_29 : vector<1x1x1250x1xf32> to vector<1250x1xf32>
    %get3A_31 = arith.constant 1 : index
    %get3A_32 = arith.constant 0 : index
    %get3A_33 = arith.constant 0 : index
    %get3A_34 = arith.constant 0 : index
    %get3A_35 = vector.load %arg3[%get3A_31, %get3A_32, %get3A_33, %get3A_34] : memref<2x1x1250x1xf32, #tpu.memory_space<vmem>>, vector<1x1x1250x1xf32>
    %get3A_36 = vector.shape_cast %get3A_35 : vector<1x1x1250x1xf32> to vector<1250x1xf32>
    %add3A_37 = arith.addf %get3A_30, %get3A_36 : vector<1250x1xf32>
    %add3A_38 = arith.constant 1.000000e+00 : f32
    %add3A_39 = vector.broadcast %add3A_38 : f32 to vector<1250x1xf32>
    %add3A_40 = arith.addf %add3A_37, %add3A_39 : vector<1250x1xf32>
    %rsqrt3A = math.rsqrt %add3A_40 : vector<1250x1xf32>
    %mul3A_41 = vector.broadcast %rsqrt3A : vector<1250x1xf32> to vector<1250x128xf32>
    %mul3A_42 = arith.mulf %dot_general3A_24, %mul3A_41 : vector<1250x128xf32>
    %swap3A = arith.constant 0 : index
    %swap3A_43 = arith.constant 0 : index
    %swap3A_44 = arith.constant 0 : index
    %swap3A_45 = vector.load %arg7[%swap3A, %swap3A_43, %swap3A_44] : memref<1x1250x128xf32, #tpu.memory_space<vmem>>, vector<1x1250x128xf32>
    %swap3A_46 = vector.shape_cast %swap3A_45 : vector<1x1250x128xf32> to vector<1250x128xf32>
    %swap3A_47 = vector.shape_cast %mul3A_42 : vector<1250x128xf32> to vector<1x1250x128xf32>
    tpu.vector_store %arg7[%swap3A, %swap3A_43, %swap3A_44], %swap3A_47 {strides = array<i32>} : memref<1x1250x128xf32, #tpu.memory_space<vmem>>, vector<1x1250x128xf32>,
    %swap3A_48 = arith.constant 0 : index
    %swap3A_49 = arith.constant 0 : index
    %swap3A_50 = arith.constant 0 : index
    %swap3A_51 = vector.load %arg8[%swap3A_48, %swap3A_49, %swap3A_50] : memref<1x1250x1xf32, #tpu.memory_space<vmem>>, vector<1x1250x1xf32>
    %swap3A_52 = vector.shape_cast %swap3A_51 : vector<1x1250x1xf32> to vector<1250x1xf32>
    %swap3A_53 = vector.shape_cast %rsqrt3A : vector<1250x1xf32> to vector<1x1250x1xf32>
    tpu.vector_store %arg8[%swap3A_48, %swap3A_49, %swap3A_50], %swap3A_53 {strides = array<i32>} : memref<1x1250x1xf32, #tpu.memory_space<vmem>>, vector<1x1250x1xf32>,
    return
  }
  func.func @transform_0(%arg0: i32) -> (i32, i32, i32) {
    %c0_i32 = arith.constant 0 : i32
    %c0_i32_0 = arith.constant 0 : i32
    %c0_i32_1 = arith.constant 0 : i32
    return %arg0, %c0_i32, %c0_i32_0 : i32, i32, i32
  }
  func.func @transform_1(%arg0: i32) -> (i32, i32, i32) {
    %c0_i32 = arith.constant 0 : i32
    %c0_i32_0 = arith.constant 0 : i32
    %c0_i32_1 = arith.constant 0 : i32
    return %arg0, %c0_i32, %c0_i32_0 : i32, i32, i32
  }
  func.func @transform_2(%arg0: i32) -> (i32, i32, i32, i32) {
    %c0_i32 = arith.constant 0 : i32
    %c0_i32_0 = arith.constant 0 : i32
    %c0_i32_1 = arith.constant 0 : i32
    %c0_i32_2 = arith.constant 0 : i32
    return %c0_i32, %arg0, %c0_i32_0, %c0_i32_1 : i32, i32, i32, i32
  }
  func.func @transform_3(%arg0: i32) -> (i32, i32) {
    %c0_i32 = arith.constant 0 : i32
    %c0_i32_0 = arith.constant 0 : i32
    %c0_i32_1 = arith.constant 0 : i32
    return %c0_i32, %c0_i32_0 : i32, i32
  }
  func.func @transform_4(%arg0: i32) -> (i32, i32) {
    %c0_i32 = arith.constant 0 : i32
    %c0_i32_0 = arith.constant 0 : i32
    %c0_i32_1 = arith.constant 0 : i32
    return %c0_i32, %c0_i32_0 : i32, i32
  }
  func.func @transform_5(%arg0: i32) -> (i32, i32) {
    %c0_i32 = arith.constant 0 : i32
    %c0_i32_0 = arith.constant 0 : i32
    %c0_i32_1 = arith.constant 0 : i32
    return %c0_i32, %c0_i32_0 : i32, i32
  }
  func.func @transform_6(%arg0: i32) -> (i32, i32, i32) {
    %c0_i32 = arith.constant 0 : i32
    %c0_i32_0 = arith.constant 0 : i32
    %c0_i32_1 = arith.constant 0 : i32
    return %arg0, %c0_i32, %c0_i32_0 : i32, i32, i32
  }
  func.func @transform_7(%arg0: i32) -> (i32, i32, i32) {
    %c0_i32 = arith.constant 0 : i32
    %c0_i32_0 = arith.constant 0 : i32
    %c0_i32_1 = arith.constant 0 : i32
    return %arg0, %c0_i32, %c0_i32_0 : i32, i32, i32
  }
}

module attributes {stable_mosaic.version = 14 : i64} {
  func.func @_epi_body(%arg0: i32, %arg1: memref<2x2000x128xf32, #tpu.memory_space<vmem>>, %arg2: memref<2000x128xf32, #tpu.memory_space<vmem>>, %arg3: memref<2000x1xf32, #tpu.memory_space<vmem>>, %arg4: memref<1x128xf32, #tpu.memory_space<vmem>>, %arg5: memref<128x128xf32, #tpu.memory_space<vmem>>, %arg6: memref<2000x128xf32, #tpu.memory_space<vmem>>) attributes {dimension_semantics = [#tpu.dimension_semantics<arbitrary>], iteration_bounds = array<i64: 5>, scalar_prefetch = 0 : i64, scratch_operands = 0 : i64, tpu.core_type = #tpu.core_type<tc>, window_params = [{transform_indices = @transform_0, window_bounds = array<i64: 2, 2000, 128>}, {transform_indices = @transform_1, window_bounds = array<i64: 2000, 128>}, {transform_indices = @transform_2, window_bounds = array<i64: 2000, 1>}, {pipeline_mode = #tpu.pipeline_mode<synchronous>, transform_indices = @transform_3, window_bounds = array<i64: 1, 128>}, {pipeline_mode = #tpu.pipeline_mode<synchronous>, transform_indices = @transform_4, window_bounds = array<i64: 128, 128>}, {transform_indices = @transform_5, window_bounds = array<i64: 2000, 128>}]} {
    %get3A = arith.constant 0 : index
    %get3A_0 = arith.constant 0 : index
    %get3A_1 = vector.load %arg3[%get3A, %get3A_0] : memref<2000x1xf32, #tpu.memory_space<vmem>>, vector<2000x1xf32>
    %get3A_2 = arith.constant 0 : index
    %get3A_3 = arith.constant 0 : index
    %get3A_4 = arith.constant 0 : index
    %get3A_5 = vector.load %arg1[%get3A_2, %get3A_3, %get3A_4] : memref<2x2000x128xf32, #tpu.memory_space<vmem>>, vector<1x2000x128xf32>
    %get3A_6 = vector.shape_cast %get3A_5 : vector<1x2000x128xf32> to vector<2000x128xf32>
    %get3A_7 = arith.constant 1 : index
    %get3A_8 = arith.constant 0 : index
    %get3A_9 = arith.constant 0 : index
    %get3A_10 = vector.load %arg1[%get3A_7, %get3A_8, %get3A_9] : memref<2x2000x128xf32, #tpu.memory_space<vmem>>, vector<1x2000x128xf32>
    %get3A_11 = vector.shape_cast %get3A_10 : vector<1x2000x128xf32> to vector<2000x128xf32>
    %add3A = arith.addf %get3A_6, %get3A_11 : vector<2000x128xf32>
    %get3A_12 = arith.constant 0 : index
    %get3A_13 = arith.constant 0 : index
    %get3A_14 = vector.load %arg2[%get3A_12, %get3A_13] : memref<2000x128xf32, #tpu.memory_space<vmem>>, vector<2000x128xf32>
    %add3A_15 = arith.addf %add3A, %get3A_14 : vector<2000x128xf32>
    %mul3A = vector.broadcast %get3A_1 : vector<2000x1xf32> to vector<2000x128xf32>
    %mul3A_16 = arith.mulf %mul3A, %add3A_15 : vector<2000x128xf32>
    %get3A_17 = arith.constant 0 : index
    %get3A_18 = arith.constant 0 : index
    %get3A_19 = vector.load %arg4[%get3A_17, %get3A_18] : memref<1x128xf32, #tpu.memory_space<vmem>>, vector<1x128xf32>
    %add3A_20 = vector.broadcast %get3A_19 : vector<1x128xf32> to vector<2000x128xf32>
    %add3A_21 = arith.addf %mul3A_16, %add3A_20 : vector<2000x128xf32>
    %max3A = arith.constant 0.000000e+00 : f32
    %max3A_22 = vector.broadcast %max3A : f32 to vector<2000x128xf32>
    %max3A_23 = arith.maximumf %add3A_21, %max3A_22 : vector<2000x128xf32>
    %get3A_24 = arith.constant 0 : index
    %get3A_25 = arith.constant 0 : index
    %get3A_26 = vector.load %arg5[%get3A_24, %get3A_25] : memref<128x128xf32, #tpu.memory_space<vmem>>, vector<128x128xf32>
    %dot_general3A = arith.constant dense<0.000000e+00> : vector<2000x128xf32>
    %dot_general3A_27 = tpu.matmul %max3A_23, %get3A_26, %dot_general3A {dimension_numbers = #tpu.dot_dimension_numbers<[1], [0], [0], [1], [0, 0, 1, 1], [], []>, transpose_lhs_hint = false} : vector<2000x128xf32>, vector<128x128xf32>, vector<2000x128xf32> -> vector<2000x128xf32>
    %mul3A_28 = vector.broadcast %get3A_1 : vector<2000x1xf32> to vector<2000x128xf32>
    %mul3A_29 = arith.mulf %dot_general3A_27, %mul3A_28 : vector<2000x128xf32>
    %swap3A = arith.constant 0 : index
    %swap3A_30 = arith.constant 0 : index
    %swap3A_31 = vector.load %arg6[%swap3A, %swap3A_30] : memref<2000x128xf32, #tpu.memory_space<vmem>>, vector<2000x128xf32>
    tpu.vector_store %arg6[%swap3A, %swap3A_30], %mul3A_29 {strides = array<i32>} : memref<2000x128xf32, #tpu.memory_space<vmem>>, vector<2000x128xf32>,
    return
  }
  func.func @transform_0(%arg0: i32) -> (i32, i32, i32) {
    %c0_i32 = arith.constant 0 : i32
    %c0_i32_0 = arith.constant 0 : i32
    %c0_i32_1 = arith.constant 0 : i32
    return %c0_i32, %arg0, %c0_i32_0 : i32, i32, i32
  }
  func.func @transform_1(%arg0: i32) -> (i32, i32) {
    %c0_i32 = arith.constant 0 : i32
    %c0_i32_0 = arith.constant 0 : i32
    return %arg0, %c0_i32 : i32, i32
  }
  func.func @transform_2(%arg0: i32) -> (i32, i32) {
    %c0_i32 = arith.constant 0 : i32
    %c0_i32_0 = arith.constant 0 : i32
    return %arg0, %c0_i32 : i32, i32
  }
  func.func @transform_3(%arg0: i32) -> (i32, i32) {
    %c0_i32 = arith.constant 0 : i32
    %c0_i32_0 = arith.constant 0 : i32
    %c0_i32_1 = arith.constant 0 : i32
    return %c0_i32, %c0_i32_0 : i32, i32
  }
  func.func @transform_4(%arg0: i32) -> (i32, i32) {
    %c0_i32 = arith.constant 0 : i32
    %c0_i32_0 = arith.constant 0 : i32
    %c0_i32_1 = arith.constant 0 : i32
    return %c0_i32, %c0_i32_0 : i32, i32
  }
  func.func @transform_5(%arg0: i32) -> (i32, i32) {
    %c0_i32 = arith.constant 0 : i32
    %c0_i32_0 = arith.constant 0 : i32
    return %arg0, %c0_i32 : i32, i32
  }
}

module attributes {stable_mosaic.version = 14 : i64} {
  func.func @_fin_body(%arg0: i32, %arg1: memref<2x2000x128xf32, #tpu.memory_space<vmem>>, %arg2: memref<2000x128xf32, #tpu.memory_space<vmem>>, %arg3: memref<2000x1xf32, #tpu.memory_space<vmem>>, %arg4: memref<1x128xf32, #tpu.memory_space<vmem>>, %arg5: memref<128x128xf32, #tpu.memory_space<vmem>>, %arg6: memref<1x128xf32, #tpu.memory_space<vmem>>, %arg7: memref<2000x40xf32, #tpu.memory_space<vmem>>) attributes {dimension_semantics = [#tpu.dimension_semantics<arbitrary>], iteration_bounds = array<i64: 5>, scalar_prefetch = 0 : i64, scratch_operands = 0 : i64, tpu.core_type = #tpu.core_type<tc>, window_params = [{transform_indices = @transform_0, window_bounds = array<i64: 2, 2000, 128>}, {transform_indices = @transform_1, window_bounds = array<i64: 2000, 128>}, {transform_indices = @transform_2, window_bounds = array<i64: 2000, 1>}, {pipeline_mode = #tpu.pipeline_mode<synchronous>, transform_indices = @transform_3, window_bounds = array<i64: 1, 128>}, {pipeline_mode = #tpu.pipeline_mode<synchronous>, transform_indices = @transform_4, window_bounds = array<i64: 128, 128>}, {pipeline_mode = #tpu.pipeline_mode<synchronous>, transform_indices = @transform_5, window_bounds = array<i64: 1, 128>}, {transform_indices = @transform_6, window_bounds = array<i64: 2000, 40>}]} {
    %get3A = arith.constant 0 : index
    %get3A_0 = arith.constant 0 : index
    %get3A_1 = vector.load %arg3[%get3A, %get3A_0] : memref<2000x1xf32, #tpu.memory_space<vmem>>, vector<2000x1xf32>
    %get3A_2 = arith.constant 0 : index
    %get3A_3 = arith.constant 0 : index
    %get3A_4 = arith.constant 0 : index
    %get3A_5 = vector.load %arg1[%get3A_2, %get3A_3, %get3A_4] : memref<2x2000x128xf32, #tpu.memory_space<vmem>>, vector<1x2000x128xf32>
    %get3A_6 = vector.shape_cast %get3A_5 : vector<1x2000x128xf32> to vector<2000x128xf32>
    %get3A_7 = arith.constant 1 : index
    %get3A_8 = arith.constant 0 : index
    %get3A_9 = arith.constant 0 : index
    %get3A_10 = vector.load %arg1[%get3A_7, %get3A_8, %get3A_9] : memref<2x2000x128xf32, #tpu.memory_space<vmem>>, vector<1x2000x128xf32>
    %get3A_11 = vector.shape_cast %get3A_10 : vector<1x2000x128xf32> to vector<2000x128xf32>
    %add3A = arith.addf %get3A_6, %get3A_11 : vector<2000x128xf32>
    %get3A_12 = arith.constant 0 : index
    %get3A_13 = arith.constant 0 : index
    %get3A_14 = vector.load %arg2[%get3A_12, %get3A_13] : memref<2000x128xf32, #tpu.memory_space<vmem>>, vector<2000x128xf32>
    %add3A_15 = arith.addf %add3A, %get3A_14 : vector<2000x128xf32>
    %mul3A = vector.broadcast %get3A_1 : vector<2000x1xf32> to vector<2000x128xf32>
    %mul3A_16 = arith.mulf %mul3A, %add3A_15 : vector<2000x128xf32>
    %get3A_17 = arith.constant 0 : index
    %get3A_18 = arith.constant 0 : index
    %get3A_19 = vector.load %arg4[%get3A_17, %get3A_18] : memref<1x128xf32, #tpu.memory_space<vmem>>, vector<1x128xf32>
    %add3A_20 = vector.broadcast %get3A_19 : vector<1x128xf32> to vector<2000x128xf32>
    %add3A_21 = arith.addf %mul3A_16, %add3A_20 : vector<2000x128xf32>
    %max3A = arith.constant 0.000000e+00 : f32
    %max3A_22 = vector.broadcast %max3A : f32 to vector<2000x128xf32>
    %max3A_23 = arith.maximumf %add3A_21, %max3A_22 : vector<2000x128xf32>
    %get3A_24 = arith.constant 0 : index
    %get3A_25 = arith.constant 0 : index
    %get3A_26 = vector.load %arg5[%get3A_24, %get3A_25] : memref<128x128xf32, #tpu.memory_space<vmem>>, vector<128x128xf32>
    %dot_general3A = arith.constant dense<0.000000e+00> : vector<2000x128xf32>
    %dot_general3A_27 = tpu.matmul %max3A_23, %get3A_26, %dot_general3A {dimension_numbers = #tpu.dot_dimension_numbers<[1], [0], [0], [1], [0, 0, 1, 1], [], []>, transpose_lhs_hint = false} : vector<2000x128xf32>, vector<128x128xf32>, vector<2000x128xf32> -> vector<2000x128xf32>
    %get3A_28 = arith.constant 0 : index
    %get3A_29 = arith.constant 0 : index
    %get3A_30 = vector.load %arg6[%get3A_28, %get3A_29] : memref<1x128xf32, #tpu.memory_space<vmem>>, vector<1x128xf32>
    %add3A_31 = vector.broadcast %get3A_30 : vector<1x128xf32> to vector<2000x128xf32>
    %add3A_32 = arith.addf %dot_general3A_27, %add3A_31 : vector<2000x128xf32>
    %reduce_max3A = arith.constant dense<0xFF800000> : vector<2000xf32>
    %reduce_max3A_33 = vector.multi_reduction <maximumf>, %add3A_32, %reduce_max3A [1] : vector<2000x128xf32> to vector<2000xf32>
    %broadcast_in_dim3A = vector.shape_cast %reduce_max3A_33 : vector<2000xf32> to vector<2000x1xf32>
    %sub3A = vector.broadcast %broadcast_in_dim3A : vector<2000x1xf32> to vector<2000x128xf32>
    %sub3A_34 = arith.subf %add3A_32, %sub3A : vector<2000x128xf32>
    %exp3A = math.exp %sub3A_34 : vector<2000x128xf32>
    %reduce_sum3A = arith.constant dense<0.000000e+00> : vector<2000xf32>
    %reduce_sum3A_35 = vector.multi_reduction <add>, %exp3A, %reduce_sum3A [1] : vector<2000x128xf32> to vector<2000xf32>
    %broadcast_in_dim3A_36 = vector.shape_cast %reduce_sum3A_35 : vector<2000xf32> to vector<2000x1xf32>
    %log3A = math.log %broadcast_in_dim3A_36 : vector<2000x1xf32>
    %sub3A_37 = vector.broadcast %log3A : vector<2000x1xf32> to vector<2000x128xf32>
    %sub3A_38 = arith.subf %sub3A_34, %sub3A_37 : vector<2000x128xf32>
    %slice3A = vector.extract_strided_slice %sub3A_38 {offsets = [0, 0], sizes = [2000, 40], strides = [1, 1]} : vector<2000x128xf32> to vector<2000x40xf32>
    %swap3A = arith.constant 0 : index
    %swap3A_39 = arith.constant 0 : index
    %swap3A_40 = vector.load %arg7[%swap3A, %swap3A_39] : memref<2000x40xf32, #tpu.memory_space<vmem>>, vector<2000x40xf32>
    tpu.vector_store %arg7[%swap3A, %swap3A_39], %slice3A {strides = array<i32>} : memref<2000x40xf32, #tpu.memory_space<vmem>>, vector<2000x40xf32>,
    return
  }
  func.func @transform_0(%arg0: i32) -> (i32, i32, i32) {
    %c0_i32 = arith.constant 0 : i32
    %c0_i32_0 = arith.constant 0 : i32
    %c0_i32_1 = arith.constant 0 : i32
    return %c0_i32, %arg0, %c0_i32_0 : i32, i32, i32
  }
  func.func @transform_1(%arg0: i32) -> (i32, i32) {
    %c0_i32 = arith.constant 0 : i32
    %c0_i32_0 = arith.constant 0 : i32
    return %arg0, %c0_i32 : i32, i32
  }
  func.func @transform_2(%arg0: i32) -> (i32, i32) {
    %c0_i32 = arith.constant 0 : i32
    %c0_i32_0 = arith.constant 0 : i32
    return %arg0, %c0_i32 : i32, i32
  }
  func.func @transform_3(%arg0: i32) -> (i32, i32) {
    %c0_i32 = arith.constant 0 : i32
    %c0_i32_0 = arith.constant 0 : i32
    %c0_i32_1 = arith.constant 0 : i32
    return %c0_i32, %c0_i32_0 : i32, i32
  }
  func.func @transform_4(%arg0: i32) -> (i32, i32) {
    %c0_i32 = arith.constant 0 : i32
    %c0_i32_0 = arith.constant 0 : i32
    %c0_i32_1 = arith.constant 0 : i32
    return %c0_i32, %c0_i32_0 : i32, i32
  }
  func.func @transform_5(%arg0: i32) -> (i32, i32) {
    %c0_i32 = arith.constant 0 : i32
    %c0_i32_0 = arith.constant 0 : i32
    %c0_i32_1 = arith.constant 0 : i32
    return %c0_i32, %c0_i32_0 : i32, i32
  }
  func.func @transform_6(%arg0: i32) -> (i32, i32) {
    %c0_i32 = arith.constant 0 : i32
    %c0_i32_0 = arith.constant 0 : i32
    return %arg0, %c0_i32 : i32, i32
  }
}

</mosaic_0001>

<sc_bundles>
// kernel: kernel.11.cloned.1.call-start
scs
__scs_entry_jumppad:
0x0: {  	(pc) =	sbr.rel $0x88, $3  }
0x1: {  	(tag) =	ssettag $0x0;
	lr =	simm.s32 $0x1  }
0x2: {  	[smem:$0x3F98] =	sst lr;
	_ =	strace $0xD0000000  }
0x3: {  	_ = 	snop  }
0x4: {  	_ = 	snop  }
0x5: {  	_ = 	snop  }
0x6: {  	_ = 	snop  }
0x7: {  	_ = 	snop  }
__scs_overlays_trampoline_lowered:
0x8: {  	[smem:$0x3FA7] =	sst s0  }
0x9: {  	[smem:$0x3FA8] =	sst s1  }
0xa: {  	[smem:$0x3FA9] =	sst s2  }
0xb: {  	[smem:$0x3FAA] =	sst s3  }
0xc: {  	[smem:$0x3FAB] =	sst s4  }
0xd: {  	[smem:$0x3FAC] =	sst s5  }
0xe: {  	[smem:$0x3FAD] =	sst s6  }
0xf: {  	[smem:$0x3FAE] =	sst s7  }
0x10: {  	[smem:$0x3FAF] =	sst s8  }
0x11: {  	[smem:$0x3FB0] =	sst s9;
	s0 =	simm.s32 @!p0 $0x0  }
0x12: {  	s1 =	sld [smem:$0x3F96];
	s0 =	simm.s32 @p0 $0x1  }
0x13: {  	[smem:$0x3FB1] =	sst s0;
	s0 =	simm.s32 @!p1 $0x0  }
0x14: {  	s2 =	sld [smem:$0x3F95];
	s0 =	simm.s32 @p1 $0x1  }
0x15: {  	[smem:$0x3FB2] =	sst s0;
	s0 =	simm.s32 @!p2 $0x0  }
0x16: {  	s3 =	sld [smem:$0x3FDB];
	s0 =	simm.s32 @p2 $0x1  }
0x17: {  	s4 =	simm.s32 $0x1BF5;
	[smem:$0x3FB4] =	sst s0  }
0x18: {  	s0 =	sld [smem:$0x3F97];
	_ =	swait.ge [sflag:s4], $0x0  }
0x19: {  	s7 =	sld [smem:$0x3F98]  }
0x1a: {  	s8 =	sadd.s32 $0xFFFFE003, lr  }
0x1b: {  	s9 =	sadd.s32 $0xFFFFFEF7, lr;
	s5 =	simm.s32 $0xFFFFFFFF;
	p2 =	slt.u32 s8, $0xFFFFF086  }
0x1c: {  	p1 =	slt.u32 s9, $0xF7A;
	s5 =	simm.s32 @!p2 $0x0  }
0x1d: {  	s5 =	simm.s32 @p1 $0x1;
	p0 =	seq.s32 s7, s2  }
0x1e: {  	s7 =	smul.u32 @!p0 $0xF7A, s2;
	p2 =	seq.s32 @!p0 s5, $0x0  }
0x1f: {  	s9 =	smul.u32 $0xF7A, s1;
	s8 =	simm.s32 @!p0 $0x1BF5;
	p2 =	por !p2, p0  }
0x20: {  	[sflag:s8] =	ssyncset.s32 @!p0 $0xFFFFF086;
	s6 =	sadd.s32 @!p0 s3, s7;
	s7 =	simm.s32 @!p0 $0x108  }
0x21: {  	s3 =	sadd.s32 s3, s9;
	s6 =	sadd.s32 @!p0 $0x88, s6;
	s7 =	simm.s32 @p2 $0x1082  }
0x22: {  	[simem:s7], [sflag:s8] =	dma.local @!p0 [hbm:s6], $0xF7A  }
0x23: {  	s9 =	sor.u32 $0xD0000000, s2;
	s6 =	simm.s32 $0x108;
	_ =	swait.ge @!p0 [sflag:s8], $0x0  }
0x24: {  	s3 =	sadd.s32 $0x88, s3;
	s6 =	simm.s32 @!p1 $0x1082;
	[sflag:s4] =	ssyncset.s32 $0xFFFFF086  }
0x25: {  	[simem:s6], [sflag:s4] =	dma.local [hbm:s3], $0xF7A  }
0x26: {  	[smem:$0x3F98] =	sst s1;
	(tag) =	ssettag s2;
	_ =	strace s9  }
0x27: {  	s1 =	sld [smem:$0x3FA8]  }
0x28: {  	s2 =	sld [smem:$0x3FA9]  }
0x29: {  	s4 =	sld [smem:$0x3FAB]  }
0x2a: {  	p0 =	seq.s32 s5, $0x0;
	s5 =	sld [smem:$0x3FAC]  }
0x2b: {  	s6 =	sld [smem:$0x3FAD]  }
0x2c: {  	s7 =	sld [smem:$0x3FAE]  }
0x2d: {  	s3 =	simm.s32 $0x108;
	s8 =	sld [smem:$0x3FAF]  }
0x2e: {  	s3 =	simm.s32 @!p0 $0x1082;
	s9 =	sld [smem:$0x3FB0]  }
0x2f: {  	lr =	sadd.s32 s0, s3;
	s0 =	sld [smem:$0x3FA7]  }
0x30: {  	s3 =	sld [smem:$0x3FAA]  }
0x31: {  	[smem:$0x3FB3] =	sst s10  }
0x32: {  	s10 =	sld [smem:$0x3FB1];
	_ =	sdelay $0x3  }
0x33: {  	p0 =	seq.s32 s10, $0x1;
	s10 =	sld [smem:$0x3FB3];
	_ =	sdelay $0x3  }
0x34: {  	[smem:$0x3FB3] =	sst s10  }
0x35: {  	s10 =	sld [smem:$0x3FB2];
	_ =	sdelay $0x3  }
0x36: {  	p1 =	seq.s32 s10, $0x1;
	s10 =	sld [smem:$0x3FB3];
	_ =	sdelay $0x3  }
0x37: {  	[smem:$0x3FB3] =	sst s10  }
0x38: {  	s10 =	sld [smem:$0x3FB4]  }
0x39: {  	_ = 	snop;
	(pc) =	sbr.ind lr, $3  }
0x3a: {  	_ = 	snop  }
0x3b: {  	_ = 	snop  }
0x3c: {  	p2 =	seq.s32 s10, $0x1;
	s10 =	sld [smem:$0x3FB3]  }
0x3d: {  	_ =	shalt  }
0x3e: {  	_ =	shalt  }
0x3f: {  	_ =	shalt  }
0x40: {  	_ =	shalt  }
0x41: {  	_ =	shalt  }
0x42: {  	_ =	shalt  }
0x43: {  	_ =	shalt  }
0x44: {  	_ =	shalt  }
0x45: {  	_ =	shalt  }
0x46: {  	_ =	shalt  }
0x47: {  	_ =	shalt  }
0x48: {  	_ =	shalt  }
0x49: {  	_ =	shalt  }
0x4a: {  	_ =	shalt  }
0x4b: {  	_ =	shalt  }
0x4c: {  	_ =	shalt  }
0x4d: {  	_ =	shalt  }
0x4e: {  	_ =	shalt  }
0x4f: {  	_ =	shalt  }
0x50: {  	_ =	shalt  }
0x51: {  	_ =	shalt  }
0x52: {  	_ =	shalt  }
0x53: {  	_ =	shalt  }
0x54: {  	_ =	shalt  }
0x55: {  	_ =	shalt  }
0x56: {  	_ =	shalt  }
0x57: {  	_ =	shalt  }
0x58: {  	_ =	shalt  }
0x59: {  	_ =	shalt  }
0x5a: {  	_ =	shalt  }
0x5b: {  	_ =	shalt  }
0x5c: {  	_ =	shalt  }
0x5d: {  	_ =	shalt  }
0x5e: {  	_ =	shalt  }
0x5f: {  	_ =	shalt  }
0x60: {  	_ =	shalt  }
0x61: {  	_ =	shalt  }
0x62: {  	_ =	shalt  }
0x63: {  	_ =	shalt  }
0x64: {  	_ =	shalt  }
0x65: {  	_ =	shalt  }
0x66: {  	_ =	shalt  }
0x67: {  	_ =	shalt  }
0x68: {  	_ =	shalt  }
0x69: {  	_ =	shalt  }
0x6a: {  	_ =	shalt  }
0x6b: {  	_ =	shalt  }
0x6c: {  	_ =	shalt  }
0x6d: {  	_ =	shalt  }
0x6e: {  	_ =	shalt  }
0x6f: {  	_ =	shalt  }
0x70: {  	_ =	shalt  }
0x71: {  	_ =	shalt  }
0x72: {  	_ =	shalt  }
0x73: {  	_ =	shalt  }
0x74: {  	_ =	shalt  }
0x75: {  	_ =	shalt  }
0x76: {  	_ =	shalt  }
0x77: {  	_ =	shalt  }
0x78: {  	_ =	shalt  }
0x79: {  	_ =	shalt  }
0x7a: {  	_ =	shalt  }
0x7b: {  	_ =	shalt  }
0x7c: {  	_ =	shalt  }
0x7d: {  	_ =	shalt  }
0x7e: {  	_ =	shalt  }
0x7f: {  	_ =	shalt  }
0x80: {  	_ =	shalt  }
0x81: {  	_ =	shalt  }
0x82: {  	_ =	shalt  }
0x83: {  	_ =	shalt  }
0x84: {  	_ =	shalt  }
0x85: {  	_ =	shalt  }
0x86: {  	_ =	shalt  }
0x87: {  	_ =	shalt  }
.Lfunc_end0:
.L_simem_size_0:
called_computation.1_lowered:
.L_overlay_start_0:
0x88: {  	s2 =	sld [smem:$0x3FD9]  }
0x89: {  	s3 =	sld [smem:$0x3FFE];
	_ =	sdelay $0x1  }
0x8a: {  	s1 =	srdreg.scid  }
0x8b: {  	s0 =	sand.u32 $0x1, s1  }
0x8c: {  	s16 =	sshll.u32 s0, $0xA;
	s2 =	sadd.s32 s3, s2  }
0x8d: {  	s2 =	sadd.s32 s2, s16  }
0x8e: {  	[smem:$0x3FBF] =	sst s2  }
0x8f: {  	_ = 	snop  }
0x90: {  	(tm) =	ssettm $0x1  }
0x91: {  	s17 =	sld [smem:$0x3FFB];
	_ =	sdelay $0x3  }
0x92: {  	_ =	strace s17  }
0x93: {  	s2 =	sld [smem:$0x3FFC];
	_ =	sdelay $0x3  }
0x94: {  	_ =	strace s2  }
0x95: {  	s2 =	sld [smem:$0x3FFD];
	_ =	sdelay $0x3  }
0x96: {  	_ =	strace s2  }
0x97: {  	_ =	strace $0x8FFFFFFF  }
0x98: {  	s18 =	sld [smem:$0x3FDB];
	_ =	sdelay $0x1  }
0x99: {  	s19 =	simm.s32 $_scs_section_size  }
0x9a: {  	s4 =	simm.s32 $_size__tile_overlayer_lowered;
	s5 =	simm.s32 $_tile_overlayer_lowered  }
0x9b: {  	s22 =	simm.s32 $0x1BFF;
	s21 =	sshll.u32 s5, $0x1;
	s2 =	sadd.s32 s19, s18  }
0x9c: {  	s6 =	simm.s32 $0x0;
	s20 =	sshll.u32 s4, $0x1;
	s4 =	sadd.s32 s21, s2  }
0x9d: {  	[timem:s6], [sflag:s22] =	dma.local [hbm:s4], s20  }
0x9e: {  	_ =	swait.ge [sflag:s22], s20  }
0x9f: {  	s3 =	ssub.s32 $0x0, s20;
	[sflag:s22] =	ssyncset.done $0x0  }
0xa0: {  	[sflag:s22] =	ssyncadd.s32 s3;
	_ =	sdelay $0x1  }
0xa1: {  	s23 =	simm.s32 $0x1B8B  }
0xa2: {  	_ =	swait.ge [sflag:s23], $0x1  }
0xa3: {  	[sflag:s23] =	ssyncset.done $0x0  }
0xa4: {  	s25 =	simm.s32 $0x1B8E;
	s24 =	sld [smem:$0x3FFE];
	[sflag:s23] =	ssyncadd.s32 $0xFFFFFFFF  }
0xa5: {  	s26 =	simm.s32 $execute0_lowered;
	[smem:$0x3FD2] =	sst s25  }
0xa6: {  	s4 =	sshll.u32 s26, $0x1;
	_ =	strace $0x80000049;
	[dreg:$0x1] =	wrdreg $0xFFFFFFFF  }
0xa7: {  	s28 =	simm.s32 $_size_execute0_lowered;
	s2 =	sadd.s32 s2, s4;
	[dreg:$0x0] =	wrdreg $0x0  }
0xa8: {  	s4 =	sshll.u32 s28, $0x1;
	[dreg:$0x2] =	wrdreg s2  }
0xa9: {  	[dreg:$0x3] =	wrdreg s4  }
0xaa: {  	[dreg:$0x4] =	wrdreg $0xC0  }
0xab: {  	_ =	task [dreg:s6], $0x5FFFF  }
0xac: {  	[dreg:$0x1] =	wrdreg $0xFFFFFFFF  }
0xad: {  	[dreg:$0x0] =	wrdreg $0x60  }
0xae: {  	[dreg:$0x2] =	wrdreg s24  }
0xaf: {  	[dreg:$0x3] =	wrdreg $0xBB000  }
0xb0: {  	[dreg:$0x4] =	wrdreg $0x9  }
0xb1: {  	_ =	task.clear_ibuf [dreg:s6], $0x5FFFF;
	_ =	strace $0x90000049  }
0xb2: {  	s29 =	simm.s32 $0x9;
	_ =	strace $0x8000004B  }
0xb3: {  	_ =	swait.ge [sflag:s29], $0x1  }
0xb4: {  	[sflag:s29] =	ssyncadd.s32 $0xFFFFFFFF  }
0xb5: {  	_ =	strace $0x9000004B  }
0xb6: {  	_ =	sfence  }
0xb7: {  	s30 =	sld [smem:$0x0];
	_ =	sdelay $0x2  }
0xb8: {  	s31 =	sshll.u32 s1, $0xD;
	s1 =	sshrl.u32 s1, $0x2  }
0xb9: {  	s3 =	sand.u32 $0x4000, s31;
	s1 =	sadd.s32 s1, s30  }
0xba: {  	s0 =	sor.u32 s3, s0;
	s1 =	sshll.u32 s1, $0x11  }
0xbb: {  	s0 =	sor.u32 s1, s0  }
0xbc: {  	s0 =	sadd.s32 $0x8F2B, s0  }
0xbd: {  	[sflag:s0] =	ssyncadd.remote.s32 $0x1  }
0xbe: {  	_ =	sfence.sel $0xFFFF  }
0xbf: {  	[dreg:$0x0] =	wrdreg $0xFFFFFFFF;
	(pc) =	sbr.abs _section_cstart, $3  }
0xc0: {  	[dreg:$0x1] =	wrdreg $0xFFFFFFFF  }
0xc1: {  	_ =	task.clear_ibuf [dreg:s6], $0x2FFFF;
	_ =	strace $0x9FFFFFFF  }
0xc2: {  	(tm) =	ssettm $0x7FFFFFFF  }
0xc3: {  	_ =	shalt  }
tec
execute0_lowered:
.L_overlay_start_1:
0x0: {  	(tag) =	ssettag $0x1  }
0x1: {  	s23 =	stileid.u32  }
0x2: {  	s8 =	smul.u32 $0xA000, s23;
	s13 =	sor.u32 $0x10, s23  }
0x3: {  	s0 =	rddreg [dreg:$0x0];
	s14 =	sor.u32 $0x20, s23;
	s21 =	smul.u32 $0xA000, s13  }
0x4: {  	s1 =	rddreg [dreg:$0x1];
	s15 =	sor.u32 $0x30, s23;
	s24 =	smul.u32 $0xA000, s14  }
0x5: {  	s2 =	simm.s32 $0x0;
	s16 =	sor.u32 $0x40, s23;
	s9 =	smul.u32 $0xA000, s15  }
0x6: {  	s3 =	srdreg.scid;
	s17 =	sor.u32 $0x50, s23;
	s10 =	smul.u32 $0xA000, s16  }
0x7: {  	s28 =	simm.s32 $0x4000;
	s5 =	sand.u32 $0x1, s3;
	s11 =	smul.u32 $0xA000, s17  }
0x8: {  	s3 =	sshll.u32 s5, $0xB;
	s18 =	ssub.s32 $0x2, s5;
	s5 =	smul.u32 $0x138800, s5  }
0x9: {  	s29 =	simm.s32 $0x4080;
	s30 =	simm.s32 $0x6B00;
	s14 =	smul.u32 $0x2800, s14  }
0xa: {  	s31 =	simm.s32 $0x4100;
	[smem:$0x7FF] =	sst s2;
	s15 =	smul.u32 $0x2800, s15  }
0xb: {  	s4 =	sadd.s32 $0x12A00, s0;
	s19 =	sshll.u32 s23, $0xC;
	s16 =	smul.u32 $0x2800, s16  }
0xc: {  	p0 =	sgt.u32 s23, $0xC;
	_ =	strace $0x8000004A;
	s17 =	smul.u32 $0x2800, s17  }
0xd: {  	s6 =	sadd.s32 s3, s0;
	s0 =	sadd.s32 $0x39C00, s0;
	s7 =	sshrl.u32 s18, $0x1  }
0xe: {  	s20 =	sshrl.u32 s8, $0x2;
	s3 =	ssub.s32 s18, s7;
	s6 =	sadd.s32 s19, s6  }
0xf: {  	s22 =	sshrl.u32 s21, $0x2;
	s8 =	sshrl.u32 s24, $0x2;
	s18 =	sor.u32 $0x60, s23  }
0x10: {  	s9 =	sshrl.u32 s9, $0x2;
	s10 =	sshrl.u32 s10, $0x2;
	s11 =	sshrl.u32 s11, $0x2  }
0x11: {  	s19 =	sor.u32 $0x70, s23;
	s14 =	sadd.s32 s5, s14;
	s15 =	sadd.s32 s5, s15  }
0x12: {  	s16 =	sadd.s32 s5, s16;
	s6 =	sadd.s32 $0x2A00, s6;
	s12 =	smul.u32 $0xA000, s18  }
0x13: {  	s7 =	sadd.s32 s22, s1;
	s8 =	sadd.s32 s8, s1;
	s21 =	smul.u32 $0xA000, s19  }
0x14: {  	s9 =	sadd.s32 s9, s1;
	s10 =	sadd.s32 s10, s1;
	s22 =	smul.u32 $0x2800, s13  }
0x15: {  	s11 =	sadd.s32 s11, s1;
	s14 =	sshrl.u32 s14, $0x3;
	s18 =	smul.u32 $0x2800, s18  }
0x16: {  	[dreg:$0x3] =	wrdreg s6;
	s6 =	sadd.s32 s20, s1;
	s20 =	smul.u32 $0x2800, s23  }
0x17: {  	s14 =	sadd.s32 s0, s14;
	s12 =	sshrl.u32 s12, $0x2;
	s25 =	sshrl.u32 s21, $0x2  }
0x18: {  	s26 =	sadd.s32 s5, s22;
	[dreg:$0x6] =	wrdreg s14;
	s14 =	sshrl.u32 s15, $0x3  }
0x19: {  	s21 =	smul.u32 $0x2800, s19;
	s22 =	sadd.s32 s5, s17;
	s24 =	sadd.s32 s5, s18  }
0x1a: {  	s17 =	simm.s32 $0x4280;
	s18 =	simm.s32 $0x5;
	s19 =	simm.s32 $0x6  }
0x1b: {  	s12 =	sadd.s32 s12, s1;
	s20 =	sadd.s32 s20, s5;
	s13 =	sadd.s32 s25, s1  }
0x1c: {  	s14 =	sadd.s32 s0, s14;
	s15 =	sshrl.u32 s24, $0x3;
	s24 =	simm.s32 $0x4300  }
0x1d: {  	s20 =	sshrl.u32 s20, $0x3;
	[dreg:$0x7] =	wrdreg s14;
	s25 =	sadd.s32 s0, s15  }
0x1e: {  	s5 =	sadd.s32 s5, s21;
	s20 =	sadd.s32 s0, s20;
	[dreg:$0xa] =	wrdreg s25  }
0x1f: {  	s15 =	simm.s32 $0x4200;
	[dreg:$0x4] =	wrdreg s20;
	s20 =	sshrl.u32 s26, $0x3  }
0x20: {  	s5 =	sshrl.u32 s5, $0x3;
	s25 =	simm.s32 $0x4;
	s20 =	sadd.s32 s0, s20  }
0x21: {  	s26 =	smax.u32 s3, $0x1;
	[dreg:$0x5] =	wrdreg s20;
	s20 =	sshrl.u32 s16, $0x3  }
0x22: {  	s3 =	simm.s32 $0x1;
	[dreg:$0xc] =	wrdreg s26;
	s14 =	sadd.s32 s0, s20  }
0x23: {  	s26 =	simm.s32 $0x50;
	[dreg:$0x8] =	wrdreg s14;
	s14 =	sshrl.u32 s22, $0x3  }
0x24: {  	s16 =	simm.s32 $0x3;
	s20 =	simm.s32 $0x0;
	s14 =	sadd.s32 s0, s14  }
0x25: {  	s0 =	sadd.s32 s0, s5;
	s5 =	simm.s32 $0x4180;
	[dreg:$0x9] =	wrdreg s14  }
0x26: {  	v0 =	vimm.f32 $0.0e+00;
	[dreg:$0xb] =	wrdreg s0;
	s0 =	simm.s32 $0x9300;
	s14 =	simm.s32 $0x2  }
.LBB2_1:
0x27: {  	s21 =	rddreg [dreg:$0x3];
	s23 =	simm.s32 $0x7  }
0x28: {  	[tilespmem:s2], [sflag:$0x7] =	stream.linear.gather [hbm4b:s21+s2], $0x3E80, $0x38;
	[tilespmem:$0x1F380] =	vst v63  }
0x29: {  	_ =	swait.ge [sflag:s23], $0x3E80  }
0x2a: {  	[sflag:s23] =	ssyncset.done $0x0  }
0x2b: {  	s22 =	simm.s32 $0x200;
	s21 =	simm.s32 $0x0;
	[sflag:s23] =	ssyncadd.s32 $0xFFFFC180  }
.LBB2_2:
0x2c: {  	p1 =	sne.s32 s22, $0x9E00;
	[tilespmem:s21+$0x4370] =	vst v0  }
0x2d: {  	[tilespmem:s21+$0x4300] =	vst v0  }
0x2e: {  	[tilespmem:s21+$0x4310] =	vst v0  }
.Ltmp0:
0x2f: {  	[tilespmem:s21+$0x4320] =	vst v0;
	(pc) =	sbr.rel @p1 .LBB2_2-.Ltmp0, $4  }
0x30: {  	[tilespmem:s21+$0x4330] =	vst v0  }
0x31: {  	[tilespmem:s21+$0x4340] =	vst v0  }
0x32: {  	[tilespmem:s21+$0x4350] =	vst v0  }
0x33: {  	[tilespmem:s21+$0x4360] =	vst v0;
	s21 =	sshra.s32 s22, $0x2;
	s22 =	sadd.s32 $0x200, s22  }
0x34: {  	[tilespmem:s21+$0x4370] =	vst v0  }
0x35: {  	[tilespmem:s21+$0x4300] =	vst v0  }
0x36: {  	[tilespmem:s21+$0x4310] =	vst v0  }
0x37: {  	[tilespmem:s21+$0x4320] =	vst v0  }
0x38: {  	[tilespmem:s21+$0x4330] =	vst v0  }
0x39: {  	[tilespmem:s21+$0x4340] =	vst v0  }
0x3a: {  	[tilespmem:s21+$0x4350] =	vst v0  }
0x3b: {  	[tilespmem:s21+$0x4360] =	vst v0  }
0x3c: {  	[spmem:s6] =	stream.linear.scatter [tilespmem:s24], [sflag:$0x4], $0x2800, $0x38;
	[tilespmem:$0x1F380] =	vst v63  }
0x3d: {  	_ = 	snop  }
0x3e: {  	[spmem:s7] =	stream.linear.scatter [tilespmem:s24], [sflag:$0x4], $0x2800, $0x38;
	[tilespmem:$0x1F380] =	vst v63  }
0x3f: {  	_ = 	snop  }
0x40: {  	[spmem:s8] =	stream.linear.scatter [tilespmem:s24], [sflag:$0x4], $0x2800, $0x38;
	[tilespmem:$0x1F380] =	vst v63  }
0x41: {  	_ = 	snop  }
0x42: {  	[spmem:s9] =	stream.linear.scatter [tilespmem:s24], [sflag:$0x4], $0x2800, $0x38;
	[tilespmem:$0x1F380] =	vst v63  }
0x43: {  	_ = 	snop  }
0x44: {  	[spmem:s10] =	stream.linear.scatter [tilespmem:s24], [sflag:$0x4], $0x2800, $0x38;
	[tilespmem:$0x1F380] =	vst v63  }
0x45: {  	_ = 	snop  }
0x46: {  	[spmem:s11] =	stream.linear.scatter [tilespmem:s24], [sflag:$0x4], $0x2800, $0x38;
	[tilespmem:$0x1F380] =	vst v63  }
0x47: {  	_ = 	snop  }
0x48: {  	[spmem:s12] =	stream.linear.scatter [tilespmem:s24], [sflag:$0x4], $0x2800, $0x38;
	[tilespmem:$0x1F380] =	vst v63  }
0x49: {  	s21 =	simm.s32 @!p0 $0x4300  }
0x4a: {  	[spmem:s13] =	stream.linear.scatter @!p0 [tilespmem:s21], [sflag:$0x4], $0x2800, $0x38;
	[tilespmem:$0x1F380] =	vst v63  }
0x4b: {  	_ =	swait.ge [sflag:s25], $0x2800  }
0x4c: {  	[sflag:s25] =	ssyncset.done $0x0  }
0x4d: {  	[sflag:s25] =	ssyncadd.s32 $0xFFFFD800  }
0x4e: {  	_ =	swait.ge [sflag:s25], $0x2800  }
0x4f: {  	[sflag:s25] =	ssyncset.done $0x0  }
0x50: {  	[sflag:s25] =	ssyncadd.s32 $0xFFFFD800  }
0x51: {  	_ =	swait.ge [sflag:s25], $0x2800  }
0x52: {  	[sflag:s25] =	ssyncset.done $0x0  }
0x53: {  	[sflag:s25] =	ssyncadd.s32 $0xFFFFD800  }
0x54: {  	_ =	swait.ge [sflag:s25], $0x2800  }
0x55: {  	[sflag:s25] =	ssyncset.done $0x0  }
0x56: {  	[sflag:s25] =	ssyncadd.s32 $0xFFFFD800  }
0x57: {  	_ =	swait.ge [sflag:s25], $0x2800  }
0x58: {  	[sflag:s25] =	ssyncset.done $0x0  }
0x59: {  	[sflag:s25] =	ssyncadd.s32 $0xFFFFD800  }
0x5a: {  	_ =	swait.ge [sflag:s25], $0x2800  }
0x5b: {  	[sflag:s25] =	ssyncset.done $0x0  }
0x5c: {  	[sflag:s25] =	ssyncadd.s32 $0xFFFFD800  }
0x5d: {  	_ =	swait.ge [sflag:s25], $0x2800  }
0x5e: {  	[sflag:s25] =	ssyncset.done $0x0  }
0x5f: {  	s21 =	simm.s32 @!p0 $0x4;
	[sflag:s25] =	ssyncadd.s32 $0xFFFFD800  }
0x60: {  	_ =	swait.ge @!p0 [sflag:s21], $0x2800  }
0x61: {  	[sflag:s21] =	ssyncset.done @!p0 $0x0  }
0x62: {  	[sflag:s21] =	ssyncadd.s32 @!p0 $0xFFFFD800  }
0x63: {  	[bflag:$0x0] =	sbarrier.arrive $0xFFFF  }
0x64: {  	v1 =	vld [tilespmem:$0x0];
	_ =	sdelay $0x1  }
0x65: {  	v2 =	vld [tilespmem:$0x10];
	_ =	sdelay $0x1  }
0x66: {  	v3 =	vld [tilespmem:$0x20]  }
0x67: {  	v4 =	vshrl.u32 v1, $0x10  }
0x68: {  	v59 =	vld [tilespmem:$0x30];
	v1 =	vand.u32 $0xFFFF, v1;
	[tilespmem:$0x4000] =	vst v4  }
0x69: {  	[tilespmem:$0x4180] =	vst v1;
	v1 =	vshrl.u32 v2, $0x10  }
0x6a: {  	[tilespmem:$0x4010] =	vst v1;
	v1 =	vand.u32 $0xFFFF, v2;
	v2 =	vld [tilespmem:$0x40]  }
0x6b: {  	[tilespmem:$0x4190] =	vst v1;
	v1 =	vshrl.u32 v3, $0x10  }
0x6c: {  	[tilespmem:$0x4020] =	vst v1;
	v1 =	vand.u32 $0xFFFF, v3  }
0x6d: {  	[tilespmem:$0x41A0] =	vst v1;
	v1 =	vshrl.u32 v59, $0x10  }
0x6e: {  	[tilespmem:$0x4030] =	vst v1;
	v1 =	vand.u32 $0xFFFF, v59  }
0x6f: {  	[tilespmem:$0x41B0] =	vst v1;
	v1 =	vshrl.u32 v2, $0x10  }
0x70: {  	[tilespmem:$0x4040] =	vst v1;
	v1 =	vand.u32 $0xFFFF, v2  }
0x71: {  	[tilespmem:$0x41C0] =	vst v1  }
0x72: {  	[tilespmem:s24], [sflag:$0x1] =	stream.indirect.gather [hbm4b:s4+s26], $0x80, s28, s26, $0xb8;
	[tilespmem:$0x1F380] =	vst v63  }
0x73: {  	v1 =	vld [tilespmem:$0x80];
	_ =	sdelay $0x1  }
0x74: {  	v2 =	vld [tilespmem:$0x90];
	_ =	sdelay $0x1  }
0x75: {  	v3 =	vld [tilespmem:$0xA0]  }
0x76: {  	v60 =	vshrl.u32 v1, $0x10  }
0x77: {  	v61 =	vld [tilespmem:$0xB0];
	v1 =	vand.u32 $0xFFFF, v1;
	[tilespmem:$0x4080] =	vst v60  }
0x78: {  	[tilespmem:$0x4200] =	vst v1;
	v1 =	vshrl.u32 v2, $0x10  }
0x79: {  	[tilespmem:$0x4090] =	vst v1;
	v1 =	vand.u32 $0xFFFF, v2;
	v2 =	vld [tilespmem:$0xC0]  }
0x7a: {  	[tilespmem:$0x4210] =	vst v1;
	v1 =	vshrl.u32 v3, $0x10  }
0x7b: {  	[tilespmem:$0x40A0] =	vst v1;
	v1 =	vand.u32 $0xFFFF, v3  }
0x7c: {  	[tilespmem:$0x4220] =	vst v1;
	v1 =	vshrl.u32 v61, $0x10  }
0x7d: {  	[tilespmem:$0x40B0] =	vst v1;
	v1 =	vand.u32 $0xFFFF, v61  }
0x7e: {  	[tilespmem:$0x4230] =	vst v1;
	v1 =	vshrl.u32 v2, $0x10  }
0x7f: {  	[tilespmem:$0x40C0] =	vst v1;
	v1 =	vand.u32 $0xFFFF, v2  }
0x80: {  	[tilespmem:$0x4240] =	vst v1  }
0x81: {  	[tilespmem:s30], [sflag:$0x2] =	stream.indirect.gather [hbm4b:s4+s26], $0x80, s29, s26, $0xb8;
	[tilespmem:$0x1F380] =	vst v63  }
0x82: {  	v1 =	vld [tilespmem:$0x100];
	_ =	sdelay $0x1  }
0x83: {  	v2 =	vld [tilespmem:$0x110];
	_ =	sdelay $0x1  }
0x84: {  	v3 =	vld [tilespmem:$0x120]  }
0x85: {  	v62 =	vshrl.u32 v1, $0x10  }
0x86: {  	v63 =	vld [tilespmem:$0x130];
	v1 =	vand.u32 $0xFFFF, v1;
	[tilespmem:$0x4100] =	vst v62  }
0x87: {  	[tilespmem:$0x4280] =	vst v1;
	v1 =	vshrl.u32 v2, $0x10  }
0x88: {  	[tilespmem:$0x4110] =	vst v1;
	v1 =	vand.u32 $0xFFFF, v2;
	v2 =	vld [tilespmem:$0x140]  }
0x89: {  	[tilespmem:$0x4290] =	vst v1;
	v1 =	vshrl.u32 v3, $0x10  }
0x8a: {  	[tilespmem:$0x4120] =	vst v1;
	v1 =	vand.u32 $0xFFFF, v3  }
0x8b: {  	[tilespmem:$0x42A0] =	vst v1;
	v1 =	vshrl.u32 v63, $0x10  }
0x8c: {  	[tilespmem:$0x4130] =	vst v1;
	v1 =	vand.u32 $0xFFFF, v63  }
0x8d: {  	[tilespmem:$0x42B0] =	vst v1;
	v1 =	vshrl.u32 v2, $0x10  }
0x8e: {  	[tilespmem:$0x4140] =	vst v1;
	v1 =	vand.u32 $0xFFFF, v2  }
0x8f: {  	[tilespmem:$0x42C0] =	vst v1  }
0x90: {  	[tilespmem:s0], [sflag:$0x3] =	stream.indirect.gather [hbm4b:s4+s26], $0x80, s31, s26, $0xb8;
	[tilespmem:$0x1F380] =	vst v63  }
0x91: {  	_ =	swait.ge [sflag:s3], $0x2800  }
0x92: {  	[sflag:s3] =	ssyncset.done $0x0  }
0x93: {  	[sflag:s3] =	ssyncadd.s32 $0xFFFFD800  }
0x94: {  	[spmem:s1] =	stream.indirect.scatter.add.f32 [tilespmem:s24], [sflag:$0x4], $0x80, s5, s26, $0xb8;
	[tilespmem:$0x1F380] =	vst v63  }
0x95: {  	_ =	swait.ge [sflag:s14], $0x2800  }
0x96: {  	[sflag:s14] =	ssyncset.done $0x0  }
0x97: {  	[sflag:s14] =	ssyncadd.s32 $0xFFFFD800  }
0x98: {  	[spmem:s1] =	stream.indirect.scatter.add.f32 [tilespmem:s30], [sflag:$0x5], $0x80, s15, s26, $0xb8;
	[tilespmem:$0x1F380] =	vst v63  }
0x99: {  	_ =	swait.ge [sflag:s16], $0x2800  }
0x9a: {  	[sflag:s16] =	ssyncset.done $0x0  }
0x9b: {  	[sflag:s16] =	ssyncadd.s32 $0xFFFFD800  }
0x9c: {  	[spmem:s1] =	stream.indirect.scatter.add.f32 [tilespmem:s0], [sflag:$0x6], $0x80, s17, s26, $0xb8;
	[tilespmem:$0x1F380] =	vst v63  }
0x9d: {  	_ =	swait.ge [sflag:s25], $0x2800  }
0x9e: {  	[sflag:s25] =	ssyncset.done $0x0  }
0x9f: {  	s21 =	simm.s32 $0x2C0;
	[sflag:s25] =	ssyncadd.s32 $0xFFFFD800  }
0xa0: {  	v1 =	vld [tilespmem:s21+$0xFFFFFEC0];
	_ =	sdelay $0x4  }
0xa1: {  	v2 =	vshrl.u32 v1, $0x10  }
0xa2: {  	v1 =	vand.u32 $0xFFFF, v1;
	[tilespmem:$0x4000] =	vst v2  }
0xa3: {  	[tilespmem:$0x4180] =	vst v1  }
0xa4: {  	v1 =	vld [tilespmem:s21+$0xFFFFFED0];
	_ =	sdelay $0x4  }
0xa5: {  	v2 =	vshrl.u32 v1, $0x10  }
0xa6: {  	v1 =	vand.u32 $0xFFFF, v1;
	[tilespmem:$0x4010] =	vst v2  }
0xa7: {  	[tilespmem:$0x4190] =	vst v1  }
0xa8: {  	v1 =	vld [tilespmem:s21+$0xFFFFFEE0];
	_ =	sdelay $0x4  }
0xa9: {  	v2 =	vshrl.u32 v1, $0x10  }
0xaa: {  	v1 =	vand.u32 $0xFFFF, v1;
	[tilespmem:$0x4020] =	vst v2  }
0xab: {  	[tilespmem:$0x41A0] =	vst v1  }
0xac: {  	v1 =	vld [tilespmem:s21+$0xFFFFFEF0];
	_ =	sdelay $0x4  }
0xad: {  	v2 =	vshrl.u32 v1, $0x10  }
0xae: {  	v1 =	vand.u32 $0xFFFF, v1;
	[tilespmem:$0x4030] =	vst v2  }
0xaf: {  	[tilespmem:$0x41B0] =	vst v1  }
0xb0: {  	v1 =	vld [tilespmem:s21+$0xFFFFFF00];
	_ =	sdelay $0x4  }
0xb1: {  	v2 =	vshrl.u32 v1, $0x10  }
0xb2: {  	v1 =	vand.u32 $0xFFFF, v1;
	[tilespmem:$0x4040] =	vst v2  }
0xb3: {  	[tilespmem:$0x41C0] =	vst v1  }
0xb4: {  	[tilespmem:s24], [sflag:$0x1] =	stream.indirect.gather [hbm4b:s4+s26], $0x80, s28, s26, $0xb8;
	[tilespmem:$0x1F380] =	vst v63  }
0xb5: {  	_ =	swait.ge [sflag:s18], $0x2800  }
0xb6: {  	[sflag:s18] =	ssyncset.done $0x0  }
0xb7: {  	[sflag:s18] =	ssyncadd.s32 $0xFFFFD800  }
0xb8: {  	v1 =	vld [tilespmem:s21+$0xFFFFFF40];
	_ =	sdelay $0x4  }
0xb9: {  	v2 =	vshrl.u32 v1, $0x10  }
0xba: {  	v1 =	vand.u32 $0xFFFF, v1;
	[tilespmem:$0x4080] =	vst v2  }
0xbb: {  	[tilespmem:$0x4200] =	vst v1  }
0xbc: {  	v1 =	vld [tilespmem:s21+$0xFFFFFF50];
	_ =	sdelay $0x4  }
0xbd: {  	v2 =	vshrl.u32 v1, $0x10  }
0xbe: {  	v1 =	vand.u32 $0xFFFF, v1;
	[tilespmem:$0x4090] =	vst v2  }
0xbf: {  	[tilespmem:$0x4210] =	vst v1  }
0xc0: {  	v1 =	vld [tilespmem:s21+$0xFFFFFF60];
	_ =	sdelay $0x4  }
0xc1: {  	v2 =	vshrl.u32 v1, $0x10  }
0xc2: {  	v1 =	vand.u32 $0xFFFF, v1;
	[tilespmem:$0x40A0] =	vst v2  }
0xc3: {  	[tilespmem:$0x4220] =	vst v1  }
0xc4: {  	v1 =	vld [tilespmem:s21+$0xFFFFFF70];
	_ =	sdelay $0x4  }
0xc5: {  	v2 =	vshrl.u32 v1, $0x10  }
0xc6: {  	v1 =	vand.u32 $0xFFFF, v1;
	[tilespmem:$0x40B0] =	vst v2  }
0xc7: {  	[tilespmem:$0x4230] =	vst v1  }
0xc8: {  	v1 =	vld [tilespmem:s21+$0xFFFFFF80];
	_ =	sdelay $0x4  }
0xc9: {  	v2 =	vshrl.u32 v1, $0x10  }
0xca: {  	v1 =	vand.u32 $0xFFFF, v1;
	[tilespmem:$0x40C0] =	vst v2  }
0xcb: {  	[tilespmem:$0x4240] =	vst v1  }
0xcc: {  	[tilespmem:s30], [sflag:$0x2] =	stream.indirect.gather [hbm4b:s4+s26], $0x80, s29, s26, $0xb8;
	[tilespmem:$0x1F380] =	vst v63  }
0xcd: {  	_ =	swait.ge [sflag:s19], $0x2800  }
0xce: {  	[sflag:s19] =	ssyncset.done $0x0  }
0xcf: {  	[sflag:s19] =	ssyncadd.s32 $0xFFFFD800  }
0xd0: {  	v1 =	vld [tilespmem:s21+$0xFFFFFFC0];
	_ =	sdelay $0x4  }
0xd1: {  	v2 =	vshrl.u32 v1, $0x10  }
0xd2: {  	v1 =	vand.u32 $0xFFFF, v1;
	[tilespmem:$0x4100] =	vst v2  }
0xd3: {  	[tilespmem:$0x4280] =	vst v1  }
0xd4: {  	v1 =	vld [tilespmem:s21+$0xFFFFFFD0];
	_ =	sdelay $0x4  }
0xd5: {  	v2 =	vshrl.u32 v1, $0x10  }
0xd6: {  	v1 =	vand.u32 $0xFFFF, v1;
	[tilespmem:$0x4110] =	vst v2  }
0xd7: {  	[tilespmem:$0x4290] =	vst v1  }
0xd8: {  	v1 =	vld [tilespmem:s21+$0xFFFFFFE0];
	_ =	sdelay $0x4  }
0xd9: {  	v2 =	vshrl.u32 v1, $0x10  }
0xda: {  	v1 =	vand.u32 $0xFFFF, v1;
	[tilespmem:$0x4120] =	vst v2  }
0xdb: {  	[tilespmem:$0x42A0] =	vst v1  }
0xdc: {  	s22 =	simm.s32 $0x1100;
	v1 =	vld [tilespmem:s21+$0xFFFFFFF0]  }
.LBB2_4:
0xdd: {  	p1 =	sne.s32 s22, $0xF500;
	s23 =	smov.u32 s22;
	s22 =	sadd.s32 $0x600, s22  }
0xde: {  	_ =	sdelay $0x2  }
0xdf: {  	v2 =	vshrl.u32 v1, $0x10;
	v1 =	vand.u32 $0xFFFF, v1  }
0xe0: {  	[tilespmem:$0x4130] =	vst v2  }
0xe1: {  	[tilespmem:$0x42B0] =	vst v1  }
0xe2: {  	v1 =	vld [tilespmem:s21+$0x0];
	_ =	sdelay $0x4  }
0xe3: {  	v2 =	vshrl.u32 v1, $0x10;
	v1 =	vand.u32 $0xFFFF, v1  }
0xe4: {  	[tilespmem:$0x4140] =	vst v2  }
0xe5: {  	[tilespmem:$0x42C0] =	vst v1  }
0xe6: {  	[tilespmem:s0], [sflag:$0x3] =	stream.indirect.gather [hbm4b:s4+s26], $0x80, s31, s26, $0xb8;
	[tilespmem:$0x1F380] =	vst v63  }
0xe7: {  	_ =	swait.ge [sflag:s3], $0x2800  }
0xe8: {  	[sflag:s3] =	ssyncset.done $0x0  }
0xe9: {  	[sflag:s3] =	ssyncadd.s32 $0xFFFFD800  }
0xea: {  	[spmem:s1] =	stream.indirect.scatter.add.f32 [tilespmem:s24], [sflag:$0x4], $0x80, s5, s26, $0xb8;
	[tilespmem:$0x1F380] =	vst v63  }
0xeb: {  	_ =	swait.ge [sflag:s14], $0x2800  }
0xec: {  	[sflag:s14] =	ssyncset.done $0x0  }
0xed: {  	[sflag:s14] =	ssyncadd.s32 $0xFFFFD800  }
0xee: {  	[spmem:s1] =	stream.indirect.scatter.add.f32 [tilespmem:s30], [sflag:$0x5], $0x80, s15, s26, $0xb8;
	[tilespmem:$0x1F380] =	vst v63  }
0xef: {  	_ =	swait.ge [sflag:s16], $0x2800  }
0xf0: {  	[sflag:s16] =	ssyncset.done $0x0  }
0xf1: {  	[sflag:s16] =	ssyncadd.s32 $0xFFFFD800  }
0xf2: {  	[spmem:s1] =	stream.indirect.scatter.add.f32 [tilespmem:s0], [sflag:$0x6], $0x80, s17, s26, $0xb8;
	[tilespmem:$0x1F380] =	vst v63  }
0xf3: {  	_ =	swait.ge [sflag:s25], $0x2800  }
0xf4: {  	[sflag:s25] =	ssyncset.done $0x0  }
0xf5: {  	s21 =	sshra.s32 s23, $0x2;
	[sflag:s25] =	ssyncadd.s32 $0xFFFFD800  }
0xf6: {  	v1 =	vld [tilespmem:s21+$0xFFFFFEC0];
	_ =	sdelay $0x4  }
0xf7: {  	v2 =	vshrl.u32 v1, $0x10;
	v1 =	vand.u32 $0xFFFF, v1  }
0xf8: {  	[tilespmem:$0x4000] =	vst v2  }
0xf9: {  	[tilespmem:$0x4180] =	vst v1  }
0xfa: {  	v1 =	vld [tilespmem:s21+$0xFFFFFED0];
	_ =	sdelay $0x4  }
0xfb: {  	v2 =	vshrl.u32 v1, $0x10;
	v1 =	vand.u32 $0xFFFF, v1  }
0xfc: {  	[tilespmem:$0x4010] =	vst v2  }
0xfd: {  	[tilespmem:$0x4190] =	vst v1  }
0xfe: {  	v1 =	vld [tilespmem:s21+$0xFFFFFEE0];
	_ =	sdelay $0x4  }
0xff: {  	v2 =	vshrl.u32 v1, $0x10;
	v1 =	vand.u32 $0xFFFF, v1  }
0x100: {  	[tilespmem:$0x4020] =	vst v2  }
0x101: {  	[tilespmem:$0x41A0] =	vst v1  }
0x102: {  	v1 =	vld [tilespmem:s21+$0xFFFFFEF0];
	_ =	sdelay $0x4  }
0x103: {  	v2 =	vshrl.u32 v1, $0x10;
	v1 =	vand.u32 $0xFFFF, v1  }
0x104: {  	[tilespmem:$0x4030] =	vst v2  }
0x105: {  	[tilespmem:$0x41B0] =	vst v1  }
0x106: {  	v1 =	vld [tilespmem:s21+$0xFFFFFF00];
	_ =	sdelay $0x4  }
0x107: {  	v2 =	vshrl.u32 v1, $0x10;
	v1 =	vand.u32 $0xFFFF, v1  }
0x108: {  	[tilespmem:$0x4040] =	vst v2  }
0x109: {  	[tilespmem:$0x41C0] =	vst v1  }
0x10a: {  	[tilespmem:s24], [sflag:$0x1] =	stream.indirect.gather [hbm4b:s4+s26], $0x80, s28, s26, $0xb8;
	[tilespmem:$0x1F380] =	vst v63  }
0x10b: {  	_ =	swait.ge [sflag:s18], $0x2800  }
0x10c: {  	[sflag:s18] =	ssyncset.done $0x0  }
0x10d: {  	[sflag:s18] =	ssyncadd.s32 $0xFFFFD800  }
0x10e: {  	v1 =	vld [tilespmem:s21+$0xFFFFFF40];
	_ =	sdelay $0x4  }
0x10f: {  	v2 =	vshrl.u32 v1, $0x10;
	v1 =	vand.u32 $0xFFFF, v1  }
0x110: {  	[tilespmem:$0x4080] =	vst v2  }
0x111: {  	[tilespmem:$0x4200] =	vst v1  }
0x112: {  	v1 =	vld [tilespmem:s21+$0xFFFFFF50];
	_ =	sdelay $0x4  }
0x113: {  	v2 =	vshrl.u32 v1, $0x10;
	v1 =	vand.u32 $0xFFFF, v1  }
0x114: {  	[tilespmem:$0x4090] =	vst v2  }
0x115: {  	[tilespmem:$0x4210] =	vst v1  }
0x116: {  	v1 =	vld [tilespmem:s21+$0xFFFFFF60];
	_ =	sdelay $0x4  }
0x117: {  	v2 =	vshrl.u32 v1, $0x10;
	v1 =	vand.u32 $0xFFFF, v1  }
0x118: {  	[tilespmem:$0x40A0] =	vst v2  }
0x119: {  	[tilespmem:$0x4220] =	vst v1  }
0x11a: {  	v1 =	vld [tilespmem:s21+$0xFFFFFF70];
	_ =	sdelay $0x4  }
0x11b: {  	v2 =	vshrl.u32 v1, $0x10;
	v1 =	vand.u32 $0xFFFF, v1  }
0x11c: {  	[tilespmem:$0x40B0] =	vst v2  }
0x11d: {  	[tilespmem:$0x4230] =	vst v1  }
0x11e: {  	v1 =	vld [tilespmem:s21+$0xFFFFFF80];
	_ =	sdelay $0x4  }
0x11f: {  	v2 =	vshrl.u32 v1, $0x10;
	v1 =	vand.u32 $0xFFFF, v1  }
0x120: {  	[tilespmem:$0x40C0] =	vst v2  }
0x121: {  	[tilespmem:$0x4240] =	vst v1  }
0x122: {  	[tilespmem:s30], [sflag:$0x2] =	stream.indirect.gather [hbm4b:s4+s26], $0x80, s29, s26, $0xb8;
	[tilespmem:$0x1F380] =	vst v63  }
0x123: {  	_ =	swait.ge [sflag:s19], $0x2800  }
0x124: {  	[sflag:s19] =	ssyncset.done $0x0  }
0x125: {  	[sflag:s19] =	ssyncadd.s32 $0xFFFFD800  }
0x126: {  	v1 =	vld [tilespmem:s21+$0xFFFFFFC0];
	_ =	sdelay $0x4  }
0x127: {  	v2 =	vshrl.u32 v1, $0x10;
	v1 =	vand.u32 $0xFFFF, v1  }
0x128: {  	[tilespmem:$0x4100] =	vst v2  }
0x129: {  	[tilespmem:$0x4280] =	vst v1  }
0x12a: {  	v1 =	vld [tilespmem:s21+$0xFFFFFFD0];
	_ =	sdelay $0x4  }
0x12b: {  	v2 =	vshrl.u32 v1, $0x10;
	v1 =	vand.u32 $0xFFFF, v1  }
0x12c: {  	[tilespmem:$0x4110] =	vst v2  }
0x12d: {  	[tilespmem:$0x4290] =	vst v1  }
0x12e: {  	v1 =	vld [tilespmem:s21+$0xFFFFFFE0];
	_ =	sdelay $0x3  }
.Ltmp1:
0x12f: {  	(pc) =	sbr.rel @p1 .LBB2_4-.Ltmp1, $4  }
0x130: {  	v2 =	vshrl.u32 v1, $0x10;
	v1 =	vand.u32 $0xFFFF, v1  }
0x131: {  	[tilespmem:$0x4120] =	vst v2  }
0x132: {  	[tilespmem:$0x42A0] =	vst v1  }
0x133: {  	v1 =	vld [tilespmem:s21+$0xFFFFFFF0]  }
0x134: {  	_ =	sdelay $0x3  }
0x135: {  	v2 =	vshrl.u32 v1, $0x10  }
0x136: {  	v1 =	vand.u32 $0xFFFF, v1;
	[tilespmem:$0x4130] =	vst v2  }
0x137: {  	[tilespmem:$0x42B0] =	vst v1  }
0x138: {  	v1 =	vld [tilespmem:s21+$0x0];
	_ =	sdelay $0x4  }
0x139: {  	v2 =	vshrl.u32 v1, $0x10  }
0x13a: {  	v1 =	vand.u32 $0xFFFF, v1;
	[tilespmem:$0x4140] =	vst v2  }
0x13b: {  	[tilespmem:$0x42C0] =	vst v1  }
0x13c: {  	[tilespmem:s0], [sflag:$0x3] =	stream.indirect.gather [hbm4b:s4+s26], $0x80, s31, s26, $0xb8;
	[tilespmem:$0x1F380] =	vst v63  }
0x13d: {  	_ =	swait.ge [sflag:s3], $0x2800  }
0x13e: {  	[sflag:s3] =	ssyncset.done $0x0  }
0x13f: {  	[sflag:s3] =	ssyncadd.s32 $0xFFFFD800  }
0x140: {  	[spmem:s1] =	stream.indirect.scatter.add.f32 [tilespmem:s24], [sflag:$0x4], $0x80, s5, s26, $0xb8;
	[tilespmem:$0x1F380] =	vst v63  }
0x141: {  	_ =	swait.ge [sflag:s14], $0x2800  }
0x142: {  	[sflag:s14] =	ssyncset.done $0x0  }
0x143: {  	[sflag:s14] =	ssyncadd.s32 $0xFFFFD800  }
0x144: {  	[spmem:s1] =	stream.indirect.scatter.add.f32 [tilespmem:s30], [sflag:$0x5], $0x80, s15, s26, $0xb8;
	[tilespmem:$0x1F380] =	vst v63  }
0x145: {  	_ =	swait.ge [sflag:s16], $0x2800  }
0x146: {  	[sflag:s16] =	ssyncset.done $0x0  }
0x147: {  	[sflag:s16] =	ssyncadd.s32 $0xFFFFD800  }
0x148: {  	[spmem:s1] =	stream.indirect.scatter.add.f32 [tilespmem:s0], [sflag:$0x6], $0x80, s17, s26, $0xb8;
	[tilespmem:$0x1F380] =	vst v63  }
0x149: {  	_ =	swait.ge [sflag:s25], $0x2800  }
0x14a: {  	[sflag:s25] =	ssyncset.done $0x0  }
0x14b: {  	[sflag:s25] =	ssyncadd.s32 $0xFFFFD800  }
0x14c: {  	v1 =	vld [tilespmem:$0x3D80];
	_ =	sdelay $0x1  }
0x14d: {  	v2 =	vld [tilespmem:$0x3D90];
	_ =	sdelay $0x1  }
0x14e: {  	v3 =	vld [tilespmem:$0x3DA0]  }
0x14f: {  	v4 =	vshrl.u32 v1, $0x10  }
0x150: {  	v61 =	vld [tilespmem:$0x3DB0];
	v1 =	vand.u32 $0xFFFF, v1;
	[tilespmem:$0x4000] =	vst v4  }
0x151: {  	[tilespmem:$0x4180] =	vst v1;
	v1 =	vshrl.u32 v2, $0x10  }
0x152: {  	[tilespmem:$0x4010] =	vst v1;
	v1 =	vand.u32 $0xFFFF, v2;
	v2 =	vld [tilespmem:$0x3DC0]  }
0x153: {  	[tilespmem:$0x4190] =	vst v1;
	v1 =	vshrl.u32 v3, $0x10  }
0x154: {  	[tilespmem:$0x4020] =	vst v1;
	v1 =	vand.u32 $0xFFFF, v3  }
0x155: {  	[tilespmem:$0x41A0] =	vst v1;
	v1 =	vshrl.u32 v61, $0x10  }
0x156: {  	[tilespmem:$0x4030] =	vst v1;
	v1 =	vand.u32 $0xFFFF, v61  }
0x157: {  	[tilespmem:$0x41B0] =	vst v1;
	v1 =	vshrl.u32 v2, $0x10  }
0x158: {  	[tilespmem:$0x4040] =	vst v1;
	v1 =	vand.u32 $0xFFFF, v2  }
0x159: {  	[tilespmem:$0x41C0] =	vst v1  }
0x15a: {  	[tilespmem:s24], [sflag:$0x1] =	stream.indirect.gather [hbm4b:s4+s26], $0x80, s28, s26, $0xb8;
	[tilespmem:$0x1F380] =	vst v63  }
0x15b: {  	_ =	swait.ge [sflag:s18], $0x2800  }
0x15c: {  	[sflag:s18] =	ssyncset.done $0x0  }
0x15d: {  	[sflag:s18] =	ssyncadd.s32 $0xFFFFD800  }
0x15e: {  	v1 =	vld [tilespmem:$0x3E00];
	_ =	sdelay $0x1  }
0x15f: {  	v2 =	vld [tilespmem:$0x3E10];
	_ =	sdelay $0x1  }
0x160: {  	v3 =	vld [tilespmem:$0x3E20]  }
0x161: {  	v62 =	vshrl.u32 v1, $0x10  }
0x162: {  	v63 =	vld [tilespmem:$0x3E30];
	v1 =	vand.u32 $0xFFFF, v1;
	[tilespmem:$0x4080] =	vst v62  }
0x163: {  	[tilespmem:$0x4200] =	vst v1;
	v1 =	vshrl.u32 v2, $0x10  }
0x164: {  	[tilespmem:$0x4090] =	vst v1;
	v1 =	vand.u32 $0xFFFF, v2;
	v2 =	vld [tilespmem:$0x3E40]  }
0x165: {  	[tilespmem:$0x4210] =	vst v1;
	v1 =	vshrl.u32 v3, $0x10  }
0x166: {  	[tilespmem:$0x40A0] =	vst v1;
	v1 =	vand.u32 $0xFFFF, v3  }
0x167: {  	[tilespmem:$0x4220] =	vst v1;
	v1 =	vshrl.u32 v63, $0x10  }
0x168: {  	[tilespmem:$0x40B0] =	vst v1;
	v1 =	vand.u32 $0xFFFF, v63  }
0x169: {  	[tilespmem:$0x4230] =	vst v1;
	v1 =	vshrl.u32 v2, $0x10  }
0x16a: {  	[tilespmem:$0x40C0] =	vst v1;
	v1 =	vand.u32 $0xFFFF, v2  }
0x16b: {  	[tilespmem:$0x4240] =	vst v1  }
0x16c: {  	[tilespmem:s30], [sflag:$0x2] =	stream.indirect.gather [hbm4b:s4+s26], $0x80, s29, s26, $0xb8;
	[tilespmem:$0x1F380] =	vst v63  }
0x16d: {  	_ =	swait.ge [sflag:s3], $0x2800  }
0x16e: {  	[sflag:s3] =	ssyncset.done $0x0  }
0x16f: {  	[sflag:s3] =	ssyncadd.s32 $0xFFFFD800  }
0x170: {  	[spmem:s1] =	stream.indirect.scatter.add.f32 [tilespmem:s24], [sflag:$0x4], $0x80, s5, s26, $0xb8;
	[tilespmem:$0x1F380] =	vst v63  }
0x171: {  	_ =	swait.ge [sflag:s14], $0x2800  }
0x172: {  	[sflag:s14] =	ssyncset.done $0x0  }
0x173: {  	[sflag:s14] =	ssyncadd.s32 $0xFFFFD800  }
0x174: {  	[spmem:s1] =	stream.indirect.scatter.add.f32 [tilespmem:s30], [sflag:$0x5], $0x80, s15, s26, $0xb8;
	[tilespmem:$0x1F380] =	vst v63  }
0x175: {  	_ =	swait.ge [sflag:s25], $0x2800  }
0x176: {  	[sflag:s25] =	ssyncset.done $0x0  }
0x177: {  	[sflag:s25] =	ssyncadd.s32 $0xFFFFD800  }
0x178: {  	_ =	swait.ge [sflag:s18], $0x2800  }
0x179: {  	[sflag:s18] =	ssyncset.done $0x0  }
0x17a: {  	[sflag:s18] =	ssyncadd.s32 $0xFFFFD800  }
0x17b: {  	_ =	swait.ge [sflag:s19], $0x2800  }
0x17c: {  	[sflag:s19] =	ssyncset.done $0x0  }
0x17d: {  	[sflag:s19] =	ssyncadd.s32 $0xFFFFD800  }
0x17e: {  	[bflag:$0x0] =	sbarrier.arrive $0xFFFF  }
0x17f: {  	[tilespmem:s24], [sflag:$0x1] =	stream.linear.gather [spmem:s6], $0x2800, $0x38;
	[tilespmem:$0x1F380] =	vst v63  }
0x180: {  	_ = 	snop  }
0x181: {  	[tilespmem:s30], [sflag:$0x2] =	stream.linear.gather [spmem:s7], $0x2800, $0x38;
	[tilespmem:$0x1F380] =	vst v63  }
0x182: {  	_ = 	snop  }
0x183: {  	[tilespmem:s0], [sflag:$0x3] =	stream.linear.gather [spmem:s8], $0x2800, $0x38;
	[tilespmem:$0x1F380] =	vst v63  }
0x184: {  	_ =	swait.ge [sflag:s3], $0x2800  }
0x185: {  	[sflag:s3] =	ssyncset.done $0x0  }
0x186: {  	s22 =	rddreg [dreg:$0x4];
	[sflag:s3] =	ssyncadd.s32 $0xFFFFD800  }
0x187: {  	[hbm4b:s22+s2] =	stream.linear.scatter [tilespmem:s24], [sflag:$0x4], $0x2800, $0x38;
	[tilespmem:$0x1F380] =	vst v63  }
0x188: {  	_ =	swait.ge [sflag:s25], $0x2800  }
0x189: {  	[sflag:s25] =	ssyncset.done $0x0  }
0x18a: {  	[sflag:s25] =	ssyncadd.s32 $0xFFFFD800  }
0x18b: {  	[tilespmem:s24], [sflag:$0x1] =	stream.linear.gather [spmem:s9], $0x2800, $0x38;
	[tilespmem:$0x1F380] =	vst v63  }
0x18c: {  	_ =	swait.ge [sflag:s14], $0x2800  }
0x18d: {  	[sflag:s14] =	ssyncset.done $0x0  }
0x18e: {  	s23 =	rddreg [dreg:$0x5];
	[sflag:s14] =	ssyncadd.s32 $0xFFFFD800  }
0x18f: {  	[hbm4b:s23+s2] =	stream.linear.scatter [tilespmem:s30], [sflag:$0x5], $0x2800, $0x38;
	[tilespmem:$0x1F380] =	vst v63  }
0x190: {  	_ =	swait.ge [sflag:s18], $0x2800  }
0x191: {  	[sflag:s18] =	ssyncset.done $0x0  }
0x192: {  	[sflag:s18] =	ssyncadd.s32 $0xFFFFD800  }
0x193: {  	[tilespmem:s30], [sflag:$0x2] =	stream.linear.gather [spmem:s10], $0x2800, $0x38;
	[tilespmem:$0x1F380] =	vst v63  }
0x194: {  	_ =	swait.ge [sflag:s16], $0x2800  }
0x195: {  	[sflag:s16] =	ssyncset.done $0x0  }
0x196: {  	s22 =	rddreg [dreg:$0x6];
	[sflag:s16] =	ssyncadd.s32 $0xFFFFD800  }
0x197: {  	[hbm4b:s22+s2] =	stream.linear.scatter [tilespmem:s0], [sflag:$0x6], $0x2800, $0x38;
	[tilespmem:$0x1F380] =	vst v63  }
0x198: {  	_ =	swait.ge [sflag:s19], $0x2800  }
0x199: {  	[sflag:s19] =	ssyncset.done $0x0  }
0x19a: {  	[sflag:s19] =	ssyncadd.s32 $0xFFFFD800  }
0x19b: {  	[tilespmem:s0], [sflag:$0x3] =	stream.linear.gather [spmem:s11], $0x2800, $0x38;
	[tilespmem:$0x1F380] =	vst v63  }
0x19c: {  	_ =	swait.ge [sflag:s3], $0x2800  }
0x19d: {  	[sflag:s3] =	ssyncset.done $0x0  }
0x19e: {  	s23 =	rddreg [dreg:$0x7];
	[sflag:s3] =	ssyncadd.s32 $0xFFFFD800  }
0x19f: {  	[hbm4b:s23+s2] =	stream.linear.scatter [tilespmem:s24], [sflag:$0x4], $0x2800, $0x38;
	[tilespmem:$0x1F380] =	vst v63  }
0x1a0: {  	_ =	swait.ge [sflag:s25], $0x2800  }
0x1a1: {  	[sflag:s25] =	ssyncset.done $0x0  }
0x1a2: {  	[sflag:s25] =	ssyncadd.s32 $0xFFFFD800  }
0x1a3: {  	[tilespmem:s24], [sflag:$0x1] =	stream.linear.gather [spmem:s12], $0x2800, $0x38;
	[tilespmem:$0x1F380] =	vst v63  }
0x1a4: {  	_ =	swait.ge [sflag:s14], $0x2800  }
0x1a5: {  	[sflag:s14] =	ssyncset.done $0x0  }
0x1a6: {  	s22 =	rddreg [dreg:$0x8];
	[sflag:s14] =	ssyncadd.s32 $0xFFFFD800  }
0x1a7: {  	[hbm4b:s22+s2] =	stream.linear.scatter [tilespmem:s30], [sflag:$0x5], $0x2800, $0x38;
	[tilespmem:$0x1F380] =	vst v63  }
0x1a8: {  	_ =	swait.ge [sflag:s18], $0x2800  }
0x1a9: {  	[sflag:s18] =	ssyncset.done $0x0  }
0x1aa: {  	s21 =	simm.s32 @!p0 $0x6B00;
	[sflag:s18] =	ssyncadd.s32 $0xFFFFD800  }
0x1ab: {  	[tilespmem:s21], [sflag:$0x2] =	stream.linear.gather @!p0 [spmem:s13], $0x2800, $0x38;
	[tilespmem:$0x1F380] =	vst v63  }
0x1ac: {  	_ =	swait.ge [sflag:s16], $0x2800  }
0x1ad: {  	[sflag:s16] =	ssyncset.done $0x0  }
0x1ae: {  	s22 =	rddreg [dreg:$0x9];
	[sflag:s16] =	ssyncadd.s32 $0xFFFFD800  }
0x1af: {  	[hbm4b:s22+s2] =	stream.linear.scatter [tilespmem:s0], [sflag:$0x6], $0x2800, $0x38;
	[tilespmem:$0x1F380] =	vst v63  }
0x1b0: {  	_ =	swait.ge [sflag:s3], $0x2800  }
0x1b1: {  	[sflag:s3] =	ssyncset.done $0x0  }
0x1b2: {  	s22 =	simm.s32 @!p0 $0x2;
	s23 =	rddreg [dreg:$0xa];
	[sflag:s3] =	ssyncadd.s32 $0xFFFFD800  }
0x1b3: {  	[hbm4b:s23+s2] =	stream.linear.scatter [tilespmem:s24], [sflag:$0x4], $0x2800, $0x38;
	[tilespmem:$0x1F380] =	vst v63  }
0x1b4: {  	_ =	swait.ge @!p0 [sflag:s22], $0x2800  }
0x1b5: {  	[sflag:s22] =	ssyncset.done @!p0 $0x0  }
0x1b6: {  	s23 =	rddreg [dreg:$0xb];
	[sflag:s22] =	ssyncadd.s32 @!p0 $0xFFFFD800;
	s22 =	simm.s32 @!p0 $0x0  }
0x1b7: {  	[hbm4b:s23+s22] =	stream.linear.scatter @!p0 [tilespmem:s21], [sflag:$0x5], $0x2800, $0x38;
	[tilespmem:$0x1F380] =	vst v63  }
0x1b8: {  	s21 =	simm.s32 @!p0 $0x6  }
0x1b9: {  	_ =	swait.ge @!p0 [sflag:s21], $0x2800  }
0x1ba: {  	s22 =	simm.s32 @!p0 $0x4;
	[sflag:s21] =	ssyncset.done @!p0 $0x0  }
0x1bb: {  	s22 =	simm.s32 @p0 $0x6;
	[sflag:s21] =	ssyncadd.s32 @!p0 $0xFFFFD800  }
0x1bc: {  	_ =	swait.ge [sflag:s22], $0x2800  }
0x1bd: {  	s21 =	simm.s32 @!p0 $0x5;
	[sflag:s22] =	ssyncset.done $0x0  }
0x1be: {  	s21 =	simm.s32 @p0 $0x4;
	[sflag:s22] =	ssyncadd.s32 $0xFFFFD800  }
0x1bf: {  	_ =	swait.ge [sflag:s21], $0x2800  }
0x1c0: {  	s20 =	sadd.s32 $0x1, s20;
	s23 =	rddreg [dreg:$0xc]  }
0x1c1: {  	p1 =	sne.s32 s20, s23  }
.Ltmp2:
0x1c2: {  	_ = 	snop;
	(pc) =	sbr.rel @p1 .LBB2_1-.Ltmp2, $3  }
0x1c3: {  	_ =	sdelay $0x1  }
0x1c4: {  	[sflag:s21] =	ssyncset.done $0x0  }
0x1c5: {  	[sflag:s21] =	ssyncadd.s32 $0xFFFFD800  }
0x1c6: {  	_ =	sfence.sel $0x180000  }
0x1c7: {  	[bflag:$0x0] =	sbarrier.arrive $0xFFFF  }
0x1c8: {  	_ =	strace $0x9000004A  }
0x1c9: {  	s0 =	stileid.u32;
	[bflag:$0x2] =	sbarrier.arrive $0xFFFF  }
0x1ca: {  	p0 =	sne.s32 s0, $0x0;
	s0 =	rddreg [dreg:$0x2]  }
0x1cb: {  	s0 =	sadd.s32 @!p0 $0x100000, s0  }
0x1cc: {  	[sflag:s0] =	ssyncadd.tile.s32 @!p0 $0x1;
	_ =	shalt  }
.Lfunc_end2:
_tile_overlayer_lowered:
.L_overlay_start_2:
0x1cd: {  	(tag) =	ssettag $0x2  }
0x1ce: {  	s0 =	rddreg [dreg:$0x0];
	s2 =	stileid.u32  }
0x1cf: {  	s1 =	rddreg [dreg:$0x1];
	p0 =	sne.s32 s2, $0x0  }
0x1d0: {  	s3 =	rddreg [dreg:$0x2];
	[bflag:$0x3] =	sbarrier.arrive $0xFFFF;
	s2 =	simm.s32 @!p0 $0x1C07  }
0x1d1: {  	[timem:s3], [sflag:s2] =	dma.local @!p0 [hbm:s0], s1  }
0x1d2: {  	s0 =	simm.s32 @!p0 $0x7  }
0x1d3: {  	_ =	swait.ge @!p0 [sflag:s0], s1  }
0x1d4: {  	s1 =	ssub.s32 @!p0 $0x0, s1;
	[sflag:s0] =	ssyncset.done @!p0 $0x0  }
0x1d5: {  	[sflag:s0] =	ssyncadd.s32 @!p0 s1  }
0x1d6: {  	[bflag:$0x3] =	sbarrier.arrive $0xFFFF  }
0x1d7: {  	_ =	shalt  }

// kernel: kernel.14.cloned.1.call-start
scs
__scs_entry_jumppad:
0x0: {  	(pc) =	sbr.rel $0x88, $3  }
0x1: {  	(tag) =	ssettag $0x0;
	lr =	simm.s32 $0x1  }
0x2: {  	[smem:$0x3F98] =	sst lr;
	_ =	strace $0xD0000000  }
0x3: {  	_ = 	snop  }
0x4: {  	_ = 	snop  }
0x5: {  	_ = 	snop  }
0x6: {  	_ = 	snop  }
0x7: {  	_ = 	snop  }
__scs_overlays_trampoline_lowered:
0x8: {  	[smem:$0x3FA7] =	sst s0  }
0x9: {  	[smem:$0x3FA8] =	sst s1  }
0xa: {  	[smem:$0x3FA9] =	sst s2  }
0xb: {  	[smem:$0x3FAA] =	sst s3  }
0xc: {  	[smem:$0x3FAB] =	sst s4  }
0xd: {  	[smem:$0x3FAC] =	sst s5  }
0xe: {  	[smem:$0x3FAD] =	sst s6  }
0xf: {  	[smem:$0x3FAE] =	sst s7  }
0x10: {  	[smem:$0x3FAF] =	sst s8  }
0x11: {  	[smem:$0x3FB0] =	sst s9;
	s0 =	simm.s32 @!p0 $0x0  }
0x12: {  	s1 =	sld [smem:$0x3F96];
	s0 =	simm.s32 @p0 $0x1  }
0x13: {  	[smem:$0x3FB1] =	sst s0;
	s0 =	simm.s32 @!p1 $0x0  }
0x14: {  	s2 =	sld [smem:$0x3F95];
	s0 =	simm.s32 @p1 $0x1  }
0x15: {  	[smem:$0x3FB2] =	sst s0;
	s0 =	simm.s32 @!p2 $0x0  }
0x16: {  	s3 =	sld [smem:$0x3FDB];
	s0 =	simm.s32 @p2 $0x1  }
0x17: {  	s4 =	simm.s32 $0x1BF5;
	[smem:$0x3FB4] =	sst s0  }
0x18: {  	s0 =	sld [smem:$0x3F97];
	_ =	swait.ge [sflag:s4], $0x0  }
0x19: {  	s7 =	sld [smem:$0x3F98]  }
0x1a: {  	s8 =	sadd.s32 $0xFFFFE003, lr  }
0x1b: {  	s9 =	sadd.s32 $0xFFFFFEF7, lr;
	s5 =	simm.s32 $0xFFFFFFFF;
	p2 =	slt.u32 s8, $0xFFFFF086  }
0x1c: {  	p1 =	slt.u32 s9, $0xF7A;
	s5 =	simm.s32 @!p2 $0x0  }
0x1d: {  	s5 =	simm.s32 @p1 $0x1;
	p0 =	seq.s32 s7, s2  }
0x1e: {  	s7 =	smul.u32 @!p0 $0xF7A, s2;
	p2 =	seq.s32 @!p0 s5, $0x0  }
0x1f: {  	s9 =	smul.u32 $0xF7A, s1;
	s8 =	simm.s32 @!p0 $0x1BF5;
	p2 =	por !p2, p0  }
0x20: {  	[sflag:s8] =	ssyncset.s32 @!p0 $0xFFFFF086;
	s6 =	sadd.s32 @!p0 s3, s7;
	s7 =	simm.s32 @!p0 $0x108  }
0x21: {  	s3 =	sadd.s32 s3, s9;
	s6 =	sadd.s32 @!p0 $0x88, s6;
	s7 =	simm.s32 @p2 $0x1082  }
0x22: {  	[simem:s7], [sflag:s8] =	dma.local @!p0 [hbm:s6], $0xF7A  }
0x23: {  	s9 =	sor.u32 $0xD0000000, s2;
	s6 =	simm.s32 $0x108;
	_ =	swait.ge @!p0 [sflag:s8], $0x0  }
0x24: {  	s3 =	sadd.s32 $0x88, s3;
	s6 =	simm.s32 @!p1 $0x1082;
	[sflag:s4] =	ssyncset.s32 $0xFFFFF086  }
0x25: {  	[simem:s6], [sflag:s4] =	dma.local [hbm:s3], $0xF7A  }
0x26: {  	[smem:$0x3F98] =	sst s1;
	(tag) =	ssettag s2;
	_ =	strace s9  }
0x27: {  	s1 =	sld [smem:$0x3FA8]  }
0x28: {  	s2 =	sld [smem:$0x3FA9]  }
0x29: {  	s4 =	sld [smem:$0x3FAB]  }
0x2a: {  	p0 =	seq.s32 s5, $0x0;
	s5 =	sld [smem:$0x3FAC]  }
0x2b: {  	s6 =	sld [smem:$0x3FAD]  }
0x2c: {  	s7 =	sld [smem:$0x3FAE]  }
0x2d: {  	s3 =	simm.s32 $0x108;
	s8 =	sld [smem:$0x3FAF]  }
0x2e: {  	s3 =	simm.s32 @!p0 $0x1082;
	s9 =	sld [smem:$0x3FB0]  }
0x2f: {  	lr =	sadd.s32 s0, s3;
	s0 =	sld [smem:$0x3FA7]  }
0x30: {  	s3 =	sld [smem:$0x3FAA]  }
0x31: {  	[smem:$0x3FB3] =	sst s10  }
0x32: {  	s10 =	sld [smem:$0x3FB1];
	_ =	sdelay $0x3  }
0x33: {  	p0 =	seq.s32 s10, $0x1;
	s10 =	sld [smem:$0x3FB3];
	_ =	sdelay $0x3  }
0x34: {  	[smem:$0x3FB3] =	sst s10  }
0x35: {  	s10 =	sld [smem:$0x3FB2];
	_ =	sdelay $0x3  }
0x36: {  	p1 =	seq.s32 s10, $0x1;
	s10 =	sld [smem:$0x3FB3];
	_ =	sdelay $0x3  }
0x37: {  	[smem:$0x3FB3] =	sst s10  }
0x38: {  	s10 =	sld [smem:$0x3FB4]  }
0x39: {  	_ = 	snop;
	(pc) =	sbr.ind lr, $3  }
0x3a: {  	_ = 	snop  }
0x3b: {  	_ = 	snop  }
0x3c: {  	p2 =	seq.s32 s10, $0x1;
	s10 =	sld [smem:$0x3FB3]  }
0x3d: {  	_ =	shalt  }
0x3e: {  	_ =	shalt  }
0x3f: {  	_ =	shalt  }
0x40: {  	_ =	shalt  }
0x41: {  	_ =	shalt  }
0x42: {  	_ =	shalt  }
0x43: {  	_ =	shalt  }
0x44: {  	_ =	shalt  }
0x45: {  	_ =	shalt  }
0x46: {  	_ =	shalt  }
0x47: {  	_ =	shalt  }
0x48: {  	_ =	shalt  }
0x49: {  	_ =	shalt  }
0x4a: {  	_ =	shalt  }
0x4b: {  	_ =	shalt  }
0x4c: {  	_ =	shalt  }
0x4d: {  	_ =	shalt  }
0x4e: {  	_ =	shalt  }
0x4f: {  	_ =	shalt  }
0x50: {  	_ =	shalt  }
0x51: {  	_ =	shalt  }
0x52: {  	_ =	shalt  }
0x53: {  	_ =	shalt  }
0x54: {  	_ =	shalt  }
0x55: {  	_ =	shalt  }
0x56: {  	_ =	shalt  }
0x57: {  	_ =	shalt  }
0x58: {  	_ =	shalt  }
0x59: {  	_ =	shalt  }
0x5a: {  	_ =	shalt  }
0x5b: {  	_ =	shalt  }
0x5c: {  	_ =	shalt  }
0x5d: {  	_ =	shalt  }
0x5e: {  	_ =	shalt  }
0x5f: {  	_ =	shalt  }
0x60: {  	_ =	shalt  }
0x61: {  	_ =	shalt  }
0x62: {  	_ =	shalt  }
0x63: {  	_ =	shalt  }
0x64: {  	_ =	shalt  }
0x65: {  	_ =	shalt  }
0x66: {  	_ =	shalt  }
0x67: {  	_ =	shalt  }
0x68: {  	_ =	shalt  }
0x69: {  	_ =	shalt  }
0x6a: {  	_ =	shalt  }
0x6b: {  	_ =	shalt  }
0x6c: {  	_ =	shalt  }
0x6d: {  	_ =	shalt  }
0x6e: {  	_ =	shalt  }
0x6f: {  	_ =	shalt  }
0x70: {  	_ =	shalt  }
0x71: {  	_ =	shalt  }
0x72: {  	_ =	shalt  }
0x73: {  	_ =	shalt  }
0x74: {  	_ =	shalt  }
0x75: {  	_ =	shalt  }
0x76: {  	_ =	shalt  }
0x77: {  	_ =	shalt  }
0x78: {  	_ =	shalt  }
0x79: {  	_ =	shalt  }
0x7a: {  	_ =	shalt  }
0x7b: {  	_ =	shalt  }
0x7c: {  	_ =	shalt  }
0x7d: {  	_ =	shalt  }
0x7e: {  	_ =	shalt  }
0x7f: {  	_ =	shalt  }
0x80: {  	_ =	shalt  }
0x81: {  	_ =	shalt  }
0x82: {  	_ =	shalt  }
0x83: {  	_ =	shalt  }
0x84: {  	_ =	shalt  }
0x85: {  	_ =	shalt  }
0x86: {  	_ =	shalt  }
0x87: {  	_ =	shalt  }
.Lfunc_end0:
.L_simem_size_0:
called_computation.2_lowered:
.L_overlay_start_0:
0x88: {  	s2 =	sld [smem:$0x3FD9]  }
0x89: {  	s3 =	sld [smem:$0x3FFE];
	_ =	sdelay $0x1  }
0x8a: {  	s1 =	srdreg.scid  }
0x8b: {  	s0 =	sand.u32 $0x1, s1  }
0x8c: {  	s16 =	sshll.u32 s0, $0xA;
	s2 =	sadd.s32 s3, s2  }
0x8d: {  	s2 =	sadd.s32 s2, s16  }
0x8e: {  	[smem:$0x3FBF] =	sst s2  }
0x8f: {  	_ = 	snop  }
0x90: {  	(tm) =	ssettm $0x1  }
0x91: {  	s17 =	sld [smem:$0x3FFB];
	_ =	sdelay $0x3  }
0x92: {  	_ =	strace s17  }
0x93: {  	s2 =	sld [smem:$0x3FFC];
	_ =	sdelay $0x3  }
0x94: {  	_ =	strace s2  }
0x95: {  	s2 =	sld [smem:$0x3FFD];
	_ =	sdelay $0x3  }
0x96: {  	_ =	strace s2  }
0x97: {  	_ =	strace $0x8FFFFFFF  }
0x98: {  	s18 =	sld [smem:$0x3FDB];
	_ =	sdelay $0x1  }
0x99: {  	s19 =	simm.s32 $_scs_section_size  }
0x9a: {  	s4 =	simm.s32 $_size__tile_overlayer_lowered;
	s5 =	simm.s32 $_tile_overlayer_lowered  }
0x9b: {  	s22 =	simm.s32 $0x1BFF;
	s21 =	sshll.u32 s5, $0x1;
	s2 =	sadd.s32 s19, s18  }
0x9c: {  	s6 =	simm.s32 $0x0;
	s20 =	sshll.u32 s4, $0x1;
	s4 =	sadd.s32 s21, s2  }
0x9d: {  	[timem:s6], [sflag:s22] =	dma.local [hbm:s4], s20  }
0x9e: {  	_ =	swait.ge [sflag:s22], s20  }
0x9f: {  	s3 =	ssub.s32 $0x0, s20;
	[sflag:s22] =	ssyncset.done $0x0  }
0xa0: {  	[sflag:s22] =	ssyncadd.s32 s3;
	_ =	sdelay $0x1  }
0xa1: {  	s23 =	simm.s32 $0x1B8B  }
0xa2: {  	_ =	swait.ge [sflag:s23], $0x1  }
0xa3: {  	[sflag:s23] =	ssyncset.done $0x0  }
0xa4: {  	s25 =	simm.s32 $0x1B8E;
	s24 =	sld [smem:$0x3FFE];
	[sflag:s23] =	ssyncadd.s32 $0xFFFFFFFF  }
0xa5: {  	s26 =	simm.s32 $execute0_lowered;
	[smem:$0x3FD2] =	sst s25  }
0xa6: {  	s4 =	sshll.u32 s26, $0x1;
	_ =	strace $0x8000004C;
	[dreg:$0x1] =	wrdreg $0xFFFFFFFF  }
0xa7: {  	s28 =	simm.s32 $_size_execute0_lowered;
	s2 =	sadd.s32 s2, s4;
	[dreg:$0x0] =	wrdreg $0x0  }
0xa8: {  	s4 =	sshll.u32 s28, $0x1;
	[dreg:$0x2] =	wrdreg s2  }
0xa9: {  	[dreg:$0x3] =	wrdreg s4  }
0xaa: {  	[dreg:$0x4] =	wrdreg $0xC0  }
0xab: {  	_ =	task [dreg:s6], $0x5FFFF  }
0xac: {  	[dreg:$0x1] =	wrdreg $0xFFFFFFFF  }
0xad: {  	[dreg:$0x0] =	wrdreg $0x60  }
0xae: {  	[dreg:$0x2] =	wrdreg s24  }
0xaf: {  	[dreg:$0x3] =	wrdreg $0xBB000  }
0xb0: {  	[dreg:$0x4] =	wrdreg $0x9  }
0xb1: {  	_ =	task.clear_ibuf [dreg:s6], $0x5FFFF;
	_ =	strace $0x9000004C  }
0xb2: {  	s29 =	simm.s32 $0x9;
	_ =	strace $0x8000004E  }
0xb3: {  	_ =	swait.ge [sflag:s29], $0x1  }
0xb4: {  	[sflag:s29] =	ssyncadd.s32 $0xFFFFFFFF  }
0xb5: {  	_ =	strace $0x9000004E  }
0xb6: {  	_ =	sfence  }
0xb7: {  	s30 =	sld [smem:$0x0];
	_ =	sdelay $0x2  }
0xb8: {  	s31 =	sshll.u32 s1, $0xD;
	s1 =	sshrl.u32 s1, $0x2  }
0xb9: {  	s3 =	sand.u32 $0x4000, s31;
	s1 =	sadd.s32 s1, s30  }
0xba: {  	s0 =	sor.u32 s3, s0;
	s1 =	sshll.u32 s1, $0x11  }
0xbb: {  	s0 =	sor.u32 s1, s0  }
0xbc: {  	s0 =	sadd.s32 $0x8F2B, s0  }
0xbd: {  	[sflag:s0] =	ssyncadd.remote.s32 $0x1  }
0xbe: {  	_ =	sfence.sel $0xFFFF  }
0xbf: {  	[dreg:$0x0] =	wrdreg $0xFFFFFFFF;
	(pc) =	sbr.abs _section_cstart, $3  }
0xc0: {  	[dreg:$0x1] =	wrdreg $0xFFFFFFFF  }
0xc1: {  	_ =	task.clear_ibuf [dreg:s6], $0x2FFFF;
	_ =	strace $0x9FFFFFFF  }
0xc2: {  	(tm) =	ssettm $0x7FFFFFFF  }
0xc3: {  	_ =	shalt  }
tec
execute0_lowered:
.L_overlay_start_1:
0x0: {  	(tag) =	ssettag $0x1  }
0x1: {  	s23 =	stileid.u32  }
0x2: {  	s8 =	smul.u32 $0xA000, s23;
	s13 =	sor.u32 $0x10, s23  }
0x3: {  	s0 =	rddreg [dreg:$0x0];
	s14 =	sor.u32 $0x20, s23;
	s21 =	smul.u32 $0xA000, s13  }
0x4: {  	s1 =	rddreg [dreg:$0x1];
	s15 =	sor.u32 $0x30, s23;
	s24 =	smul.u32 $0xA000, s14  }
0x5: {  	s2 =	simm.s32 $0x0;
	s16 =	sor.u32 $0x40, s23;
	s9 =	smul.u32 $0xA000, s15  }
0x6: {  	s3 =	srdreg.scid;
	s17 =	sor.u32 $0x50, s23;
	s10 =	smul.u32 $0xA000, s16  }
0x7: {  	s28 =	simm.s32 $0x4000;
	s5 =	sand.u32 $0x1, s3;
	s11 =	smul.u32 $0xA000, s17  }
0x8: {  	s3 =	sshll.u32 s5, $0xB;
	s18 =	ssub.s32 $0x2, s5;
	s5 =	smul.u32 $0x138800, s5  }
0x9: {  	s29 =	simm.s32 $0x4080;
	s30 =	simm.s32 $0x6B00;
	s14 =	smul.u32 $0x2800, s14  }
0xa: {  	s31 =	simm.s32 $0x4100;
	[smem:$0x7FF] =	sst s2;
	s15 =	smul.u32 $0x2800, s15  }
0xb: {  	s4 =	sadd.s32 $0x12A00, s0;
	s19 =	sshll.u32 s23, $0xC;
	s16 =	smul.u32 $0x2800, s16  }
0xc: {  	p0 =	sgt.u32 s23, $0xC;
	_ =	strace $0x8000004D;
	s17 =	smul.u32 $0x2800, s17  }
0xd: {  	s6 =	sadd.s32 s3, s0;
	s0 =	sadd.s32 $0x39C00, s0;
	s7 =	sshrl.u32 s18, $0x1  }
0xe: {  	s20 =	sshrl.u32 s8, $0x2;
	s3 =	ssub.s32 s18, s7;
	s6 =	sadd.s32 s19, s6  }
0xf: {  	s22 =	sshrl.u32 s21, $0x2;
	s8 =	sshrl.u32 s24, $0x2;
	s18 =	sor.u32 $0x60, s23  }
0x10: {  	s9 =	sshrl.u32 s9, $0x2;
	s10 =	sshrl.u32 s10, $0x2;
	s11 =	sshrl.u32 s11, $0x2  }
0x11: {  	s19 =	sor.u32 $0x70, s23;
	s14 =	sadd.s32 s5, s14;
	s15 =	sadd.s32 s5, s15  }
0x12: {  	s16 =	sadd.s32 s5, s16;
	s6 =	sadd.s32 $0x2A00, s6;
	s12 =	smul.u32 $0xA000, s18  }
0x13: {  	s7 =	sadd.s32 s22, s1;
	s8 =	sadd.s32 s8, s1;
	s21 =	smul.u32 $0xA000, s19  }
0x14: {  	s9 =	sadd.s32 s9, s1;
	s10 =	sadd.s32 s10, s1;
	s22 =	smul.u32 $0x2800, s13  }
0x15: {  	s11 =	sadd.s32 s11, s1;
	s14 =	sshrl.u32 s14, $0x3;
	s18 =	smul.u32 $0x2800, s18  }
0x16: {  	[dreg:$0x3] =	wrdreg s6;
	s6 =	sadd.s32 s20, s1;
	s20 =	smul.u32 $0x2800, s23  }
0x17: {  	s14 =	sadd.s32 s0, s14;
	s12 =	sshrl.u32 s12, $0x2;
	s25 =	sshrl.u32 s21, $0x2  }
0x18: {  	s26 =	sadd.s32 s5, s22;
	[dreg:$0x6] =	wrdreg s14;
	s14 =	sshrl.u32 s15, $0x3  }
0x19: {  	s21 =	smul.u32 $0x2800, s19;
	s22 =	sadd.s32 s5, s17;
	s24 =	sadd.s32 s5, s18  }
0x1a: {  	s17 =	simm.s32 $0x4280;
	s18 =	simm.s32 $0x5;
	s19 =	simm.s32 $0x6  }
0x1b: {  	s12 =	sadd.s32 s12, s1;
	s20 =	sadd.s32 s20, s5;
	s13 =	sadd.s32 s25, s1  }
0x1c: {  	s14 =	sadd.s32 s0, s14;
	s15 =	sshrl.u32 s24, $0x3;
	s24 =	simm.s32 $0x4300  }
0x1d: {  	s20 =	sshrl.u32 s20, $0x3;
	[dreg:$0x7] =	wrdreg s14;
	s25 =	sadd.s32 s0, s15  }
0x1e: {  	s5 =	sadd.s32 s5, s21;
	s20 =	sadd.s32 s0, s20;
	[dreg:$0xa] =	wrdreg s25  }
0x1f: {  	s15 =	simm.s32 $0x4200;
	[dreg:$0x4] =	wrdreg s20;
	s20 =	sshrl.u32 s26, $0x3  }
0x20: {  	s5 =	sshrl.u32 s5, $0x3;
	s25 =	simm.s32 $0x4;
	s20 =	sadd.s32 s0, s20  }
0x21: {  	s26 =	smax.u32 s3, $0x1;
	[dreg:$0x5] =	wrdreg s20;
	s20 =	sshrl.u32 s16, $0x3  }
0x22: {  	s3 =	simm.s32 $0x1;
	[dreg:$0xc] =	wrdreg s26;
	s14 =	sadd.s32 s0, s20  }
0x23: {  	s26 =	simm.s32 $0x50;
	[dreg:$0x8] =	wrdreg s14;
	s14 =	sshrl.u32 s22, $0x3  }
0x24: {  	s16 =	simm.s32 $0x3;
	s20 =	simm.s32 $0x0;
	s14 =	sadd.s32 s0, s14  }
0x25: {  	s0 =	sadd.s32 s0, s5;
	s5 =	simm.s32 $0x4180;
	[dreg:$0x9] =	wrdreg s14  }
0x26: {  	v0 =	vimm.f32 $0.0e+00;
	[dreg:$0xb] =	wrdreg s0;
	s0 =	simm.s32 $0x9300;
	s14 =	simm.s32 $0x2  }
.LBB2_1:
0x27: {  	s21 =	rddreg [dreg:$0x3];
	s23 =	simm.s32 $0x7  }
0x28: {  	[tilespmem:s2], [sflag:$0x7] =	stream.linear.gather [hbm4b:s21+s2], $0x3E80, $0x38;
	[tilespmem:$0x1F380] =	vst v63  }
0x29: {  	_ =	swait.ge [sflag:s23], $0x3E80  }
0x2a: {  	[sflag:s23] =	ssyncset.done $0x0  }
0x2b: {  	s22 =	simm.s32 $0x200;
	s21 =	simm.s32 $0x0;
	[sflag:s23] =	ssyncadd.s32 $0xFFFFC180  }
.LBB2_2:
0x2c: {  	p1 =	sne.s32 s22, $0x9E00;
	[tilespmem:s21+$0x4370] =	vst v0  }
0x2d: {  	[tilespmem:s21+$0x4300] =	vst v0  }
0x2e: {  	[tilespmem:s21+$0x4310] =	vst v0  }
.Ltmp0:
0x2f: {  	[tilespmem:s21+$0x4320] =	vst v0;
	(pc) =	sbr.rel @p1 .LBB2_2-.Ltmp0, $4  }
0x30: {  	[tilespmem:s21+$0x4330] =	vst v0  }
0x31: {  	[tilespmem:s21+$0x4340] =	vst v0  }
0x32: {  	[tilespmem:s21+$0x4350] =	vst v0  }
0x33: {  	[tilespmem:s21+$0x4360] =	vst v0;
	s21 =	sshra.s32 s22, $0x2;
	s22 =	sadd.s32 $0x200, s22  }
0x34: {  	[tilespmem:s21+$0x4370] =	vst v0  }
0x35: {  	[tilespmem:s21+$0x4300] =	vst v0  }
0x36: {  	[tilespmem:s21+$0x4310] =	vst v0  }
0x37: {  	[tilespmem:s21+$0x4320] =	vst v0  }
0x38: {  	[tilespmem:s21+$0x4330] =	vst v0  }
0x39: {  	[tilespmem:s21+$0x4340] =	vst v0  }
0x3a: {  	[tilespmem:s21+$0x4350] =	vst v0  }
0x3b: {  	[tilespmem:s21+$0x4360] =	vst v0  }
0x3c: {  	[spmem:s6] =	stream.linear.scatter [tilespmem:s24], [sflag:$0x4], $0x2800, $0x38;
	[tilespmem:$0x1F380] =	vst v63  }
0x3d: {  	_ = 	snop  }
0x3e: {  	[spmem:s7] =	stream.linear.scatter [tilespmem:s24], [sflag:$0x4], $0x2800, $0x38;
	[tilespmem:$0x1F380] =	vst v63  }
0x3f: {  	_ = 	snop  }
0x40: {  	[spmem:s8] =	stream.linear.scatter [tilespmem:s24], [sflag:$0x4], $0x2800, $0x38;
	[tilespmem:$0x1F380] =	vst v63  }
0x41: {  	_ = 	snop  }
0x42: {  	[spmem:s9] =	stream.linear.scatter [tilespmem:s24], [sflag:$0x4], $0x2800, $0x38;
	[tilespmem:$0x1F380] =	vst v63  }
0x43: {  	_ = 	snop  }
0x44: {  	[spmem:s10] =	stream.linear.scatter [tilespmem:s24], [sflag:$0x4], $0x2800, $0x38;
	[tilespmem:$0x1F380] =	vst v63  }
0x45: {  	_ = 	snop  }
0x46: {  	[spmem:s11] =	stream.linear.scatter [tilespmem:s24], [sflag:$0x4], $0x2800, $0x38;
	[tilespmem:$0x1F380] =	vst v63  }
0x47: {  	_ = 	snop  }
0x48: {  	[spmem:s12] =	stream.linear.scatter [tilespmem:s24], [sflag:$0x4], $0x2800, $0x38;
	[tilespmem:$0x1F380] =	vst v63  }
0x49: {  	s21 =	simm.s32 @!p0 $0x4300  }
0x4a: {  	[spmem:s13] =	stream.linear.scatter @!p0 [tilespmem:s21], [sflag:$0x4], $0x2800, $0x38;
	[tilespmem:$0x1F380] =	vst v63  }
0x4b: {  	_ =	swait.ge [sflag:s25], $0x2800  }
0x4c: {  	[sflag:s25] =	ssyncset.done $0x0  }
0x4d: {  	[sflag:s25] =	ssyncadd.s32 $0xFFFFD800  }
0x4e: {  	_ =	swait.ge [sflag:s25], $0x2800  }
0x4f: {  	[sflag:s25] =	ssyncset.done $0x0  }
0x50: {  	[sflag:s25] =	ssyncadd.s32 $0xFFFFD800  }
0x51: {  	_ =	swait.ge [sflag:s25], $0x2800  }
0x52: {  	[sflag:s25] =	ssyncset.done $0x0  }
0x53: {  	[sflag:s25] =	ssyncadd.s32 $0xFFFFD800  }
0x54: {  	_ =	swait.ge [sflag:s25], $0x2800  }
0x55: {  	[sflag:s25] =	ssyncset.done $0x0  }
0x56: {  	[sflag:s25] =	ssyncadd.s32 $0xFFFFD800  }
0x57: {  	_ =	swait.ge [sflag:s25], $0x2800  }
0x58: {  	[sflag:s25] =	ssyncset.done $0x0  }
0x59: {  	[sflag:s25] =	ssyncadd.s32 $0xFFFFD800  }
0x5a: {  	_ =	swait.ge [sflag:s25], $0x2800  }
0x5b: {  	[sflag:s25] =	ssyncset.done $0x0  }
0x5c: {  	[sflag:s25] =	ssyncadd.s32 $0xFFFFD800  }
0x5d: {  	_ =	swait.ge [sflag:s25], $0x2800  }
0x5e: {  	[sflag:s25] =	ssyncset.done $0x0  }
0x5f: {  	s21 =	simm.s32 @!p0 $0x4;
	[sflag:s25] =	ssyncadd.s32 $0xFFFFD800  }
0x60: {  	_ =	swait.ge @!p0 [sflag:s21], $0x2800  }
0x61: {  	[sflag:s21] =	ssyncset.done @!p0 $0x0  }
0x62: {  	[sflag:s21] =	ssyncadd.s32 @!p0 $0xFFFFD800  }
0x63: {  	[bflag:$0x0] =	sbarrier.arrive $0xFFFF  }
0x64: {  	v1 =	vld [tilespmem:$0x0];
	_ =	sdelay $0x1  }
0x65: {  	v2 =	vld [tilespmem:$0x10];
	_ =	sdelay $0x1  }
0x66: {  	v3 =	vld [tilespmem:$0x20]  }
0x67: {  	v4 =	vshrl.u32 v1, $0x10  }
0x68: {  	v59 =	vld [tilespmem:$0x30];
	v1 =	vand.u32 $0xFFFF, v1;
	[tilespmem:$0x4000] =	vst v4  }
0x69: {  	[tilespmem:$0x4180] =	vst v1;
	v1 =	vshrl.u32 v2, $0x10  }
0x6a: {  	[tilespmem:$0x4010] =	vst v1;
	v1 =	vand.u32 $0xFFFF, v2;
	v2 =	vld [tilespmem:$0x40]  }
0x6b: {  	[tilespmem:$0x4190] =	vst v1;
	v1 =	vshrl.u32 v3, $0x10  }
0x6c: {  	[tilespmem:$0x4020] =	vst v1;
	v1 =	vand.u32 $0xFFFF, v3  }
0x6d: {  	[tilespmem:$0x41A0] =	vst v1;
	v1 =	vshrl.u32 v59, $0x10  }
0x6e: {  	[tilespmem:$0x4030] =	vst v1;
	v1 =	vand.u32 $0xFFFF, v59  }
0x6f: {  	[tilespmem:$0x41B0] =	vst v1;
	v1 =	vshrl.u32 v2, $0x10  }
0x70: {  	[tilespmem:$0x4040] =	vst v1;
	v1 =	vand.u32 $0xFFFF, v2  }
0x71: {  	[tilespmem:$0x41C0] =	vst v1  }
0x72: {  	[tilespmem:s24], [sflag:$0x1] =	stream.indirect.gather [hbm4b:s4+s26], $0x80, s28, s26, $0xb8;
	[tilespmem:$0x1F380] =	vst v63  }
0x73: {  	v1 =	vld [tilespmem:$0x80];
	_ =	sdelay $0x1  }
0x74: {  	v2 =	vld [tilespmem:$0x90];
	_ =	sdelay $0x1  }
0x75: {  	v3 =	vld [tilespmem:$0xA0]  }
0x76: {  	v60 =	vshrl.u32 v1, $0x10  }
0x77: {  	v61 =	vld [tilespmem:$0xB0];
	v1 =	vand.u32 $0xFFFF, v1;
	[tilespmem:$0x4080] =	vst v60  }
0x78: {  	[tilespmem:$0x4200] =	vst v1;
	v1 =	vshrl.u32 v2, $0x10  }
0x79: {  	[tilespmem:$0x4090] =	vst v1;
	v1 =	vand.u32 $0xFFFF, v2;
	v2 =	vld [tilespmem:$0xC0]  }
0x7a: {  	[tilespmem:$0x4210] =	vst v1;
	v1 =	vshrl.u32 v3, $0x10  }
0x7b: {  	[tilespmem:$0x40A0] =	vst v1;
	v1 =	vand.u32 $0xFFFF, v3  }
0x7c: {  	[tilespmem:$0x4220] =	vst v1;
	v1 =	vshrl.u32 v61, $0x10  }
0x7d: {  	[tilespmem:$0x40B0] =	vst v1;
	v1 =	vand.u32 $0xFFFF, v61  }
0x7e: {  	[tilespmem:$0x4230] =	vst v1;
	v1 =	vshrl.u32 v2, $0x10  }
0x7f: {  	[tilespmem:$0x40C0] =	vst v1;
	v1 =	vand.u32 $0xFFFF, v2  }
0x80: {  	[tilespmem:$0x4240] =	vst v1  }
0x81: {  	[tilespmem:s30], [sflag:$0x2] =	stream.indirect.gather [hbm4b:s4+s26], $0x80, s29, s26, $0xb8;
	[tilespmem:$0x1F380] =	vst v63  }
0x82: {  	v1 =	vld [tilespmem:$0x100];
	_ =	sdelay $0x1  }
0x83: {  	v2 =	vld [tilespmem:$0x110];
	_ =	sdelay $0x1  }
0x84: {  	v3 =	vld [tilespmem:$0x120]  }
0x85: {  	v62 =	vshrl.u32 v1, $0x10  }
0x86: {  	v63 =	vld [tilespmem:$0x130];
	v1 =	vand.u32 $0xFFFF, v1;
	[tilespmem:$0x4100] =	vst v62  }
0x87: {  	[tilespmem:$0x4280] =	vst v1;
	v1 =	vshrl.u32 v2, $0x10  }
0x88: {  	[tilespmem:$0x4110] =	vst v1;
	v1 =	vand.u32 $0xFFFF, v2;
	v2 =	vld [tilespmem:$0x140]  }
0x89: {  	[tilespmem:$0x4290] =	vst v1;
	v1 =	vshrl.u32 v3, $0x10  }
0x8a: {  	[tilespmem:$0x4120] =	vst v1;
	v1 =	vand.u32 $0xFFFF, v3  }
0x8b: {  	[tilespmem:$0x42A0] =	vst v1;
	v1 =	vshrl.u32 v63, $0x10  }
0x8c: {  	[tilespmem:$0x4130] =	vst v1;
	v1 =	vand.u32 $0xFFFF, v63  }
0x8d: {  	[tilespmem:$0x42B0] =	vst v1;
	v1 =	vshrl.u32 v2, $0x10  }
0x8e: {  	[tilespmem:$0x4140] =	vst v1;
	v1 =	vand.u32 $0xFFFF, v2  }
0x8f: {  	[tilespmem:$0x42C0] =	vst v1  }
0x90: {  	[tilespmem:s0], [sflag:$0x3] =	stream.indirect.gather [hbm4b:s4+s26], $0x80, s31, s26, $0xb8;
	[tilespmem:$0x1F380] =	vst v63  }
0x91: {  	_ =	swait.ge [sflag:s3], $0x2800  }
0x92: {  	[sflag:s3] =	ssyncset.done $0x0  }
0x93: {  	[sflag:s3] =	ssyncadd.s32 $0xFFFFD800  }
0x94: {  	[spmem:s1] =	stream.indirect.scatter.add.f32 [tilespmem:s24], [sflag:$0x4], $0x80, s5, s26, $0xb8;
	[tilespmem:$0x1F380] =	vst v63  }
0x95: {  	_ =	swait.ge [sflag:s14], $0x2800  }
0x96: {  	[sflag:s14] =	ssyncset.done $0x0  }
0x97: {  	[sflag:s14] =	ssyncadd.s32 $0xFFFFD800  }
0x98: {  	[spmem:s1] =	stream.indirect.scatter.add.f32 [tilespmem:s30], [sflag:$0x5], $0x80, s15, s26, $0xb8;
	[tilespmem:$0x1F380] =	vst v63  }
0x99: {  	_ =	swait.ge [sflag:s16], $0x2800  }
0x9a: {  	[sflag:s16] =	ssyncset.done $0x0  }
0x9b: {  	[sflag:s16] =	ssyncadd.s32 $0xFFFFD800  }
0x9c: {  	[spmem:s1] =	stream.indirect.scatter.add.f32 [tilespmem:s0], [sflag:$0x6], $0x80, s17, s26, $0xb8;
	[tilespmem:$0x1F380] =	vst v63  }
0x9d: {  	_ =	swait.ge [sflag:s25], $0x2800  }
0x9e: {  	[sflag:s25] =	ssyncset.done $0x0  }
0x9f: {  	s21 =	simm.s32 $0x2C0;
	[sflag:s25] =	ssyncadd.s32 $0xFFFFD800  }
0xa0: {  	v1 =	vld [tilespmem:s21+$0xFFFFFEC0];
	_ =	sdelay $0x4  }
0xa1: {  	v2 =	vshrl.u32 v1, $0x10  }
0xa2: {  	v1 =	vand.u32 $0xFFFF, v1;
	[tilespmem:$0x4000] =	vst v2  }
0xa3: {  	[tilespmem:$0x4180] =	vst v1  }
0xa4: {  	v1 =	vld [tilespmem:s21+$0xFFFFFED0];
	_ =	sdelay $0x4  }
0xa5: {  	v2 =	vshrl.u32 v1, $0x10  }
0xa6: {  	v1 =	vand.u32 $0xFFFF, v1;
	[tilespmem:$0x4010] =	vst v2  }
0xa7: {  	[tilespmem:$0x4190] =	vst v1  }
0xa8: {  	v1 =	vld [tilespmem:s21+$0xFFFFFEE0];
	_ =	sdelay $0x4  }
0xa9: {  	v2 =	vshrl.u32 v1, $0x10  }
0xaa: {  	v1 =	vand.u32 $0xFFFF, v1;
	[tilespmem:$0x4020] =	vst v2  }
0xab: {  	[tilespmem:$0x41A0] =	vst v1  }
0xac: {  	v1 =	vld [tilespmem:s21+$0xFFFFFEF0];
	_ =	sdelay $0x4  }
0xad: {  	v2 =	vshrl.u32 v1, $0x10  }
0xae: {  	v1 =	vand.u32 $0xFFFF, v1;
	[tilespmem:$0x4030] =	vst v2  }
0xaf: {  	[tilespmem:$0x41B0] =	vst v1  }
0xb0: {  	v1 =	vld [tilespmem:s21+$0xFFFFFF00];
	_ =	sdelay $0x4  }
0xb1: {  	v2 =	vshrl.u32 v1, $0x10  }
0xb2: {  	v1 =	vand.u32 $0xFFFF, v1;
	[tilespmem:$0x4040] =	vst v2  }
0xb3: {  	[tilespmem:$0x41C0] =	vst v1  }
0xb4: {  	[tilespmem:s24], [sflag:$0x1] =	stream.indirect.gather [hbm4b:s4+s26], $0x80, s28, s26, $0xb8;
	[tilespmem:$0x1F380] =	vst v63  }
0xb5: {  	_ =	swait.ge [sflag:s18], $0x2800  }
0xb6: {  	[sflag:s18] =	ssyncset.done $0x0  }
0xb7: {  	[sflag:s18] =	ssyncadd.s32 $0xFFFFD800  }
0xb8: {  	v1 =	vld [tilespmem:s21+$0xFFFFFF40];
	_ =	sdelay $0x4  }
0xb9: {  	v2 =	vshrl.u32 v1, $0x10  }
0xba: {  	v1 =	vand.u32 $0xFFFF, v1;
	[tilespmem:$0x4080] =	vst v2  }
0xbb: {  	[tilespmem:$0x4200] =	vst v1  }
0xbc: {  	v1 =	vld [tilespmem:s21+$0xFFFFFF50];
	_ =	sdelay $0x4  }
0xbd: {  	v2 =	vshrl.u32 v1, $0x10  }
0xbe: {  	v1 =	vand.u32 $0xFFFF, v1;
	[tilespmem:$0x4090] =	vst v2  }
0xbf: {  	[tilespmem:$0x4210] =	vst v1  }
0xc0: {  	v1 =	vld [tilespmem:s21+$0xFFFFFF60];
	_ =	sdelay $0x4  }
0xc1: {  	v2 =	vshrl.u32 v1, $0x10  }
0xc2: {  	v1 =	vand.u32 $0xFFFF, v1;
	[tilespmem:$0x40A0] =	vst v2  }
0xc3: {  	[tilespmem:$0x4220] =	vst v1  }
0xc4: {  	v1 =	vld [tilespmem:s21+$0xFFFFFF70];
	_ =	sdelay $0x4  }
0xc5: {  	v2 =	vshrl.u32 v1, $0x10  }
0xc6: {  	v1 =	vand.u32 $0xFFFF, v1;
	[tilespmem:$0x40B0] =	vst v2  }
0xc7: {  	[tilespmem:$0x4230] =	vst v1  }
0xc8: {  	v1 =	vld [tilespmem:s21+$0xFFFFFF80];
	_ =	sdelay $0x4  }
0xc9: {  	v2 =	vshrl.u32 v1, $0x10  }
0xca: {  	v1 =	vand.u32 $0xFFFF, v1;
	[tilespmem:$0x40C0] =	vst v2  }
0xcb: {  	[tilespmem:$0x4240] =	vst v1  }
0xcc: {  	[tilespmem:s30], [sflag:$0x2] =	stream.indirect.gather [hbm4b:s4+s26], $0x80, s29, s26, $0xb8;
	[tilespmem:$0x1F380] =	vst v63  }
0xcd: {  	_ =	swait.ge [sflag:s19], $0x2800  }
0xce: {  	[sflag:s19] =	ssyncset.done $0x0  }
0xcf: {  	[sflag:s19] =	ssyncadd.s32 $0xFFFFD800  }
0xd0: {  	v1 =	vld [tilespmem:s21+$0xFFFFFFC0];
	_ =	sdelay $0x4  }
0xd1: {  	v2 =	vshrl.u32 v1, $0x10  }
0xd2: {  	v1 =	vand.u32 $0xFFFF, v1;
	[tilespmem:$0x4100] =	vst v2  }
0xd3: {  	[tilespmem:$0x4280] =	vst v1  }
0xd4: {  	v1 =	vld [tilespmem:s21+$0xFFFFFFD0];
	_ =	sdelay $0x4  }
0xd5: {  	v2 =	vshrl.u32 v1, $0x10  }
0xd6: {  	v1 =	vand.u32 $0xFFFF, v1;
	[tilespmem:$0x4110] =	vst v2  }
0xd7: {  	[tilespmem:$0x4290] =	vst v1  }
0xd8: {  	v1 =	vld [tilespmem:s21+$0xFFFFFFE0];
	_ =	sdelay $0x4  }
0xd9: {  	v2 =	vshrl.u32 v1, $0x10  }
0xda: {  	v1 =	vand.u32 $0xFFFF, v1;
	[tilespmem:$0x4120] =	vst v2  }
0xdb: {  	[tilespmem:$0x42A0] =	vst v1  }
0xdc: {  	s22 =	simm.s32 $0x1100;
	v1 =	vld [tilespmem:s21+$0xFFFFFFF0]  }
.LBB2_4:
0xdd: {  	p1 =	sne.s32 s22, $0xF500;
	s23 =	smov.u32 s22;
	s22 =	sadd.s32 $0x600, s22  }
0xde: {  	_ =	sdelay $0x2  }
0xdf: {  	v2 =	vshrl.u32 v1, $0x10;
	v1 =	vand.u32 $0xFFFF, v1  }
0xe0: {  	[tilespmem:$0x4130] =	vst v2  }
0xe1: {  	[tilespmem:$0x42B0] =	vst v1  }
0xe2: {  	v1 =	vld [tilespmem:s21+$0x0];
	_ =	sdelay $0x4  }
0xe3: {  	v2 =	vshrl.u32 v1, $0x10;
	v1 =	vand.u32 $0xFFFF, v1  }
0xe4: {  	[tilespmem:$0x4140] =	vst v2  }
0xe5: {  	[tilespmem:$0x42C0] =	vst v1  }
0xe6: {  	[tilespmem:s0], [sflag:$0x3] =	stream.indirect.gather [hbm4b:s4+s26], $0x80, s31, s26, $0xb8;
	[tilespmem:$0x1F380] =	vst v63  }
0xe7: {  	_ =	swait.ge [sflag:s3], $0x2800  }
0xe8: {  	[sflag:s3] =	ssyncset.done $0x0  }
0xe9: {  	[sflag:s3] =	ssyncadd.s32 $0xFFFFD800  }
0xea: {  	[spmem:s1] =	stream.indirect.scatter.add.f32 [tilespmem:s24], [sflag:$0x4], $0x80, s5, s26, $0xb8;
	[tilespmem:$0x1F380] =	vst v63  }
0xeb: {  	_ =	swait.ge [sflag:s14], $0x2800  }
0xec: {  	[sflag:s14] =	ssyncset.done $0x0  }
0xed: {  	[sflag:s14] =	ssyncadd.s32 $0xFFFFD800  }
0xee: {  	[spmem:s1] =	stream.indirect.scatter.add.f32 [tilespmem:s30], [sflag:$0x5], $0x80, s15, s26, $0xb8;
	[tilespmem:$0x1F380] =	vst v63  }
0xef: {  	_ =	swait.ge [sflag:s16], $0x2800  }
0xf0: {  	[sflag:s16] =	ssyncset.done $0x0  }
0xf1: {  	[sflag:s16] =	ssyncadd.s32 $0xFFFFD800  }
0xf2: {  	[spmem:s1] =	stream.indirect.scatter.add.f32 [tilespmem:s0], [sflag:$0x6], $0x80, s17, s26, $0xb8;
	[tilespmem:$0x1F380] =	vst v63  }
0xf3: {  	_ =	swait.ge [sflag:s25], $0x2800  }
0xf4: {  	[sflag:s25] =	ssyncset.done $0x0  }
0xf5: {  	s21 =	sshra.s32 s23, $0x2;
	[sflag:s25] =	ssyncadd.s32 $0xFFFFD800  }
0xf6: {  	v1 =	vld [tilespmem:s21+$0xFFFFFEC0];
	_ =	sdelay $0x4  }
0xf7: {  	v2 =	vshrl.u32 v1, $0x10;
	v1 =	vand.u32 $0xFFFF, v1  }
0xf8: {  	[tilespmem:$0x4000] =	vst v2  }
0xf9: {  	[tilespmem:$0x4180] =	vst v1  }
0xfa: {  	v1 =	vld [tilespmem:s21+$0xFFFFFED0];
	_ =	sdelay $0x4  }
0xfb: {  	v2 =	vshrl.u32 v1, $0x10;
	v1 =	vand.u32 $0xFFFF, v1  }
0xfc: {  	[tilespmem:$0x4010] =	vst v2  }
0xfd: {  	[tilespmem:$0x4190] =	vst v1  }
0xfe: {  	v1 =	vld [tilespmem:s21+$0xFFFFFEE0];
	_ =	sdelay $0x4  }
0xff: {  	v2 =	vshrl.u32 v1, $0x10;
	v1 =	vand.u32 $0xFFFF, v1  }
0x100: {  	[tilespmem:$0x4020] =	vst v2  }
0x101: {  	[tilespmem:$0x41A0] =	vst v1  }
0x102: {  	v1 =	vld [tilespmem:s21+$0xFFFFFEF0];
	_ =	sdelay $0x4  }
0x103: {  	v2 =	vshrl.u32 v1, $0x10;
	v1 =	vand.u32 $0xFFFF, v1  }
0x104: {  	[tilespmem:$0x4030] =	vst v2  }
0x105: {  	[tilespmem:$0x41B0] =	vst v1  }
0x106: {  	v1 =	vld [tilespmem:s21+$0xFFFFFF00];
	_ =	sdelay $0x4  }
0x107: {  	v2 =	vshrl.u32 v1, $0x10;
	v1 =	vand.u32 $0xFFFF, v1  }
0x108: {  	[tilespmem:$0x4040] =	vst v2  }
0x109: {  	[tilespmem:$0x41C0] =	vst v1  }
0x10a: {  	[tilespmem:s24], [sflag:$0x1] =	stream.indirect.gather [hbm4b:s4+s26], $0x80, s28, s26, $0xb8;
	[tilespmem:$0x1F380] =	vst v63  }
0x10b: {  	_ =	swait.ge [sflag:s18], $0x2800  }
0x10c: {  	[sflag:s18] =	ssyncset.done $0x0  }
0x10d: {  	[sflag:s18] =	ssyncadd.s32 $0xFFFFD800  }
0x10e: {  	v1 =	vld [tilespmem:s21+$0xFFFFFF40];
	_ =	sdelay $0x4  }
0x10f: {  	v2 =	vshrl.u32 v1, $0x10;
	v1 =	vand.u32 $0xFFFF, v1  }
0x110: {  	[tilespmem:$0x4080] =	vst v2  }
0x111: {  	[tilespmem:$0x4200] =	vst v1  }
0x112: {  	v1 =	vld [tilespmem:s21+$0xFFFFFF50];
	_ =	sdelay $0x4  }
0x113: {  	v2 =	vshrl.u32 v1, $0x10;
	v1 =	vand.u32 $0xFFFF, v1  }
0x114: {  	[tilespmem:$0x4090] =	vst v2  }
0x115: {  	[tilespmem:$0x4210] =	vst v1  }
0x116: {  	v1 =	vld [tilespmem:s21+$0xFFFFFF60];
	_ =	sdelay $0x4  }
0x117: {  	v2 =	vshrl.u32 v1, $0x10;
	v1 =	vand.u32 $0xFFFF, v1  }
0x118: {  	[tilespmem:$0x40A0] =	vst v2  }
0x119: {  	[tilespmem:$0x4220] =	vst v1  }
0x11a: {  	v1 =	vld [tilespmem:s21+$0xFFFFFF70];
	_ =	sdelay $0x4  }
0x11b: {  	v2 =	vshrl.u32 v1, $0x10;
	v1 =	vand.u32 $0xFFFF, v1  }
0x11c: {  	[tilespmem:$0x40B0] =	vst v2  }
0x11d: {  	[tilespmem:$0x4230] =	vst v1  }
0x11e: {  	v1 =	vld [tilespmem:s21+$0xFFFFFF80];
	_ =	sdelay $0x4  }
0x11f: {  	v2 =	vshrl.u32 v1, $0x10;
	v1 =	vand.u32 $0xFFFF, v1  }
0x120: {  	[tilespmem:$0x40C0] =	vst v2  }
0x121: {  	[tilespmem:$0x4240] =	vst v1  }
0x122: {  	[tilespmem:s30], [sflag:$0x2] =	stream.indirect.gather [hbm4b:s4+s26], $0x80, s29, s26, $0xb8;
	[tilespmem:$0x1F380] =	vst v63  }
0x123: {  	_ =	swait.ge [sflag:s19], $0x2800  }
0x124: {  	[sflag:s19] =	ssyncset.done $0x0  }
0x125: {  	[sflag:s19] =	ssyncadd.s32 $0xFFFFD800  }
0x126: {  	v1 =	vld [tilespmem:s21+$0xFFFFFFC0];
	_ =	sdelay $0x4  }
0x127: {  	v2 =	vshrl.u32 v1, $0x10;
	v1 =	vand.u32 $0xFFFF, v1  }
0x128: {  	[tilespmem:$0x4100] =	vst v2  }
0x129: {  	[tilespmem:$0x4280] =	vst v1  }
0x12a: {  	v1 =	vld [tilespmem:s21+$0xFFFFFFD0];
	_ =	sdelay $0x4  }
0x12b: {  	v2 =	vshrl.u32 v1, $0x10;
	v1 =	vand.u32 $0xFFFF, v1  }
0x12c: {  	[tilespmem:$0x4110] =	vst v2  }
0x12d: {  	[tilespmem:$0x4290] =	vst v1  }
0x12e: {  	v1 =	vld [tilespmem:s21+$0xFFFFFFE0];
	_ =	sdelay $0x3  }
.Ltmp1:
0x12f: {  	(pc) =	sbr.rel @p1 .LBB2_4-.Ltmp1, $4  }
0x130: {  	v2 =	vshrl.u32 v1, $0x10;
	v1 =	vand.u32 $0xFFFF, v1  }
0x131: {  	[tilespmem:$0x4120] =	vst v2  }
0x132: {  	[tilespmem:$0x42A0] =	vst v1  }
0x133: {  	v1 =	vld [tilespmem:s21+$0xFFFFFFF0]  }
0x134: {  	_ =	sdelay $0x3  }
0x135: {  	v2 =	vshrl.u32 v1, $0x10  }
0x136: {  	v1 =	vand.u32 $0xFFFF, v1;
	[tilespmem:$0x4130] =	vst v2  }
0x137: {  	[tilespmem:$0x42B0] =	vst v1  }
0x138: {  	v1 =	vld [tilespmem:s21+$0x0];
	_ =	sdelay $0x4  }
0x139: {  	v2 =	vshrl.u32 v1, $0x10  }
0x13a: {  	v1 =	vand.u32 $0xFFFF, v1;
	[tilespmem:$0x4140] =	vst v2  }
0x13b: {  	[tilespmem:$0x42C0] =	vst v1  }
0x13c: {  	[tilespmem:s0], [sflag:$0x3] =	stream.indirect.gather [hbm4b:s4+s26], $0x80, s31, s26, $0xb8;
	[tilespmem:$0x1F380] =	vst v63  }
0x13d: {  	_ =	swait.ge [sflag:s3], $0x2800  }
0x13e: {  	[sflag:s3] =	ssyncset.done $0x0  }
0x13f: {  	[sflag:s3] =	ssyncadd.s32 $0xFFFFD800  }
0x140: {  	[spmem:s1] =	stream.indirect.scatter.add.f32 [tilespmem:s24], [sflag:$0x4], $0x80, s5, s26, $0xb8;
	[tilespmem:$0x1F380] =	vst v63  }
0x141: {  	_ =	swait.ge [sflag:s14], $0x2800  }
0x142: {  	[sflag:s14] =	ssyncset.done $0x0  }
0x143: {  	[sflag:s14] =	ssyncadd.s32 $0xFFFFD800  }
0x144: {  	[spmem:s1] =	stream.indirect.scatter.add.f32 [tilespmem:s30], [sflag:$0x5], $0x80, s15, s26, $0xb8;
	[tilespmem:$0x1F380] =	vst v63  }
0x145: {  	_ =	swait.ge [sflag:s16], $0x2800  }
0x146: {  	[sflag:s16] =	ssyncset.done $0x0  }
0x147: {  	[sflag:s16] =	ssyncadd.s32 $0xFFFFD800  }
0x148: {  	[spmem:s1] =	stream.indirect.scatter.add.f32 [tilespmem:s0], [sflag:$0x6], $0x80, s17, s26, $0xb8;
	[tilespmem:$0x1F380] =	vst v63  }
0x149: {  	_ =	swait.ge [sflag:s25], $0x2800  }
0x14a: {  	[sflag:s25] =	ssyncset.done $0x0  }
0x14b: {  	[sflag:s25] =	ssyncadd.s32 $0xFFFFD800  }
0x14c: {  	v1 =	vld [tilespmem:$0x3D80];
	_ =	sdelay $0x1  }
0x14d: {  	v2 =	vld [tilespmem:$0x3D90];
	_ =	sdelay $0x1  }
0x14e: {  	v3 =	vld [tilespmem:$0x3DA0]  }
0x14f: {  	v4 =	vshrl.u32 v1, $0x10  }
0x150: {  	v61 =	vld [tilespmem:$0x3DB0];
	v1 =	vand.u32 $0xFFFF, v1;
	[tilespmem:$0x4000] =	vst v4  }
0x151: {  	[tilespmem:$0x4180] =	vst v1;
	v1 =	vshrl.u32 v2, $0x10  }
0x152: {  	[tilespmem:$0x4010] =	vst v1;
	v1 =	vand.u32 $0xFFFF, v2;
	v2 =	vld [tilespmem:$0x3DC0]  }
0x153: {  	[tilespmem:$0x4190] =	vst v1;
	v1 =	vshrl.u32 v3, $0x10  }
0x154: {  	[tilespmem:$0x4020] =	vst v1;
	v1 =	vand.u32 $0xFFFF, v3  }
0x155: {  	[tilespmem:$0x41A0] =	vst v1;
	v1 =	vshrl.u32 v61, $0x10  }
0x156: {  	[tilespmem:$0x4030] =	vst v1;
	v1 =	vand.u32 $0xFFFF, v61  }
0x157: {  	[tilespmem:$0x41B0] =	vst v1;
	v1 =	vshrl.u32 v2, $0x10  }
0x158: {  	[tilespmem:$0x4040] =	vst v1;
	v1 =	vand.u32 $0xFFFF, v2  }
0x159: {  	[tilespmem:$0x41C0] =	vst v1  }
0x15a: {  	[tilespmem:s24], [sflag:$0x1] =	stream.indirect.gather [hbm4b:s4+s26], $0x80, s28, s26, $0xb8;
	[tilespmem:$0x1F380] =	vst v63  }
0x15b: {  	_ =	swait.ge [sflag:s18], $0x2800  }
0x15c: {  	[sflag:s18] =	ssyncset.done $0x0  }
0x15d: {  	[sflag:s18] =	ssyncadd.s32 $0xFFFFD800  }
0x15e: {  	v1 =	vld [tilespmem:$0x3E00];
	_ =	sdelay $0x1  }
0x15f: {  	v2 =	vld [tilespmem:$0x3E10];
	_ =	sdelay $0x1  }
0x160: {  	v3 =	vld [tilespmem:$0x3E20]  }
0x161: {  	v62 =	vshrl.u32 v1, $0x10  }
0x162: {  	v63 =	vld [tilespmem:$0x3E30];
	v1 =	vand.u32 $0xFFFF, v1;
	[tilespmem:$0x4080] =	vst v62  }
0x163: {  	[tilespmem:$0x4200] =	vst v1;
	v1 =	vshrl.u32 v2, $0x10  }
0x164: {  	[tilespmem:$0x4090] =	vst v1;
	v1 =	vand.u32 $0xFFFF, v2;
	v2 =	vld [tilespmem:$0x3E40]  }
0x165: {  	[tilespmem:$0x4210] =	vst v1;
	v1 =	vshrl.u32 v3, $0x10  }
0x166: {  	[tilespmem:$0x40A0] =	vst v1;
	v1 =	vand.u32 $0xFFFF, v3  }
0x167: {  	[tilespmem:$0x4220] =	vst v1;
	v1 =	vshrl.u32 v63, $0x10  }
0x168: {  	[tilespmem:$0x40B0] =	vst v1;
	v1 =	vand.u32 $0xFFFF, v63  }
0x169: {  	[tilespmem:$0x4230] =	vst v1;
	v1 =	vshrl.u32 v2, $0x10  }
0x16a: {  	[tilespmem:$0x40C0] =	vst v1;
	v1 =	vand.u32 $0xFFFF, v2  }
0x16b: {  	[tilespmem:$0x4240] =	vst v1  }
0x16c: {  	[tilespmem:s30], [sflag:$0x2] =	stream.indirect.gather [hbm4b:s4+s26], $0x80, s29, s26, $0xb8;
	[tilespmem:$0x1F380] =	vst v63  }
0x16d: {  	_ =	swait.ge [sflag:s3], $0x2800  }
0x16e: {  	[sflag:s3] =	ssyncset.done $0x0  }
0x16f: {  	[sflag:s3] =	ssyncadd.s32 $0xFFFFD800  }
0x170: {  	[spmem:s1] =	stream.indirect.scatter.add.f32 [tilespmem:s24], [sflag:$0x4], $0x80, s5, s26, $0xb8;
	[tilespmem:$0x1F380] =	vst v63  }
0x171: {  	_ =	swait.ge [sflag:s14], $0x2800  }
0x172: {  	[sflag:s14] =	ssyncset.done $0x0  }
0x173: {  	[sflag:s14] =	ssyncadd.s32 $0xFFFFD800  }
0x174: {  	[spmem:s1] =	stream.indirect.scatter.add.f32 [tilespmem:s30], [sflag:$0x5], $0x80, s15, s26, $0xb8;
	[tilespmem:$0x1F380] =	vst v63  }
0x175: {  	_ =	swait.ge [sflag:s25], $0x2800  }
0x176: {  	[sflag:s25] =	ssyncset.done $0x0  }
0x177: {  	[sflag:s25] =	ssyncadd.s32 $0xFFFFD800  }
0x178: {  	_ =	swait.ge [sflag:s18], $0x2800  }
0x179: {  	[sflag:s18] =	ssyncset.done $0x0  }
0x17a: {  	[sflag:s18] =	ssyncadd.s32 $0xFFFFD800  }
0x17b: {  	_ =	swait.ge [sflag:s19], $0x2800  }
0x17c: {  	[sflag:s19] =	ssyncset.done $0x0  }
0x17d: {  	[sflag:s19] =	ssyncadd.s32 $0xFFFFD800  }
0x17e: {  	[bflag:$0x0] =	sbarrier.arrive $0xFFFF  }
0x17f: {  	[tilespmem:s24], [sflag:$0x1] =	stream.linear.gather [spmem:s6], $0x2800, $0x38;
	[tilespmem:$0x1F380] =	vst v63  }
0x180: {  	_ = 	snop  }
0x181: {  	[tilespmem:s30], [sflag:$0x2] =	stream.linear.gather [spmem:s7], $0x2800, $0x38;
	[tilespmem:$0x1F380] =	vst v63  }
0x182: {  	_ = 	snop  }
0x183: {  	[tilespmem:s0], [sflag:$0x3] =	stream.linear.gather [spmem:s8], $0x2800, $0x38;
	[tilespmem:$0x1F380] =	vst v63  }
0x184: {  	_ =	swait.ge [sflag:s3], $0x2800  }
0x185: {  	[sflag:s3] =	ssyncset.done $0x0  }
0x186: {  	s22 =	rddreg [dreg:$0x4];
	[sflag:s3] =	ssyncadd.s32 $0xFFFFD800  }
0x187: {  	[hbm4b:s22+s2] =	stream.linear.scatter [tilespmem:s24], [sflag:$0x4], $0x2800, $0x38;
	[tilespmem:$0x1F380] =	vst v63  }
0x188: {  	_ =	swait.ge [sflag:s25], $0x2800  }
0x189: {  	[sflag:s25] =	ssyncset.done $0x0  }
0x18a: {  	[sflag:s25] =	ssyncadd.s32 $0xFFFFD800  }
0x18b: {  	[tilespmem:s24], [sflag:$0x1] =	stream.linear.gather [spmem:s9], $0x2800, $0x38;
	[tilespmem:$0x1F380] =	vst v63  }
0x18c: {  	_ =	swait.ge [sflag:s14], $0x2800  }
0x18d: {  	[sflag:s14] =	ssyncset.done $0x0  }
0x18e: {  	s23 =	rddreg [dreg:$0x5];
	[sflag:s14] =	ssyncadd.s32 $0xFFFFD800  }
0x18f: {  	[hbm4b:s23+s2] =	stream.linear.scatter [tilespmem:s30], [sflag:$0x5], $0x2800, $0x38;
	[tilespmem:$0x1F380] =	vst v63  }
0x190: {  	_ =	swait.ge [sflag:s18], $0x2800  }
0x191: {  	[sflag:s18] =	ssyncset.done $0x0  }
0x192: {  	[sflag:s18] =	ssyncadd.s32 $0xFFFFD800  }
0x193: {  	[tilespmem:s30], [sflag:$0x2] =	stream.linear.gather [spmem:s10], $0x2800, $0x38;
	[tilespmem:$0x1F380] =	vst v63  }
0x194: {  	_ =	swait.ge [sflag:s16], $0x2800  }
0x195: {  	[sflag:s16] =	ssyncset.done $0x0  }
0x196: {  	s22 =	rddreg [dreg:$0x6];
	[sflag:s16] =	ssyncadd.s32 $0xFFFFD800  }
0x197: {  	[hbm4b:s22+s2] =	stream.linear.scatter [tilespmem:s0], [sflag:$0x6], $0x2800, $0x38;
	[tilespmem:$0x1F380] =	vst v63  }
0x198: {  	_ =	swait.ge [sflag:s19], $0x2800  }
0x199: {  	[sflag:s19] =	ssyncset.done $0x0  }
0x19a: {  	[sflag:s19] =	ssyncadd.s32 $0xFFFFD800  }
0x19b: {  	[tilespmem:s0], [sflag:$0x3] =	stream.linear.gather [spmem:s11], $0x2800, $0x38;
	[tilespmem:$0x1F380] =	vst v63  }
0x19c: {  	_ =	swait.ge [sflag:s3], $0x2800  }
0x19d: {  	[sflag:s3] =	ssyncset.done $0x0  }
0x19e: {  	s23 =	rddreg [dreg:$0x7];
	[sflag:s3] =	ssyncadd.s32 $0xFFFFD800  }
0x19f: {  	[hbm4b:s23+s2] =	stream.linear.scatter [tilespmem:s24], [sflag:$0x4], $0x2800, $0x38;
	[tilespmem:$0x1F380] =	vst v63  }
0x1a0: {  	_ =	swait.ge [sflag:s25], $0x2800  }
0x1a1: {  	[sflag:s25] =	ssyncset.done $0x0  }
0x1a2: {  	[sflag:s25] =	ssyncadd.s32 $0xFFFFD800  }
0x1a3: {  	[tilespmem:s24], [sflag:$0x1] =	stream.linear.gather [spmem:s12], $0x2800, $0x38;
	[tilespmem:$0x1F380] =	vst v63  }
0x1a4: {  	_ =	swait.ge [sflag:s14], $0x2800  }
0x1a5: {  	[sflag:s14] =	ssyncset.done $0x0  }
0x1a6: {  	s22 =	rddreg [dreg:$0x8];
	[sflag:s14] =	ssyncadd.s32 $0xFFFFD800  }
0x1a7: {  	[hbm4b:s22+s2] =	stream.linear.scatter [tilespmem:s30], [sflag:$0x5], $0x2800, $0x38;
	[tilespmem:$0x1F380] =	vst v63  }
0x1a8: {  	_ =	swait.ge [sflag:s18], $0x2800  }
0x1a9: {  	[sflag:s18] =	ssyncset.done $0x0  }
0x1aa: {  	s21 =	simm.s32 @!p0 $0x6B00;
	[sflag:s18] =	ssyncadd.s32 $0xFFFFD800  }
0x1ab: {  	[tilespmem:s21], [sflag:$0x2] =	stream.linear.gather @!p0 [spmem:s13], $0x2800, $0x38;
	[tilespmem:$0x1F380] =	vst v63  }
0x1ac: {  	_ =	swait.ge [sflag:s16], $0x2800  }
0x1ad: {  	[sflag:s16] =	ssyncset.done $0x0  }
0x1ae: {  	s22 =	rddreg [dreg:$0x9];
	[sflag:s16] =	ssyncadd.s32 $0xFFFFD800  }
0x1af: {  	[hbm4b:s22+s2] =	stream.linear.scatter [tilespmem:s0], [sflag:$0x6], $0x2800, $0x38;
	[tilespmem:$0x1F380] =	vst v63  }
0x1b0: {  	_ =	swait.ge [sflag:s3], $0x2800  }
0x1b1: {  	[sflag:s3] =	ssyncset.done $0x0  }
0x1b2: {  	s22 =	simm.s32 @!p0 $0x2;
	s23 =	rddreg [dreg:$0xa];
	[sflag:s3] =	ssyncadd.s32 $0xFFFFD800  }
0x1b3: {  	[hbm4b:s23+s2] =	stream.linear.scatter [tilespmem:s24], [sflag:$0x4], $0x2800, $0x38;
	[tilespmem:$0x1F380] =	vst v63  }
0x1b4: {  	_ =	swait.ge @!p0 [sflag:s22], $0x2800  }
0x1b5: {  	[sflag:s22] =	ssyncset.done @!p0 $0x0  }
0x1b6: {  	s23 =	rddreg [dreg:$0xb];
	[sflag:s22] =	ssyncadd.s32 @!p0 $0xFFFFD800;
	s22 =	simm.s32 @!p0 $0x0  }
0x1b7: {  	[hbm4b:s23+s22] =	stream.linear.scatter @!p0 [tilespmem:s21], [sflag:$0x5], $0x2800, $0x38;
	[tilespmem:$0x1F380] =	vst v63  }
0x1b8: {  	s21 =	simm.s32 @!p0 $0x6  }
0x1b9: {  	_ =	swait.ge @!p0 [sflag:s21], $0x2800  }
0x1ba: {  	s22 =	simm.s32 @!p0 $0x4;
	[sflag:s21] =	ssyncset.done @!p0 $0x0  }
0x1bb: {  	s22 =	simm.s32 @p0 $0x6;
	[sflag:s21] =	ssyncadd.s32 @!p0 $0xFFFFD800  }
0x1bc: {  	_ =	swait.ge [sflag:s22], $0x2800  }
0x1bd: {  	s21 =	simm.s32 @!p0 $0x5;
	[sflag:s22] =	ssyncset.done $0x0  }
0x1be: {  	s21 =	simm.s32 @p0 $0x4;
	[sflag:s22] =	ssyncadd.s32 $0xFFFFD800  }
0x1bf: {  	_ =	swait.ge [sflag:s21], $0x2800  }
0x1c0: {  	s20 =	sadd.s32 $0x1, s20;
	s23 =	rddreg [dreg:$0xc]  }
0x1c1: {  	p1 =	sne.s32 s20, s23  }
.Ltmp2:
0x1c2: {  	_ = 	snop;
	(pc) =	sbr.rel @p1 .LBB2_1-.Ltmp2, $3  }
0x1c3: {  	_ =	sdelay $0x1  }
0x1c4: {  	[sflag:s21] =	ssyncset.done $0x0  }
0x1c5: {  	[sflag:s21] =	ssyncadd.s32 $0xFFFFD800  }
0x1c6: {  	_ =	sfence.sel $0x180000  }
0x1c7: {  	[bflag:$0x0] =	sbarrier.arrive $0xFFFF  }
0x1c8: {  	_ =	strace $0x9000004D  }
0x1c9: {  	s0 =	stileid.u32;
	[bflag:$0x2] =	sbarrier.arrive $0xFFFF  }
0x1ca: {  	p0 =	sne.s32 s0, $0x0;
	s0 =	rddreg [dreg:$0x2]  }
0x1cb: {  	s0 =	sadd.s32 @!p0 $0x100000, s0  }
0x1cc: {  	[sflag:s0] =	ssyncadd.tile.s32 @!p0 $0x1;
	_ =	shalt  }
.Lfunc_end2:
_tile_overlayer_lowered:
.L_overlay_start_2:
0x1cd: {  	(tag) =	ssettag $0x2  }
0x1ce: {  	s0 =	rddreg [dreg:$0x0];
	s2 =	stileid.u32  }
0x1cf: {  	s1 =	rddreg [dreg:$0x1];
	p0 =	sne.s32 s2, $0x0  }
0x1d0: {  	s3 =	rddreg [dreg:$0x2];
	[bflag:$0x3] =	sbarrier.arrive $0xFFFF;
	s2 =	simm.s32 @!p0 $0x1C07  }
0x1d1: {  	[timem:s3], [sflag:s2] =	dma.local @!p0 [hbm:s0], s1  }
0x1d2: {  	s0 =	simm.s32 @!p0 $0x7  }
0x1d3: {  	_ =	swait.ge @!p0 [sflag:s0], s1  }
0x1d4: {  	s1 =	ssub.s32 @!p0 $0x0, s1;
	[sflag:s0] =	ssyncset.done @!p0 $0x0  }
0x1d5: {  	[sflag:s0] =	ssyncadd.s32 @!p0 s1  }
0x1d6: {  	[bflag:$0x3] =	sbarrier.arrive $0xFFFF  }
0x1d7: {  	_ =	shalt  }

// kernel: kernel.8.cloned.1.call-start
scs
__scs_entry_jumppad:
0x0: {  	(pc) =	sbr.rel $0x88, $3  }
0x1: {  	(tag) =	ssettag $0x0;
	lr =	simm.s32 $0x1  }
0x2: {  	[smem:$0x3F98] =	sst lr;
	_ =	strace $0xD0000000  }
0x3: {  	_ = 	snop  }
0x4: {  	_ = 	snop  }
0x5: {  	_ = 	snop  }
0x6: {  	_ = 	snop  }
0x7: {  	_ = 	snop  }
__scs_overlays_trampoline_lowered:
0x8: {  	[smem:$0x3FA7] =	sst s0  }
0x9: {  	[smem:$0x3FA8] =	sst s1  }
0xa: {  	[smem:$0x3FA9] =	sst s2  }
0xb: {  	[smem:$0x3FAA] =	sst s3  }
0xc: {  	[smem:$0x3FAB] =	sst s4  }
0xd: {  	[smem:$0x3FAC] =	sst s5  }
0xe: {  	[smem:$0x3FAD] =	sst s6  }
0xf: {  	[smem:$0x3FAE] =	sst s7  }
0x10: {  	[smem:$0x3FAF] =	sst s8  }
0x11: {  	[smem:$0x3FB0] =	sst s9;
	s0 =	simm.s32 @!p0 $0x0  }
0x12: {  	s1 =	sld [smem:$0x3F96];
	s0 =	simm.s32 @p0 $0x1  }
0x13: {  	[smem:$0x3FB1] =	sst s0;
	s0 =	simm.s32 @!p1 $0x0  }
0x14: {  	s2 =	sld [smem:$0x3F95];
	s0 =	simm.s32 @p1 $0x1  }
0x15: {  	[smem:$0x3FB2] =	sst s0;
	s0 =	simm.s32 @!p2 $0x0  }
0x16: {  	s3 =	sld [smem:$0x3FDB];
	s0 =	simm.s32 @p2 $0x1  }
0x17: {  	s4 =	simm.s32 $0x1BF5;
	[smem:$0x3FB4] =	sst s0  }
0x18: {  	s0 =	sld [smem:$0x3F97];
	_ =	swait.ge [sflag:s4], $0x0  }
0x19: {  	s7 =	sld [smem:$0x3F98]  }
0x1a: {  	s8 =	sadd.s32 $0xFFFFE003, lr  }
0x1b: {  	s9 =	sadd.s32 $0xFFFFFEF7, lr;
	s5 =	simm.s32 $0xFFFFFFFF;
	p2 =	slt.u32 s8, $0xFFFFF086  }
0x1c: {  	p1 =	slt.u32 s9, $0xF7A;
	s5 =	simm.s32 @!p2 $0x0  }
0x1d: {  	s5 =	simm.s32 @p1 $0x1;
	p0 =	seq.s32 s7, s2  }
0x1e: {  	s7 =	smul.u32 @!p0 $0xF7A, s2;
	p2 =	seq.s32 @!p0 s5, $0x0  }
0x1f: {  	s9 =	smul.u32 $0xF7A, s1;
	s8 =	simm.s32 @!p0 $0x1BF5;
	p2 =	por !p2, p0  }
0x20: {  	[sflag:s8] =	ssyncset.s32 @!p0 $0xFFFFF086;
	s6 =	sadd.s32 @!p0 s3, s7;
	s7 =	simm.s32 @!p0 $0x108  }
0x21: {  	s3 =	sadd.s32 s3, s9;
	s6 =	sadd.s32 @!p0 $0x88, s6;
	s7 =	simm.s32 @p2 $0x1082  }
0x22: {  	[simem:s7], [sflag:s8] =	dma.local @!p0 [hbm:s6], $0xF7A  }
0x23: {  	s9 =	sor.u32 $0xD0000000, s2;
	s6 =	simm.s32 $0x108;
	_ =	swait.ge @!p0 [sflag:s8], $0x0  }
0x24: {  	s3 =	sadd.s32 $0x88, s3;
	s6 =	simm.s32 @!p1 $0x1082;
	[sflag:s4] =	ssyncset.s32 $0xFFFFF086  }
0x25: {  	[simem:s6], [sflag:s4] =	dma.local [hbm:s3], $0xF7A  }
0x26: {  	[smem:$0x3F98] =	sst s1;
	(tag) =	ssettag s2;
	_ =	strace s9  }
0x27: {  	s1 =	sld [smem:$0x3FA8]  }
0x28: {  	s2 =	sld [smem:$0x3FA9]  }
0x29: {  	s4 =	sld [smem:$0x3FAB]  }
0x2a: {  	p0 =	seq.s32 s5, $0x0;
	s5 =	sld [smem:$0x3FAC]  }
0x2b: {  	s6 =	sld [smem:$0x3FAD]  }
0x2c: {  	s7 =	sld [smem:$0x3FAE]  }
0x2d: {  	s3 =	simm.s32 $0x108;
	s8 =	sld [smem:$0x3FAF]  }
0x2e: {  	s3 =	simm.s32 @!p0 $0x1082;
	s9 =	sld [smem:$0x3FB0]  }
0x2f: {  	lr =	sadd.s32 s0, s3;
	s0 =	sld [smem:$0x3FA7]  }
0x30: {  	s3 =	sld [smem:$0x3FAA]  }
0x31: {  	[smem:$0x3FB3] =	sst s10  }
0x32: {  	s10 =	sld [smem:$0x3FB1];
	_ =	sdelay $0x3  }
0x33: {  	p0 =	seq.s32 s10, $0x1;
	s10 =	sld [smem:$0x3FB3];
	_ =	sdelay $0x3  }
0x34: {  	[smem:$0x3FB3] =	sst s10  }
0x35: {  	s10 =	sld [smem:$0x3FB2];
	_ =	sdelay $0x3  }
0x36: {  	p1 =	seq.s32 s10, $0x1;
	s10 =	sld [smem:$0x3FB3];
	_ =	sdelay $0x3  }
0x37: {  	[smem:$0x3FB3] =	sst s10  }
0x38: {  	s10 =	sld [smem:$0x3FB4]  }
0x39: {  	_ = 	snop;
	(pc) =	sbr.ind lr, $3  }
0x3a: {  	_ = 	snop  }
0x3b: {  	_ = 	snop  }
0x3c: {  	p2 =	seq.s32 s10, $0x1;
	s10 =	sld [smem:$0x3FB3]  }
0x3d: {  	_ =	shalt  }
0x3e: {  	_ =	shalt  }
0x3f: {  	_ =	shalt  }
0x40: {  	_ =	shalt  }
0x41: {  	_ =	shalt  }
0x42: {  	_ =	shalt  }
0x43: {  	_ =	shalt  }
0x44: {  	_ =	shalt  }
0x45: {  	_ =	shalt  }
0x46: {  	_ =	shalt  }
0x47: {  	_ =	shalt  }
0x48: {  	_ =	shalt  }
0x49: {  	_ =	shalt  }
0x4a: {  	_ =	shalt  }
0x4b: {  	_ =	shalt  }
0x4c: {  	_ =	shalt  }
0x4d: {  	_ =	shalt  }
0x4e: {  	_ =	shalt  }
0x4f: {  	_ =	shalt  }
0x50: {  	_ =	shalt  }
0x51: {  	_ =	shalt  }
0x52: {  	_ =	shalt  }
0x53: {  	_ =	shalt  }
0x54: {  	_ =	shalt  }
0x55: {  	_ =	shalt  }
0x56: {  	_ =	shalt  }
0x57: {  	_ =	shalt  }
0x58: {  	_ =	shalt  }
0x59: {  	_ =	shalt  }
0x5a: {  	_ =	shalt  }
0x5b: {  	_ =	shalt  }
0x5c: {  	_ =	shalt  }
0x5d: {  	_ =	shalt  }
0x5e: {  	_ =	shalt  }
0x5f: {  	_ =	shalt  }
0x60: {  	_ =	shalt  }
0x61: {  	_ =	shalt  }
0x62: {  	_ =	shalt  }
0x63: {  	_ =	shalt  }
0x64: {  	_ =	shalt  }
0x65: {  	_ =	shalt  }
0x66: {  	_ =	shalt  }
0x67: {  	_ =	shalt  }
0x68: {  	_ =	shalt  }
0x69: {  	_ =	shalt  }
0x6a: {  	_ =	shalt  }
0x6b: {  	_ =	shalt  }
0x6c: {  	_ =	shalt  }
0x6d: {  	_ =	shalt  }
0x6e: {  	_ =	shalt  }
0x6f: {  	_ =	shalt  }
0x70: {  	_ =	shalt  }
0x71: {  	_ =	shalt  }
0x72: {  	_ =	shalt  }
0x73: {  	_ =	shalt  }
0x74: {  	_ =	shalt  }
0x75: {  	_ =	shalt  }
0x76: {  	_ =	shalt  }
0x77: {  	_ =	shalt  }
0x78: {  	_ =	shalt  }
0x79: {  	_ =	shalt  }
0x7a: {  	_ =	shalt  }
0x7b: {  	_ =	shalt  }
0x7c: {  	_ =	shalt  }
0x7d: {  	_ =	shalt  }
0x7e: {  	_ =	shalt  }
0x7f: {  	_ =	shalt  }
0x80: {  	_ =	shalt  }
0x81: {  	_ =	shalt  }
0x82: {  	_ =	shalt  }
0x83: {  	_ =	shalt  }
0x84: {  	_ =	shalt  }
0x85: {  	_ =	shalt  }
0x86: {  	_ =	shalt  }
0x87: {  	_ =	shalt  }
.Lfunc_end0:
.L_simem_size_0:
called_computation_lowered:
.L_overlay_start_0:
0x88: {  	s2 =	sld [smem:$0x3FD9]  }
0x89: {  	s3 =	sld [smem:$0x3FFE];
	_ =	sdelay $0x1  }
0x8a: {  	s1 =	srdreg.scid  }
0x8b: {  	s0 =	sand.u32 $0x1, s1  }
0x8c: {  	s17 =	sshll.u32 s0, $0xA;
	s2 =	sadd.s32 s3, s2  }
0x8d: {  	s2 =	sadd.s32 s2, s17  }
0x8e: {  	[smem:$0x3FBF] =	sst s2  }
0x8f: {  	_ = 	snop  }
0x90: {  	s2 =	sld [smem:$0x3FD0];
	(tm) =	ssettm $0x1  }
0x91: {  	s18 =	sld [smem:$0x3FFB];
	_ =	sdelay $0x3  }
0x92: {  	_ =	strace s18  }
0x93: {  	s3 =	sld [smem:$0x3FFC];
	_ =	sdelay $0x3  }
0x94: {  	_ =	strace s3  }
0x95: {  	s3 =	sld [smem:$0x3FFD];
	_ =	sdelay $0x3  }
0x96: {  	_ =	strace s3  }
0x97: {  	_ =	strace $0x8FFFFFFF  }
0x98: {  	s19 =	sld [smem:$0x3FDB];
	_ =	sdelay $0x1  }
0x99: {  	s4 =	simm.s32 $_scs_section_size  }
0x9a: {  	s5 =	simm.s32 $_size__tile_overlayer_lowered;
	s6 =	simm.s32 $_tile_overlayer_lowered  }
0x9b: {  	s22 =	simm.s32 $0x1BFF;
	s21 =	sshll.u32 s6, $0x1;
	s3 =	sadd.s32 s4, s19  }
0x9c: {  	s7 =	simm.s32 $0x0;
	s20 =	sshll.u32 s5, $0x1;
	s5 =	sadd.s32 s21, s3  }
0x9d: {  	[timem:s7], [sflag:s22] =	dma.local [hbm:s5], s20  }
0x9e: {  	_ =	swait.ge [sflag:s22], s20  }
0x9f: {  	s4 =	ssub.s32 $0x0, s20;
	[sflag:s22] =	ssyncset.done $0x0  }
0xa0: {  	[sflag:s22] =	ssyncadd.s32 s4;
	_ =	sdelay $0x1  }
0xa1: {  	s23 =	simm.s32 $0x1B8B  }
0xa2: {  	_ =	swait.ge [sflag:s23], $0x1  }
0xa3: {  	[sflag:s23] =	ssyncset.done $0x0  }
0xa4: {  	s25 =	simm.s32 $0x1B8E;
	s24 =	sld [smem:$0x3FFE];
	[sflag:s23] =	ssyncadd.s32 $0xFFFFFFFF  }
0xa5: {  	s26 =	simm.s32 $execute0_lowered;
	[smem:$0x3FD2] =	sst s25  }
0xa6: {  	s5 =	sshll.u32 s26, $0x1;
	_ =	strace $0x80000046;
	[dreg:$0x1] =	wrdreg $0xFFFFFFFF  }
0xa7: {  	s28 =	simm.s32 $_size_execute0_lowered;
	s3 =	sadd.s32 s3, s5;
	[dreg:$0x0] =	wrdreg $0x0  }
0xa8: {  	s5 =	sshll.u32 s28, $0x1;
	[dreg:$0x2] =	wrdreg s3  }
0xa9: {  	[dreg:$0x3] =	wrdreg s5  }
0xaa: {  	[dreg:$0x4] =	wrdreg $0xC0  }
0xab: {  	_ =	task [dreg:s7], $0x5FFFF  }
0xac: {  	[dreg:$0x1] =	wrdreg $0xFFFFFFFF  }
0xad: {  	[dreg:$0x0] =	wrdreg $0x60  }
0xae: {  	[dreg:$0x2] =	wrdreg s24  }
0xaf: {  	[dreg:$0x3] =	wrdreg s2  }
0xb0: {  	[dreg:$0x4] =	wrdreg $0x81000  }
0xb1: {  	[dreg:$0x5] =	wrdreg $0x9  }
0xb2: {  	_ =	task.clear_ibuf [dreg:s7], $0x6FFFF;
	_ =	strace $0x90000046  }
0xb3: {  	s29 =	simm.s32 $0x9;
	_ =	strace $0x80000048  }
0xb4: {  	_ =	swait.ge [sflag:s29], $0x1  }
0xb5: {  	[sflag:s29] =	ssyncadd.s32 $0xFFFFFFFF  }
0xb6: {  	_ =	strace $0x90000048  }
0xb7: {  	_ =	sfence  }
0xb8: {  	s30 =	sld [smem:$0x0];
	_ =	sdelay $0x2  }
0xb9: {  	s31 =	sshll.u32 s1, $0xD;
	s1 =	sshrl.u32 s1, $0x2  }
0xba: {  	s3 =	sand.u32 $0x4000, s31;
	s1 =	sadd.s32 s1, s30  }
0xbb: {  	s0 =	sor.u32 s3, s0;
	s1 =	sshll.u32 s1, $0x11  }
0xbc: {  	s0 =	sor.u32 s1, s0  }
0xbd: {  	s0 =	sadd.s32 $0x8F2B, s0  }
0xbe: {  	[sflag:s0] =	ssyncadd.remote.s32 $0x1  }
0xbf: {  	_ =	sfence.sel $0xFFFF  }
0xc0: {  	[dreg:$0x0] =	wrdreg $0xFFFFFFFF;
	(pc) =	sbr.abs _section_cstart, $3  }
0xc1: {  	[dreg:$0x1] =	wrdreg $0xFFFFFFFF  }
0xc2: {  	_ =	task.clear_ibuf [dreg:s7], $0x2FFFF;
	_ =	strace $0x9FFFFFFF  }
0xc3: {  	(tm) =	ssettm $0x7FFFFFFF  }
tec
execute0_lowered:
.L_overlay_start_1:
0x0: {  	(tag) =	ssettag $0x1  }
0x1: {  	s11 =	stileid.u32  }
0x2: {  	s0 =	srdreg.scid;
	s6 =	sor.u32 $0x10, s11  }
0x3: {  	s3 =	sand.u32 $0x1, s0;
	s8 =	smul.u32 $0x140, s6  }
0x4: {  	s4 =	rddreg [dreg:$0x0];
	s16 =	sor.u32 $0x40, s11;
	s10 =	smul.u32 $0x2710, s3  }
0x5: {  	s0 =	sshll.u32 s3, $0xB;
	s2 =	ssub.s32 $0x2, s3;
	s3 =	smul.u32 $0x50, s6  }
0x6: {  	s5 =	rddreg [dreg:$0x1];
	s18 =	sor.u32 $0x60, s11;
	s28 =	smul.u32 $0x50, s16  }
0x7: {  	s1 =	simm.s32 $0x0;
	s19 =	sor.u32 $0x70, s11;
	s30 =	smul.u32 $0x50, s18  }
0x8: {  	s13 =	stileid.u32;
	s6 =	sor.u32 $0x50, s11;
	s31 =	smul.u32 $0x50, s19  }
0x9: {  	[smem:$0x7FF] =	sst s1;
	s9 =	sshll.u32 s11, $0xC;
	s29 =	smul.u32 $0x50, s6  }
0xa: {  	s14 =	sor.u32 $0x30, s11;
	s25 =	sshrl.u32 s2, $0x1;
	s6 =	smul.u32 $0x140, s6  }
0xb: {  	s7 =	sadd.s32 s0, s4;
	s0 =	ssub.s32 s2, s25;
	s2 =	smul.u32 $0x50, s11  }
0xc: {  	s7 =	sadd.s32 s9, s7;
	s9 =	sor.u32 $0x20, s11;
	s12 =	sadd.s32 s10, s3  }
0xd: {  	s21 =	sadd.s32 s10, s28;
	s24 =	sadd.s32 s10, s30;
	s8 =	sshrl.u32 s8, $0x2  }
0xe: {  	s25 =	smul.u32 $0x50, s9;
	s12 =	sshrl.u32 s12, $0x3;
	s22 =	sadd.s32 s10, s29  }
0xf: {  	s9 =	smul.u32 $0x140, s9;
	s26 =	sadd.s32 s2, s10;
	s12 =	sadd.s32 s5, s12  }
0x10: {  	s23 =	sshrl.u32 s22, $0x3;
	s11 =	sshrl.u32 s26, $0x3;
	s26 =	smul.u32 $0x50, s14  }
0x11: {  	[dreg:$0x5] =	wrdreg s12;
	s15 =	sadd.s32 s10, s25;
	s12 =	stileid.u32  }
0x12: {  	s9 =	sshrl.u32 s9, $0x2;
	s11 =	sadd.s32 s5, s11;
	p0 =	sgt.u32 s12, $0xC  }
0x13: {  	[dreg:$0x4] =	wrdreg s11;
	s11 =	sshrl.u32 s15, $0x3;
	s17 =	sadd.s32 s10, s26  }
0x14: {  	s15 =	sshrl.u32 s24, $0x3;
	s10 =	sadd.s32 s10, s31;
	s11 =	sadd.s32 s5, s11  }
0x15: {  	s20 =	sshrl.u32 s17, $0x3;
	s17 =	sshrl.u32 s10, $0x3;
	s10 =	rddreg [dreg:$0x2]  }
0x16: {  	s24 =	smul.u32 $0x140, s16;
	[dreg:$0x6] =	wrdreg s11;
	s11 =	sadd.s32 s5, s20  }
0x17: {  	s20 =	smul.u32 $0x140, s13;
	s13 =	sadd.s32 $0x12A00, s4;
	s16 =	sadd.s32 s8, s10  }
0x18: {  	s25 =	sadd.s32 s25, s10;
	s26 =	sadd.s32 s26, s10;
	s28 =	sadd.s32 s28, s10  }
0x19: {  	s29 =	sadd.s32 s29, s10;
	s30 =	sadd.s32 s30, s10;
	s31 =	sadd.s32 s31, s10  }
0x1a: {  	s8 =	smax.u32 s0, $0x1;
	[dreg:$0x7] =	wrdreg s11;
	s11 =	sshrl.u32 s21, $0x3  }
0x1b: {  	s0 =	simm.s32 $0x2;
	s21 =	sadd.s32 $0x12C00, s4;
	s11 =	sadd.s32 s5, s11  }
0x1c: {  	s4 =	sshrl.u32 s24, $0x2;
	s22 =	sshrl.u32 s20, $0x2;
	[dreg:$0x8] =	wrdreg s11  }
0x1d: {  	s11 =	sadd.s32 s5, s23;
	s23 =	smul.u32 $0x140, s14;
	s14 =	sadd.s32 $0x2A00, s7  }
0x1e: {  	[dreg:$0x9] =	wrdreg s11;
	s11 =	sadd.s32 s5, s15;
	s5 =	sadd.s32 s5, s17  }
0x1f: {  	s15 =	sadd.s32 s22, s10;
	s17 =	sadd.s32 s9, s10;
	[dreg:$0xa] =	wrdreg s11  }
0x20: {  	s22 =	sshrl.u32 s6, $0x2;
	s6 =	simm.s32 $0x0;
	[dreg:$0xb] =	wrdreg s5  }
0x21: {  	s11 =	smul.u32 $0x140, s18;
	s5 =	sshrl.u32 s23, $0x2;
	s20 =	sadd.s32 s22, s10  }
0x22: {  	_ =	strace $0x80000047;
	[dreg:$0xc] =	wrdreg s21;
	s21 =	smul.u32 $0x140, s19  }
0x23: {  	s18 =	sadd.s32 s5, s10;
	s19 =	sadd.s32 s4, s10;
	s4 =	simm.s32 $0x50  }
0x24: {  	s5 =	simm.s32 $0x1;
	s23 =	sshrl.u32 s11, $0x2;
	s24 =	sshrl.u32 s21, $0x2  }
0x25: {  	s21 =	sadd.s32 s23, s10;
	s23 =	sadd.s32 s2, s10;
	s2 =	simm.s32 $0x8000  }
0x26: {  	s22 =	sadd.s32 s24, s10;
	s24 =	sadd.s32 s3, s10;
	s3 =	simm.s32 $0x8080  }
.LBB2_1:
0x27: {  	[tilespmem:s1], [sflag:$0x2] =	stream.linear.gather [hbm4b:s14+s1], $0x3E80, $0x38;
	[tilespmem:$0x8378] =	vst v63  }
0x28: {  	_ =	swait.ge [sflag:s0], $0x3E80  }
0x29: {  	[sflag:s0] =	ssyncset.done $0x0  }
0x2a: {  	s7 =	rddreg [dreg:$0xc];
	[sflag:s0] =	ssyncadd.s32 $0xFFFFC180  }
0x2b: {  	[tilespmem:s2], [sflag:$0x2] =	stream.linear.gather [hbm4b:s7+s1], $0x80, $0x38;
	[tilespmem:$0x8378] =	vst v63  }
0x2c: {  	_ =	swait.ge [sflag:s0], $0x80  }
0x2d: {  	[sflag:s0] =	ssyncset.done $0x0  }
0x2e: {  	[sflag:s0] =	ssyncadd.s32 $0xFFFFFF80  }
0x2f: {  	[tilespmem:s3], [sflag:$0x2] =	stream.linear.gather [hbm4b:s13+s1], $0x80, $0x38;
	[tilespmem:$0x8378] =	vst v63  }
0x30: {  	_ =	swait.ge [sflag:s0], $0x80  }
0x31: {  	[sflag:s0] =	ssyncset.done $0x0  }
0x32: {  	s7 =	simm.s32 $0x0;
	[sflag:s0] =	ssyncadd.s32 $0xFFFFFF80  }
0x33: {  	v3 =	vld [tilespmem:s7+$0x40]  }
0x34: {  	v4 =	vld [tilespmem:s7+$0x0]  }
0x35: {  	v2 =	vld [tilespmem:s7+$0x10]  }
0x36: {  	v0 =	vld [tilespmem:s7+$0x20]  }
0x37: {  	s9 =	simm.s32 $0x200;
	v1 =	vld [tilespmem:s7+$0x30]  }
.LBB2_2:
0x38: {  	s11 =	sshra.s32 s9, $0x2;
	p1 =	sne.s32 s9, $0xF800;
	s9 =	sadd.s32 $0x200, s9;
	v5 =	vand.u32 $0xFFFF, v3  }
.Ltmp0:
0x39: {  	v3 =	vld [tilespmem:s11+$0x40];
	v6 =	vand.u32 $0xFFFF, v4;
	[tilespmem:s7+$0x4040] =	vst v5;
	(pc) =	sbr.rel @p1 .LBB2_2-.Ltmp0, $4  }
0x3a: {  	v4 =	vld [tilespmem:s11+$0x0];
	[tilespmem:s7+$0x4000] =	vst v6;
	v5 =	vand.u32 $0xFFFF, v2  }
0x3b: {  	v2 =	vld [tilespmem:s11+$0x10];
	[tilespmem:s7+$0x4010] =	vst v5;
	v5 =	vand.u32 $0xFFFF, v0  }
0x3c: {  	v0 =	vld [tilespmem:s11+$0x20];
	[tilespmem:s7+$0x4020] =	vst v5;
	v5 =	vand.u32 $0xFFFF, v1  }
0x3d: {  	v1 =	vld [tilespmem:s11+$0x30];
	[tilespmem:s7+$0x4030] =	vst v5;
	s7 =	smov.u32 s11  }
0x3e: {  	v3 =	vand.u32 $0xFFFF, v3  }
0x3f: {  	v4 =	vand.u32 $0xFFFF, v4;
	[tilespmem:s7+$0x4040] =	vst v3  }
0x40: {  	[tilespmem:s7+$0x4000] =	vst v4;
	v2 =	vand.u32 $0xFFFF, v2  }
0x41: {  	[tilespmem:s7+$0x4010] =	vst v2;
	v0 =	vand.u32 $0xFFFF, v0  }
0x42: {  	[tilespmem:s7+$0x4020] =	vst v0;
	v63 =	vand.u32 $0xFFFF, v1  }
0x43: {  	[tilespmem:s7+$0x4030] =	vst v63  }
0x44: {  	[spmem:s15] =	stream.linear.scatter [tilespmem:s3], [sflag:$0x2], $0x50, $0x38;
	[tilespmem:$0x8378] =	vst v63  }
0x45: {  	_ =	swait.ge [sflag:s0], $0x50  }
0x46: {  	[sflag:s0] =	ssyncset.done $0x0  }
0x47: {  	[sflag:s0] =	ssyncadd.s32 $0xFFFFFFB0  }
0x48: {  	[spmem:s16] =	stream.linear.scatter [tilespmem:s3], [sflag:$0x2], $0x50, $0x38;
	[tilespmem:$0x8378] =	vst v63  }
0x49: {  	_ =	swait.ge [sflag:s0], $0x50  }
0x4a: {  	[sflag:s0] =	ssyncset.done $0x0  }
0x4b: {  	[sflag:s0] =	ssyncadd.s32 $0xFFFFFFB0  }
0x4c: {  	[spmem:s17] =	stream.linear.scatter [tilespmem:s3], [sflag:$0x2], $0x50, $0x38;
	[tilespmem:$0x8378] =	vst v63  }
0x4d: {  	_ =	swait.ge [sflag:s0], $0x50  }
0x4e: {  	[sflag:s0] =	ssyncset.done $0x0  }
0x4f: {  	[sflag:s0] =	ssyncadd.s32 $0xFFFFFFB0  }
0x50: {  	[spmem:s18] =	stream.linear.scatter [tilespmem:s3], [sflag:$0x2], $0x50, $0x38;
	[tilespmem:$0x8378] =	vst v63  }
0x51: {  	_ =	swait.ge [sflag:s0], $0x50  }
0x52: {  	[sflag:s0] =	ssyncset.done $0x0  }
0x53: {  	[sflag:s0] =	ssyncadd.s32 $0xFFFFFFB0  }
0x54: {  	[spmem:s19] =	stream.linear.scatter [tilespmem:s3], [sflag:$0x2], $0x50, $0x38;
	[tilespmem:$0x8378] =	vst v63  }
0x55: {  	_ =	swait.ge [sflag:s0], $0x50  }
0x56: {  	[sflag:s0] =	ssyncset.done $0x0  }
0x57: {  	[sflag:s0] =	ssyncadd.s32 $0xFFFFFFB0  }
0x58: {  	[spmem:s20] =	stream.linear.scatter [tilespmem:s3], [sflag:$0x2], $0x50, $0x38;
	[tilespmem:$0x8378] =	vst v63  }
0x59: {  	_ =	swait.ge [sflag:s0], $0x50  }
0x5a: {  	[sflag:s0] =	ssyncset.done $0x0  }
0x5b: {  	[sflag:s0] =	ssyncadd.s32 $0xFFFFFFB0  }
0x5c: {  	[spmem:s21] =	stream.linear.scatter [tilespmem:s3], [sflag:$0x2], $0x50, $0x38;
	[tilespmem:$0x8378] =	vst v63  }
0x5d: {  	_ =	swait.ge [sflag:s0], $0x50  }
0x5e: {  	[sflag:s0] =	ssyncset.done $0x0  }
0x5f: {  	s7 =	simm.s32 @!p0 $0x8080;
	[sflag:s0] =	ssyncadd.s32 $0xFFFFFFB0  }
0x60: {  	[spmem:s22] =	stream.linear.scatter @!p0 [tilespmem:s7], [sflag:$0x2], $0x50, $0x38;
	[tilespmem:$0x8378] =	vst v63  }
0x61: {  	s7 =	simm.s32 @!p0 $0x2  }
0x62: {  	_ =	swait.ge @!p0 [sflag:s7], $0x50  }
0x63: {  	[sflag:s7] =	ssyncset.done @!p0 $0x0  }
0x64: {  	[sflag:s7] =	ssyncadd.s32 @!p0 $0xFFFFFFB0  }
0x65: {  	s7 =	simm.s32 $0x0;
	[bflag:$0x0] =	sbarrier.arrive $0xFFFF  }
.LBB2_4:
0x66: {  	p1 =	sne.s32 s7, $0xF800  }
.Ltmp1:
0x67: {  	_ = 	snop;
	(pc) =	sbr.rel @p1 .LBB2_4-.Ltmp1, $4  }
0x68: {  	_ = 	snop  }
0x69: {  	s9 =	sshra.s32 s7, $0x2  }
0x6a: {  	s7 =	sadd.s32 $0x200, s7;
	s9 =	sadd.s32 $0x4000, s9  }
0x6b: {  	[spmem:s10] =	stream.indirect.scatter.add.f32 [tilespmem:s2], [sflag:$0x1], $0x1, s9, s4, $0xb8;
	[tilespmem:$0x8378] =	vst v63  }
0x6c: {  	_ =	swait.ge [sflag:s5], $0x50  }
0x6d: {  	s7 =	simm.s32 $0x7C;
	[sflag:s5] =	ssyncset.done $0x0  }
.LBB2_6:
0x6e: {  	p1 =	sne.s32 s7, $0x1;
	s7 =	sadd.s32 $0xFFFFFFFF, s7;
	[sflag:s5] =	ssyncadd.s32 $0xFFFFFFB0  }
.Ltmp2:
0x6f: {  	(pc) =	sbr.rel @p1 .LBB2_6-.Ltmp2, $3  }
0x70: {  	_ =	sdelay $0x1  }
0x71: {  	_ =	swait.ge [sflag:s5], $0x50  }
0x72: {  	[sflag:s5] =	ssyncset.done $0x0  }
0x73: {  	[sflag:s5] =	ssyncadd.s32 $0xFFFFFFB0  }
0x74: {  	[bflag:$0x0] =	sbarrier.arrive $0xFFFF  }
0x75: {  	[tilespmem:s3], [sflag:$0x2] =	stream.linear.gather [spmem:s23], $0x50, $0x38;
	[tilespmem:$0x8378] =	vst v63  }
0x76: {  	_ =	swait.ge [sflag:s0], $0x50  }
0x77: {  	[sflag:s0] =	ssyncset.done $0x0  }
0x78: {  	s7 =	rddreg [dreg:$0x4];
	[sflag:s0] =	ssyncadd.s32 $0xFFFFFFB0  }
0x79: {  	[hbm4b:s7+s1] =	stream.linear.scatter [tilespmem:s3], [sflag:$0x2], $0x50, $0x38;
	[tilespmem:$0x8378] =	vst v63  }
0x7a: {  	_ =	swait.ge [sflag:s0], $0x50  }
0x7b: {  	[sflag:s0] =	ssyncset.done $0x0  }
0x7c: {  	[sflag:s0] =	ssyncadd.s32 $0xFFFFFFB0  }
0x7d: {  	[tilespmem:s3], [sflag:$0x2] =	stream.linear.gather [spmem:s24], $0x50, $0x38;
	[tilespmem:$0x8378] =	vst v63  }
0x7e: {  	_ =	swait.ge [sflag:s0], $0x50  }
0x7f: {  	[sflag:s0] =	ssyncset.done $0x0  }
0x80: {  	s9 =	rddreg [dreg:$0x5];
	[sflag:s0] =	ssyncadd.s32 $0xFFFFFFB0  }
0x81: {  	[hbm4b:s9+s1] =	stream.linear.scatter [tilespmem:s3], [sflag:$0x2], $0x50, $0x38;
	[tilespmem:$0x8378] =	vst v63  }
0x82: {  	_ =	swait.ge [sflag:s0], $0x50  }
0x83: {  	[sflag:s0] =	ssyncset.done $0x0  }
0x84: {  	[sflag:s0] =	ssyncadd.s32 $0xFFFFFFB0  }
0x85: {  	[tilespmem:s3], [sflag:$0x2] =	stream.linear.gather [spmem:s25], $0x50, $0x38;
	[tilespmem:$0x8378] =	vst v63  }
0x86: {  	_ =	swait.ge [sflag:s0], $0x50  }
0x87: {  	[sflag:s0] =	ssyncset.done $0x0  }
0x88: {  	s11 =	rddreg [dreg:$0x6];
	[sflag:s0] =	ssyncadd.s32 $0xFFFFFFB0  }
0x89: {  	[hbm4b:s11+s1] =	stream.linear.scatter [tilespmem:s3], [sflag:$0x2], $0x50, $0x38;
	[tilespmem:$0x8378] =	vst v63  }
0x8a: {  	_ =	swait.ge [sflag:s0], $0x50  }
0x8b: {  	[sflag:s0] =	ssyncset.done $0x0  }
0x8c: {  	[sflag:s0] =	ssyncadd.s32 $0xFFFFFFB0  }
0x8d: {  	[tilespmem:s3], [sflag:$0x2] =	stream.linear.gather [spmem:s26], $0x50, $0x38;
	[tilespmem:$0x8378] =	vst v63  }
0x8e: {  	_ =	swait.ge [sflag:s0], $0x50  }
0x8f: {  	[sflag:s0] =	ssyncset.done $0x0  }
0x90: {  	s12 =	rddreg [dreg:$0x7];
	[sflag:s0] =	ssyncadd.s32 $0xFFFFFFB0  }
0x91: {  	[hbm4b:s12+s1] =	stream.linear.scatter [tilespmem:s3], [sflag:$0x2], $0x50, $0x38;
	[tilespmem:$0x8378] =	vst v63  }
0x92: {  	_ =	swait.ge [sflag:s0], $0x50  }
0x93: {  	[sflag:s0] =	ssyncset.done $0x0  }
0x94: {  	[sflag:s0] =	ssyncadd.s32 $0xFFFFFFB0  }
0x95: {  	[tilespmem:s3], [sflag:$0x2] =	stream.linear.gather [spmem:s28], $0x50, $0x38;
	[tilespmem:$0x8378] =	vst v63  }
0x96: {  	_ =	swait.ge [sflag:s0], $0x50  }
0x97: {  	[sflag:s0] =	ssyncset.done $0x0  }
0x98: {  	s9 =	rddreg [dreg:$0x8];
	[sflag:s0] =	ssyncadd.s32 $0xFFFFFFB0  }
0x99: {  	[hbm4b:s9+s1] =	stream.linear.scatter [tilespmem:s3], [sflag:$0x2], $0x50, $0x38;
	[tilespmem:$0x8378] =	vst v63  }
0x9a: {  	_ =	swait.ge [sflag:s0], $0x50  }
0x9b: {  	[sflag:s0] =	ssyncset.done $0x0  }
0x9c: {  	[sflag:s0] =	ssyncadd.s32 $0xFFFFFFB0  }
0x9d: {  	[tilespmem:s3], [sflag:$0x2] =	stream.linear.gather [spmem:s29], $0x50, $0x38;
	[tilespmem:$0x8378] =	vst v63  }
0x9e: {  	_ =	swait.ge [sflag:s0], $0x50  }
0x9f: {  	[sflag:s0] =	ssyncset.done $0x0  }
0xa0: {  	s11 =	rddreg [dreg:$0x9];
	[sflag:s0] =	ssyncadd.s32 $0xFFFFFFB0  }
0xa1: {  	[hbm4b:s11+s1] =	stream.linear.scatter [tilespmem:s3], [sflag:$0x2], $0x50, $0x38;
	[tilespmem:$0x8378] =	vst v63  }
0xa2: {  	_ =	swait.ge [sflag:s0], $0x50  }
0xa3: {  	[sflag:s0] =	ssyncset.done $0x0  }
0xa4: {  	[sflag:s0] =	ssyncadd.s32 $0xFFFFFFB0  }
0xa5: {  	[tilespmem:s3], [sflag:$0x2] =	stream.linear.gather [spmem:s30], $0x50, $0x38;
	[tilespmem:$0x8378] =	vst v63  }
0xa6: {  	_ =	swait.ge [sflag:s0], $0x50  }
0xa7: {  	[sflag:s0] =	ssyncset.done $0x0  }
0xa8: {  	s12 =	rddreg [dreg:$0xa];
	[sflag:s0] =	ssyncadd.s32 $0xFFFFFFB0  }
0xa9: {  	[hbm4b:s12+s1] =	stream.linear.scatter [tilespmem:s3], [sflag:$0x2], $0x50, $0x38;
	[tilespmem:$0x8378] =	vst v63  }
0xaa: {  	_ =	swait.ge [sflag:s0], $0x50  }
0xab: {  	[sflag:s0] =	ssyncset.done $0x0  }
0xac: {  	s7 =	simm.s32 @!p0 $0x8080;
	s9 =	simm.s32 @!p0 $0x2;
	[sflag:s0] =	ssyncadd.s32 $0xFFFFFFB0  }
0xad: {  	[tilespmem:s7], [sflag:$0x2] =	stream.linear.gather @!p0 [spmem:s31], $0x50, $0x38;
	[tilespmem:$0x8378] =	vst v63  }
0xae: {  	s6 =	sadd.s32 $0x1, s6;
	_ =	swait.ge @!p0 [sflag:s9], $0x50  }
0xaf: {  	p1 =	sne.s32 s6, s8;
	s11 =	simm.s32 @!p0 $0x0;
	[sflag:s9] =	ssyncset.done @!p0 $0x0  }
.Ltmp3:
0xb0: {  	s12 =	rddreg [dreg:$0xb];
	[sflag:s9] =	ssyncadd.s32 @!p0 $0xFFFFFFB0;
	(pc) =	sbr.rel @p1 .LBB2_1-.Ltmp3, $4  }
0xb1: {  	[hbm4b:s12+s11] =	stream.linear.scatter @!p0 [tilespmem:s7], [sflag:$0x2], $0x50, $0x38;
	[tilespmem:$0x8378] =	vst v63  }
0xb2: {  	_ =	swait.ge @!p0 [sflag:s9], $0x50  }
0xb3: {  	[sflag:s9] =	ssyncset.done @!p0 $0x0  }
0xb4: {  	[sflag:s9] =	ssyncadd.s32 @!p0 $0xFFFFFFB0  }
0xb5: {  	_ =	sfence.sel $0x180000  }
0xb6: {  	[bflag:$0x0] =	sbarrier.arrive $0xFFFF  }
0xb7: {  	_ =	strace $0x90000047  }
0xb8: {  	s0 =	stileid.u32;
	[bflag:$0x2] =	sbarrier.arrive $0xFFFF  }
0xb9: {  	p0 =	sne.s32 s0, $0x0;
	s0 =	rddreg [dreg:$0x3]  }
0xba: {  	s0 =	sadd.s32 @!p0 $0x100000, s0  }
0xbb: {  	[sflag:s0] =	ssyncadd.tile.s32 @!p0 $0x1;
	_ =	shalt  }
.Lfunc_end2:
_tile_overlayer_lowered:
.L_overlay_start_2:
0xbc: {  	(tag) =	ssettag $0x2  }
0xbd: {  	s0 =	rddreg [dreg:$0x0];
	s2 =	stileid.u32  }
0xbe: {  	s1 =	rddreg [dreg:$0x1];
	p0 =	sne.s32 s2, $0x0  }
0xbf: {  	s3 =	rddreg [dreg:$0x2];
	[bflag:$0x3] =	sbarrier.arrive $0xFFFF;
	s2 =	simm.s32 @!p0 $0x1C02  }
0xc0: {  	[timem:s3], [sflag:s2] =	dma.local @!p0 [hbm:s0], s1  }
0xc1: {  	s0 =	simm.s32 @!p0 $0x2  }
0xc2: {  	_ =	swait.ge @!p0 [sflag:s0], s1  }
0xc3: {  	s1 =	ssub.s32 @!p0 $0x0, s1;
	[sflag:s0] =	ssyncset.done @!p0 $0x0  }
0xc4: {  	[sflag:s0] =	ssyncadd.s32 @!p0 s1  }
0xc5: {  	[bflag:$0x3] =	sbarrier.arrive $0xFFFF  }
0xc6: {  	_ =	shalt  }

</sc_bundles>
